<compile_context>
chip_gen: v7x
topology: tpu7x:2x2x1
jax: 0.10.2.dev20260603
libtpu: 0.0.44.dev20260713+nightly
codegen_flags: <defaults>
</compile_context>

<pallas_src>
import functools

import jax
import jax.numpy as jnp
import numpy as np
from jax.experimental import pallas as pl
from jax.experimental.pallas import tpu as pltpu
from jax.experimental.pallas import tpu_sc as plsc

_NSAMPLE = 32
_NPTS = (512, 128, 32, 8)
_RADII = (0.1, 0.2, 0.4, 0.8)



def _fps_body(x_ref, y_ref, z_ref, ox_ref, oy_ref, oz_ref, *, npoint):
    b, n = x_ref.shape
    x = x_ref[...]
    y = y_ref[...]
    z = z_ref[...]
    iota_n = jax.lax.broadcasted_iota(jnp.int32, (b, n), 1)
    iota_p = jax.lax.broadcasted_iota(jnp.int32, (b, npoint), 1)

    def body(i, state):
        dist, far, ox, oy, oz = state
        sel = iota_n == far
        cx = jnp.sum(jnp.where(sel, x, 0.0), axis=1, keepdims=True)
        cy = jnp.sum(jnp.where(sel, y, 0.0), axis=1, keepdims=True)
        cz = jnp.sum(jnp.where(sel, z, 0.0), axis=1, keepdims=True)
        hit = iota_p == i
        ox = jnp.where(hit, cx, ox)
        oy = jnp.where(hit, cy, oy)
        oz = jnp.where(hit, cz, oz)
        tx = x - cx
        ty = y - cy
        tz = z - cz
        d = (tx * tx + ty * ty) + tz * tz
        dist = jnp.minimum(dist, d)
        m = jnp.max(dist, axis=1, keepdims=True)
        far = jnp.min(jnp.where(dist == m, iota_n, n), axis=1, keepdims=True)
        return dist, far, ox, oy, oz

    init = (jnp.full((b, n), 1e10, jnp.float32),
            jnp.zeros((b, 1), jnp.int32),
            jnp.zeros((b, npoint), jnp.float32),
            jnp.zeros((b, npoint), jnp.float32),
            jnp.zeros((b, npoint), jnp.float32))
    _, _, ox, oy, oz = jax.lax.fori_loop(0, npoint, body, init)
    ox_ref[...] = ox
    oy_ref[...] = oy
    oz_ref[...] = oz


def _fps(xyz, npoint):
    b = xyz.shape[0]
    outs = pl.pallas_call(
        functools.partial(_fps_body, npoint=npoint),
        out_shape=[jax.ShapeDtypeStruct((b, npoint), jnp.float32)] * 3,
    )(xyz[:, :, 0], xyz[:, :, 1], xyz[:, :, 2])
    return jnp.stack(outs, axis=2)



def _sa_body(*refs, n, sb, nsample, r2, nw):
    cxyz_ref, xyz_ref, table_ref = refs[0], refs[1], refs[2]
    wrefs = refs[3:3 + nw]
    out_ref = refs[3 + nw]

    cx = cxyz_ref[0]
    xx = xyz_ref[0]
    t = cx[:, 0:1] - xx[0:1, :]
    d = t * t
    t = cx[:, 1:2] - xx[1:2, :]
    d = d + t * t
    t = cx[:, 2:3] - xx[2:3, :]
    d = d + t * t

    iota = jax.lax.broadcasted_iota(jnp.int32, (sb, n), 1)
    val = jnp.where(d > r2, n, iota)
    big = np.int32(2 ** 30)
    cols = []
    for _ in range(nsample):
        mk = jnp.min(val, axis=1, keepdims=True)
        cols.append(mk)
        val = jnp.where(val == mk, big, val)
    first = cols[0]

    table = table_ref[0]
    rows = []
    for k in range(nsample):
        gk = jnp.where(cols[k] >= n, first, cols[k])
        oh = (iota == gk).astype(jnp.float32)
        g = jnp.dot(oh, table, preferred_element_type=jnp.float32)
        g = jnp.concatenate([g[:, 0:3] - cx, g[:, 3:]], axis=1)
        rows.append(g)
    x = jnp.concatenate(rows, axis=0)

    for j in range(nw):
        w = wrefs[j][...]
        x = jnp.maximum(jnp.dot(x, w, preferred_element_type=jnp.float32), 0.0)
    cout = x.shape[1]
    x = x.reshape(nsample, sb, cout)
    out_ref[0] = jnp.max(x, axis=0)


def _sa_level(xyz, points, npoint, radius, ws):
    b, n, _ = xyz.shape
    xyz_t = jnp.transpose(xyz, (0, 2, 1))
    new_xyz = _fps(xyz, npoint)
    table = jnp.concatenate([xyz, points], axis=2)
    cin = table.shape[2]
    sb = min(npoint, 256)
    gs = npoint // sb
    cout = ws[-1].shape[1]
    nw = len(ws)
    body = functools.partial(_sa_body, n=n, sb=sb, nsample=_NSAMPLE,
                             r2=np.float32(radius ** 2), nw=nw)
    new_points = pl.pallas_call(
        body,
        grid=(b, gs),
        in_specs=[
            pl.BlockSpec((1, sb, 3), lambda i, j: (i, j, 0)),
            pl.BlockSpec((1, 3, n), lambda i, j: (i, 0, 0)),
            pl.BlockSpec((1, n, cin), lambda i, j: (i, 0, 0)),
        ] + [pl.BlockSpec(w.shape, lambda i, j: (0, 0)) for w in ws],
        out_specs=pl.BlockSpec((1, sb, cout), lambda i, j: (i, j, 0)),
        out_shape=jax.ShapeDtypeStruct((b, npoint, cout), jnp.float32),
    )(new_xyz, xyz_t, table, *ws)
    return new_xyz, new_points



def _bq_body(cxyz_ref, xyz_ref, out_ref, *, n, sb, nsample, r2):
    cx = cxyz_ref[0]
    xx = xyz_ref[0]
    t = cx[:, 0:1] - xx[0:1, :]
    d = t * t
    t = cx[:, 1:2] - xx[1:2, :]
    d = d + t * t
    t = cx[:, 2:3] - xx[2:3, :]
    d = d + t * t
    iota = jax.lax.broadcasted_iota(jnp.int32, (sb, n), 1)
    val = jnp.where(d > r2, n, iota)
    big = np.int32(2 ** 30)
    cols = []
    for _ in range(nsample):
        mk = jnp.min(val, axis=1, keepdims=True)
        cols.append(mk)
        val = jnp.where(val == mk, big, val)
    first = cols[0]
    grp = jnp.concatenate(
        [jnp.where(c >= n, first, c) for c in cols], axis=1)
    out_ref[0] = grp + pl.program_id(0) * n


def _sc_gather(table, idx, dp):
    info = plsc.get_sparse_core_info()
    nw = info.num_cores * info.num_subcores
    m = idx.shape[0]
    bpw = m // nw
    mesh = plsc.VectorSubcoreMesh(core_axis_name="c", subcore_axis_name="s")

    @functools.partial(
        pl.kernel, mesh=mesh,
        out_type=jax.ShapeDtypeStruct((m, dp), jnp.float32),
        scratch_types=[pltpu.VMEM((bpw,), jnp.int32),
                       pltpu.VMEM((bpw, dp), jnp.float32),
                       pltpu.SemaphoreType.DMA],
        compiler_params=pltpu.CompilerParams(use_tc_tiling_on_sc=False),
    )
    def gk(table_hbm, idx_hbm, out_hbm, idx_v, rows_v, sem):
        wid = jax.lax.axis_index("s") * info.num_cores + jax.lax.axis_index("c")
        base = wid * bpw
        pltpu.sync_copy(idx_hbm.at[pl.ds(base, bpw)], idx_v)
        pltpu.async_copy(table_hbm.at[idx_v], rows_v, sem).wait()
        pltpu.sync_copy(rows_v, out_hbm.at[pl.ds(base, bpw)])

    return gk(table, idx)


def _sa_mlp_body(*refs, sb, nsample, cin, nw):
    g_ref, cxyz_ref = refs[0], refs[1]
    wrefs = refs[2:2 + nw]
    out_ref = refs[2 + nw]
    g = g_ref[0]
    cx = cxyz_ref[0]
    gx = g[:, :, 0:3] - cx[:, None, :]
    x = jnp.concatenate([gx, g[:, :, 3:cin]], axis=2)
    x = x.reshape(sb * nsample, cin)
    for j in range(nw):
        w = wrefs[j][...]
        x = jnp.maximum(jnp.dot(x, w, preferred_element_type=jnp.float32), 0.0)
    cout = x.shape[1]
    x = x.reshape(sb, nsample, cout)
    out_ref[0] = jnp.max(x, axis=1)


def _sa_level_sc(xyz, points, npoint, radius, ws):
    b, n, _ = xyz.shape
    xyz_t = jnp.transpose(xyz, (0, 2, 1))
    new_xyz = _fps(xyz, npoint)
    table = jnp.concatenate([xyz, points], axis=2)
    cin = table.shape[2]
    dp = ((cin + 15) // 16) * 16
    sb = min(npoint, 256)
    gs = npoint // sb
    k = _NSAMPLE
    grp = pl.pallas_call(
        functools.partial(_bq_body, n=n, sb=sb, nsample=k,
                          r2=np.float32(radius ** 2)),
        grid=(b, gs),
        in_specs=[
            pl.BlockSpec((1, sb, 3), lambda i, j: (i, j, 0)),
            pl.BlockSpec((1, 3, n), lambda i, j: (i, 0, 0)),
        ],
        out_specs=pl.BlockSpec((1, sb, k), lambda i, j: (i, j, 0)),
        out_shape=jax.ShapeDtypeStruct((b, npoint, k), jnp.int32),
    )(new_xyz, xyz_t)
    table_flat = jnp.pad(table, ((0, 0), (0, 0), (0, dp - cin)))
    table_flat = table_flat.reshape(b * n, dp)
    rows = _sc_gather(table_flat, grp.reshape(-1), dp)
    g4 = rows.reshape(b, npoint, k, dp)
    cout = ws[-1].shape[1]
    nw = len(ws)
    new_points = pl.pallas_call(
        functools.partial(_sa_mlp_body, sb=sb, nsample=k, cin=cin, nw=nw),
        grid=(b, gs),
        in_specs=[
            pl.BlockSpec((1, sb, k, dp), lambda i, j: (i, j, 0, 0)),
            pl.BlockSpec((1, sb, 3), lambda i, j: (i, j, 0)),
        ] + [pl.BlockSpec(w.shape, lambda i, j: (0, 0)) for w in ws],
        out_specs=pl.BlockSpec((1, sb, cout), lambda i, j: (i, j, 0)),
        out_shape=jax.ShapeDtypeStruct((b, npoint, cout), jnp.float32),
    )(g4, new_xyz, *ws)
    return new_xyz, new_points



def _fp_body(*refs, ns, tb, nw):
    xyzt_ref, xyzs_ref, ft_ref, fs_ref = refs[:4]
    wrefs = refs[4:4 + nw]
    out_ref = refs[4 + nw]

    cx = xyzt_ref[0]
    sx = xyzs_ref[0]
    t = cx[:, 0:1] - sx[0:1, :]
    d = t * t
    t = cx[:, 1:2] - sx[1:2, :]
    d = d + t * t
    t = cx[:, 2:3] - sx[2:3, :]
    d = d + t * t
    dis = jnp.sqrt(jnp.maximum(d, 1e-12))

    iota = jax.lax.broadcasted_iota(jnp.int32, (tb, ns), 1)
    val = dis
    invs, sels = [], []
    for _ in range(3):
        m = jnp.min(val, axis=1, keepdims=True)
        ik = jnp.min(jnp.where(val == m, iota, ns), axis=1, keepdims=True)
        invs.append(1.0 / jnp.maximum(m, 1e-10))
        sels.append(ik)
        val = jnp.where(iota == ik, 1e30, val)
    norm = (invs[0] + invs[1]) + invs[2]
    wks = [inv / norm for inv in invs]
    wsum = ((wks[0] + wks[1]) + wks[2]) + 1e-6
    wmat = (wks[0] * (iota == sels[0]).astype(jnp.float32)
            + wks[1] * (iota == sels[1]).astype(jnp.float32)
            + wks[2] * (iota == sels[2]).astype(jnp.float32))

    fs = fs_ref[0]
    interp = jnp.dot(wmat, fs, preferred_element_type=jnp.float32) / wsum
    x = jnp.concatenate([interp, ft_ref[0]], axis=1)
    for j in range(nw):
        w = wrefs[j][...]
        x = jnp.maximum(jnp.dot(x, w, preferred_element_type=jnp.float32), 0.0)
    out_ref[0] = x


def _fp_level(xyz_target, xyz_source, feats_target, feats_source, ws):
    b, nt, _ = xyz_target.shape
    ns = xyz_source.shape[1]
    xyz_src_t = jnp.transpose(xyz_source, (0, 2, 1))
    cs = feats_source.shape[2]
    ct = feats_target.shape[2]
    tb = min(nt, 512)
    gs = nt // tb
    cout = ws[-1].shape[1]
    nw = len(ws)
    body = functools.partial(_fp_body, ns=ns, tb=tb, nw=nw)
    return pl.pallas_call(
        body,
        grid=(b, gs),
        in_specs=[
            pl.BlockSpec((1, tb, 3), lambda i, j: (i, j, 0)),
            pl.BlockSpec((1, 3, ns), lambda i, j: (i, 0, 0)),
            pl.BlockSpec((1, tb, ct), lambda i, j: (i, j, 0)),
            pl.BlockSpec((1, ns, cs), lambda i, j: (i, 0, 0)),
        ] + [pl.BlockSpec(w.shape, lambda i, j: (0, 0)) for w in ws],
        out_specs=pl.BlockSpec((1, tb, cout), lambda i, j: (i, j, 0)),
        out_shape=jax.ShapeDtypeStruct((b, nt, cout), jnp.float32),
    )(xyz_target, xyz_src_t, feats_target, feats_source, *ws)



def kernel(l0_xyz, l0_points, sa_weights, fp_weights):
    xyzs = [l0_xyz]
    feats = [l0_points]
    for i in range(4):
        sa_fn = _sa_level_sc if i == 0 else _sa_level
        nx, nf = sa_fn(xyzs[-1], feats[-1], _NPTS[i], _RADII[i],
                       sa_weights[i])
        xyzs.append(nx)
        feats.append(nf)
    l3 = _fp_level(xyzs[3], xyzs[4], feats[3], feats[4], fp_weights[0])
    l2 = _fp_level(xyzs[2], xyzs[3], feats[2], l3, fp_weights[1])
    l1 = _fp_level(xyzs[1], xyzs[2], feats[1], l2, fp_weights[2])
    l0 = _fp_level(xyzs[0], xyzs[1], feats[0], l1, fp_weights[3])
    return l0

# --- scband reference (transcript-rebuilt; emitter-appended) ---
"""Pipeline reference for scband-point-net2-tf-model-75282186764342 (READ-ONLY COPY).

The authoritative reference and input builder live on the scoring server;
editing this copy changes nothing except your own understanding.
"""

import jax, jax.numpy as jnp
import numpy as np

B, N = 4, 4096
NPOINTS = [512, 128, 32, 8]
RADII = [0.1, 0.2, 0.4, 0.8]
NSAMPLE = 32
SA_MLPS = [[32, 32, 64], [64, 64, 128], [128, 128, 256], [256, 256, 512]]
SA_IN = [6, 67, 131, 259]
FP_MLPS = [[256, 256], [256, 256], [256, 128], [128, 128, 128]]
FP_IN = [768, 384, 320, 131]


def _glorot(key, cin, cout):
    std = (2.0 / (cin + cout)) ** 0.5
    return jax.random.normal(key, (cin, cout), dtype=jnp.float32) * std


def setup_inputs(seed: int = 0):
    key = jax.random.key(seed)
    keys = jax.random.split(key, 32)
    l0_xyz = jax.random.uniform(keys[0], (B, N, 3), dtype=jnp.float32)
    l0_points = jax.random.uniform(keys[1], (B, N, 3), dtype=jnp.float32)
    ki = 2
    sa_weights = []
    for cin, mlp in zip(SA_IN, SA_MLPS):
        ws = []
        c = cin
        for cout in mlp:
            ws.append(_glorot(keys[ki], c, cout)); ki += 1
            c = cout
        sa_weights.append(ws)
    fp_weights = []
    for cin, mlp in zip(FP_IN, FP_MLPS):
        ws = []
        c = cin
        for cout in mlp:
            ws.append(_glorot(keys[ki], c, cout)); ki += 1
            c = cout
        fp_weights.append(ws)
    return {"l0_xyz": l0_xyz, "l0_points": l0_points,
            "sa_weights": sa_weights, "fp_weights": fp_weights}


def farthest_point_sample(xyz, npoint):
    xyz = jax.lax.stop_gradient(xyz)
    Bb, Nn, _ = xyz.shape

    def body(i, state):
        centroids, distance, farthest = state
        centroids = centroids.at[:, i].set(farthest)
        idx3 = jnp.broadcast_to(farthest[:, None, None], (Bb, 1, 3))
        centroid = jnp.take_along_axis(xyz, idx3, axis=1)
        d = jnp.sum((xyz - centroid) ** 2, axis=-1)
        distance = jnp.minimum(distance, d)
        farthest = jnp.argmax(distance, axis=-1).astype(jnp.int32)
        return centroids, distance, farthest

    init = (jnp.zeros((Bb, npoint), jnp.int32),
            jnp.full((Bb, Nn), 1e10, jnp.float32),
            jnp.zeros((Bb,), jnp.int32))
    centroids, _, _ = jax.lax.fori_loop(0, npoint, body, init)
    return centroids


def query_ball_point(radius, nsample, xyz, new_xyz):
    Bb, Nn, _ = xyz.shape
    sqrdists = jnp.sum((new_xyz[:, :, None, :] - xyz[:, None, :, :]) ** 2, axis=-1)
    grp = jnp.broadcast_to(jnp.arange(Nn, dtype=jnp.int32), sqrdists.shape)
    grp = jnp.where(sqrdists > radius ** 2, Nn, grp)
    grp = jnp.sort(grp, axis=-1)[:, :, :nsample]
    first = grp[:, :, 0:1]
    grp = jnp.where(grp == Nn, jnp.broadcast_to(first, grp.shape), grp)
    return grp


def _batched_gather(a, idx):
    return jax.vmap(lambda x, i: x[i])(a, idx)


def pointnet_sa(xyz, points, npoint, radius, ws):
    fps_idx = farthest_point_sample(xyz, npoint)
    new_xyz = _batched_gather(xyz, fps_idx)
    idx = query_ball_point(radius, NSAMPLE, xyz, new_xyz)
    grouped_xyz = _batched_gather(xyz, idx) - new_xyz[:, :, None, :]
    grouped_points = _batched_gather(points, idx)
    new_points = jnp.concatenate([grouped_xyz, grouped_points], axis=-1)
    for w in ws:
        new_points = jax.nn.relu(jnp.einsum('bsnc,cd->bsnd', new_points, w))
    new_points = jnp.max(new_points, axis=2)
    return new_xyz, new_points


def three_nn(xyz_source, xyz_target):
    sqd = jnp.sum((xyz_target[:, :, None, :] - xyz_source[:, None, :, :]) ** 2, axis=-1)
    dis = jnp.sqrt(jnp.maximum(sqd, 1e-12))
    neg, idx = jax.lax.top_k(-dis, 3)
    nd = jnp.maximum(-neg, 1e-10)
    norm = jnp.sum(1.0 / nd, axis=2, keepdims=True)
    weight = 1.0 / nd / norm
    return weight, idx


def three_interpolate(feats_source, idx, weights):
    wsum = jnp.sum(weights, axis=-1, keepdims=True) + 1e-6
    sel = _batched_gather(feats_source, idx)
    return jnp.sum(weights[..., None] * sel, axis=2) / wsum


def pointnet_fp(xyz_target, xyz_source, feats_target, feats_source, ws):
    weight, idx = three_nn(xyz_source, xyz_target)
    interp = three_interpolate(feats_source, idx, weight)
    new = jnp.concatenate([interp, feats_target], axis=2)
    for w in ws:
        new = jax.nn.relu(jnp.einsum('bnc,cd->bnd', new, w))
    return new


def forward(l0_xyz, l0_points, sa_weights, fp_weights):
    xyzs = [l0_xyz]
    feats = [l0_points]
    for i in range(4):
        nx, nf = pointnet_sa(xyzs[-1], feats[-1], NPOINTS[i], RADII[i], sa_weights[i])
        xyzs.append(nx)
        feats.append(nf)
    l3 = pointnet_fp(xyzs[3], xyzs[4], feats[3], feats[4], fp_weights[0])
    l2 = pointnet_fp(xyzs[2], xyzs[3], feats[2], l3, fp_weights[1])
    l1 = pointnet_fp(xyzs[1], xyzs[2], feats[1], l2, fp_weights[2])
    l0 = pointnet_fp(xyzs[0], xyzs[1], feats[0], l1, fp_weights[3])
    return l0


def reference(l0_xyz, l0_points, sa_weights, fp_weights):
    return forward(l0_xyz, l0_points, sa_weights, fp_weights)

if __name__ == "__main__":
    import jax
    _d = setup_inputs()
    print(jax.jit(kernel)(*tuple(_d.values())))

</pallas_src>

<mosaic_0001>
#map = affine_map<(d0, d1) -> (0, 0)>
#map1 = affine_map<(d0, d1) -> (0)>
module attributes {stable_mosaic.version = 14 : i64} {
  func.func @gk(%arg0: i32, %arg1: i32, %arg2: memref<16384x16xf32, #tpu.memory_space<hbm>>, %arg3: memref<65536xi32, #tpu.memory_space<hbm>>, %arg4: memref<65536x16xf32, #tpu.memory_space<hbm>>, %arg5: memref<2048xi32, #tpu.memory_space<vmem>>, %arg6: memref<2048x16xf32, #tpu.memory_space<vmem>>, %arg7: memref<!tpu.dma_semaphore, #tpu.memory_space<semaphore_mem>>) attributes {dimension_semantics = [#tpu.dimension_semantics<core_parallel>, #tpu.dimension_semantics<subcore_parallel>], iteration_bounds = array<i64: 2, 16>, scalar_prefetch = 0 : i64, scratch_operands = 3 : i64, tpu.core_type = #tpu.core_type<sc_vector_subcore>, window_params = [{transform_indices = #map}, {transform_indices = #map1}, {transform_indices = #map}]} {
    %mul3A = arith.constant 2 : i32
    %mul3A_0 = arith.muli %arg1, %mul3A : i32
    %add3A = arith.addi %mul3A_0, %arg0 : i32
    %mul3A_1 = arith.constant 2048 : i32
    %mul3A_2 = arith.muli %add3A, %mul3A_1 : i32
    "tpu.region"() ({
      %run_scoped3A = tpu.sem_alloc : memref<!tpu.dma_semaphore, #tpu.memory_space<semaphore_mem>>
      %dma_start3A_7 = tpu.memref_slice %arg3[%mul3A_2] : memref<65536xi32, #tpu.memory_space<hbm>> -> memref<2048xi32, #tpu.memory_space<hbm>>
      %dma_start3A_8 = tpu.memref_slice %arg3[%mul3A_2] : memref<65536xi32, #tpu.memory_space<hbm>> -> memref<2048xi32, #tpu.memory_space<hbm>>
      tpu.enqueue_dma source(%dma_start3A_8 : memref<2048xi32, #tpu.memory_space<hbm>>) target(%arg5 : memref<2048xi32, #tpu.memory_space<vmem>>) target_semaphore(%run_scoped3A : memref<!tpu.dma_semaphore, #tpu.memory_space<semaphore_mem>>)
      %dma_wait3A_9 = tpu.memref_slice %arg3[%mul3A_2] : memref<65536xi32, #tpu.memory_space<hbm>> -> memref<2048xi32, #tpu.memory_space<hbm>>
      %dma_wait3A_10 = tpu.memref_slice %arg3[%mul3A_2] : memref<65536xi32, #tpu.memory_space<hbm>> -> memref<2048xi32, #tpu.memory_space<hbm>>
      tpu.wait_dma2 semaphore(%run_scoped3A : memref<!tpu.dma_semaphore, #tpu.memory_space<semaphore_mem>>) src(%dma_wait3A_10 : memref<2048xi32, #tpu.memory_space<hbm>>) dst(%arg5 : memref<2048xi32, #tpu.memory_space<vmem>>)
      tpu.yield
    }) : () -> ()
    %dma_start3A = arith.constant 0 : i32
    %dma_start3A_3 = arith.constant 0 : i32
    %dma_start3A_4 = tpu.memref_slice %arg2[%dma_start3A, %dma_start3A_3] : memref<16384x16xf32, #tpu.memory_space<hbm>> -> memref<16384x16xf32, #tpu.memory_space<hbm>>
    tpu.enqueue_indirect_dma source(%dma_start3A_4 : memref<16384x16xf32, #tpu.memory_space<hbm>>) target(%arg6 : memref<2048x16xf32, #tpu.memory_space<vmem>>) offsets(%arg5 : memref<2048xi32, #tpu.memory_space<vmem>>) semaphore(%arg7 : memref<!tpu.dma_semaphore, #tpu.memory_space<semaphore_mem>>)
    %dma_wait3A = arith.constant 0 : i32
    %dma_wait3A_5 = arith.constant 0 : i32
    %dma_wait3A_6 = tpu.memref_slice %arg2[%dma_wait3A, %dma_wait3A_5] : memref<16384x16xf32, #tpu.memory_space<hbm>> -> memref<16384x16xf32, #tpu.memory_space<hbm>>
    tpu.wait_indirect_dma semaphore(%arg7 : memref<!tpu.dma_semaphore, #tpu.memory_space<semaphore_mem>>) src(%dma_wait3A_6 : memref<16384x16xf32, #tpu.memory_space<hbm>>) dst(%arg6 : memref<2048x16xf32, #tpu.memory_space<vmem>>)
    "tpu.region"() ({
      %run_scoped3A = tpu.sem_alloc : memref<!tpu.dma_semaphore, #tpu.memory_space<semaphore_mem>>
      %dma_start3A_7 = arith.constant 0 : i32
      %dma_start3A_8 = tpu.memref_slice %arg4[%mul3A_2, %dma_start3A_7] : memref<65536x16xf32, #tpu.memory_space<hbm>> -> memref<2048x16xf32, #tpu.memory_space<hbm>>
      %dma_start3A_9 = arith.constant 0 : i32
      %dma_start3A_10 = tpu.memref_slice %arg4[%mul3A_2, %dma_start3A_9] : memref<65536x16xf32, #tpu.memory_space<hbm>> -> memref<2048x16xf32, #tpu.memory_space<hbm>>
      tpu.enqueue_dma source(%arg6 : memref<2048x16xf32, #tpu.memory_space<vmem>>) target(%dma_start3A_10 : memref<2048x16xf32, #tpu.memory_space<hbm>>) target_semaphore(%run_scoped3A : memref<!tpu.dma_semaphore, #tpu.memory_space<semaphore_mem>>)
      %dma_wait3A_11 = arith.constant 0 : i32
      %dma_wait3A_12 = tpu.memref_slice %arg4[%mul3A_2, %dma_wait3A_11] : memref<65536x16xf32, #tpu.memory_space<hbm>> -> memref<2048x16xf32, #tpu.memory_space<hbm>>
      %dma_wait3A_13 = arith.constant 0 : i32
      %dma_wait3A_14 = tpu.memref_slice %arg4[%mul3A_2, %dma_wait3A_13] : memref<65536x16xf32, #tpu.memory_space<hbm>> -> memref<2048x16xf32, #tpu.memory_space<hbm>>
      tpu.wait_dma2 semaphore(%run_scoped3A : memref<!tpu.dma_semaphore, #tpu.memory_space<semaphore_mem>>) src(%arg6 : memref<2048x16xf32, #tpu.memory_space<vmem>>) dst(%dma_wait3A_14 : memref<2048x16xf32, #tpu.memory_space<hbm>>)
      tpu.yield
    }) : () -> ()
    return
  }
}

module attributes {stable_mosaic.version = 14 : i64} {
  func.func @_fps_body(%arg0: memref<4x4096xf32, #tpu.memory_space<vmem>>, %arg1: memref<4x4096xf32, #tpu.memory_space<vmem>>, %arg2: memref<4x4096xf32, #tpu.memory_space<vmem>>, %arg3: memref<4x512xf32, #tpu.memory_space<vmem>>, %arg4: memref<4x512xf32, #tpu.memory_space<vmem>>, %arg5: memref<4x512xf32, #tpu.memory_space<vmem>>) attributes {dimension_semantics = [], scalar_prefetch = 0 : i64, scratch_operands = 0 : i64, tpu.core_type = #tpu.core_type<tc>} {
    %get3A = arith.constant 0 : index
    %get3A_0 = arith.constant 0 : index
    %get3A_1 = vector.load %arg0[%get3A, %get3A_0] : memref<4x4096xf32, #tpu.memory_space<vmem>>, vector<4x4096xf32>
    %get3A_2 = arith.constant 0 : index
    %get3A_3 = arith.constant 0 : index
    %get3A_4 = vector.load %arg1[%get3A_2, %get3A_3] : memref<4x4096xf32, #tpu.memory_space<vmem>>, vector<4x4096xf32>
    %get3A_5 = arith.constant 0 : index
    %get3A_6 = arith.constant 0 : index
    %get3A_7 = vector.load %arg2[%get3A_5, %get3A_6] : memref<4x4096xf32, #tpu.memory_space<vmem>>, vector<4x4096xf32>
    %iota3A = tpu.iota {dimensions = array<i32: 1>} : vector<4x4096xi32>
    %iota3A_8 = tpu.iota {dimensions = array<i32: 1>} : vector<4x512xi32>
    %broadcast_in_dim3A = arith.constant 1.000000e+10 : f32
    %broadcast_in_dim3A_9 = vector.broadcast %broadcast_in_dim3A : f32 to vector<4x4096xf32>
    %broadcast_in_dim3A_10 = arith.constant 0 : i32
    %broadcast_in_dim3A_11 = vector.broadcast %broadcast_in_dim3A_10 : i32 to vector<4x1xi32>
    %broadcast_in_dim3A_12 = arith.constant 0.000000e+00 : f32
    %broadcast_in_dim3A_13 = vector.broadcast %broadcast_in_dim3A_12 : f32 to vector<4x512xf32>
    %broadcast_in_dim3A_14 = arith.constant 0.000000e+00 : f32
    %broadcast_in_dim3A_15 = vector.broadcast %broadcast_in_dim3A_14 : f32 to vector<4x512xf32>
    %broadcast_in_dim3A_16 = arith.constant 0.000000e+00 : f32
    %broadcast_in_dim3A_17 = vector.broadcast %broadcast_in_dim3A_16 : f32 to vector<4x512xf32>
    %scan3A = arith.constant 0 : i32
    %scan3A_18 = arith.constant 512 : i32
    %scan3A_19 = arith.addi %scan3A, %scan3A_18 : i32
    %scan3A_20 = arith.constant 1 : i32
    %scan3A_21:5 = scf.for %scan3A_31 = %scan3A to %scan3A_19 step %scan3A_20 iter_args(%scan3A_32 = %broadcast_in_dim3A_9, %scan3A_33 = %broadcast_in_dim3A_11, %scan3A_34 = %broadcast_in_dim3A_13, %scan3A_35 = %broadcast_in_dim3A_15, %scan3A_36 = %broadcast_in_dim3A_17) -> (vector<4x4096xf32>, vector<4x1xi32>, vector<4x512xf32>, vector<4x512xf32>, vector<4x512xf32>)  : i32 {
      %eq3A = vector.broadcast %scan3A_33 : vector<4x1xi32> to vector<4x4096xi32>
      %eq3A_37 = arith.cmpi eq, %iota3A, %eq3A : vector<4x4096xi32>
      %jit3A = arith.constant 0.000000e+00 : f32
      %broadcast_in_dim3A_38 = vector.broadcast %jit3A : f32 to vector<4x4096xf32>
      %select_n3A = arith.select %eq3A_37, %get3A_1, %broadcast_in_dim3A_38 : vector<4x4096xi1>, vector<4x4096xf32>
      %reduce_sum3A = arith.constant dense<0.000000e+00> : vector<4xf32>
      %reduce_sum3A_39 = vector.multi_reduction <add>, %select_n3A, %reduce_sum3A [1] : vector<4x4096xf32> to vector<4xf32>
      %broadcast_in_dim3A_40 = vector.shape_cast %reduce_sum3A_39 : vector<4xf32> to vector<4x1xf32>
      %jit3A_41 = arith.constant 0.000000e+00 : f32
      %broadcast_in_dim3A_42 = vector.broadcast %jit3A_41 : f32 to vector<4x4096xf32>
      %select_n3A_43 = arith.select %eq3A_37, %get3A_4, %broadcast_in_dim3A_42 : vector<4x4096xi1>, vector<4x4096xf32>
      %reduce_sum3A_44 = arith.constant dense<0.000000e+00> : vector<4xf32>
      %reduce_sum3A_45 = vector.multi_reduction <add>, %select_n3A_43, %reduce_sum3A_44 [1] : vector<4x4096xf32> to vector<4xf32>
      %broadcast_in_dim3A_46 = vector.shape_cast %reduce_sum3A_45 : vector<4xf32> to vector<4x1xf32>
      %jit3A_47 = arith.constant 0.000000e+00 : f32
      %broadcast_in_dim3A_48 = vector.broadcast %jit3A_47 : f32 to vector<4x4096xf32>
      %select_n3A_49 = arith.select %eq3A_37, %get3A_7, %broadcast_in_dim3A_48 : vector<4x4096xi1>, vector<4x4096xf32>
      %reduce_sum3A_50 = arith.constant dense<0.000000e+00> : vector<4xf32>
      %reduce_sum3A_51 = vector.multi_reduction <add>, %select_n3A_49, %reduce_sum3A_50 [1] : vector<4x4096xf32> to vector<4xf32>
      %broadcast_in_dim3A_52 = vector.shape_cast %reduce_sum3A_51 : vector<4xf32> to vector<4x1xf32>
      %eq3A_53 = vector.broadcast %scan3A_31 : i32 to vector<4x512xi32>
      %eq3A_54 = arith.cmpi eq, %iota3A_8, %eq3A_53 : vector<4x512xi32>
      %broadcast_in_dim3A_55 = vector.shape_cast %broadcast_in_dim3A_40 : vector<4x1xf32> to vector<4x1xf32>
      %broadcast_in_dim3A_56 = vector.broadcast %broadcast_in_dim3A_55 : vector<4x1xf32> to vector<4x512xf32>
      %select_n3A_57 = arith.select %eq3A_54, %broadcast_in_dim3A_56, %scan3A_34 : vector<4x512xi1>, vector<4x512xf32>
      %broadcast_in_dim3A_58 = vector.shape_cast %broadcast_in_dim3A_46 : vector<4x1xf32> to vector<4x1xf32>
      %broadcast_in_dim3A_59 = vector.broadcast %broadcast_in_dim3A_58 : vector<4x1xf32> to vector<4x512xf32>
      %select_n3A_60 = arith.select %eq3A_54, %broadcast_in_dim3A_59, %scan3A_35 : vector<4x512xi1>, vector<4x512xf32>
      %broadcast_in_dim3A_61 = vector.shape_cast %broadcast_in_dim3A_52 : vector<4x1xf32> to vector<4x1xf32>
      %broadcast_in_dim3A_62 = vector.broadcast %broadcast_in_dim3A_61 : vector<4x1xf32> to vector<4x512xf32>
      %select_n3A_63 = arith.select %eq3A_54, %broadcast_in_dim3A_62, %scan3A_36 : vector<4x512xi1>, vector<4x512xf32>
      %sub3A = vector.broadcast %broadcast_in_dim3A_40 : vector<4x1xf32> to vector<4x4096xf32>
      %sub3A_64 = arith.subf %get3A_1, %sub3A : vector<4x4096xf32>
      %sub3A_65 = vector.broadcast %broadcast_in_dim3A_46 : vector<4x1xf32> to vector<4x4096xf32>
      %sub3A_66 = arith.subf %get3A_4, %sub3A_65 : vector<4x4096xf32>
      %sub3A_67 = vector.broadcast %broadcast_in_dim3A_52 : vector<4x1xf32> to vector<4x4096xf32>
      %sub3A_68 = arith.subf %get3A_7, %sub3A_67 : vector<4x4096xf32>
      %mul3A = arith.mulf %sub3A_64, %sub3A_64 : vector<4x4096xf32>
      %mul3A_69 = arith.mulf %sub3A_66, %sub3A_66 : vector<4x4096xf32>
      %add3A = arith.addf %mul3A, %mul3A_69 : vector<4x4096xf32>
      %mul3A_70 = arith.mulf %sub3A_68, %sub3A_68 : vector<4x4096xf32>
      %add3A_71 = arith.addf %add3A, %mul3A_70 : vector<4x4096xf32>
      %min3A = arith.minimumf %scan3A_32, %add3A_71 : vector<4x4096xf32>
      %reduce_max3A = arith.constant dense<0xFF800000> : vector<4xf32>
      %reduce_max3A_72 = vector.multi_reduction <maximumf>, %min3A, %reduce_max3A [1] : vector<4x4096xf32> to vector<4xf32>
      %broadcast_in_dim3A_73 = vector.shape_cast %reduce_max3A_72 : vector<4xf32> to vector<4x1xf32>
      %eq3A_74 = vector.broadcast %broadcast_in_dim3A_73 : vector<4x1xf32> to vector<4x4096xf32>
      %eq3A_75 = arith.cmpf oeq, %min3A, %eq3A_74 : vector<4x4096xf32>
      %jit3A_76 = arith.constant 4096 : i32
      %broadcast_in_dim3A_77 = vector.broadcast %jit3A_76 : i32 to vector<4x4096xi32>
      %select_n3A_78 = arith.select %eq3A_75, %iota3A, %broadcast_in_dim3A_77 : vector<4x4096xi1>, vector<4x4096xi32>
      %reduce_min3A = arith.constant dense<2147483647> : vector<4xi32>
      %reduce_min3A_79 = vector.multi_reduction <minsi>, %select_n3A_78, %reduce_min3A [1] : vector<4x4096xi32> to vector<4xi32>
      %broadcast_in_dim3A_80 = vector.shape_cast %reduce_min3A_79 : vector<4xi32> to vector<4x1xi32>
      scf.yield %min3A, %broadcast_in_dim3A_80, %select_n3A_57, %select_n3A_60, %select_n3A_63 : vector<4x4096xf32>, vector<4x1xi32>, vector<4x512xf32>, vector<4x512xf32>, vector<4x512xf32>
    }
    %scan3A_22 = arith.constant 512 : i32
    %swap3A = arith.constant 0 : index
    %swap3A_23 = arith.constant 0 : index
    %swap3A_24 = vector.load %arg3[%swap3A, %swap3A_23] : memref<4x512xf32, #tpu.memory_space<vmem>>, vector<4x512xf32>
    tpu.vector_store %arg3[%swap3A, %swap3A_23], %scan3A_21#2 {strides = array<i32>} : memref<4x512xf32, #tpu.memory_space<vmem>>, vector<4x512xf32>,
    %swap3A_25 = arith.constant 0 : index
    %swap3A_26 = arith.constant 0 : index
    %swap3A_27 = vector.load %arg4[%swap3A_25, %swap3A_26] : memref<4x512xf32, #tpu.memory_space<vmem>>, vector<4x512xf32>
    tpu.vector_store %arg4[%swap3A_25, %swap3A_26], %scan3A_21#3 {strides = array<i32>} : memref<4x512xf32, #tpu.memory_space<vmem>>, vector<4x512xf32>,
    %swap3A_28 = arith.constant 0 : index
    %swap3A_29 = arith.constant 0 : index
    %swap3A_30 = vector.load %arg5[%swap3A_28, %swap3A_29] : memref<4x512xf32, #tpu.memory_space<vmem>>, vector<4x512xf32>
    tpu.vector_store %arg5[%swap3A_28, %swap3A_29], %scan3A_21#4 {strides = array<i32>} : memref<4x512xf32, #tpu.memory_space<vmem>>, vector<4x512xf32>,
    return
  }
}

module attributes {stable_mosaic.version = 14 : i64} {
  func.func @_bq_body(%arg0: i32, %arg1: i32, %arg2: memref<1x256x3xf32, #tpu.memory_space<vmem>>, %arg3: memref<1x3x4096xf32, #tpu.memory_space<vmem>>, %arg4: memref<1x256x32xi32, #tpu.memory_space<vmem>>) attributes {dimension_semantics = [#tpu.dimension_semantics<arbitrary>, #tpu.dimension_semantics<arbitrary>], iteration_bounds = array<i64: 4, 2>, scalar_prefetch = 0 : i64, scratch_operands = 0 : i64, tpu.core_type = #tpu.core_type<tc>, window_params = [{transform_indices = @transform_0, window_bounds = array<i64: 1, 256, 3>}, {transform_indices = @transform_1, window_bounds = array<i64: 1, 3, 4096>}, {transform_indices = @transform_2, window_bounds = array<i64: 1, 256, 32>}]} {
    %get3A = arith.constant 0 : index
    %get3A_0 = arith.constant 0 : index
    %get3A_1 = arith.constant 0 : index
    %get3A_2 = vector.load %arg2[%get3A, %get3A_0, %get3A_1] : memref<1x256x3xf32, #tpu.memory_space<vmem>>, vector<1x256x3xf32>
    %get3A_3 = vector.shape_cast %get3A_2 : vector<1x256x3xf32> to vector<256x3xf32>
    %get3A_4 = arith.constant 0 : index
    %get3A_5 = arith.constant 0 : index
    %get3A_6 = arith.constant 0 : index
    %get3A_7 = vector.load %arg3[%get3A_4, %get3A_5, %get3A_6] : memref<1x3x4096xf32, #tpu.memory_space<vmem>>, vector<1x3x4096xf32>
    %get3A_8 = vector.shape_cast %get3A_7 : vector<1x3x4096xf32> to vector<3x4096xf32>
    %slice3A = vector.extract_strided_slice %get3A_3 {offsets = [0, 0], sizes = [256, 1], strides = [1, 1]} : vector<256x3xf32> to vector<256x1xf32>
    %slice3A_9 = vector.extract_strided_slice %get3A_8 {offsets = [0, 0], sizes = [1, 4096], strides = [1, 1]} : vector<3x4096xf32> to vector<1x4096xf32>
    %sub3A = vector.broadcast %slice3A : vector<256x1xf32> to vector<256x4096xf32>
    %sub3A_10 = vector.broadcast %slice3A_9 : vector<1x4096xf32> to vector<256x4096xf32>
    %sub3A_11 = arith.subf %sub3A, %sub3A_10 : vector<256x4096xf32>
    %mul3A = arith.mulf %sub3A_11, %sub3A_11 : vector<256x4096xf32>
    %slice3A_12 = vector.extract_strided_slice %get3A_3 {offsets = [0, 1], sizes = [256, 1], strides = [1, 1]} : vector<256x3xf32> to vector<256x1xf32>
    %slice3A_13 = vector.extract_strided_slice %get3A_8 {offsets = [1, 0], sizes = [1, 4096], strides = [1, 1]} : vector<3x4096xf32> to vector<1x4096xf32>
    %sub3A_14 = vector.broadcast %slice3A_12 : vector<256x1xf32> to vector<256x4096xf32>
    %sub3A_15 = vector.broadcast %slice3A_13 : vector<1x4096xf32> to vector<256x4096xf32>
    %sub3A_16 = arith.subf %sub3A_14, %sub3A_15 : vector<256x4096xf32>
    %mul3A_17 = arith.mulf %sub3A_16, %sub3A_16 : vector<256x4096xf32>
    %add3A = arith.addf %mul3A, %mul3A_17 : vector<256x4096xf32>
    %slice3A_18 = vector.extract_strided_slice %get3A_3 {offsets = [0, 2], sizes = [256, 1], strides = [1, 1]} : vector<256x3xf32> to vector<256x1xf32>
    %slice3A_19 = vector.extract_strided_slice %get3A_8 {offsets = [2, 0], sizes = [1, 4096], strides = [1, 1]} : vector<3x4096xf32> to vector<1x4096xf32>
    %sub3A_20 = vector.broadcast %slice3A_18 : vector<256x1xf32> to vector<256x4096xf32>
    %sub3A_21 = vector.broadcast %slice3A_19 : vector<1x4096xf32> to vector<256x4096xf32>
    %sub3A_22 = arith.subf %sub3A_20, %sub3A_21 : vector<256x4096xf32>
    %mul3A_23 = arith.mulf %sub3A_22, %sub3A_22 : vector<256x4096xf32>
    %add3A_24 = arith.addf %add3A, %mul3A_23 : vector<256x4096xf32>
    %iota3A = tpu.iota {dimensions = array<i32: 1>} : vector<256x4096xi32>
    %gt3A = arith.constant 0.00999999977 : f32
    %gt3A_25 = vector.broadcast %gt3A : f32 to vector<256x4096xf32>
    %gt3A_26 = arith.cmpf ogt, %add3A_24, %gt3A_25 : vector<256x4096xf32>
    %jit3A = arith.constant 4096 : i32
    %broadcast_in_dim3A = vector.broadcast %jit3A : i32 to vector<256x4096xi32>
    %select_n3A = arith.select %gt3A_26, %broadcast_in_dim3A, %iota3A : vector<256x4096xi1>, vector<256x4096xi32>
    %reduce_min3A = arith.constant dense<2147483647> : vector<256xi32>
    %reduce_min3A_27 = vector.multi_reduction <minsi>, %select_n3A, %reduce_min3A [1] : vector<256x4096xi32> to vector<256xi32>
    %broadcast_in_dim3A_28 = vector.shape_cast %reduce_min3A_27 : vector<256xi32> to vector<256x1xi32>
    %eq3A = vector.broadcast %broadcast_in_dim3A_28 : vector<256x1xi32> to vector<256x4096xi32>
    %eq3A_29 = arith.cmpi eq, %select_n3A, %eq3A : vector<256x4096xi32>
    %jit3A_30 = arith.constant 1073741824 : i32
    %broadcast_in_dim3A_31 = vector.broadcast %jit3A_30 : i32 to vector<256x4096xi32>
    %select_n3A_32 = arith.select %eq3A_29, %broadcast_in_dim3A_31, %select_n3A : vector<256x4096xi1>, vector<256x4096xi32>
    %reduce_min3A_33 = arith.constant dense<2147483647> : vector<256xi32>
    %reduce_min3A_34 = vector.multi_reduction <minsi>, %select_n3A_32, %reduce_min3A_33 [1] : vector<256x4096xi32> to vector<256xi32>
    %broadcast_in_dim3A_35 = vector.shape_cast %reduce_min3A_34 : vector<256xi32> to vector<256x1xi32>
    %eq3A_36 = vector.broadcast %broadcast_in_dim3A_35 : vector<256x1xi32> to vector<256x4096xi32>
    %eq3A_37 = arith.cmpi eq, %select_n3A_32, %eq3A_36 : vector<256x4096xi32>
    %jit3A_38 = arith.constant 1073741824 : i32
    %broadcast_in_dim3A_39 = vector.broadcast %jit3A_38 : i32 to vector<256x4096xi32>
    %select_n3A_40 = arith.select %eq3A_37, %broadcast_in_dim3A_39, %select_n3A_32 : vector<256x4096xi1>, vector<256x4096xi32>
    %reduce_min3A_41 = arith.constant dense<2147483647> : vector<256xi32>
    %reduce_min3A_42 = vector.multi_reduction <minsi>, %select_n3A_40, %reduce_min3A_41 [1] : vector<256x4096xi32> to vector<256xi32>
    %broadcast_in_dim3A_43 = vector.shape_cast %reduce_min3A_42 : vector<256xi32> to vector<256x1xi32>
    %eq3A_44 = vector.broadcast %broadcast_in_dim3A_43 : vector<256x1xi32> to vector<256x4096xi32>
    %eq3A_45 = arith.cmpi eq, %select_n3A_40, %eq3A_44 : vector<256x4096xi32>
    %jit3A_46 = arith.constant 1073741824 : i32
    %broadcast_in_dim3A_47 = vector.broadcast %jit3A_46 : i32 to vector<256x4096xi32>
    %select_n3A_48 = arith.select %eq3A_45, %broadcast_in_dim3A_47, %select_n3A_40 : vector<256x4096xi1>, vector<256x4096xi32>
    %reduce_min3A_49 = arith.constant dense<2147483647> : vector<256xi32>
    %reduce_min3A_50 = vector.multi_reduction <minsi>, %select_n3A_48, %reduce_min3A_49 [1] : vector<256x4096xi32> to vector<256xi32>
    %broadcast_in_dim3A_51 = vector.shape_cast %reduce_min3A_50 : vector<256xi32> to vector<256x1xi32>
    %eq3A_52 = vector.broadcast %broadcast_in_dim3A_51 : vector<256x1xi32> to vector<256x4096xi32>
    %eq3A_53 = arith.cmpi eq, %select_n3A_48, %eq3A_52 : vector<256x4096xi32>
    %jit3A_54 = arith.constant 1073741824 : i32
    %broadcast_in_dim3A_55 = vector.broadcast %jit3A_54 : i32 to vector<256x4096xi32>
    %select_n3A_56 = arith.select %eq3A_53, %broadcast_in_dim3A_55, %select_n3A_48 : vector<256x4096xi1>, vector<256x4096xi32>
    %reduce_min3A_57 = arith.constant dense<2147483647> : vector<256xi32>
    %reduce_min3A_58 = vector.multi_reduction <minsi>, %select_n3A_56, %reduce_min3A_57 [1] : vector<256x4096xi32> to vector<256xi32>
    %broadcast_in_dim3A_59 = vector.shape_cast %reduce_min3A_58 : vector<256xi32> to vector<256x1xi32>
    %eq3A_60 = vector.broadcast %broadcast_in_dim3A_59 : vector<256x1xi32> to vector<256x4096xi32>
    %eq3A_61 = arith.cmpi eq, %select_n3A_56, %eq3A_60 : vector<256x4096xi32>
    %jit3A_62 = arith.constant 1073741824 : i32
    %broadcast_in_dim3A_63 = vector.broadcast %jit3A_62 : i32 to vector<256x4096xi32>
    %select_n3A_64 = arith.select %eq3A_61, %broadcast_in_dim3A_63, %select_n3A_56 : vector<256x4096xi1>, vector<256x4096xi32>
    %reduce_min3A_65 = arith.constant dense<2147483647> : vector<256xi32>
    %reduce_min3A_66 = vector.multi_reduction <minsi>, %select_n3A_64, %reduce_min3A_65 [1] : vector<256x4096xi32> to vector<256xi32>
    %broadcast_in_dim3A_67 = vector.shape_cast %reduce_min3A_66 : vector<256xi32> to vector<256x1xi32>
    %eq3A_68 = vector.broadcast %broadcast_in_dim3A_67 : vector<256x1xi32> to vector<256x4096xi32>
    %eq3A_69 = arith.cmpi eq, %select_n3A_64, %eq3A_68 : vector<256x4096xi32>
    %jit3A_70 = arith.constant 1073741824 : i32
    %broadcast_in_dim3A_71 = vector.broadcast %jit3A_70 : i32 to vector<256x4096xi32>
    %select_n3A_72 = arith.select %eq3A_69, %broadcast_in_dim3A_71, %select_n3A_64 : vector<256x4096xi1>, vector<256x4096xi32>
    %reduce_min3A_73 = arith.constant dense<2147483647> : vector<256xi32>
    %reduce_min3A_74 = vector.multi_reduction <minsi>, %select_n3A_72, %reduce_min3A_73 [1] : vector<256x4096xi32> to vector<256xi32>
    %broadcast_in_dim3A_75 = vector.shape_cast %reduce_min3A_74 : vector<256xi32> to vector<256x1xi32>
    %eq3A_76 = vector.broadcast %broadcast_in_dim3A_75 : vector<256x1xi32> to vector<256x4096xi32>
    %eq3A_77 = arith.cmpi eq, %select_n3A_72, %eq3A_76 : vector<256x4096xi32>
    %jit3A_78 = arith.constant 1073741824 : i32
    %broadcast_in_dim3A_79 = vector.broadcast %jit3A_78 : i32 to vector<256x4096xi32>
    %select_n3A_80 = arith.select %eq3A_77, %broadcast_in_dim3A_79, %select_n3A_72 : vector<256x4096xi1>, vector<256x4096xi32>
    %reduce_min3A_81 = arith.constant dense<2147483647> : vector<256xi32>
    %reduce_min3A_82 = vector.multi_reduction <minsi>, %select_n3A_80, %reduce_min3A_81 [1] : vector<256x4096xi32> to vector<256xi32>
    %broadcast_in_dim3A_83 = vector.shape_cast %reduce_min3A_82 : vector<256xi32> to vector<256x1xi32>
    %eq3A_84 = vector.broadcast %broadcast_in_dim3A_83 : vector<256x1xi32> to vector<256x4096xi32>
    %eq3A_85 = arith.cmpi eq, %select_n3A_80, %eq3A_84 : vector<256x4096xi32>
    %jit3A_86 = arith.constant 1073741824 : i32
    %broadcast_in_dim3A_87 = vector.broadcast %jit3A_86 : i32 to vector<256x4096xi32>
    %select_n3A_88 = arith.select %eq3A_85, %broadcast_in_dim3A_87, %select_n3A_80 : vector<256x4096xi1>, vector<256x4096xi32>
    %reduce_min3A_89 = arith.constant dense<2147483647> : vector<256xi32>
    %reduce_min3A_90 = vector.multi_reduction <minsi>, %select_n3A_88, %reduce_min3A_89 [1] : vector<256x4096xi32> to vector<256xi32>
    %broadcast_in_dim3A_91 = vector.shape_cast %reduce_min3A_90 : vector<256xi32> to vector<256x1xi32>
    %eq3A_92 = vector.broadcast %broadcast_in_dim3A_91 : vector<256x1xi32> to vector<256x4096xi32>
    %eq3A_93 = arith.cmpi eq, %select_n3A_88, %eq3A_92 : vector<256x4096xi32>
    %jit3A_94 = arith.constant 1073741824 : i32
    %broadcast_in_dim3A_95 = vector.broadcast %jit3A_94 : i32 to vector<256x4096xi32>
    %select_n3A_96 = arith.select %eq3A_93, %broadcast_in_dim3A_95, %select_n3A_88 : vector<256x4096xi1>, vector<256x4096xi32>
    %reduce_min3A_97 = arith.constant dense<2147483647> : vector<256xi32>
    %reduce_min3A_98 = vector.multi_reduction <minsi>, %select_n3A_96, %reduce_min3A_97 [1] : vector<256x4096xi32> to vector<256xi32>
    %broadcast_in_dim3A_99 = vector.shape_cast %reduce_min3A_98 : vector<256xi32> to vector<256x1xi32>
    %eq3A_100 = vector.broadcast %broadcast_in_dim3A_99 : vector<256x1xi32> to vector<256x4096xi32>
    %eq3A_101 = arith.cmpi eq, %select_n3A_96, %eq3A_100 : vector<256x4096xi32>
    %jit3A_102 = arith.constant 1073741824 : i32
    %broadcast_in_dim3A_103 = vector.broadcast %jit3A_102 : i32 to vector<256x4096xi32>
    %select_n3A_104 = arith.select %eq3A_101, %broadcast_in_dim3A_103, %select_n3A_96 : vector<256x4096xi1>, vector<256x4096xi32>
    %reduce_min3A_105 = arith.constant dense<2147483647> : vector<256xi32>
    %reduce_min3A_106 = vector.multi_reduction <minsi>, %select_n3A_104, %reduce_min3A_105 [1] : vector<256x4096xi32> to vector<256xi32>
    %broadcast_in_dim3A_107 = vector.shape_cast %reduce_min3A_106 : vector<256xi32> to vector<256x1xi32>
    %eq3A_108 = vector.broadcast %broadcast_in_dim3A_107 : vector<256x1xi32> to vector<256x4096xi32>
    %eq3A_109 = arith.cmpi eq, %select_n3A_104, %eq3A_108 : vector<256x4096xi32>
    %jit3A_110 = arith.constant 1073741824 : i32
    %broadcast_in_dim3A_111 = vector.broadcast %jit3A_110 : i32 to vector<256x4096xi32>
    %select_n3A_112 = arith.select %eq3A_109, %broadcast_in_dim3A_111, %select_n3A_104 : vector<256x4096xi1>, vector<256x4096xi32>
    %reduce_min3A_113 = arith.constant dense<2147483647> : vector<256xi32>
    %reduce_min3A_114 = vector.multi_reduction <minsi>, %select_n3A_112, %reduce_min3A_113 [1] : vector<256x4096xi32> to vector<256xi32>
    %broadcast_in_dim3A_115 = vector.shape_cast %reduce_min3A_114 : vector<256xi32> to vector<256x1xi32>
    %eq3A_116 = vector.broadcast %broadcast_in_dim3A_115 : vector<256x1xi32> to vector<256x4096xi32>
    %eq3A_117 = arith.cmpi eq, %select_n3A_112, %eq3A_116 : vector<256x4096xi32>
    %jit3A_118 = arith.constant 1073741824 : i32
    %broadcast_in_dim3A_119 = vector.broadcast %jit3A_118 : i32 to vector<256x4096xi32>
    %select_n3A_120 = arith.select %eq3A_117, %broadcast_in_dim3A_119, %select_n3A_112 : vector<256x4096xi1>, vector<256x4096xi32>
    %reduce_min3A_121 = arith.constant dense<2147483647> : vector<256xi32>
    %reduce_min3A_122 = vector.multi_reduction <minsi>, %select_n3A_120, %reduce_min3A_121 [1] : vector<256x4096xi32> to vector<256xi32>
    %broadcast_in_dim3A_123 = vector.shape_cast %reduce_min3A_122 : vector<256xi32> to vector<256x1xi32>
    %eq3A_124 = vector.broadcast %broadcast_in_dim3A_123 : vector<256x1xi32> to vector<256x4096xi32>
    %eq3A_125 = arith.cmpi eq, %select_n3A_120, %eq3A_124 : vector<256x4096xi32>
    %jit3A_126 = arith.constant 1073741824 : i32
    %broadcast_in_dim3A_127 = vector.broadcast %jit3A_126 : i32 to vector<256x4096xi32>
    %select_n3A_128 = arith.select %eq3A_125, %broadcast_in_dim3A_127, %select_n3A_120 : vector<256x4096xi1>, vector<256x4096xi32>
    %reduce_min3A_129 = arith.constant dense<2147483647> : vector<256xi32>
    %reduce_min3A_130 = vector.multi_reduction <minsi>, %select_n3A_128, %reduce_min3A_129 [1] : vector<256x4096xi32> to vector<256xi32>
    %broadcast_in_dim3A_131 = vector.shape_cast %reduce_min3A_130 : vector<256xi32> to vector<256x1xi32>
    %eq3A_132 = vector.broadcast %broadcast_in_dim3A_131 : vector<256x1xi32> to vector<256x4096xi32>
    %eq3A_133 = arith.cmpi eq, %select_n3A_128, %eq3A_132 : vector<256x4096xi32>
    %jit3A_134 = arith.constant 1073741824 : i32
    %broadcast_in_dim3A_135 = vector.broadcast %jit3A_134 : i32 to vector<256x4096xi32>
    %select_n3A_136 = arith.select %eq3A_133, %broadcast_in_dim3A_135, %select_n3A_128 : vector<256x4096xi1>, vector<256x4096xi32>
    %reduce_min3A_137 = arith.constant dense<2147483647> : vector<256xi32>
    %reduce_min3A_138 = vector.multi_reduction <minsi>, %select_n3A_136, %reduce_min3A_137 [1] : vector<256x4096xi32> to vector<256xi32>
    %broadcast_in_dim3A_139 = vector.shape_cast %reduce_min3A_138 : vector<256xi32> to vector<256x1xi32>
    %eq3A_140 = vector.broadcast %broadcast_in_dim3A_139 : vector<256x1xi32> to vector<256x4096xi32>
    %eq3A_141 = arith.cmpi eq, %select_n3A_136, %eq3A_140 : vector<256x4096xi32>
    %jit3A_142 = arith.constant 1073741824 : i32
    %broadcast_in_dim3A_143 = vector.broadcast %jit3A_142 : i32 to vector<256x4096xi32>
    %select_n3A_144 = arith.select %eq3A_141, %broadcast_in_dim3A_143, %select_n3A_136 : vector<256x4096xi1>, vector<256x4096xi32>
    %reduce_min3A_145 = arith.constant dense<2147483647> : vector<256xi32>
    %reduce_min3A_146 = vector.multi_reduction <minsi>, %select_n3A_144, %reduce_min3A_145 [1] : vector<256x4096xi32> to vector<256xi32>
    %broadcast_in_dim3A_147 = vector.shape_cast %reduce_min3A_146 : vector<256xi32> to vector<256x1xi32>
    %eq3A_148 = vector.broadcast %broadcast_in_dim3A_147 : vector<256x1xi32> to vector<256x4096xi32>
    %eq3A_149 = arith.cmpi eq, %select_n3A_144, %eq3A_148 : vector<256x4096xi32>
    %jit3A_150 = arith.constant 1073741824 : i32
    %broadcast_in_dim3A_151 = vector.broadcast %jit3A_150 : i32 to vector<256x4096xi32>
    %select_n3A_152 = arith.select %eq3A_149, %broadcast_in_dim3A_151, %select_n3A_144 : vector<256x4096xi1>, vector<256x4096xi32>
    %reduce_min3A_153 = arith.constant dense<2147483647> : vector<256xi32>
    %reduce_min3A_154 = vector.multi_reduction <minsi>, %select_n3A_152, %reduce_min3A_153 [1] : vector<256x4096xi32> to vector<256xi32>
    %broadcast_in_dim3A_155 = vector.shape_cast %reduce_min3A_154 : vector<256xi32> to vector<256x1xi32>
    %eq3A_156 = vector.broadcast %broadcast_in_dim3A_155 : vector<256x1xi32> to vector<256x4096xi32>
    %eq3A_157 = arith.cmpi eq, %select_n3A_152, %eq3A_156 : vector<256x4096xi32>
    %jit3A_158 = arith.constant 1073741824 : i32
    %broadcast_in_dim3A_159 = vector.broadcast %jit3A_158 : i32 to vector<256x4096xi32>
    %select_n3A_160 = arith.select %eq3A_157, %broadcast_in_dim3A_159, %select_n3A_152 : vector<256x4096xi1>, vector<256x4096xi32>
    %reduce_min3A_161 = arith.constant dense<2147483647> : vector<256xi32>
    %reduce_min3A_162 = vector.multi_reduction <minsi>, %select_n3A_160, %reduce_min3A_161 [1] : vector<256x4096xi32> to vector<256xi32>
    %broadcast_in_dim3A_163 = vector.shape_cast %reduce_min3A_162 : vector<256xi32> to vector<256x1xi32>
    %eq3A_164 = vector.broadcast %broadcast_in_dim3A_163 : vector<256x1xi32> to vector<256x4096xi32>
    %eq3A_165 = arith.cmpi eq, %select_n3A_160, %eq3A_164 : vector<256x4096xi32>
    %jit3A_166 = arith.constant 1073741824 : i32
    %broadcast_in_dim3A_167 = vector.broadcast %jit3A_166 : i32 to vector<256x4096xi32>
    %select_n3A_168 = arith.select %eq3A_165, %broadcast_in_dim3A_167, %select_n3A_160 : vector<256x4096xi1>, vector<256x4096xi32>
    %reduce_min3A_169 = arith.constant dense<2147483647> : vector<256xi32>
    %reduce_min3A_170 = vector.multi_reduction <minsi>, %select_n3A_168, %reduce_min3A_169 [1] : vector<256x4096xi32> to vector<256xi32>
    %broadcast_in_dim3A_171 = vector.shape_cast %reduce_min3A_170 : vector<256xi32> to vector<256x1xi32>
    %eq3A_172 = vector.broadcast %broadcast_in_dim3A_171 : vector<256x1xi32> to vector<256x4096xi32>
    %eq3A_173 = arith.cmpi eq, %select_n3A_168, %eq3A_172 : vector<256x4096xi32>
    %jit3A_174 = arith.constant 1073741824 : i32
    %broadcast_in_dim3A_175 = vector.broadcast %jit3A_174 : i32 to vector<256x4096xi32>
    %select_n3A_176 = arith.select %eq3A_173, %broadcast_in_dim3A_175, %select_n3A_168 : vector<256x4096xi1>, vector<256x4096xi32>
    %reduce_min3A_177 = arith.constant dense<2147483647> : vector<256xi32>
    %reduce_min3A_178 = vector.multi_reduction <minsi>, %select_n3A_176, %reduce_min3A_177 [1] : vector<256x4096xi32> to vector<256xi32>
    %broadcast_in_dim3A_179 = vector.shape_cast %reduce_min3A_178 : vector<256xi32> to vector<256x1xi32>
    %eq3A_180 = vector.broadcast %broadcast_in_dim3A_179 : vector<256x1xi32> to vector<256x4096xi32>
    %eq3A_181 = arith.cmpi eq, %select_n3A_176, %eq3A_180 : vector<256x4096xi32>
    %jit3A_182 = arith.constant 1073741824 : i32
    %broadcast_in_dim3A_183 = vector.broadcast %jit3A_182 : i32 to vector<256x4096xi32>
    %select_n3A_184 = arith.select %eq3A_181, %broadcast_in_dim3A_183, %select_n3A_176 : vector<256x4096xi1>, vector<256x4096xi32>
    %reduce_min3A_185 = arith.constant dense<2147483647> : vector<256xi32>
    %reduce_min3A_186 = vector.multi_reduction <minsi>, %select_n3A_184, %reduce_min3A_185 [1] : vector<256x4096xi32> to vector<256xi32>
    %broadcast_in_dim3A_187 = vector.shape_cast %reduce_min3A_186 : vector<256xi32> to vector<256x1xi32>
    %eq3A_188 = vector.broadcast %broadcast_in_dim3A_187 : vector<256x1xi32> to vector<256x4096xi32>
    %eq3A_189 = arith.cmpi eq, %select_n3A_184, %eq3A_188 : vector<256x4096xi32>
    %jit3A_190 = arith.constant 1073741824 : i32
    %broadcast_in_dim3A_191 = vector.broadcast %jit3A_190 : i32 to vector<256x4096xi32>
    %select_n3A_192 = arith.select %eq3A_189, %broadcast_in_dim3A_191, %select_n3A_184 : vector<256x4096xi1>, vector<256x4096xi32>
    %reduce_min3A_193 = arith.constant dense<2147483647> : vector<256xi32>
    %reduce_min3A_194 = vector.multi_reduction <minsi>, %select_n3A_192, %reduce_min3A_193 [1] : vector<256x4096xi32> to vector<256xi32>
    %broadcast_in_dim3A_195 = vector.shape_cast %reduce_min3A_194 : vector<256xi32> to vector<256x1xi32>
    %eq3A_196 = vector.broadcast %broadcast_in_dim3A_195 : vector<256x1xi32> to vector<256x4096xi32>
    %eq3A_197 = arith.cmpi eq, %select_n3A_192, %eq3A_196 : vector<256x4096xi32>
    %jit3A_198 = arith.constant 1073741824 : i32
    %broadcast_in_dim3A_199 = vector.broadcast %jit3A_198 : i32 to vector<256x4096xi32>
    %select_n3A_200 = arith.select %eq3A_197, %broadcast_in_dim3A_199, %select_n3A_192 : vector<256x4096xi1>, vector<256x4096xi32>
    %reduce_min3A_201 = arith.constant dense<2147483647> : vector<256xi32>
    %reduce_min3A_202 = vector.multi_reduction <minsi>, %select_n3A_200, %reduce_min3A_201 [1] : vector<256x4096xi32> to vector<256xi32>
    %broadcast_in_dim3A_203 = vector.shape_cast %reduce_min3A_202 : vector<256xi32> to vector<256x1xi32>
    %eq3A_204 = vector.broadcast %broadcast_in_dim3A_203 : vector<256x1xi32> to vector<256x4096xi32>
    %eq3A_205 = arith.cmpi eq, %select_n3A_200, %eq3A_204 : vector<256x4096xi32>
    %jit3A_206 = arith.constant 1073741824 : i32
    %broadcast_in_dim3A_207 = vector.broadcast %jit3A_206 : i32 to vector<256x4096xi32>
    %select_n3A_208 = arith.select %eq3A_205, %broadcast_in_dim3A_207, %select_n3A_200 : vector<256x4096xi1>, vector<256x4096xi32>
    %reduce_min3A_209 = arith.constant dense<2147483647> : vector<256xi32>
    %reduce_min3A_210 = vector.multi_reduction <minsi>, %select_n3A_208, %reduce_min3A_209 [1] : vector<256x4096xi32> to vector<256xi32>
    %broadcast_in_dim3A_211 = vector.shape_cast %reduce_min3A_210 : vector<256xi32> to vector<256x1xi32>
    %eq3A_212 = vector.broadcast %broadcast_in_dim3A_211 : vector<256x1xi32> to vector<256x4096xi32>
    %eq3A_213 = arith.cmpi eq, %select_n3A_208, %eq3A_212 : vector<256x4096xi32>
    %jit3A_214 = arith.constant 1073741824 : i32
    %broadcast_in_dim3A_215 = vector.broadcast %jit3A_214 : i32 to vector<256x4096xi32>
    %select_n3A_216 = arith.select %eq3A_213, %broadcast_in_dim3A_215, %select_n3A_208 : vector<256x4096xi1>, vector<256x4096xi32>
    %reduce_min3A_217 = arith.constant dense<2147483647> : vector<256xi32>
    %reduce_min3A_218 = vector.multi_reduction <minsi>, %select_n3A_216, %reduce_min3A_217 [1] : vector<256x4096xi32> to vector<256xi32>
    %broadcast_in_dim3A_219 = vector.shape_cast %reduce_min3A_218 : vector<256xi32> to vector<256x1xi32>
    %eq3A_220 = vector.broadcast %broadcast_in_dim3A_219 : vector<256x1xi32> to vector<256x4096xi32>
    %eq3A_221 = arith.cmpi eq, %select_n3A_216, %eq3A_220 : vector<256x4096xi32>
    %jit3A_222 = arith.constant 1073741824 : i32
    %broadcast_in_dim3A_223 = vector.broadcast %jit3A_222 : i32 to vector<256x4096xi32>
    %select_n3A_224 = arith.select %eq3A_221, %broadcast_in_dim3A_223, %select_n3A_216 : vector<256x4096xi1>, vector<256x4096xi32>
    %reduce_min3A_225 = arith.constant dense<2147483647> : vector<256xi32>
    %reduce_min3A_226 = vector.multi_reduction <minsi>, %select_n3A_224, %reduce_min3A_225 [1] : vector<256x4096xi32> to vector<256xi32>
    %broadcast_in_dim3A_227 = vector.shape_cast %reduce_min3A_226 : vector<256xi32> to vector<256x1xi32>
    %eq3A_228 = vector.broadcast %broadcast_in_dim3A_227 : vector<256x1xi32> to vector<256x4096xi32>
    %eq3A_229 = arith.cmpi eq, %select_n3A_224, %eq3A_228 : vector<256x4096xi32>
    %jit3A_230 = arith.constant 1073741824 : i32
    %broadcast_in_dim3A_231 = vector.broadcast %jit3A_230 : i32 to vector<256x4096xi32>
    %select_n3A_232 = arith.select %eq3A_229, %broadcast_in_dim3A_231, %select_n3A_224 : vector<256x4096xi1>, vector<256x4096xi32>
    %reduce_min3A_233 = arith.constant dense<2147483647> : vector<256xi32>
    %reduce_min3A_234 = vector.multi_reduction <minsi>, %select_n3A_232, %reduce_min3A_233 [1] : vector<256x4096xi32> to vector<256xi32>
    %broadcast_in_dim3A_235 = vector.shape_cast %reduce_min3A_234 : vector<256xi32> to vector<256x1xi32>
    %eq3A_236 = vector.broadcast %broadcast_in_dim3A_235 : vector<256x1xi32> to vector<256x4096xi32>
    %eq3A_237 = arith.cmpi eq, %select_n3A_232, %eq3A_236 : vector<256x4096xi32>
    %jit3A_238 = arith.constant 1073741824 : i32
    %broadcast_in_dim3A_239 = vector.broadcast %jit3A_238 : i32 to vector<256x4096xi32>
    %select_n3A_240 = arith.select %eq3A_237, %broadcast_in_dim3A_239, %select_n3A_232 : vector<256x4096xi1>, vector<256x4096xi32>
    %reduce_min3A_241 = arith.constant dense<2147483647> : vector<256xi32>
    %reduce_min3A_242 = vector.multi_reduction <minsi>, %select_n3A_240, %reduce_min3A_241 [1] : vector<256x4096xi32> to vector<256xi32>
    %broadcast_in_dim3A_243 = vector.shape_cast %reduce_min3A_242 : vector<256xi32> to vector<256x1xi32>
    %eq3A_244 = vector.broadcast %broadcast_in_dim3A_243 : vector<256x1xi32> to vector<256x4096xi32>
    %eq3A_245 = arith.cmpi eq, %select_n3A_240, %eq3A_244 : vector<256x4096xi32>
    %jit3A_246 = arith.constant 1073741824 : i32
    %broadcast_in_dim3A_247 = vector.broadcast %jit3A_246 : i32 to vector<256x4096xi32>
    %select_n3A_248 = arith.select %eq3A_245, %broadcast_in_dim3A_247, %select_n3A_240 : vector<256x4096xi1>, vector<256x4096xi32>
    %reduce_min3A_249 = arith.constant dense<2147483647> : vector<256xi32>
    %reduce_min3A_250 = vector.multi_reduction <minsi>, %select_n3A_248, %reduce_min3A_249 [1] : vector<256x4096xi32> to vector<256xi32>
    %broadcast_in_dim3A_251 = vector.shape_cast %reduce_min3A_250 : vector<256xi32> to vector<256x1xi32>
    %eq3A_252 = vector.broadcast %broadcast_in_dim3A_251 : vector<256x1xi32> to vector<256x4096xi32>
    %eq3A_253 = arith.cmpi eq, %select_n3A_248, %eq3A_252 : vector<256x4096xi32>
    %jit3A_254 = arith.constant 1073741824 : i32
    %broadcast_in_dim3A_255 = vector.broadcast %jit3A_254 : i32 to vector<256x4096xi32>
    %select_n3A_256 = arith.select %eq3A_253, %broadcast_in_dim3A_255, %select_n3A_248 : vector<256x4096xi1>, vector<256x4096xi32>
    %reduce_min3A_257 = arith.constant dense<2147483647> : vector<256xi32>
    %reduce_min3A_258 = vector.multi_reduction <minsi>, %select_n3A_256, %reduce_min3A_257 [1] : vector<256x4096xi32> to vector<256xi32>
    %broadcast_in_dim3A_259 = vector.shape_cast %reduce_min3A_258 : vector<256xi32> to vector<256x1xi32>
    %eq3A_260 = vector.broadcast %broadcast_in_dim3A_259 : vector<256x1xi32> to vector<256x4096xi32>
    %eq3A_261 = arith.cmpi eq, %select_n3A_256, %eq3A_260 : vector<256x4096xi32>
    %jit3A_262 = arith.constant 1073741824 : i32
    %broadcast_in_dim3A_263 = vector.broadcast %jit3A_262 : i32 to vector<256x4096xi32>
    %select_n3A_264 = arith.select %eq3A_261, %broadcast_in_dim3A_263, %select_n3A_256 : vector<256x4096xi1>, vector<256x4096xi32>
    %reduce_min3A_265 = arith.constant dense<2147483647> : vector<256xi32>
    %reduce_min3A_266 = vector.multi_reduction <minsi>, %select_n3A_264, %reduce_min3A_265 [1] : vector<256x4096xi32> to vector<256xi32>
    %broadcast_in_dim3A_267 = vector.shape_cast %reduce_min3A_266 : vector<256xi32> to vector<256x1xi32>
    %eq3A_268 = vector.broadcast %broadcast_in_dim3A_267 : vector<256x1xi32> to vector<256x4096xi32>
    %eq3A_269 = arith.cmpi eq, %select_n3A_264, %eq3A_268 : vector<256x4096xi32>
    %jit3A_270 = arith.constant 1073741824 : i32
    %broadcast_in_dim3A_271 = vector.broadcast %jit3A_270 : i32 to vector<256x4096xi32>
    %select_n3A_272 = arith.select %eq3A_269, %broadcast_in_dim3A_271, %select_n3A_264 : vector<256x4096xi1>, vector<256x4096xi32>
    %reduce_min3A_273 = arith.constant dense<2147483647> : vector<256xi32>
    %reduce_min3A_274 = vector.multi_reduction <minsi>, %select_n3A_272, %reduce_min3A_273 [1] : vector<256x4096xi32> to vector<256xi32>
    %broadcast_in_dim3A_275 = vector.shape_cast %reduce_min3A_274 : vector<256xi32> to vector<256x1xi32>
    %ge3A = arith.constant 4096 : i32
    %ge3A_276 = vector.broadcast %ge3A : i32 to vector<256x1xi32>
    %ge3A_277 = arith.cmpi sge, %broadcast_in_dim3A_28, %ge3A_276 : vector<256x1xi32>
    %select_n3A_278 = arith.select %ge3A_277, %broadcast_in_dim3A_28, %broadcast_in_dim3A_28 : vector<256x1xi1>, vector<256x1xi32>
    %ge3A_279 = arith.constant 4096 : i32
    %ge3A_280 = vector.broadcast %ge3A_279 : i32 to vector<256x1xi32>
    %ge3A_281 = arith.cmpi sge, %broadcast_in_dim3A_35, %ge3A_280 : vector<256x1xi32>
    %select_n3A_282 = arith.select %ge3A_281, %broadcast_in_dim3A_28, %broadcast_in_dim3A_35 : vector<256x1xi1>, vector<256x1xi32>
    %ge3A_283 = arith.constant 4096 : i32
    %ge3A_284 = vector.broadcast %ge3A_283 : i32 to vector<256x1xi32>
    %ge3A_285 = arith.cmpi sge, %broadcast_in_dim3A_43, %ge3A_284 : vector<256x1xi32>
    %select_n3A_286 = arith.select %ge3A_285, %broadcast_in_dim3A_28, %broadcast_in_dim3A_43 : vector<256x1xi1>, vector<256x1xi32>
    %ge3A_287 = arith.constant 4096 : i32
    %ge3A_288 = vector.broadcast %ge3A_287 : i32 to vector<256x1xi32>
    %ge3A_289 = arith.cmpi sge, %broadcast_in_dim3A_51, %ge3A_288 : vector<256x1xi32>
    %select_n3A_290 = arith.select %ge3A_289, %broadcast_in_dim3A_28, %broadcast_in_dim3A_51 : vector<256x1xi1>, vector<256x1xi32>
    %ge3A_291 = arith.constant 4096 : i32
    %ge3A_292 = vector.broadcast %ge3A_291 : i32 to vector<256x1xi32>
    %ge3A_293 = arith.cmpi sge, %broadcast_in_dim3A_59, %ge3A_292 : vector<256x1xi32>
    %select_n3A_294 = arith.select %ge3A_293, %broadcast_in_dim3A_28, %broadcast_in_dim3A_59 : vector<256x1xi1>, vector<256x1xi32>
    %ge3A_295 = arith.constant 4096 : i32
    %ge3A_296 = vector.broadcast %ge3A_295 : i32 to vector<256x1xi32>
    %ge3A_297 = arith.cmpi sge, %broadcast_in_dim3A_67, %ge3A_296 : vector<256x1xi32>
    %select_n3A_298 = arith.select %ge3A_297, %broadcast_in_dim3A_28, %broadcast_in_dim3A_67 : vector<256x1xi1>, vector<256x1xi32>
    %ge3A_299 = arith.constant 4096 : i32
    %ge3A_300 = vector.broadcast %ge3A_299 : i32 to vector<256x1xi32>
    %ge3A_301 = arith.cmpi sge, %broadcast_in_dim3A_75, %ge3A_300 : vector<256x1xi32>
    %select_n3A_302 = arith.select %ge3A_301, %broadcast_in_dim3A_28, %broadcast_in_dim3A_75 : vector<256x1xi1>, vector<256x1xi32>
    %ge3A_303 = arith.constant 4096 : i32
    %ge3A_304 = vector.broadcast %ge3A_303 : i32 to vector<256x1xi32>
    %ge3A_305 = arith.cmpi sge, %broadcast_in_dim3A_83, %ge3A_304 : vector<256x1xi32>
    %select_n3A_306 = arith.select %ge3A_305, %broadcast_in_dim3A_28, %broadcast_in_dim3A_83 : vector<256x1xi1>, vector<256x1xi32>
    %ge3A_307 = arith.constant 4096 : i32
    %ge3A_308 = vector.broadcast %ge3A_307 : i32 to vector<256x1xi32>
    %ge3A_309 = arith.cmpi sge, %broadcast_in_dim3A_91, %ge3A_308 : vector<256x1xi32>
    %select_n3A_310 = arith.select %ge3A_309, %broadcast_in_dim3A_28, %broadcast_in_dim3A_91 : vector<256x1xi1>, vector<256x1xi32>
    %ge3A_311 = arith.constant 4096 : i32
    %ge3A_312 = vector.broadcast %ge3A_311 : i32 to vector<256x1xi32>
    %ge3A_313 = arith.cmpi sge, %broadcast_in_dim3A_99, %ge3A_312 : vector<256x1xi32>
    %select_n3A_314 = arith.select %ge3A_313, %broadcast_in_dim3A_28, %broadcast_in_dim3A_99 : vector<256x1xi1>, vector<256x1xi32>
    %ge3A_315 = arith.constant 4096 : i32
    %ge3A_316 = vector.broadcast %ge3A_315 : i32 to vector<256x1xi32>
    %ge3A_317 = arith.cmpi sge, %broadcast_in_dim3A_107, %ge3A_316 : vector<256x1xi32>
    %select_n3A_318 = arith.select %ge3A_317, %broadcast_in_dim3A_28, %broadcast_in_dim3A_107 : vector<256x1xi1>, vector<256x1xi32>
    %ge3A_319 = arith.constant 4096 : i32
    %ge3A_320 = vector.broadcast %ge3A_319 : i32 to vector<256x1xi32>
    %ge3A_321 = arith.cmpi sge, %broadcast_in_dim3A_115, %ge3A_320 : vector<256x1xi32>
    %select_n3A_322 = arith.select %ge3A_321, %broadcast_in_dim3A_28, %broadcast_in_dim3A_115 : vector<256x1xi1>, vector<256x1xi32>
    %ge3A_323 = arith.constant 4096 : i32
    %ge3A_324 = vector.broadcast %ge3A_323 : i32 to vector<256x1xi32>
    %ge3A_325 = arith.cmpi sge, %broadcast_in_dim3A_123, %ge3A_324 : vector<256x1xi32>
    %select_n3A_326 = arith.select %ge3A_325, %broadcast_in_dim3A_28, %broadcast_in_dim3A_123 : vector<256x1xi1>, vector<256x1xi32>
    %ge3A_327 = arith.constant 4096 : i32
    %ge3A_328 = vector.broadcast %ge3A_327 : i32 to vector<256x1xi32>
    %ge3A_329 = arith.cmpi sge, %broadcast_in_dim3A_131, %ge3A_328 : vector<256x1xi32>
    %select_n3A_330 = arith.select %ge3A_329, %broadcast_in_dim3A_28, %broadcast_in_dim3A_131 : vector<256x1xi1>, vector<256x1xi32>
    %ge3A_331 = arith.constant 4096 : i32
    %ge3A_332 = vector.broadcast %ge3A_331 : i32 to vector<256x1xi32>
    %ge3A_333 = arith.cmpi sge, %broadcast_in_dim3A_139, %ge3A_332 : vector<256x1xi32>
    %select_n3A_334 = arith.select %ge3A_333, %broadcast_in_dim3A_28, %broadcast_in_dim3A_139 : vector<256x1xi1>, vector<256x1xi32>
    %ge3A_335 = arith.constant 4096 : i32
    %ge3A_336 = vector.broadcast %ge3A_335 : i32 to vector<256x1xi32>
    %ge3A_337 = arith.cmpi sge, %broadcast_in_dim3A_147, %ge3A_336 : vector<256x1xi32>
    %select_n3A_338 = arith.select %ge3A_337, %broadcast_in_dim3A_28, %broadcast_in_dim3A_147 : vector<256x1xi1>, vector<256x1xi32>
    %ge3A_339 = arith.constant 4096 : i32
    %ge3A_340 = vector.broadcast %ge3A_339 : i32 to vector<256x1xi32>
    %ge3A_341 = arith.cmpi sge, %broadcast_in_dim3A_155, %ge3A_340 : vector<256x1xi32>
    %select_n3A_342 = arith.select %ge3A_341, %broadcast_in_dim3A_28, %broadcast_in_dim3A_155 : vector<256x1xi1>, vector<256x1xi32>
    %ge3A_343 = arith.constant 4096 : i32
    %ge3A_344 = vector.broadcast %ge3A_343 : i32 to vector<256x1xi32>
    %ge3A_345 = arith.cmpi sge, %broadcast_in_dim3A_163, %ge3A_344 : vector<256x1xi32>
    %select_n3A_346 = arith.select %ge3A_345, %broadcast_in_dim3A_28, %broadcast_in_dim3A_163 : vector<256x1xi1>, vector<256x1xi32>
    %ge3A_347 = arith.constant 4096 : i32
    %ge3A_348 = vector.broadcast %ge3A_347 : i32 to vector<256x1xi32>
    %ge3A_349 = arith.cmpi sge, %broadcast_in_dim3A_171, %ge3A_348 : vector<256x1xi32>
    %select_n3A_350 = arith.select %ge3A_349, %broadcast_in_dim3A_28, %broadcast_in_dim3A_171 : vector<256x1xi1>, vector<256x1xi32>
    %ge3A_351 = arith.constant 4096 : i32
    %ge3A_352 = vector.broadcast %ge3A_351 : i32 to vector<256x1xi32>
    %ge3A_353 = arith.cmpi sge, %broadcast_in_dim3A_179, %ge3A_352 : vector<256x1xi32>
    %select_n3A_354 = arith.select %ge3A_353, %broadcast_in_dim3A_28, %broadcast_in_dim3A_179 : vector<256x1xi1>, vector<256x1xi32>
    %ge3A_355 = arith.constant 4096 : i32
    %ge3A_356 = vector.broadcast %ge3A_355 : i32 to vector<256x1xi32>
    %ge3A_357 = arith.cmpi sge, %broadcast_in_dim3A_187, %ge3A_356 : vector<256x1xi32>
    %select_n3A_358 = arith.select %ge3A_357, %broadcast_in_dim3A_28, %broadcast_in_dim3A_187 : vector<256x1xi1>, vector<256x1xi32>
    %ge3A_359 = arith.constant 4096 : i32
    %ge3A_360 = vector.broadcast %ge3A_359 : i32 to vector<256x1xi32>
    %ge3A_361 = arith.cmpi sge, %broadcast_in_dim3A_195, %ge3A_360 : vector<256x1xi32>
    %select_n3A_362 = arith.select %ge3A_361, %broadcast_in_dim3A_28, %broadcast_in_dim3A_195 : vector<256x1xi1>, vector<256x1xi32>
    %ge3A_363 = arith.constant 4096 : i32
    %ge3A_364 = vector.broadcast %ge3A_363 : i32 to vector<256x1xi32>
    %ge3A_365 = arith.cmpi sge, %broadcast_in_dim3A_203, %ge3A_364 : vector<256x1xi32>
    %select_n3A_366 = arith.select %ge3A_365, %broadcast_in_dim3A_28, %broadcast_in_dim3A_203 : vector<256x1xi1>, vector<256x1xi32>
    %ge3A_367 = arith.constant 4096 : i32
    %ge3A_368 = vector.broadcast %ge3A_367 : i32 to vector<256x1xi32>
    %ge3A_369 = arith.cmpi sge, %broadcast_in_dim3A_211, %ge3A_368 : vector<256x1xi32>
    %select_n3A_370 = arith.select %ge3A_369, %broadcast_in_dim3A_28, %broadcast_in_dim3A_211 : vector<256x1xi1>, vector<256x1xi32>
    %ge3A_371 = arith.constant 4096 : i32
    %ge3A_372 = vector.broadcast %ge3A_371 : i32 to vector<256x1xi32>
    %ge3A_373 = arith.cmpi sge, %broadcast_in_dim3A_219, %ge3A_372 : vector<256x1xi32>
    %select_n3A_374 = arith.select %ge3A_373, %broadcast_in_dim3A_28, %broadcast_in_dim3A_219 : vector<256x1xi1>, vector<256x1xi32>
    %ge3A_375 = arith.constant 4096 : i32
    %ge3A_376 = vector.broadcast %ge3A_375 : i32 to vector<256x1xi32>
    %ge3A_377 = arith.cmpi sge, %broadcast_in_dim3A_227, %ge3A_376 : vector<256x1xi32>
    %select_n3A_378 = arith.select %ge3A_377, %broadcast_in_dim3A_28, %broadcast_in_dim3A_227 : vector<256x1xi1>, vector<256x1xi32>
    %ge3A_379 = arith.constant 4096 : i32
    %ge3A_380 = vector.broadcast %ge3A_379 : i32 to vector<256x1xi32>
    %ge3A_381 = arith.cmpi sge, %broadcast_in_dim3A_235, %ge3A_380 : vector<256x1xi32>
    %select_n3A_382 = arith.select %ge3A_381, %broadcast_in_dim3A_28, %broadcast_in_dim3A_235 : vector<256x1xi1>, vector<256x1xi32>
    %ge3A_383 = arith.constant 4096 : i32
    %ge3A_384 = vector.broadcast %ge3A_383 : i32 to vector<256x1xi32>
    %ge3A_385 = arith.cmpi sge, %broadcast_in_dim3A_243, %ge3A_384 : vector<256x1xi32>
    %select_n3A_386 = arith.select %ge3A_385, %broadcast_in_dim3A_28, %broadcast_in_dim3A_243 : vector<256x1xi1>, vector<256x1xi32>
    %ge3A_387 = arith.constant 4096 : i32
    %ge3A_388 = vector.broadcast %ge3A_387 : i32 to vector<256x1xi32>
    %ge3A_389 = arith.cmpi sge, %broadcast_in_dim3A_251, %ge3A_388 : vector<256x1xi32>
    %select_n3A_390 = arith.select %ge3A_389, %broadcast_in_dim3A_28, %broadcast_in_dim3A_251 : vector<256x1xi1>, vector<256x1xi32>
    %ge3A_391 = arith.constant 4096 : i32
    %ge3A_392 = vector.broadcast %ge3A_391 : i32 to vector<256x1xi32>
    %ge3A_393 = arith.cmpi sge, %broadcast_in_dim3A_259, %ge3A_392 : vector<256x1xi32>
    %select_n3A_394 = arith.select %ge3A_393, %broadcast_in_dim3A_28, %broadcast_in_dim3A_259 : vector<256x1xi1>, vector<256x1xi32>
    %ge3A_395 = arith.constant 4096 : i32
    %ge3A_396 = vector.broadcast %ge3A_395 : i32 to vector<256x1xi32>
    %ge3A_397 = arith.cmpi sge, %broadcast_in_dim3A_267, %ge3A_396 : vector<256x1xi32>
    %select_n3A_398 = arith.select %ge3A_397, %broadcast_in_dim3A_28, %broadcast_in_dim3A_267 : vector<256x1xi1>, vector<256x1xi32>
    %ge3A_399 = arith.constant 4096 : i32
    %ge3A_400 = vector.broadcast %ge3A_399 : i32 to vector<256x1xi32>
    %ge3A_401 = arith.cmpi sge, %broadcast_in_dim3A_275, %ge3A_400 : vector<256x1xi32>
    %select_n3A_402 = arith.select %ge3A_401, %broadcast_in_dim3A_28, %broadcast_in_dim3A_275 : vector<256x1xi1>, vector<256x1xi32>
    %concatenate3A = tpu.concatenate %select_n3A_278, %select_n3A_282, %select_n3A_286, %select_n3A_290, %select_n3A_294, %select_n3A_298, %select_n3A_302, %select_n3A_306, %select_n3A_310, %select_n3A_314, %select_n3A_318, %select_n3A_322, %select_n3A_326, %select_n3A_330, %select_n3A_334, %select_n3A_338, %select_n3A_342, %select_n3A_346, %select_n3A_350, %select_n3A_354, %select_n3A_358, %select_n3A_362, %select_n3A_366, %select_n3A_370, %select_n3A_374, %select_n3A_378, %select_n3A_382, %select_n3A_386, %select_n3A_390, %select_n3A_394, %select_n3A_398, %select_n3A_402 in 1 : vector<256x1xi32>, vector<256x1xi32>, vector<256x1xi32>, vector<256x1xi32>, vector<256x1xi32>, vector<256x1xi32>, vector<256x1xi32>, vector<256x1xi32>, vector<256x1xi32>, vector<256x1xi32>, vector<256x1xi32>, vector<256x1xi32>, vector<256x1xi32>, vector<256x1xi32>, vector<256x1xi32>, vector<256x1xi32>, vector<256x1xi32>, vector<256x1xi32>, vector<256x1xi32>, vector<256x1xi32>, vector<256x1xi32>, vector<256x1xi32>, vector<256x1xi32>, vector<256x1xi32>, vector<256x1xi32>, vector<256x1xi32>, vector<256x1xi32>, vector<256x1xi32>, vector<256x1xi32>, vector<256x1xi32>, vector<256x1xi32>, vector<256x1xi32> -> vector<256x32xi32>
    %mul3A_403 = arith.constant 4096 : i32
    %mul3A_404 = arith.muli %arg0, %mul3A_403 : i32
    %add3A_405 = vector.broadcast %mul3A_404 : i32 to vector<256x32xi32>
    %add3A_406 = arith.addi %concatenate3A, %add3A_405 : vector<256x32xi32>
    %swap3A = arith.constant 0 : index
    %swap3A_407 = arith.constant 0 : index
    %swap3A_408 = arith.constant 0 : index
    %swap3A_409 = vector.load %arg4[%swap3A, %swap3A_407, %swap3A_408] : memref<1x256x32xi32, #tpu.memory_space<vmem>>, vector<1x256x32xi32>
    %swap3A_410 = vector.shape_cast %swap3A_409 : vector<1x256x32xi32> to vector<256x32xi32>
    %swap3A_411 = vector.shape_cast %add3A_406 : vector<256x32xi32> to vector<1x256x32xi32>
    tpu.vector_store %arg4[%swap3A, %swap3A_407, %swap3A_408], %swap3A_411 {strides = array<i32>} : memref<1x256x32xi32, #tpu.memory_space<vmem>>, vector<1x256x32xi32>,
    return
  }
  func.func @transform_0(%arg0: i32, %arg1: i32) -> (i32, i32, i32) {
    %c0_i32 = arith.constant 0 : i32
    %c0_i32_0 = arith.constant 0 : i32
    return %arg0, %arg1, %c0_i32 : i32, i32, i32
  }
  func.func @transform_1(%arg0: i32, %arg1: i32) -> (i32, i32, i32) {
    %c0_i32 = arith.constant 0 : i32
    %c0_i32_0 = arith.constant 0 : i32
    %c0_i32_1 = arith.constant 0 : i32
    return %arg0, %c0_i32, %c0_i32_0 : i32, i32, i32
  }
  func.func @transform_2(%arg0: i32, %arg1: i32) -> (i32, i32, i32) {
    %c0_i32 = arith.constant 0 : i32
    %c0_i32_0 = arith.constant 0 : i32
    return %arg0, %arg1, %c0_i32 : i32, i32, i32
  }
}

module attributes {stable_mosaic.version = 14 : i64} {
  func.func @_fps_body(%arg0: memref<4x512xf32, #tpu.memory_space<vmem>>, %arg1: memref<4x512xf32, #tpu.memory_space<vmem>>, %arg2: memref<4x512xf32, #tpu.memory_space<vmem>>, %arg3: memref<4x128xf32, #tpu.memory_space<vmem>>, %arg4: memref<4x128xf32, #tpu.memory_space<vmem>>, %arg5: memref<4x128xf32, #tpu.memory_space<vmem>>) attributes {dimension_semantics = [], scalar_prefetch = 0 : i64, scratch_operands = 0 : i64, tpu.core_type = #tpu.core_type<tc>} {
    %get3A = arith.constant 0 : index
    %get3A_0 = arith.constant 0 : index
    %get3A_1 = vector.load %arg0[%get3A, %get3A_0] : memref<4x512xf32, #tpu.memory_space<vmem>>, vector<4x512xf32>
    %get3A_2 = arith.constant 0 : index
    %get3A_3 = arith.constant 0 : index
    %get3A_4 = vector.load %arg1[%get3A_2, %get3A_3] : memref<4x512xf32, #tpu.memory_space<vmem>>, vector<4x512xf32>
    %get3A_5 = arith.constant 0 : index
    %get3A_6 = arith.constant 0 : index
    %get3A_7 = vector.load %arg2[%get3A_5, %get3A_6] : memref<4x512xf32, #tpu.memory_space<vmem>>, vector<4x512xf32>
    %iota3A = tpu.iota {dimensions = array<i32: 1>} : vector<4x512xi32>
    %iota3A_8 = tpu.iota {dimensions = array<i32: 1>} : vector<4x128xi32>
    %broadcast_in_dim3A = arith.constant 1.000000e+10 : f32
    %broadcast_in_dim3A_9 = vector.broadcast %broadcast_in_dim3A : f32 to vector<4x512xf32>
    %broadcast_in_dim3A_10 = arith.constant 0 : i32
    %broadcast_in_dim3A_11 = vector.broadcast %broadcast_in_dim3A_10 : i32 to vector<4x1xi32>
    %broadcast_in_dim3A_12 = arith.constant 0.000000e+00 : f32
    %broadcast_in_dim3A_13 = vector.broadcast %broadcast_in_dim3A_12 : f32 to vector<4x128xf32>
    %broadcast_in_dim3A_14 = arith.constant 0.000000e+00 : f32
    %broadcast_in_dim3A_15 = vector.broadcast %broadcast_in_dim3A_14 : f32 to vector<4x128xf32>
    %broadcast_in_dim3A_16 = arith.constant 0.000000e+00 : f32
    %broadcast_in_dim3A_17 = vector.broadcast %broadcast_in_dim3A_16 : f32 to vector<4x128xf32>
    %scan3A = arith.constant 0 : i32
    %scan3A_18 = arith.constant 128 : i32
    %scan3A_19 = arith.addi %scan3A, %scan3A_18 : i32
    %scan3A_20 = arith.constant 1 : i32
    %scan3A_21:5 = scf.for %scan3A_31 = %scan3A to %scan3A_19 step %scan3A_20 iter_args(%scan3A_32 = %broadcast_in_dim3A_9, %scan3A_33 = %broadcast_in_dim3A_11, %scan3A_34 = %broadcast_in_dim3A_13, %scan3A_35 = %broadcast_in_dim3A_15, %scan3A_36 = %broadcast_in_dim3A_17) -> (vector<4x512xf32>, vector<4x1xi32>, vector<4x128xf32>, vector<4x128xf32>, vector<4x128xf32>)  : i32 {
      %eq3A = vector.broadcast %scan3A_33 : vector<4x1xi32> to vector<4x512xi32>
      %eq3A_37 = arith.cmpi eq, %iota3A, %eq3A : vector<4x512xi32>
      %jit3A = arith.constant 0.000000e+00 : f32
      %broadcast_in_dim3A_38 = vector.broadcast %jit3A : f32 to vector<4x512xf32>
      %select_n3A = arith.select %eq3A_37, %get3A_1, %broadcast_in_dim3A_38 : vector<4x512xi1>, vector<4x512xf32>
      %reduce_sum3A = arith.constant dense<0.000000e+00> : vector<4xf32>
      %reduce_sum3A_39 = vector.multi_reduction <add>, %select_n3A, %reduce_sum3A [1] : vector<4x512xf32> to vector<4xf32>
      %broadcast_in_dim3A_40 = vector.shape_cast %reduce_sum3A_39 : vector<4xf32> to vector<4x1xf32>
      %jit3A_41 = arith.constant 0.000000e+00 : f32
      %broadcast_in_dim3A_42 = vector.broadcast %jit3A_41 : f32 to vector<4x512xf32>
      %select_n3A_43 = arith.select %eq3A_37, %get3A_4, %broadcast_in_dim3A_42 : vector<4x512xi1>, vector<4x512xf32>
      %reduce_sum3A_44 = arith.constant dense<0.000000e+00> : vector<4xf32>
      %reduce_sum3A_45 = vector.multi_reduction <add>, %select_n3A_43, %reduce_sum3A_44 [1] : vector<4x512xf32> to vector<4xf32>
      %broadcast_in_dim3A_46 = vector.shape_cast %reduce_sum3A_45 : vector<4xf32> to vector<4x1xf32>
      %jit3A_47 = arith.constant 0.000000e+00 : f32
      %broadcast_in_dim3A_48 = vector.broadcast %jit3A_47 : f32 to vector<4x512xf32>
      %select_n3A_49 = arith.select %eq3A_37, %get3A_7, %broadcast_in_dim3A_48 : vector<4x512xi1>, vector<4x512xf32>
      %reduce_sum3A_50 = arith.constant dense<0.000000e+00> : vector<4xf32>
      %reduce_sum3A_51 = vector.multi_reduction <add>, %select_n3A_49, %reduce_sum3A_50 [1] : vector<4x512xf32> to vector<4xf32>
      %broadcast_in_dim3A_52 = vector.shape_cast %reduce_sum3A_51 : vector<4xf32> to vector<4x1xf32>
      %eq3A_53 = vector.broadcast %scan3A_31 : i32 to vector<4x128xi32>
      %eq3A_54 = arith.cmpi eq, %iota3A_8, %eq3A_53 : vector<4x128xi32>
      %broadcast_in_dim3A_55 = vector.shape_cast %broadcast_in_dim3A_40 : vector<4x1xf32> to vector<4x1xf32>
      %broadcast_in_dim3A_56 = vector.broadcast %broadcast_in_dim3A_55 : vector<4x1xf32> to vector<4x128xf32>
      %select_n3A_57 = arith.select %eq3A_54, %broadcast_in_dim3A_56, %scan3A_34 : vector<4x128xi1>, vector<4x128xf32>
      %broadcast_in_dim3A_58 = vector.shape_cast %broadcast_in_dim3A_46 : vector<4x1xf32> to vector<4x1xf32>
      %broadcast_in_dim3A_59 = vector.broadcast %broadcast_in_dim3A_58 : vector<4x1xf32> to vector<4x128xf32>
      %select_n3A_60 = arith.select %eq3A_54, %broadcast_in_dim3A_59, %scan3A_35 : vector<4x128xi1>, vector<4x128xf32>
      %broadcast_in_dim3A_61 = vector.shape_cast %broadcast_in_dim3A_52 : vector<4x1xf32> to vector<4x1xf32>
      %broadcast_in_dim3A_62 = vector.broadcast %broadcast_in_dim3A_61 : vector<4x1xf32> to vector<4x128xf32>
      %select_n3A_63 = arith.select %eq3A_54, %broadcast_in_dim3A_62, %scan3A_36 : vector<4x128xi1>, vector<4x128xf32>
      %sub3A = vector.broadcast %broadcast_in_dim3A_40 : vector<4x1xf32> to vector<4x512xf32>
      %sub3A_64 = arith.subf %get3A_1, %sub3A : vector<4x512xf32>
      %sub3A_65 = vector.broadcast %broadcast_in_dim3A_46 : vector<4x1xf32> to vector<4x512xf32>
      %sub3A_66 = arith.subf %get3A_4, %sub3A_65 : vector<4x512xf32>
      %sub3A_67 = vector.broadcast %broadcast_in_dim3A_52 : vector<4x1xf32> to vector<4x512xf32>
      %sub3A_68 = arith.subf %get3A_7, %sub3A_67 : vector<4x512xf32>
      %mul3A = arith.mulf %sub3A_64, %sub3A_64 : vector<4x512xf32>
      %mul3A_69 = arith.mulf %sub3A_66, %sub3A_66 : vector<4x512xf32>
      %add3A = arith.addf %mul3A, %mul3A_69 : vector<4x512xf32>
      %mul3A_70 = arith.mulf %sub3A_68, %sub3A_68 : vector<4x512xf32>
      %add3A_71 = arith.addf %add3A, %mul3A_70 : vector<4x512xf32>
      %min3A = arith.minimumf %scan3A_32, %add3A_71 : vector<4x512xf32>
      %reduce_max3A = arith.constant dense<0xFF800000> : vector<4xf32>
      %reduce_max3A_72 = vector.multi_reduction <maximumf>, %min3A, %reduce_max3A [1] : vector<4x512xf32> to vector<4xf32>
      %broadcast_in_dim3A_73 = vector.shape_cast %reduce_max3A_72 : vector<4xf32> to vector<4x1xf32>
      %eq3A_74 = vector.broadcast %broadcast_in_dim3A_73 : vector<4x1xf32> to vector<4x512xf32>
      %eq3A_75 = arith.cmpf oeq, %min3A, %eq3A_74 : vector<4x512xf32>
      %jit3A_76 = arith.constant 512 : i32
      %broadcast_in_dim3A_77 = vector.broadcast %jit3A_76 : i32 to vector<4x512xi32>
      %select_n3A_78 = arith.select %eq3A_75, %iota3A, %broadcast_in_dim3A_77 : vector<4x512xi1>, vector<4x512xi32>
      %reduce_min3A = arith.constant dense<2147483647> : vector<4xi32>
      %reduce_min3A_79 = vector.multi_reduction <minsi>, %select_n3A_78, %reduce_min3A [1] : vector<4x512xi32> to vector<4xi32>
      %broadcast_in_dim3A_80 = vector.shape_cast %reduce_min3A_79 : vector<4xi32> to vector<4x1xi32>
      scf.yield %min3A, %broadcast_in_dim3A_80, %select_n3A_57, %select_n3A_60, %select_n3A_63 : vector<4x512xf32>, vector<4x1xi32>, vector<4x128xf32>, vector<4x128xf32>, vector<4x128xf32>
    }
    %scan3A_22 = arith.constant 128 : i32
    %swap3A = arith.constant 0 : index
    %swap3A_23 = arith.constant 0 : index
    %swap3A_24 = vector.load %arg3[%swap3A, %swap3A_23] : memref<4x128xf32, #tpu.memory_space<vmem>>, vector<4x128xf32>
    tpu.vector_store %arg3[%swap3A, %swap3A_23], %scan3A_21#2 {strides = array<i32>} : memref<4x128xf32, #tpu.memory_space<vmem>>, vector<4x128xf32>,
    %swap3A_25 = arith.constant 0 : index
    %swap3A_26 = arith.constant 0 : index
    %swap3A_27 = vector.load %arg4[%swap3A_25, %swap3A_26] : memref<4x128xf32, #tpu.memory_space<vmem>>, vector<4x128xf32>
    tpu.vector_store %arg4[%swap3A_25, %swap3A_26], %scan3A_21#3 {strides = array<i32>} : memref<4x128xf32, #tpu.memory_space<vmem>>, vector<4x128xf32>,
    %swap3A_28 = arith.constant 0 : index
    %swap3A_29 = arith.constant 0 : index
    %swap3A_30 = vector.load %arg5[%swap3A_28, %swap3A_29] : memref<4x128xf32, #tpu.memory_space<vmem>>, vector<4x128xf32>
    tpu.vector_store %arg5[%swap3A_28, %swap3A_29], %scan3A_21#4 {strides = array<i32>} : memref<4x128xf32, #tpu.memory_space<vmem>>, vector<4x128xf32>,
    return
  }
}

module attributes {stable_mosaic.version = 14 : i64} {
  func.func @_fps_body(%arg0: memref<4x128xf32, #tpu.memory_space<vmem>>, %arg1: memref<4x128xf32, #tpu.memory_space<vmem>>, %arg2: memref<4x128xf32, #tpu.memory_space<vmem>>, %arg3: memref<4x32xf32, #tpu.memory_space<vmem>>, %arg4: memref<4x32xf32, #tpu.memory_space<vmem>>, %arg5: memref<4x32xf32, #tpu.memory_space<vmem>>) attributes {dimension_semantics = [], scalar_prefetch = 0 : i64, scratch_operands = 0 : i64, tpu.core_type = #tpu.core_type<tc>} {
    %get3A = arith.constant 0 : index
    %get3A_0 = arith.constant 0 : index
    %get3A_1 = vector.load %arg0[%get3A, %get3A_0] : memref<4x128xf32, #tpu.memory_space<vmem>>, vector<4x128xf32>
    %get3A_2 = arith.constant 0 : index
    %get3A_3 = arith.constant 0 : index
    %get3A_4 = vector.load %arg1[%get3A_2, %get3A_3] : memref<4x128xf32, #tpu.memory_space<vmem>>, vector<4x128xf32>
    %get3A_5 = arith.constant 0 : index
    %get3A_6 = arith.constant 0 : index
    %get3A_7 = vector.load %arg2[%get3A_5, %get3A_6] : memref<4x128xf32, #tpu.memory_space<vmem>>, vector<4x128xf32>
    %iota3A = tpu.iota {dimensions = array<i32: 1>} : vector<4x128xi32>
    %iota3A_8 = tpu.iota {dimensions = array<i32: 1>} : vector<4x32xi32>
    %broadcast_in_dim3A = arith.constant 1.000000e+10 : f32
    %broadcast_in_dim3A_9 = vector.broadcast %broadcast_in_dim3A : f32 to vector<4x128xf32>
    %broadcast_in_dim3A_10 = arith.constant 0 : i32
    %broadcast_in_dim3A_11 = vector.broadcast %broadcast_in_dim3A_10 : i32 to vector<4x1xi32>
    %broadcast_in_dim3A_12 = arith.constant 0.000000e+00 : f32
    %broadcast_in_dim3A_13 = vector.broadcast %broadcast_in_dim3A_12 : f32 to vector<4x32xf32>
    %broadcast_in_dim3A_14 = arith.constant 0.000000e+00 : f32
    %broadcast_in_dim3A_15 = vector.broadcast %broadcast_in_dim3A_14 : f32 to vector<4x32xf32>
    %broadcast_in_dim3A_16 = arith.constant 0.000000e+00 : f32
    %broadcast_in_dim3A_17 = vector.broadcast %broadcast_in_dim3A_16 : f32 to vector<4x32xf32>
    %scan3A = arith.constant 0 : i32
    %scan3A_18 = arith.constant 32 : i32
    %scan3A_19 = arith.addi %scan3A, %scan3A_18 : i32
    %scan3A_20 = arith.constant 1 : i32
    %scan3A_21:5 = scf.for %scan3A_31 = %scan3A to %scan3A_19 step %scan3A_20 iter_args(%scan3A_32 = %broadcast_in_dim3A_9, %scan3A_33 = %broadcast_in_dim3A_11, %scan3A_34 = %broadcast_in_dim3A_13, %scan3A_35 = %broadcast_in_dim3A_15, %scan3A_36 = %broadcast_in_dim3A_17) -> (vector<4x128xf32>, vector<4x1xi32>, vector<4x32xf32>, vector<4x32xf32>, vector<4x32xf32>)  : i32 {
      %eq3A = vector.broadcast %scan3A_33 : vector<4x1xi32> to vector<4x128xi32>
      %eq3A_37 = arith.cmpi eq, %iota3A, %eq3A : vector<4x128xi32>
      %jit3A = arith.constant 0.000000e+00 : f32
      %broadcast_in_dim3A_38 = vector.broadcast %jit3A : f32 to vector<4x128xf32>
      %select_n3A = arith.select %eq3A_37, %get3A_1, %broadcast_in_dim3A_38 : vector<4x128xi1>, vector<4x128xf32>
      %reduce_sum3A = arith.constant dense<0.000000e+00> : vector<4xf32>
      %reduce_sum3A_39 = vector.multi_reduction <add>, %select_n3A, %reduce_sum3A [1] : vector<4x128xf32> to vector<4xf32>
      %broadcast_in_dim3A_40 = vector.shape_cast %reduce_sum3A_39 : vector<4xf32> to vector<4x1xf32>
      %jit3A_41 = arith.constant 0.000000e+00 : f32
      %broadcast_in_dim3A_42 = vector.broadcast %jit3A_41 : f32 to vector<4x128xf32>
      %select_n3A_43 = arith.select %eq3A_37, %get3A_4, %broadcast_in_dim3A_42 : vector<4x128xi1>, vector<4x128xf32>
      %reduce_sum3A_44 = arith.constant dense<0.000000e+00> : vector<4xf32>
      %reduce_sum3A_45 = vector.multi_reduction <add>, %select_n3A_43, %reduce_sum3A_44 [1] : vector<4x128xf32> to vector<4xf32>
      %broadcast_in_dim3A_46 = vector.shape_cast %reduce_sum3A_45 : vector<4xf32> to vector<4x1xf32>
      %jit3A_47 = arith.constant 0.000000e+00 : f32
      %broadcast_in_dim3A_48 = vector.broadcast %jit3A_47 : f32 to vector<4x128xf32>
      %select_n3A_49 = arith.select %eq3A_37, %get3A_7, %broadcast_in_dim3A_48 : vector<4x128xi1>, vector<4x128xf32>
      %reduce_sum3A_50 = arith.constant dense<0.000000e+00> : vector<4xf32>
      %reduce_sum3A_51 = vector.multi_reduction <add>, %select_n3A_49, %reduce_sum3A_50 [1] : vector<4x128xf32> to vector<4xf32>
      %broadcast_in_dim3A_52 = vector.shape_cast %reduce_sum3A_51 : vector<4xf32> to vector<4x1xf32>
      %eq3A_53 = vector.broadcast %scan3A_31 : i32 to vector<4x32xi32>
      %eq3A_54 = arith.cmpi eq, %iota3A_8, %eq3A_53 : vector<4x32xi32>
      %broadcast_in_dim3A_55 = vector.shape_cast %broadcast_in_dim3A_40 : vector<4x1xf32> to vector<4x1xf32>
      %broadcast_in_dim3A_56 = vector.broadcast %broadcast_in_dim3A_55 : vector<4x1xf32> to vector<4x32xf32>
      %select_n3A_57 = arith.select %eq3A_54, %broadcast_in_dim3A_56, %scan3A_34 : vector<4x32xi1>, vector<4x32xf32>
      %broadcast_in_dim3A_58 = vector.shape_cast %broadcast_in_dim3A_46 : vector<4x1xf32> to vector<4x1xf32>
      %broadcast_in_dim3A_59 = vector.broadcast %broadcast_in_dim3A_58 : vector<4x1xf32> to vector<4x32xf32>
      %select_n3A_60 = arith.select %eq3A_54, %broadcast_in_dim3A_59, %scan3A_35 : vector<4x32xi1>, vector<4x32xf32>
      %broadcast_in_dim3A_61 = vector.shape_cast %broadcast_in_dim3A_52 : vector<4x1xf32> to vector<4x1xf32>
      %broadcast_in_dim3A_62 = vector.broadcast %broadcast_in_dim3A_61 : vector<4x1xf32> to vector<4x32xf32>
      %select_n3A_63 = arith.select %eq3A_54, %broadcast_in_dim3A_62, %scan3A_36 : vector<4x32xi1>, vector<4x32xf32>
      %sub3A = vector.broadcast %broadcast_in_dim3A_40 : vector<4x1xf32> to vector<4x128xf32>
      %sub3A_64 = arith.subf %get3A_1, %sub3A : vector<4x128xf32>
      %sub3A_65 = vector.broadcast %broadcast_in_dim3A_46 : vector<4x1xf32> to vector<4x128xf32>
      %sub3A_66 = arith.subf %get3A_4, %sub3A_65 : vector<4x128xf32>
      %sub3A_67 = vector.broadcast %broadcast_in_dim3A_52 : vector<4x1xf32> to vector<4x128xf32>
      %sub3A_68 = arith.subf %get3A_7, %sub3A_67 : vector<4x128xf32>
      %mul3A = arith.mulf %sub3A_64, %sub3A_64 : vector<4x128xf32>
      %mul3A_69 = arith.mulf %sub3A_66, %sub3A_66 : vector<4x128xf32>
      %add3A = arith.addf %mul3A, %mul3A_69 : vector<4x128xf32>
      %mul3A_70 = arith.mulf %sub3A_68, %sub3A_68 : vector<4x128xf32>
      %add3A_71 = arith.addf %add3A, %mul3A_70 : vector<4x128xf32>
      %min3A = arith.minimumf %scan3A_32, %add3A_71 : vector<4x128xf32>
      %reduce_max3A = arith.constant dense<0xFF800000> : vector<4xf32>
      %reduce_max3A_72 = vector.multi_reduction <maximumf>, %min3A, %reduce_max3A [1] : vector<4x128xf32> to vector<4xf32>
      %broadcast_in_dim3A_73 = vector.shape_cast %reduce_max3A_72 : vector<4xf32> to vector<4x1xf32>
      %eq3A_74 = vector.broadcast %broadcast_in_dim3A_73 : vector<4x1xf32> to vector<4x128xf32>
      %eq3A_75 = arith.cmpf oeq, %min3A, %eq3A_74 : vector<4x128xf32>
      %jit3A_76 = arith.constant 128 : i32
      %broadcast_in_dim3A_77 = vector.broadcast %jit3A_76 : i32 to vector<4x128xi32>
      %select_n3A_78 = arith.select %eq3A_75, %iota3A, %broadcast_in_dim3A_77 : vector<4x128xi1>, vector<4x128xi32>
      %reduce_min3A = arith.constant dense<2147483647> : vector<4xi32>
      %reduce_min3A_79 = vector.multi_reduction <minsi>, %select_n3A_78, %reduce_min3A [1] : vector<4x128xi32> to vector<4xi32>
      %broadcast_in_dim3A_80 = vector.shape_cast %reduce_min3A_79 : vector<4xi32> to vector<4x1xi32>
      scf.yield %min3A, %broadcast_in_dim3A_80, %select_n3A_57, %select_n3A_60, %select_n3A_63 : vector<4x128xf32>, vector<4x1xi32>, vector<4x32xf32>, vector<4x32xf32>, vector<4x32xf32>
    }
    %scan3A_22 = arith.constant 32 : i32
    %swap3A = arith.constant 0 : index
    %swap3A_23 = arith.constant 0 : index
    %swap3A_24 = vector.load %arg3[%swap3A, %swap3A_23] : memref<4x32xf32, #tpu.memory_space<vmem>>, vector<4x32xf32>
    tpu.vector_store %arg3[%swap3A, %swap3A_23], %scan3A_21#2 {strides = array<i32>} : memref<4x32xf32, #tpu.memory_space<vmem>>, vector<4x32xf32>,
    %swap3A_25 = arith.constant 0 : index
    %swap3A_26 = arith.constant 0 : index
    %swap3A_27 = vector.load %arg4[%swap3A_25, %swap3A_26] : memref<4x32xf32, #tpu.memory_space<vmem>>, vector<4x32xf32>
    tpu.vector_store %arg4[%swap3A_25, %swap3A_26], %scan3A_21#3 {strides = array<i32>} : memref<4x32xf32, #tpu.memory_space<vmem>>, vector<4x32xf32>,
    %swap3A_28 = arith.constant 0 : index
    %swap3A_29 = arith.constant 0 : index
    %swap3A_30 = vector.load %arg5[%swap3A_28, %swap3A_29] : memref<4x32xf32, #tpu.memory_space<vmem>>, vector<4x32xf32>
    tpu.vector_store %arg5[%swap3A_28, %swap3A_29], %scan3A_21#4 {strides = array<i32>} : memref<4x32xf32, #tpu.memory_space<vmem>>, vector<4x32xf32>,
    return
  }
}

module attributes {stable_mosaic.version = 14 : i64} {
  func.func @_fps_body(%arg0: memref<4x32xf32, #tpu.memory_space<vmem>>, %arg1: memref<4x32xf32, #tpu.memory_space<vmem>>, %arg2: memref<4x32xf32, #tpu.memory_space<vmem>>, %arg3: memref<4x8xf32, #tpu.memory_space<vmem>>, %arg4: memref<4x8xf32, #tpu.memory_space<vmem>>, %arg5: memref<4x8xf32, #tpu.memory_space<vmem>>) attributes {dimension_semantics = [], scalar_prefetch = 0 : i64, scratch_operands = 0 : i64, tpu.core_type = #tpu.core_type<tc>} {
    %get3A = arith.constant 0 : index
    %get3A_0 = arith.constant 0 : index
    %get3A_1 = vector.load %arg0[%get3A, %get3A_0] : memref<4x32xf32, #tpu.memory_space<vmem>>, vector<4x32xf32>
    %get3A_2 = arith.constant 0 : index
    %get3A_3 = arith.constant 0 : index
    %get3A_4 = vector.load %arg1[%get3A_2, %get3A_3] : memref<4x32xf32, #tpu.memory_space<vmem>>, vector<4x32xf32>
    %get3A_5 = arith.constant 0 : index
    %get3A_6 = arith.constant 0 : index
    %get3A_7 = vector.load %arg2[%get3A_5, %get3A_6] : memref<4x32xf32, #tpu.memory_space<vmem>>, vector<4x32xf32>
    %iota3A = tpu.iota {dimensions = array<i32: 1>} : vector<4x32xi32>
    %iota3A_8 = tpu.iota {dimensions = array<i32: 1>} : vector<4x8xi32>
    %broadcast_in_dim3A = arith.constant 1.000000e+10 : f32
    %broadcast_in_dim3A_9 = vector.broadcast %broadcast_in_dim3A : f32 to vector<4x32xf32>
    %broadcast_in_dim3A_10 = arith.constant 0 : i32
    %broadcast_in_dim3A_11 = vector.broadcast %broadcast_in_dim3A_10 : i32 to vector<4x1xi32>
    %broadcast_in_dim3A_12 = arith.constant 0.000000e+00 : f32
    %broadcast_in_dim3A_13 = vector.broadcast %broadcast_in_dim3A_12 : f32 to vector<4x8xf32>
    %broadcast_in_dim3A_14 = arith.constant 0.000000e+00 : f32
    %broadcast_in_dim3A_15 = vector.broadcast %broadcast_in_dim3A_14 : f32 to vector<4x8xf32>
    %broadcast_in_dim3A_16 = arith.constant 0.000000e+00 : f32
    %broadcast_in_dim3A_17 = vector.broadcast %broadcast_in_dim3A_16 : f32 to vector<4x8xf32>
    %scan3A = arith.constant 0 : i32
    %scan3A_18 = arith.constant 8 : i32
    %scan3A_19 = arith.addi %scan3A, %scan3A_18 : i32
    %scan3A_20 = arith.constant 1 : i32
    %scan3A_21:5 = scf.for %scan3A_31 = %scan3A to %scan3A_19 step %scan3A_20 iter_args(%scan3A_32 = %broadcast_in_dim3A_9, %scan3A_33 = %broadcast_in_dim3A_11, %scan3A_34 = %broadcast_in_dim3A_13, %scan3A_35 = %broadcast_in_dim3A_15, %scan3A_36 = %broadcast_in_dim3A_17) -> (vector<4x32xf32>, vector<4x1xi32>, vector<4x8xf32>, vector<4x8xf32>, vector<4x8xf32>)  : i32 {
      %eq3A = vector.broadcast %scan3A_33 : vector<4x1xi32> to vector<4x32xi32>
      %eq3A_37 = arith.cmpi eq, %iota3A, %eq3A : vector<4x32xi32>
      %jit3A = arith.constant 0.000000e+00 : f32
      %broadcast_in_dim3A_38 = vector.broadcast %jit3A : f32 to vector<4x32xf32>
      %select_n3A = arith.select %eq3A_37, %get3A_1, %broadcast_in_dim3A_38 : vector<4x32xi1>, vector<4x32xf32>
      %reduce_sum3A = arith.constant dense<0.000000e+00> : vector<4xf32>
      %reduce_sum3A_39 = vector.multi_reduction <add>, %select_n3A, %reduce_sum3A [1] : vector<4x32xf32> to vector<4xf32>
      %broadcast_in_dim3A_40 = vector.shape_cast %reduce_sum3A_39 : vector<4xf32> to vector<4x1xf32>
      %jit3A_41 = arith.constant 0.000000e+00 : f32
      %broadcast_in_dim3A_42 = vector.broadcast %jit3A_41 : f32 to vector<4x32xf32>
      %select_n3A_43 = arith.select %eq3A_37, %get3A_4, %broadcast_in_dim3A_42 : vector<4x32xi1>, vector<4x32xf32>
      %reduce_sum3A_44 = arith.constant dense<0.000000e+00> : vector<4xf32>
      %reduce_sum3A_45 = vector.multi_reduction <add>, %select_n3A_43, %reduce_sum3A_44 [1] : vector<4x32xf32> to vector<4xf32>
      %broadcast_in_dim3A_46 = vector.shape_cast %reduce_sum3A_45 : vector<4xf32> to vector<4x1xf32>
      %jit3A_47 = arith.constant 0.000000e+00 : f32
      %broadcast_in_dim3A_48 = vector.broadcast %jit3A_47 : f32 to vector<4x32xf32>
      %select_n3A_49 = arith.select %eq3A_37, %get3A_7, %broadcast_in_dim3A_48 : vector<4x32xi1>, vector<4x32xf32>
      %reduce_sum3A_50 = arith.constant dense<0.000000e+00> : vector<4xf32>
      %reduce_sum3A_51 = vector.multi_reduction <add>, %select_n3A_49, %reduce_sum3A_50 [1] : vector<4x32xf32> to vector<4xf32>
      %broadcast_in_dim3A_52 = vector.shape_cast %reduce_sum3A_51 : vector<4xf32> to vector<4x1xf32>
      %eq3A_53 = vector.broadcast %scan3A_31 : i32 to vector<4x8xi32>
      %eq3A_54 = arith.cmpi eq, %iota3A_8, %eq3A_53 : vector<4x8xi32>
      %broadcast_in_dim3A_55 = vector.shape_cast %broadcast_in_dim3A_40 : vector<4x1xf32> to vector<4x1xf32>
      %broadcast_in_dim3A_56 = vector.broadcast %broadcast_in_dim3A_55 : vector<4x1xf32> to vector<4x8xf32>
      %select_n3A_57 = arith.select %eq3A_54, %broadcast_in_dim3A_56, %scan3A_34 : vector<4x8xi1>, vector<4x8xf32>
      %broadcast_in_dim3A_58 = vector.shape_cast %broadcast_in_dim3A_46 : vector<4x1xf32> to vector<4x1xf32>
      %broadcast_in_dim3A_59 = vector.broadcast %broadcast_in_dim3A_58 : vector<4x1xf32> to vector<4x8xf32>
      %select_n3A_60 = arith.select %eq3A_54, %broadcast_in_dim3A_59, %scan3A_35 : vector<4x8xi1>, vector<4x8xf32>
      %broadcast_in_dim3A_61 = vector.shape_cast %broadcast_in_dim3A_52 : vector<4x1xf32> to vector<4x1xf32>
      %broadcast_in_dim3A_62 = vector.broadcast %broadcast_in_dim3A_61 : vector<4x1xf32> to vector<4x8xf32>
      %select_n3A_63 = arith.select %eq3A_54, %broadcast_in_dim3A_62, %scan3A_36 : vector<4x8xi1>, vector<4x8xf32>
      %sub3A = vector.broadcast %broadcast_in_dim3A_40 : vector<4x1xf32> to vector<4x32xf32>
      %sub3A_64 = arith.subf %get3A_1, %sub3A : vector<4x32xf32>
      %sub3A_65 = vector.broadcast %broadcast_in_dim3A_46 : vector<4x1xf32> to vector<4x32xf32>
      %sub3A_66 = arith.subf %get3A_4, %sub3A_65 : vector<4x32xf32>
      %sub3A_67 = vector.broadcast %broadcast_in_dim3A_52 : vector<4x1xf32> to vector<4x32xf32>
      %sub3A_68 = arith.subf %get3A_7, %sub3A_67 : vector<4x32xf32>
      %mul3A = arith.mulf %sub3A_64, %sub3A_64 : vector<4x32xf32>
      %mul3A_69 = arith.mulf %sub3A_66, %sub3A_66 : vector<4x32xf32>
      %add3A = arith.addf %mul3A, %mul3A_69 : vector<4x32xf32>
      %mul3A_70 = arith.mulf %sub3A_68, %sub3A_68 : vector<4x32xf32>
      %add3A_71 = arith.addf %add3A, %mul3A_70 : vector<4x32xf32>
      %min3A = arith.minimumf %scan3A_32, %add3A_71 : vector<4x32xf32>
      %reduce_max3A = arith.constant dense<0xFF800000> : vector<4xf32>
      %reduce_max3A_72 = vector.multi_reduction <maximumf>, %min3A, %reduce_max3A [1] : vector<4x32xf32> to vector<4xf32>
      %broadcast_in_dim3A_73 = vector.shape_cast %reduce_max3A_72 : vector<4xf32> to vector<4x1xf32>
      %eq3A_74 = vector.broadcast %broadcast_in_dim3A_73 : vector<4x1xf32> to vector<4x32xf32>
      %eq3A_75 = arith.cmpf oeq, %min3A, %eq3A_74 : vector<4x32xf32>
      %jit3A_76 = arith.constant 32 : i32
      %broadcast_in_dim3A_77 = vector.broadcast %jit3A_76 : i32 to vector<4x32xi32>
      %select_n3A_78 = arith.select %eq3A_75, %iota3A, %broadcast_in_dim3A_77 : vector<4x32xi1>, vector<4x32xi32>
      %reduce_min3A = arith.constant dense<2147483647> : vector<4xi32>
      %reduce_min3A_79 = vector.multi_reduction <minsi>, %select_n3A_78, %reduce_min3A [1] : vector<4x32xi32> to vector<4xi32>
      %broadcast_in_dim3A_80 = vector.shape_cast %reduce_min3A_79 : vector<4xi32> to vector<4x1xi32>
      scf.yield %min3A, %broadcast_in_dim3A_80, %select_n3A_57, %select_n3A_60, %select_n3A_63 : vector<4x32xf32>, vector<4x1xi32>, vector<4x8xf32>, vector<4x8xf32>, vector<4x8xf32>
    }
    %scan3A_22 = arith.constant 8 : i32
    %swap3A = arith.constant 0 : index
    %swap3A_23 = arith.constant 0 : index
    %swap3A_24 = vector.load %arg3[%swap3A, %swap3A_23] : memref<4x8xf32, #tpu.memory_space<vmem>>, vector<4x8xf32>
    tpu.vector_store %arg3[%swap3A, %swap3A_23], %scan3A_21#2 {strides = array<i32>} : memref<4x8xf32, #tpu.memory_space<vmem>>, vector<4x8xf32>,
    %swap3A_25 = arith.constant 0 : index
    %swap3A_26 = arith.constant 0 : index
    %swap3A_27 = vector.load %arg4[%swap3A_25, %swap3A_26] : memref<4x8xf32, #tpu.memory_space<vmem>>, vector<4x8xf32>
    tpu.vector_store %arg4[%swap3A_25, %swap3A_26], %scan3A_21#3 {strides = array<i32>} : memref<4x8xf32, #tpu.memory_space<vmem>>, vector<4x8xf32>,
    %swap3A_28 = arith.constant 0 : index
    %swap3A_29 = arith.constant 0 : index
    %swap3A_30 = vector.load %arg5[%swap3A_28, %swap3A_29] : memref<4x8xf32, #tpu.memory_space<vmem>>, vector<4x8xf32>
    tpu.vector_store %arg5[%swap3A_28, %swap3A_29], %scan3A_21#4 {strides = array<i32>} : memref<4x8xf32, #tpu.memory_space<vmem>>, vector<4x8xf32>,
    return
  }
}

module attributes {stable_mosaic.version = 14 : i64} {
  func.func @_sa_mlp_body(%arg0: i32, %arg1: i32, %arg2: memref<1x256x32x16xf32, #tpu.memory_space<vmem>>, %arg3: memref<1x256x3xf32, #tpu.memory_space<vmem>>, %arg4: memref<6x32xf32, #tpu.memory_space<vmem>>, %arg5: memref<32x32xf32, #tpu.memory_space<vmem>>, %arg6: memref<32x64xf32, #tpu.memory_space<vmem>>, %arg7: memref<1x256x64xf32, #tpu.memory_space<vmem>>) attributes {dimension_semantics = [#tpu.dimension_semantics<arbitrary>, #tpu.dimension_semantics<arbitrary>], iteration_bounds = array<i64: 4, 2>, scalar_prefetch = 0 : i64, scratch_operands = 0 : i64, tpu.core_type = #tpu.core_type<tc>, window_params = [{transform_indices = @transform_0, window_bounds = array<i64: 1, 256, 32, 16>}, {transform_indices = @transform_1, window_bounds = array<i64: 1, 256, 3>}, {pipeline_mode = #tpu.pipeline_mode<synchronous>, transform_indices = @transform_2, window_bounds = array<i64: 6, 32>}, {pipeline_mode = #tpu.pipeline_mode<synchronous>, transform_indices = @transform_3, window_bounds = array<i64: 32, 32>}, {pipeline_mode = #tpu.pipeline_mode<synchronous>, transform_indices = @transform_4, window_bounds = array<i64: 32, 64>}, {transform_indices = @transform_5, window_bounds = array<i64: 1, 256, 64>}]} {
    %get3A = arith.constant 0 : index
    %get3A_0 = arith.constant 0 : index
    %get3A_1 = arith.constant 0 : index
    %get3A_2 = arith.constant 0 : index
    %get3A_3 = vector.load %arg2[%get3A, %get3A_0, %get3A_1, %get3A_2] : memref<1x256x32x16xf32, #tpu.memory_space<vmem>>, vector<1x256x32x16xf32>
    %get3A_4 = vector.shape_cast %get3A_3 : vector<1x256x32x16xf32> to vector<256x32x16xf32>
    %get3A_5 = arith.constant 0 : index
    %get3A_6 = arith.constant 0 : index
    %get3A_7 = arith.constant 0 : index
    %get3A_8 = vector.load %arg3[%get3A_5, %get3A_6, %get3A_7] : memref<1x256x3xf32, #tpu.memory_space<vmem>>, vector<1x256x3xf32>
    %get3A_9 = vector.shape_cast %get3A_8 : vector<1x256x3xf32> to vector<256x3xf32>
    %slice3A = vector.extract_strided_slice %get3A_4 {offsets = [0, 0, 0], sizes = [256, 32, 3], strides = [1, 1, 1]} : vector<256x32x16xf32> to vector<256x32x3xf32>
    %broadcast_in_dim3A = vector.shape_cast %get3A_9 : vector<256x3xf32> to vector<256x1x3xf32>
    %sub3A = vector.broadcast %broadcast_in_dim3A : vector<256x1x3xf32> to vector<256x32x3xf32>
    %sub3A_10 = arith.subf %slice3A, %sub3A : vector<256x32x3xf32>
    %slice3A_11 = vector.extract_strided_slice %get3A_4 {offsets = [0, 0, 3], sizes = [256, 32, 3], strides = [1, 1, 1]} : vector<256x32x16xf32> to vector<256x32x3xf32>
    %concatenate3A = tpu.concatenate %sub3A_10, %slice3A_11 in 2 : vector<256x32x3xf32>, vector<256x32x3xf32> -> vector<256x32x6xf32>
    %reshape3A = vector.shape_cast %concatenate3A : vector<256x32x6xf32> to vector<8192x6xf32>
    %get3A_12 = arith.constant 0 : index
    %get3A_13 = arith.constant 0 : index
    %get3A_14 = vector.load %arg4[%get3A_12, %get3A_13] : memref<6x32xf32, #tpu.memory_space<vmem>>, vector<6x32xf32>
    %dot_general3A = arith.constant dense<0.000000e+00> : vector<8192x32xf32>
    %dot_general3A_15 = tpu.matmul %reshape3A, %get3A_14, %dot_general3A {dimension_numbers = #tpu.dot_dimension_numbers<[1], [0], [0], [1], [0, 0, 1, 1], [], []>, transpose_lhs_hint = false} : vector<8192x6xf32>, vector<6x32xf32>, vector<8192x32xf32> -> vector<8192x32xf32>
    %max3A = arith.constant 0.000000e+00 : f32
    %max3A_16 = vector.broadcast %max3A : f32 to vector<8192x32xf32>
    %max3A_17 = arith.maximumf %dot_general3A_15, %max3A_16 : vector<8192x32xf32>
    %get3A_18 = arith.constant 0 : index
    %get3A_19 = arith.constant 0 : index
    %get3A_20 = vector.load %arg5[%get3A_18, %get3A_19] : memref<32x32xf32, #tpu.memory_space<vmem>>, vector<32x32xf32>
    %dot_general3A_21 = arith.constant dense<0.000000e+00> : vector<8192x32xf32>
    %dot_general3A_22 = tpu.matmul %max3A_17, %get3A_20, %dot_general3A_21 {dimension_numbers = #tpu.dot_dimension_numbers<[1], [0], [0], [1], [0, 0, 1, 1], [], []>, transpose_lhs_hint = false} : vector<8192x32xf32>, vector<32x32xf32>, vector<8192x32xf32> -> vector<8192x32xf32>
    %max3A_23 = arith.constant 0.000000e+00 : f32
    %max3A_24 = vector.broadcast %max3A_23 : f32 to vector<8192x32xf32>
    %max3A_25 = arith.maximumf %dot_general3A_22, %max3A_24 : vector<8192x32xf32>
    %get3A_26 = arith.constant 0 : index
    %get3A_27 = arith.constant 0 : index
    %get3A_28 = vector.load %arg6[%get3A_26, %get3A_27] : memref<32x64xf32, #tpu.memory_space<vmem>>, vector<32x64xf32>
    %dot_general3A_29 = arith.constant dense<0.000000e+00> : vector<8192x64xf32>
    %dot_general3A_30 = tpu.matmul %max3A_25, %get3A_28, %dot_general3A_29 {dimension_numbers = #tpu.dot_dimension_numbers<[1], [0], [0], [1], [0, 0, 1, 1], [], []>, transpose_lhs_hint = false} : vector<8192x32xf32>, vector<32x64xf32>, vector<8192x64xf32> -> vector<8192x64xf32>
    %max3A_31 = arith.constant 0.000000e+00 : f32
    %max3A_32 = vector.broadcast %max3A_31 : f32 to vector<8192x64xf32>
    %max3A_33 = arith.maximumf %dot_general3A_30, %max3A_32 : vector<8192x64xf32>
    %reshape3A_34 = vector.shape_cast %max3A_33 : vector<8192x64xf32> to vector<256x32x64xf32>
    %reduce_max3A = arith.constant dense<0xFF800000> : vector<256x64xf32>
    %reduce_max3A_35 = vector.multi_reduction <maximumf>, %reshape3A_34, %reduce_max3A [1] : vector<256x32x64xf32> to vector<256x64xf32>
    %swap3A = arith.constant 0 : index
    %swap3A_36 = arith.constant 0 : index
    %swap3A_37 = arith.constant 0 : index
    %swap3A_38 = vector.load %arg7[%swap3A, %swap3A_36, %swap3A_37] : memref<1x256x64xf32, #tpu.memory_space<vmem>>, vector<1x256x64xf32>
    %swap3A_39 = vector.shape_cast %swap3A_38 : vector<1x256x64xf32> to vector<256x64xf32>
    %swap3A_40 = vector.shape_cast %reduce_max3A_35 : vector<256x64xf32> to vector<1x256x64xf32>
    tpu.vector_store %arg7[%swap3A, %swap3A_36, %swap3A_37], %swap3A_40 {strides = array<i32>} : memref<1x256x64xf32, #tpu.memory_space<vmem>>, vector<1x256x64xf32>,
    return
  }
  func.func @transform_0(%arg0: i32, %arg1: i32) -> (i32, i32, i32, i32) {
    %c0_i32 = arith.constant 0 : i32
    %c0_i32_0 = arith.constant 0 : i32
    %c0_i32_1 = arith.constant 0 : i32
    return %arg0, %arg1, %c0_i32, %c0_i32_0 : i32, i32, i32, i32
  }
  func.func @transform_1(%arg0: i32, %arg1: i32) -> (i32, i32, i32) {
    %c0_i32 = arith.constant 0 : i32
    %c0_i32_0 = arith.constant 0 : i32
    return %arg0, %arg1, %c0_i32 : i32, i32, i32
  }
  func.func @transform_2(%arg0: i32, %arg1: i32) -> (i32, i32) {
    %c0_i32 = arith.constant 0 : i32
    %c0_i32_0 = arith.constant 0 : i32
    %c0_i32_1 = arith.constant 0 : i32
    return %c0_i32, %c0_i32_0 : i32, i32
  }
  func.func @transform_3(%arg0: i32, %arg1: i32) -> (i32, i32) {
    %c0_i32 = arith.constant 0 : i32
    %c0_i32_0 = arith.constant 0 : i32
    %c0_i32_1 = arith.constant 0 : i32
    return %c0_i32, %c0_i32_0 : i32, i32
  }
  func.func @transform_4(%arg0: i32, %arg1: i32) -> (i32, i32) {
    %c0_i32 = arith.constant 0 : i32
    %c0_i32_0 = arith.constant 0 : i32
    %c0_i32_1 = arith.constant 0 : i32
    return %c0_i32, %c0_i32_0 : i32, i32
  }
  func.func @transform_5(%arg0: i32, %arg1: i32) -> (i32, i32, i32) {
    %c0_i32 = arith.constant 0 : i32
    %c0_i32_0 = arith.constant 0 : i32
    return %arg0, %arg1, %c0_i32 : i32, i32, i32
  }
}

module attributes {stable_mosaic.version = 14 : i64} {
  func.func @_sa_body(%arg0: i32, %arg1: i32, %arg2: memref<1x128x3xf32, #tpu.memory_space<vmem>>, %arg3: memref<1x3x512xf32, #tpu.memory_space<vmem>>, %arg4: memref<1x512x67xf32, #tpu.memory_space<vmem>>, %arg5: memref<67x64xf32, #tpu.memory_space<vmem>>, %arg6: memref<64x64xf32, #tpu.memory_space<vmem>>, %arg7: memref<64x128xf32, #tpu.memory_space<vmem>>, %arg8: memref<1x128x128xf32, #tpu.memory_space<vmem>>) attributes {dimension_semantics = [#tpu.dimension_semantics<arbitrary>, #tpu.dimension_semantics<arbitrary>], iteration_bounds = array<i64: 4, 1>, scalar_prefetch = 0 : i64, scratch_operands = 0 : i64, tpu.core_type = #tpu.core_type<tc>, window_params = [{transform_indices = @transform_0, window_bounds = array<i64: 1, 128, 3>}, {transform_indices = @transform_1, window_bounds = array<i64: 1, 3, 512>}, {transform_indices = @transform_2, window_bounds = array<i64: 1, 512, 67>}, {pipeline_mode = #tpu.pipeline_mode<synchronous>, transform_indices = @transform_3, window_bounds = array<i64: 67, 64>}, {pipeline_mode = #tpu.pipeline_mode<synchronous>, transform_indices = @transform_4, window_bounds = array<i64: 64, 64>}, {pipeline_mode = #tpu.pipeline_mode<synchronous>, transform_indices = @transform_5, window_bounds = array<i64: 64, 128>}, {transform_indices = @transform_6, window_bounds = array<i64: 1, 128, 128>}]} {
    %get3A = arith.constant 0 : index
    %get3A_0 = arith.constant 0 : index
    %get3A_1 = arith.constant 0 : index
    %get3A_2 = vector.load %arg2[%get3A, %get3A_0, %get3A_1] : memref<1x128x3xf32, #tpu.memory_space<vmem>>, vector<1x128x3xf32>
    %get3A_3 = vector.shape_cast %get3A_2 : vector<1x128x3xf32> to vector<128x3xf32>
    %get3A_4 = arith.constant 0 : index
    %get3A_5 = arith.constant 0 : index
    %get3A_6 = arith.constant 0 : index
    %get3A_7 = vector.load %arg3[%get3A_4, %get3A_5, %get3A_6] : memref<1x3x512xf32, #tpu.memory_space<vmem>>, vector<1x3x512xf32>
    %get3A_8 = vector.shape_cast %get3A_7 : vector<1x3x512xf32> to vector<3x512xf32>
    %slice3A = vector.extract_strided_slice %get3A_3 {offsets = [0, 0], sizes = [128, 1], strides = [1, 1]} : vector<128x3xf32> to vector<128x1xf32>
    %slice3A_9 = vector.extract_strided_slice %get3A_8 {offsets = [0, 0], sizes = [1, 512], strides = [1, 1]} : vector<3x512xf32> to vector<1x512xf32>
    %sub3A = vector.broadcast %slice3A : vector<128x1xf32> to vector<128x512xf32>
    %sub3A_10 = vector.broadcast %slice3A_9 : vector<1x512xf32> to vector<128x512xf32>
    %sub3A_11 = arith.subf %sub3A, %sub3A_10 : vector<128x512xf32>
    %mul3A = arith.mulf %sub3A_11, %sub3A_11 : vector<128x512xf32>
    %slice3A_12 = vector.extract_strided_slice %get3A_3 {offsets = [0, 1], sizes = [128, 1], strides = [1, 1]} : vector<128x3xf32> to vector<128x1xf32>
    %slice3A_13 = vector.extract_strided_slice %get3A_8 {offsets = [1, 0], sizes = [1, 512], strides = [1, 1]} : vector<3x512xf32> to vector<1x512xf32>
    %sub3A_14 = vector.broadcast %slice3A_12 : vector<128x1xf32> to vector<128x512xf32>
    %sub3A_15 = vector.broadcast %slice3A_13 : vector<1x512xf32> to vector<128x512xf32>
    %sub3A_16 = arith.subf %sub3A_14, %sub3A_15 : vector<128x512xf32>
    %mul3A_17 = arith.mulf %sub3A_16, %sub3A_16 : vector<128x512xf32>
    %add3A = arith.addf %mul3A, %mul3A_17 : vector<128x512xf32>
    %slice3A_18 = vector.extract_strided_slice %get3A_3 {offsets = [0, 2], sizes = [128, 1], strides = [1, 1]} : vector<128x3xf32> to vector<128x1xf32>
    %slice3A_19 = vector.extract_strided_slice %get3A_8 {offsets = [2, 0], sizes = [1, 512], strides = [1, 1]} : vector<3x512xf32> to vector<1x512xf32>
    %sub3A_20 = vector.broadcast %slice3A_18 : vector<128x1xf32> to vector<128x512xf32>
    %sub3A_21 = vector.broadcast %slice3A_19 : vector<1x512xf32> to vector<128x512xf32>
    %sub3A_22 = arith.subf %sub3A_20, %sub3A_21 : vector<128x512xf32>
    %mul3A_23 = arith.mulf %sub3A_22, %sub3A_22 : vector<128x512xf32>
    %add3A_24 = arith.addf %add3A, %mul3A_23 : vector<128x512xf32>
    %iota3A = tpu.iota {dimensions = array<i32: 1>} : vector<128x512xi32>
    %gt3A = arith.constant 4.000000e-02 : f32
    %gt3A_25 = vector.broadcast %gt3A : f32 to vector<128x512xf32>
    %gt3A_26 = arith.cmpf ogt, %add3A_24, %gt3A_25 : vector<128x512xf32>
    %jit3A = arith.constant 512 : i32
    %broadcast_in_dim3A = vector.broadcast %jit3A : i32 to vector<128x512xi32>
    %select_n3A = arith.select %gt3A_26, %broadcast_in_dim3A, %iota3A : vector<128x512xi1>, vector<128x512xi32>
    %reduce_min3A = arith.constant dense<2147483647> : vector<128xi32>
    %reduce_min3A_27 = vector.multi_reduction <minsi>, %select_n3A, %reduce_min3A [1] : vector<128x512xi32> to vector<128xi32>
    %broadcast_in_dim3A_28 = vector.shape_cast %reduce_min3A_27 : vector<128xi32> to vector<128x1xi32>
    %eq3A = vector.broadcast %broadcast_in_dim3A_28 : vector<128x1xi32> to vector<128x512xi32>
    %eq3A_29 = arith.cmpi eq, %select_n3A, %eq3A : vector<128x512xi32>
    %jit3A_30 = arith.constant 1073741824 : i32
    %broadcast_in_dim3A_31 = vector.broadcast %jit3A_30 : i32 to vector<128x512xi32>
    %select_n3A_32 = arith.select %eq3A_29, %broadcast_in_dim3A_31, %select_n3A : vector<128x512xi1>, vector<128x512xi32>
    %reduce_min3A_33 = arith.constant dense<2147483647> : vector<128xi32>
    %reduce_min3A_34 = vector.multi_reduction <minsi>, %select_n3A_32, %reduce_min3A_33 [1] : vector<128x512xi32> to vector<128xi32>
    %broadcast_in_dim3A_35 = vector.shape_cast %reduce_min3A_34 : vector<128xi32> to vector<128x1xi32>
    %eq3A_36 = vector.broadcast %broadcast_in_dim3A_35 : vector<128x1xi32> to vector<128x512xi32>
    %eq3A_37 = arith.cmpi eq, %select_n3A_32, %eq3A_36 : vector<128x512xi32>
    %jit3A_38 = arith.constant 1073741824 : i32
    %broadcast_in_dim3A_39 = vector.broadcast %jit3A_38 : i32 to vector<128x512xi32>
    %select_n3A_40 = arith.select %eq3A_37, %broadcast_in_dim3A_39, %select_n3A_32 : vector<128x512xi1>, vector<128x512xi32>
    %reduce_min3A_41 = arith.constant dense<2147483647> : vector<128xi32>
    %reduce_min3A_42 = vector.multi_reduction <minsi>, %select_n3A_40, %reduce_min3A_41 [1] : vector<128x512xi32> to vector<128xi32>
    %broadcast_in_dim3A_43 = vector.shape_cast %reduce_min3A_42 : vector<128xi32> to vector<128x1xi32>
    %eq3A_44 = vector.broadcast %broadcast_in_dim3A_43 : vector<128x1xi32> to vector<128x512xi32>
    %eq3A_45 = arith.cmpi eq, %select_n3A_40, %eq3A_44 : vector<128x512xi32>
    %jit3A_46 = arith.constant 1073741824 : i32
    %broadcast_in_dim3A_47 = vector.broadcast %jit3A_46 : i32 to vector<128x512xi32>
    %select_n3A_48 = arith.select %eq3A_45, %broadcast_in_dim3A_47, %select_n3A_40 : vector<128x512xi1>, vector<128x512xi32>
    %reduce_min3A_49 = arith.constant dense<2147483647> : vector<128xi32>
    %reduce_min3A_50 = vector.multi_reduction <minsi>, %select_n3A_48, %reduce_min3A_49 [1] : vector<128x512xi32> to vector<128xi32>
    %broadcast_in_dim3A_51 = vector.shape_cast %reduce_min3A_50 : vector<128xi32> to vector<128x1xi32>
    %eq3A_52 = vector.broadcast %broadcast_in_dim3A_51 : vector<128x1xi32> to vector<128x512xi32>
    %eq3A_53 = arith.cmpi eq, %select_n3A_48, %eq3A_52 : vector<128x512xi32>
    %jit3A_54 = arith.constant 1073741824 : i32
    %broadcast_in_dim3A_55 = vector.broadcast %jit3A_54 : i32 to vector<128x512xi32>
    %select_n3A_56 = arith.select %eq3A_53, %broadcast_in_dim3A_55, %select_n3A_48 : vector<128x512xi1>, vector<128x512xi32>
    %reduce_min3A_57 = arith.constant dense<2147483647> : vector<128xi32>
    %reduce_min3A_58 = vector.multi_reduction <minsi>, %select_n3A_56, %reduce_min3A_57 [1] : vector<128x512xi32> to vector<128xi32>
    %broadcast_in_dim3A_59 = vector.shape_cast %reduce_min3A_58 : vector<128xi32> to vector<128x1xi32>
    %eq3A_60 = vector.broadcast %broadcast_in_dim3A_59 : vector<128x1xi32> to vector<128x512xi32>
    %eq3A_61 = arith.cmpi eq, %select_n3A_56, %eq3A_60 : vector<128x512xi32>
    %jit3A_62 = arith.constant 1073741824 : i32
    %broadcast_in_dim3A_63 = vector.broadcast %jit3A_62 : i32 to vector<128x512xi32>
    %select_n3A_64 = arith.select %eq3A_61, %broadcast_in_dim3A_63, %select_n3A_56 : vector<128x512xi1>, vector<128x512xi32>
    %reduce_min3A_65 = arith.constant dense<2147483647> : vector<128xi32>
    %reduce_min3A_66 = vector.multi_reduction <minsi>, %select_n3A_64, %reduce_min3A_65 [1] : vector<128x512xi32> to vector<128xi32>
    %broadcast_in_dim3A_67 = vector.shape_cast %reduce_min3A_66 : vector<128xi32> to vector<128x1xi32>
    %eq3A_68 = vector.broadcast %broadcast_in_dim3A_67 : vector<128x1xi32> to vector<128x512xi32>
    %eq3A_69 = arith.cmpi eq, %select_n3A_64, %eq3A_68 : vector<128x512xi32>
    %jit3A_70 = arith.constant 1073741824 : i32
    %broadcast_in_dim3A_71 = vector.broadcast %jit3A_70 : i32 to vector<128x512xi32>
    %select_n3A_72 = arith.select %eq3A_69, %broadcast_in_dim3A_71, %select_n3A_64 : vector<128x512xi1>, vector<128x512xi32>
    %reduce_min3A_73 = arith.constant dense<2147483647> : vector<128xi32>
    %reduce_min3A_74 = vector.multi_reduction <minsi>, %select_n3A_72, %reduce_min3A_73 [1] : vector<128x512xi32> to vector<128xi32>
    %broadcast_in_dim3A_75 = vector.shape_cast %reduce_min3A_74 : vector<128xi32> to vector<128x1xi32>
    %eq3A_76 = vector.broadcast %broadcast_in_dim3A_75 : vector<128x1xi32> to vector<128x512xi32>
    %eq3A_77 = arith.cmpi eq, %select_n3A_72, %eq3A_76 : vector<128x512xi32>
    %jit3A_78 = arith.constant 1073741824 : i32
    %broadcast_in_dim3A_79 = vector.broadcast %jit3A_78 : i32 to vector<128x512xi32>
    %select_n3A_80 = arith.select %eq3A_77, %broadcast_in_dim3A_79, %select_n3A_72 : vector<128x512xi1>, vector<128x512xi32>
    %reduce_min3A_81 = arith.constant dense<2147483647> : vector<128xi32>
    %reduce_min3A_82 = vector.multi_reduction <minsi>, %select_n3A_80, %reduce_min3A_81 [1] : vector<128x512xi32> to vector<128xi32>
    %broadcast_in_dim3A_83 = vector.shape_cast %reduce_min3A_82 : vector<128xi32> to vector<128x1xi32>
    %eq3A_84 = vector.broadcast %broadcast_in_dim3A_83 : vector<128x1xi32> to vector<128x512xi32>
    %eq3A_85 = arith.cmpi eq, %select_n3A_80, %eq3A_84 : vector<128x512xi32>
    %jit3A_86 = arith.constant 1073741824 : i32
    %broadcast_in_dim3A_87 = vector.broadcast %jit3A_86 : i32 to vector<128x512xi32>
    %select_n3A_88 = arith.select %eq3A_85, %broadcast_in_dim3A_87, %select_n3A_80 : vector<128x512xi1>, vector<128x512xi32>
    %reduce_min3A_89 = arith.constant dense<2147483647> : vector<128xi32>
    %reduce_min3A_90 = vector.multi_reduction <minsi>, %select_n3A_88, %reduce_min3A_89 [1] : vector<128x512xi32> to vector<128xi32>
    %broadcast_in_dim3A_91 = vector.shape_cast %reduce_min3A_90 : vector<128xi32> to vector<128x1xi32>
    %eq3A_92 = vector.broadcast %broadcast_in_dim3A_91 : vector<128x1xi32> to vector<128x512xi32>
    %eq3A_93 = arith.cmpi eq, %select_n3A_88, %eq3A_92 : vector<128x512xi32>
    %jit3A_94 = arith.constant 1073741824 : i32
    %broadcast_in_dim3A_95 = vector.broadcast %jit3A_94 : i32 to vector<128x512xi32>
    %select_n3A_96 = arith.select %eq3A_93, %broadcast_in_dim3A_95, %select_n3A_88 : vector<128x512xi1>, vector<128x512xi32>
    %reduce_min3A_97 = arith.constant dense<2147483647> : vector<128xi32>
    %reduce_min3A_98 = vector.multi_reduction <minsi>, %select_n3A_96, %reduce_min3A_97 [1] : vector<128x512xi32> to vector<128xi32>
    %broadcast_in_dim3A_99 = vector.shape_cast %reduce_min3A_98 : vector<128xi32> to vector<128x1xi32>
    %eq3A_100 = vector.broadcast %broadcast_in_dim3A_99 : vector<128x1xi32> to vector<128x512xi32>
    %eq3A_101 = arith.cmpi eq, %select_n3A_96, %eq3A_100 : vector<128x512xi32>
    %jit3A_102 = arith.constant 1073741824 : i32
    %broadcast_in_dim3A_103 = vector.broadcast %jit3A_102 : i32 to vector<128x512xi32>
    %select_n3A_104 = arith.select %eq3A_101, %broadcast_in_dim3A_103, %select_n3A_96 : vector<128x512xi1>, vector<128x512xi32>
    %reduce_min3A_105 = arith.constant dense<2147483647> : vector<128xi32>
    %reduce_min3A_106 = vector.multi_reduction <minsi>, %select_n3A_104, %reduce_min3A_105 [1] : vector<128x512xi32> to vector<128xi32>
    %broadcast_in_dim3A_107 = vector.shape_cast %reduce_min3A_106 : vector<128xi32> to vector<128x1xi32>
    %eq3A_108 = vector.broadcast %broadcast_in_dim3A_107 : vector<128x1xi32> to vector<128x512xi32>
    %eq3A_109 = arith.cmpi eq, %select_n3A_104, %eq3A_108 : vector<128x512xi32>
    %jit3A_110 = arith.constant 1073741824 : i32
    %broadcast_in_dim3A_111 = vector.broadcast %jit3A_110 : i32 to vector<128x512xi32>
    %select_n3A_112 = arith.select %eq3A_109, %broadcast_in_dim3A_111, %select_n3A_104 : vector<128x512xi1>, vector<128x512xi32>
    %reduce_min3A_113 = arith.constant dense<2147483647> : vector<128xi32>
    %reduce_min3A_114 = vector.multi_reduction <minsi>, %select_n3A_112, %reduce_min3A_113 [1] : vector<128x512xi32> to vector<128xi32>
    %broadcast_in_dim3A_115 = vector.shape_cast %reduce_min3A_114 : vector<128xi32> to vector<128x1xi32>
    %eq3A_116 = vector.broadcast %broadcast_in_dim3A_115 : vector<128x1xi32> to vector<128x512xi32>
    %eq3A_117 = arith.cmpi eq, %select_n3A_112, %eq3A_116 : vector<128x512xi32>
    %jit3A_118 = arith.constant 1073741824 : i32
    %broadcast_in_dim3A_119 = vector.broadcast %jit3A_118 : i32 to vector<128x512xi32>
    %select_n3A_120 = arith.select %eq3A_117, %broadcast_in_dim3A_119, %select_n3A_112 : vector<128x512xi1>, vector<128x512xi32>
    %reduce_min3A_121 = arith.constant dense<2147483647> : vector<128xi32>
    %reduce_min3A_122 = vector.multi_reduction <minsi>, %select_n3A_120, %reduce_min3A_121 [1] : vector<128x512xi32> to vector<128xi32>
    %broadcast_in_dim3A_123 = vector.shape_cast %reduce_min3A_122 : vector<128xi32> to vector<128x1xi32>
    %eq3A_124 = vector.broadcast %broadcast_in_dim3A_123 : vector<128x1xi32> to vector<128x512xi32>
    %eq3A_125 = arith.cmpi eq, %select_n3A_120, %eq3A_124 : vector<128x512xi32>
    %jit3A_126 = arith.constant 1073741824 : i32
    %broadcast_in_dim3A_127 = vector.broadcast %jit3A_126 : i32 to vector<128x512xi32>
    %select_n3A_128 = arith.select %eq3A_125, %broadcast_in_dim3A_127, %select_n3A_120 : vector<128x512xi1>, vector<128x512xi32>
    %reduce_min3A_129 = arith.constant dense<2147483647> : vector<128xi32>
    %reduce_min3A_130 = vector.multi_reduction <minsi>, %select_n3A_128, %reduce_min3A_129 [1] : vector<128x512xi32> to vector<128xi32>
    %broadcast_in_dim3A_131 = vector.shape_cast %reduce_min3A_130 : vector<128xi32> to vector<128x1xi32>
    %eq3A_132 = vector.broadcast %broadcast_in_dim3A_131 : vector<128x1xi32> to vector<128x512xi32>
    %eq3A_133 = arith.cmpi eq, %select_n3A_128, %eq3A_132 : vector<128x512xi32>
    %jit3A_134 = arith.constant 1073741824 : i32
    %broadcast_in_dim3A_135 = vector.broadcast %jit3A_134 : i32 to vector<128x512xi32>
    %select_n3A_136 = arith.select %eq3A_133, %broadcast_in_dim3A_135, %select_n3A_128 : vector<128x512xi1>, vector<128x512xi32>
    %reduce_min3A_137 = arith.constant dense<2147483647> : vector<128xi32>
    %reduce_min3A_138 = vector.multi_reduction <minsi>, %select_n3A_136, %reduce_min3A_137 [1] : vector<128x512xi32> to vector<128xi32>
    %broadcast_in_dim3A_139 = vector.shape_cast %reduce_min3A_138 : vector<128xi32> to vector<128x1xi32>
    %eq3A_140 = vector.broadcast %broadcast_in_dim3A_139 : vector<128x1xi32> to vector<128x512xi32>
    %eq3A_141 = arith.cmpi eq, %select_n3A_136, %eq3A_140 : vector<128x512xi32>
    %jit3A_142 = arith.constant 1073741824 : i32
    %broadcast_in_dim3A_143 = vector.broadcast %jit3A_142 : i32 to vector<128x512xi32>
    %select_n3A_144 = arith.select %eq3A_141, %broadcast_in_dim3A_143, %select_n3A_136 : vector<128x512xi1>, vector<128x512xi32>
    %reduce_min3A_145 = arith.constant dense<2147483647> : vector<128xi32>
    %reduce_min3A_146 = vector.multi_reduction <minsi>, %select_n3A_144, %reduce_min3A_145 [1] : vector<128x512xi32> to vector<128xi32>
    %broadcast_in_dim3A_147 = vector.shape_cast %reduce_min3A_146 : vector<128xi32> to vector<128x1xi32>
    %eq3A_148 = vector.broadcast %broadcast_in_dim3A_147 : vector<128x1xi32> to vector<128x512xi32>
    %eq3A_149 = arith.cmpi eq, %select_n3A_144, %eq3A_148 : vector<128x512xi32>
    %jit3A_150 = arith.constant 1073741824 : i32
    %broadcast_in_dim3A_151 = vector.broadcast %jit3A_150 : i32 to vector<128x512xi32>
    %select_n3A_152 = arith.select %eq3A_149, %broadcast_in_dim3A_151, %select_n3A_144 : vector<128x512xi1>, vector<128x512xi32>
    %reduce_min3A_153 = arith.constant dense<2147483647> : vector<128xi32>
    %reduce_min3A_154 = vector.multi_reduction <minsi>, %select_n3A_152, %reduce_min3A_153 [1] : vector<128x512xi32> to vector<128xi32>
    %broadcast_in_dim3A_155 = vector.shape_cast %reduce_min3A_154 : vector<128xi32> to vector<128x1xi32>
    %eq3A_156 = vector.broadcast %broadcast_in_dim3A_155 : vector<128x1xi32> to vector<128x512xi32>
    %eq3A_157 = arith.cmpi eq, %select_n3A_152, %eq3A_156 : vector<128x512xi32>
    %jit3A_158 = arith.constant 1073741824 : i32
    %broadcast_in_dim3A_159 = vector.broadcast %jit3A_158 : i32 to vector<128x512xi32>
    %select_n3A_160 = arith.select %eq3A_157, %broadcast_in_dim3A_159, %select_n3A_152 : vector<128x512xi1>, vector<128x512xi32>
    %reduce_min3A_161 = arith.constant dense<2147483647> : vector<128xi32>
    %reduce_min3A_162 = vector.multi_reduction <minsi>, %select_n3A_160, %reduce_min3A_161 [1] : vector<128x512xi32> to vector<128xi32>
    %broadcast_in_dim3A_163 = vector.shape_cast %reduce_min3A_162 : vector<128xi32> to vector<128x1xi32>
    %eq3A_164 = vector.broadcast %broadcast_in_dim3A_163 : vector<128x1xi32> to vector<128x512xi32>
    %eq3A_165 = arith.cmpi eq, %select_n3A_160, %eq3A_164 : vector<128x512xi32>
    %jit3A_166 = arith.constant 1073741824 : i32
    %broadcast_in_dim3A_167 = vector.broadcast %jit3A_166 : i32 to vector<128x512xi32>
    %select_n3A_168 = arith.select %eq3A_165, %broadcast_in_dim3A_167, %select_n3A_160 : vector<128x512xi1>, vector<128x512xi32>
    %reduce_min3A_169 = arith.constant dense<2147483647> : vector<128xi32>
    %reduce_min3A_170 = vector.multi_reduction <minsi>, %select_n3A_168, %reduce_min3A_169 [1] : vector<128x512xi32> to vector<128xi32>
    %broadcast_in_dim3A_171 = vector.shape_cast %reduce_min3A_170 : vector<128xi32> to vector<128x1xi32>
    %eq3A_172 = vector.broadcast %broadcast_in_dim3A_171 : vector<128x1xi32> to vector<128x512xi32>
    %eq3A_173 = arith.cmpi eq, %select_n3A_168, %eq3A_172 : vector<128x512xi32>
    %jit3A_174 = arith.constant 1073741824 : i32
    %broadcast_in_dim3A_175 = vector.broadcast %jit3A_174 : i32 to vector<128x512xi32>
    %select_n3A_176 = arith.select %eq3A_173, %broadcast_in_dim3A_175, %select_n3A_168 : vector<128x512xi1>, vector<128x512xi32>
    %reduce_min3A_177 = arith.constant dense<2147483647> : vector<128xi32>
    %reduce_min3A_178 = vector.multi_reduction <minsi>, %select_n3A_176, %reduce_min3A_177 [1] : vector<128x512xi32> to vector<128xi32>
    %broadcast_in_dim3A_179 = vector.shape_cast %reduce_min3A_178 : vector<128xi32> to vector<128x1xi32>
    %eq3A_180 = vector.broadcast %broadcast_in_dim3A_179 : vector<128x1xi32> to vector<128x512xi32>
    %eq3A_181 = arith.cmpi eq, %select_n3A_176, %eq3A_180 : vector<128x512xi32>
    %jit3A_182 = arith.constant 1073741824 : i32
    %broadcast_in_dim3A_183 = vector.broadcast %jit3A_182 : i32 to vector<128x512xi32>
    %select_n3A_184 = arith.select %eq3A_181, %broadcast_in_dim3A_183, %select_n3A_176 : vector<128x512xi1>, vector<128x512xi32>
    %reduce_min3A_185 = arith.constant dense<2147483647> : vector<128xi32>
    %reduce_min3A_186 = vector.multi_reduction <minsi>, %select_n3A_184, %reduce_min3A_185 [1] : vector<128x512xi32> to vector<128xi32>
    %broadcast_in_dim3A_187 = vector.shape_cast %reduce_min3A_186 : vector<128xi32> to vector<128x1xi32>
    %eq3A_188 = vector.broadcast %broadcast_in_dim3A_187 : vector<128x1xi32> to vector<128x512xi32>
    %eq3A_189 = arith.cmpi eq, %select_n3A_184, %eq3A_188 : vector<128x512xi32>
    %jit3A_190 = arith.constant 1073741824 : i32
    %broadcast_in_dim3A_191 = vector.broadcast %jit3A_190 : i32 to vector<128x512xi32>
    %select_n3A_192 = arith.select %eq3A_189, %broadcast_in_dim3A_191, %select_n3A_184 : vector<128x512xi1>, vector<128x512xi32>
    %reduce_min3A_193 = arith.constant dense<2147483647> : vector<128xi32>
    %reduce_min3A_194 = vector.multi_reduction <minsi>, %select_n3A_192, %reduce_min3A_193 [1] : vector<128x512xi32> to vector<128xi32>
    %broadcast_in_dim3A_195 = vector.shape_cast %reduce_min3A_194 : vector<128xi32> to vector<128x1xi32>
    %eq3A_196 = vector.broadcast %broadcast_in_dim3A_195 : vector<128x1xi32> to vector<128x512xi32>
    %eq3A_197 = arith.cmpi eq, %select_n3A_192, %eq3A_196 : vector<128x512xi32>
    %jit3A_198 = arith.constant 1073741824 : i32
    %broadcast_in_dim3A_199 = vector.broadcast %jit3A_198 : i32 to vector<128x512xi32>
    %select_n3A_200 = arith.select %eq3A_197, %broadcast_in_dim3A_199, %select_n3A_192 : vector<128x512xi1>, vector<128x512xi32>
    %reduce_min3A_201 = arith.constant dense<2147483647> : vector<128xi32>
    %reduce_min3A_202 = vector.multi_reduction <minsi>, %select_n3A_200, %reduce_min3A_201 [1] : vector<128x512xi32> to vector<128xi32>
    %broadcast_in_dim3A_203 = vector.shape_cast %reduce_min3A_202 : vector<128xi32> to vector<128x1xi32>
    %eq3A_204 = vector.broadcast %broadcast_in_dim3A_203 : vector<128x1xi32> to vector<128x512xi32>
    %eq3A_205 = arith.cmpi eq, %select_n3A_200, %eq3A_204 : vector<128x512xi32>
    %jit3A_206 = arith.constant 1073741824 : i32
    %broadcast_in_dim3A_207 = vector.broadcast %jit3A_206 : i32 to vector<128x512xi32>
    %select_n3A_208 = arith.select %eq3A_205, %broadcast_in_dim3A_207, %select_n3A_200 : vector<128x512xi1>, vector<128x512xi32>
    %reduce_min3A_209 = arith.constant dense<2147483647> : vector<128xi32>
    %reduce_min3A_210 = vector.multi_reduction <minsi>, %select_n3A_208, %reduce_min3A_209 [1] : vector<128x512xi32> to vector<128xi32>
    %broadcast_in_dim3A_211 = vector.shape_cast %reduce_min3A_210 : vector<128xi32> to vector<128x1xi32>
    %eq3A_212 = vector.broadcast %broadcast_in_dim3A_211 : vector<128x1xi32> to vector<128x512xi32>
    %eq3A_213 = arith.cmpi eq, %select_n3A_208, %eq3A_212 : vector<128x512xi32>
    %jit3A_214 = arith.constant 1073741824 : i32
    %broadcast_in_dim3A_215 = vector.broadcast %jit3A_214 : i32 to vector<128x512xi32>
    %select_n3A_216 = arith.select %eq3A_213, %broadcast_in_dim3A_215, %select_n3A_208 : vector<128x512xi1>, vector<128x512xi32>
    %reduce_min3A_217 = arith.constant dense<2147483647> : vector<128xi32>
    %reduce_min3A_218 = vector.multi_reduction <minsi>, %select_n3A_216, %reduce_min3A_217 [1] : vector<128x512xi32> to vector<128xi32>
    %broadcast_in_dim3A_219 = vector.shape_cast %reduce_min3A_218 : vector<128xi32> to vector<128x1xi32>
    %eq3A_220 = vector.broadcast %broadcast_in_dim3A_219 : vector<128x1xi32> to vector<128x512xi32>
    %eq3A_221 = arith.cmpi eq, %select_n3A_216, %eq3A_220 : vector<128x512xi32>
    %jit3A_222 = arith.constant 1073741824 : i32
    %broadcast_in_dim3A_223 = vector.broadcast %jit3A_222 : i32 to vector<128x512xi32>
    %select_n3A_224 = arith.select %eq3A_221, %broadcast_in_dim3A_223, %select_n3A_216 : vector<128x512xi1>, vector<128x512xi32>
    %reduce_min3A_225 = arith.constant dense<2147483647> : vector<128xi32>
    %reduce_min3A_226 = vector.multi_reduction <minsi>, %select_n3A_224, %reduce_min3A_225 [1] : vector<128x512xi32> to vector<128xi32>
    %broadcast_in_dim3A_227 = vector.shape_cast %reduce_min3A_226 : vector<128xi32> to vector<128x1xi32>
    %eq3A_228 = vector.broadcast %broadcast_in_dim3A_227 : vector<128x1xi32> to vector<128x512xi32>
    %eq3A_229 = arith.cmpi eq, %select_n3A_224, %eq3A_228 : vector<128x512xi32>
    %jit3A_230 = arith.constant 1073741824 : i32
    %broadcast_in_dim3A_231 = vector.broadcast %jit3A_230 : i32 to vector<128x512xi32>
    %select_n3A_232 = arith.select %eq3A_229, %broadcast_in_dim3A_231, %select_n3A_224 : vector<128x512xi1>, vector<128x512xi32>
    %reduce_min3A_233 = arith.constant dense<2147483647> : vector<128xi32>
    %reduce_min3A_234 = vector.multi_reduction <minsi>, %select_n3A_232, %reduce_min3A_233 [1] : vector<128x512xi32> to vector<128xi32>
    %broadcast_in_dim3A_235 = vector.shape_cast %reduce_min3A_234 : vector<128xi32> to vector<128x1xi32>
    %eq3A_236 = vector.broadcast %broadcast_in_dim3A_235 : vector<128x1xi32> to vector<128x512xi32>
    %eq3A_237 = arith.cmpi eq, %select_n3A_232, %eq3A_236 : vector<128x512xi32>
    %jit3A_238 = arith.constant 1073741824 : i32
    %broadcast_in_dim3A_239 = vector.broadcast %jit3A_238 : i32 to vector<128x512xi32>
    %select_n3A_240 = arith.select %eq3A_237, %broadcast_in_dim3A_239, %select_n3A_232 : vector<128x512xi1>, vector<128x512xi32>
    %reduce_min3A_241 = arith.constant dense<2147483647> : vector<128xi32>
    %reduce_min3A_242 = vector.multi_reduction <minsi>, %select_n3A_240, %reduce_min3A_241 [1] : vector<128x512xi32> to vector<128xi32>
    %broadcast_in_dim3A_243 = vector.shape_cast %reduce_min3A_242 : vector<128xi32> to vector<128x1xi32>
    %eq3A_244 = vector.broadcast %broadcast_in_dim3A_243 : vector<128x1xi32> to vector<128x512xi32>
    %eq3A_245 = arith.cmpi eq, %select_n3A_240, %eq3A_244 : vector<128x512xi32>
    %jit3A_246 = arith.constant 1073741824 : i32
    %broadcast_in_dim3A_247 = vector.broadcast %jit3A_246 : i32 to vector<128x512xi32>
    %select_n3A_248 = arith.select %eq3A_245, %broadcast_in_dim3A_247, %select_n3A_240 : vector<128x512xi1>, vector<128x512xi32>
    %reduce_min3A_249 = arith.constant dense<2147483647> : vector<128xi32>
    %reduce_min3A_250 = vector.multi_reduction <minsi>, %select_n3A_248, %reduce_min3A_249 [1] : vector<128x512xi32> to vector<128xi32>
    %broadcast_in_dim3A_251 = vector.shape_cast %reduce_min3A_250 : vector<128xi32> to vector<128x1xi32>
    %eq3A_252 = vector.broadcast %broadcast_in_dim3A_251 : vector<128x1xi32> to vector<128x512xi32>
    %eq3A_253 = arith.cmpi eq, %select_n3A_248, %eq3A_252 : vector<128x512xi32>
    %jit3A_254 = arith.constant 1073741824 : i32
    %broadcast_in_dim3A_255 = vector.broadcast %jit3A_254 : i32 to vector<128x512xi32>
    %select_n3A_256 = arith.select %eq3A_253, %broadcast_in_dim3A_255, %select_n3A_248 : vector<128x512xi1>, vector<128x512xi32>
    %reduce_min3A_257 = arith.constant dense<2147483647> : vector<128xi32>
    %reduce_min3A_258 = vector.multi_reduction <minsi>, %select_n3A_256, %reduce_min3A_257 [1] : vector<128x512xi32> to vector<128xi32>
    %broadcast_in_dim3A_259 = vector.shape_cast %reduce_min3A_258 : vector<128xi32> to vector<128x1xi32>
    %eq3A_260 = vector.broadcast %broadcast_in_dim3A_259 : vector<128x1xi32> to vector<128x512xi32>
    %eq3A_261 = arith.cmpi eq, %select_n3A_256, %eq3A_260 : vector<128x512xi32>
    %jit3A_262 = arith.constant 1073741824 : i32
    %broadcast_in_dim3A_263 = vector.broadcast %jit3A_262 : i32 to vector<128x512xi32>
    %select_n3A_264 = arith.select %eq3A_261, %broadcast_in_dim3A_263, %select_n3A_256 : vector<128x512xi1>, vector<128x512xi32>
    %reduce_min3A_265 = arith.constant dense<2147483647> : vector<128xi32>
    %reduce_min3A_266 = vector.multi_reduction <minsi>, %select_n3A_264, %reduce_min3A_265 [1] : vector<128x512xi32> to vector<128xi32>
    %broadcast_in_dim3A_267 = vector.shape_cast %reduce_min3A_266 : vector<128xi32> to vector<128x1xi32>
    %eq3A_268 = vector.broadcast %broadcast_in_dim3A_267 : vector<128x1xi32> to vector<128x512xi32>
    %eq3A_269 = arith.cmpi eq, %select_n3A_264, %eq3A_268 : vector<128x512xi32>
    %jit3A_270 = arith.constant 1073741824 : i32
    %broadcast_in_dim3A_271 = vector.broadcast %jit3A_270 : i32 to vector<128x512xi32>
    %select_n3A_272 = arith.select %eq3A_269, %broadcast_in_dim3A_271, %select_n3A_264 : vector<128x512xi1>, vector<128x512xi32>
    %reduce_min3A_273 = arith.constant dense<2147483647> : vector<128xi32>
    %reduce_min3A_274 = vector.multi_reduction <minsi>, %select_n3A_272, %reduce_min3A_273 [1] : vector<128x512xi32> to vector<128xi32>
    %broadcast_in_dim3A_275 = vector.shape_cast %reduce_min3A_274 : vector<128xi32> to vector<128x1xi32>
    %get3A_276 = arith.constant 0 : index
    %get3A_277 = arith.constant 0 : index
    %get3A_278 = arith.constant 0 : index
    %get3A_279 = vector.load %arg4[%get3A_276, %get3A_277, %get3A_278] : memref<1x512x67xf32, #tpu.memory_space<vmem>>, vector<1x512x67xf32>
    %get3A_280 = vector.shape_cast %get3A_279 : vector<1x512x67xf32> to vector<512x67xf32>
    %ge3A = arith.constant 512 : i32
    %ge3A_281 = vector.broadcast %ge3A : i32 to vector<128x1xi32>
    %ge3A_282 = arith.cmpi sge, %broadcast_in_dim3A_28, %ge3A_281 : vector<128x1xi32>
    %select_n3A_283 = arith.select %ge3A_282, %broadcast_in_dim3A_28, %broadcast_in_dim3A_28 : vector<128x1xi1>, vector<128x1xi32>
    %eq3A_284 = vector.broadcast %select_n3A_283 : vector<128x1xi32> to vector<128x512xi32>
    %eq3A_285 = arith.cmpi eq, %iota3A, %eq3A_284 : vector<128x512xi32>
    %convert_element_type3A = arith.extui %eq3A_285 : vector<128x512xi1> to vector<128x512xi32>
    %convert_element_type3A_286 = arith.sitofp %convert_element_type3A : vector<128x512xi32> to vector<128x512xf32>
    %dot_general3A = arith.constant dense<0.000000e+00> : vector<128x67xf32>
    %dot_general3A_287 = tpu.matmul %convert_element_type3A_286, %get3A_280, %dot_general3A {dimension_numbers = #tpu.dot_dimension_numbers<[1], [0], [0], [1], [0, 0, 1, 1], [], []>, transpose_lhs_hint = false} : vector<128x512xf32>, vector<512x67xf32>, vector<128x67xf32> -> vector<128x67xf32>
    %slice3A_288 = vector.extract_strided_slice %dot_general3A_287 {offsets = [0, 0], sizes = [128, 3], strides = [1, 1]} : vector<128x67xf32> to vector<128x3xf32>
    %sub3A_289 = arith.subf %slice3A_288, %get3A_3 : vector<128x3xf32>
    %slice3A_290 = vector.extract_strided_slice %dot_general3A_287 {offsets = [0, 3], sizes = [128, 64], strides = [1, 1]} : vector<128x67xf32> to vector<128x64xf32>
    %concatenate3A = tpu.concatenate %sub3A_289, %slice3A_290 in 1 : vector<128x3xf32>, vector<128x64xf32> -> vector<128x67xf32>
    %ge3A_291 = arith.constant 512 : i32
    %ge3A_292 = vector.broadcast %ge3A_291 : i32 to vector<128x1xi32>
    %ge3A_293 = arith.cmpi sge, %broadcast_in_dim3A_35, %ge3A_292 : vector<128x1xi32>
    %select_n3A_294 = arith.select %ge3A_293, %broadcast_in_dim3A_28, %broadcast_in_dim3A_35 : vector<128x1xi1>, vector<128x1xi32>
    %eq3A_295 = vector.broadcast %select_n3A_294 : vector<128x1xi32> to vector<128x512xi32>
    %eq3A_296 = arith.cmpi eq, %iota3A, %eq3A_295 : vector<128x512xi32>
    %convert_element_type3A_297 = arith.extui %eq3A_296 : vector<128x512xi1> to vector<128x512xi32>
    %convert_element_type3A_298 = arith.sitofp %convert_element_type3A_297 : vector<128x512xi32> to vector<128x512xf32>
    %dot_general3A_299 = arith.constant dense<0.000000e+00> : vector<128x67xf32>
    %dot_general3A_300 = tpu.matmul %convert_element_type3A_298, %get3A_280, %dot_general3A_299 {dimension_numbers = #tpu.dot_dimension_numbers<[1], [0], [0], [1], [0, 0, 1, 1], [], []>, transpose_lhs_hint = false} : vector<128x512xf32>, vector<512x67xf32>, vector<128x67xf32> -> vector<128x67xf32>
    %slice3A_301 = vector.extract_strided_slice %dot_general3A_300 {offsets = [0, 0], sizes = [128, 3], strides = [1, 1]} : vector<128x67xf32> to vector<128x3xf32>
    %sub3A_302 = arith.subf %slice3A_301, %get3A_3 : vector<128x3xf32>
    %slice3A_303 = vector.extract_strided_slice %dot_general3A_300 {offsets = [0, 3], sizes = [128, 64], strides = [1, 1]} : vector<128x67xf32> to vector<128x64xf32>
    %concatenate3A_304 = tpu.concatenate %sub3A_302, %slice3A_303 in 1 : vector<128x3xf32>, vector<128x64xf32> -> vector<128x67xf32>
    %ge3A_305 = arith.constant 512 : i32
    %ge3A_306 = vector.broadcast %ge3A_305 : i32 to vector<128x1xi32>
    %ge3A_307 = arith.cmpi sge, %broadcast_in_dim3A_43, %ge3A_306 : vector<128x1xi32>
    %select_n3A_308 = arith.select %ge3A_307, %broadcast_in_dim3A_28, %broadcast_in_dim3A_43 : vector<128x1xi1>, vector<128x1xi32>
    %eq3A_309 = vector.broadcast %select_n3A_308 : vector<128x1xi32> to vector<128x512xi32>
    %eq3A_310 = arith.cmpi eq, %iota3A, %eq3A_309 : vector<128x512xi32>
    %convert_element_type3A_311 = arith.extui %eq3A_310 : vector<128x512xi1> to vector<128x512xi32>
    %convert_element_type3A_312 = arith.sitofp %convert_element_type3A_311 : vector<128x512xi32> to vector<128x512xf32>
    %dot_general3A_313 = arith.constant dense<0.000000e+00> : vector<128x67xf32>
    %dot_general3A_314 = tpu.matmul %convert_element_type3A_312, %get3A_280, %dot_general3A_313 {dimension_numbers = #tpu.dot_dimension_numbers<[1], [0], [0], [1], [0, 0, 1, 1], [], []>, transpose_lhs_hint = false} : vector<128x512xf32>, vector<512x67xf32>, vector<128x67xf32> -> vector<128x67xf32>
    %slice3A_315 = vector.extract_strided_slice %dot_general3A_314 {offsets = [0, 0], sizes = [128, 3], strides = [1, 1]} : vector<128x67xf32> to vector<128x3xf32>
    %sub3A_316 = arith.subf %slice3A_315, %get3A_3 : vector<128x3xf32>
    %slice3A_317 = vector.extract_strided_slice %dot_general3A_314 {offsets = [0, 3], sizes = [128, 64], strides = [1, 1]} : vector<128x67xf32> to vector<128x64xf32>
    %concatenate3A_318 = tpu.concatenate %sub3A_316, %slice3A_317 in 1 : vector<128x3xf32>, vector<128x64xf32> -> vector<128x67xf32>
    %ge3A_319 = arith.constant 512 : i32
    %ge3A_320 = vector.broadcast %ge3A_319 : i32 to vector<128x1xi32>
    %ge3A_321 = arith.cmpi sge, %broadcast_in_dim3A_51, %ge3A_320 : vector<128x1xi32>
    %select_n3A_322 = arith.select %ge3A_321, %broadcast_in_dim3A_28, %broadcast_in_dim3A_51 : vector<128x1xi1>, vector<128x1xi32>
    %eq3A_323 = vector.broadcast %select_n3A_322 : vector<128x1xi32> to vector<128x512xi32>
    %eq3A_324 = arith.cmpi eq, %iota3A, %eq3A_323 : vector<128x512xi32>
    %convert_element_type3A_325 = arith.extui %eq3A_324 : vector<128x512xi1> to vector<128x512xi32>
    %convert_element_type3A_326 = arith.sitofp %convert_element_type3A_325 : vector<128x512xi32> to vector<128x512xf32>
    %dot_general3A_327 = arith.constant dense<0.000000e+00> : vector<128x67xf32>
    %dot_general3A_328 = tpu.matmul %convert_element_type3A_326, %get3A_280, %dot_general3A_327 {dimension_numbers = #tpu.dot_dimension_numbers<[1], [0], [0], [1], [0, 0, 1, 1], [], []>, transpose_lhs_hint = false} : vector<128x512xf32>, vector<512x67xf32>, vector<128x67xf32> -> vector<128x67xf32>
    %slice3A_329 = vector.extract_strided_slice %dot_general3A_328 {offsets = [0, 0], sizes = [128, 3], strides = [1, 1]} : vector<128x67xf32> to vector<128x3xf32>
    %sub3A_330 = arith.subf %slice3A_329, %get3A_3 : vector<128x3xf32>
    %slice3A_331 = vector.extract_strided_slice %dot_general3A_328 {offsets = [0, 3], sizes = [128, 64], strides = [1, 1]} : vector<128x67xf32> to vector<128x64xf32>
    %concatenate3A_332 = tpu.concatenate %sub3A_330, %slice3A_331 in 1 : vector<128x3xf32>, vector<128x64xf32> -> vector<128x67xf32>
    %ge3A_333 = arith.constant 512 : i32
    %ge3A_334 = vector.broadcast %ge3A_333 : i32 to vector<128x1xi32>
    %ge3A_335 = arith.cmpi sge, %broadcast_in_dim3A_59, %ge3A_334 : vector<128x1xi32>
    %select_n3A_336 = arith.select %ge3A_335, %broadcast_in_dim3A_28, %broadcast_in_dim3A_59 : vector<128x1xi1>, vector<128x1xi32>
    %eq3A_337 = vector.broadcast %select_n3A_336 : vector<128x1xi32> to vector<128x512xi32>
    %eq3A_338 = arith.cmpi eq, %iota3A, %eq3A_337 : vector<128x512xi32>
    %convert_element_type3A_339 = arith.extui %eq3A_338 : vector<128x512xi1> to vector<128x512xi32>
    %convert_element_type3A_340 = arith.sitofp %convert_element_type3A_339 : vector<128x512xi32> to vector<128x512xf32>
    %dot_general3A_341 = arith.constant dense<0.000000e+00> : vector<128x67xf32>
    %dot_general3A_342 = tpu.matmul %convert_element_type3A_340, %get3A_280, %dot_general3A_341 {dimension_numbers = #tpu.dot_dimension_numbers<[1], [0], [0], [1], [0, 0, 1, 1], [], []>, transpose_lhs_hint = false} : vector<128x512xf32>, vector<512x67xf32>, vector<128x67xf32> -> vector<128x67xf32>
    %slice3A_343 = vector.extract_strided_slice %dot_general3A_342 {offsets = [0, 0], sizes = [128, 3], strides = [1, 1]} : vector<128x67xf32> to vector<128x3xf32>
    %sub3A_344 = arith.subf %slice3A_343, %get3A_3 : vector<128x3xf32>
    %slice3A_345 = vector.extract_strided_slice %dot_general3A_342 {offsets = [0, 3], sizes = [128, 64], strides = [1, 1]} : vector<128x67xf32> to vector<128x64xf32>
    %concatenate3A_346 = tpu.concatenate %sub3A_344, %slice3A_345 in 1 : vector<128x3xf32>, vector<128x64xf32> -> vector<128x67xf32>
    %ge3A_347 = arith.constant 512 : i32
    %ge3A_348 = vector.broadcast %ge3A_347 : i32 to vector<128x1xi32>
    %ge3A_349 = arith.cmpi sge, %broadcast_in_dim3A_67, %ge3A_348 : vector<128x1xi32>
    %select_n3A_350 = arith.select %ge3A_349, %broadcast_in_dim3A_28, %broadcast_in_dim3A_67 : vector<128x1xi1>, vector<128x1xi32>
    %eq3A_351 = vector.broadcast %select_n3A_350 : vector<128x1xi32> to vector<128x512xi32>
    %eq3A_352 = arith.cmpi eq, %iota3A, %eq3A_351 : vector<128x512xi32>
    %convert_element_type3A_353 = arith.extui %eq3A_352 : vector<128x512xi1> to vector<128x512xi32>
    %convert_element_type3A_354 = arith.sitofp %convert_element_type3A_353 : vector<128x512xi32> to vector<128x512xf32>
    %dot_general3A_355 = arith.constant dense<0.000000e+00> : vector<128x67xf32>
    %dot_general3A_356 = tpu.matmul %convert_element_type3A_354, %get3A_280, %dot_general3A_355 {dimension_numbers = #tpu.dot_dimension_numbers<[1], [0], [0], [1], [0, 0, 1, 1], [], []>, transpose_lhs_hint = false} : vector<128x512xf32>, vector<512x67xf32>, vector<128x67xf32> -> vector<128x67xf32>
    %slice3A_357 = vector.extract_strided_slice %dot_general3A_356 {offsets = [0, 0], sizes = [128, 3], strides = [1, 1]} : vector<128x67xf32> to vector<128x3xf32>
    %sub3A_358 = arith.subf %slice3A_357, %get3A_3 : vector<128x3xf32>
    %slice3A_359 = vector.extract_strided_slice %dot_general3A_356 {offsets = [0, 3], sizes = [128, 64], strides = [1, 1]} : vector<128x67xf32> to vector<128x64xf32>
    %concatenate3A_360 = tpu.concatenate %sub3A_358, %slice3A_359 in 1 : vector<128x3xf32>, vector<128x64xf32> -> vector<128x67xf32>
    %ge3A_361 = arith.constant 512 : i32
    %ge3A_362 = vector.broadcast %ge3A_361 : i32 to vector<128x1xi32>
    %ge3A_363 = arith.cmpi sge, %broadcast_in_dim3A_75, %ge3A_362 : vector<128x1xi32>
    %select_n3A_364 = arith.select %ge3A_363, %broadcast_in_dim3A_28, %broadcast_in_dim3A_75 : vector<128x1xi1>, vector<128x1xi32>
    %eq3A_365 = vector.broadcast %select_n3A_364 : vector<128x1xi32> to vector<128x512xi32>
    %eq3A_366 = arith.cmpi eq, %iota3A, %eq3A_365 : vector<128x512xi32>
    %convert_element_type3A_367 = arith.extui %eq3A_366 : vector<128x512xi1> to vector<128x512xi32>
    %convert_element_type3A_368 = arith.sitofp %convert_element_type3A_367 : vector<128x512xi32> to vector<128x512xf32>
    %dot_general3A_369 = arith.constant dense<0.000000e+00> : vector<128x67xf32>
    %dot_general3A_370 = tpu.matmul %convert_element_type3A_368, %get3A_280, %dot_general3A_369 {dimension_numbers = #tpu.dot_dimension_numbers<[1], [0], [0], [1], [0, 0, 1, 1], [], []>, transpose_lhs_hint = false} : vector<128x512xf32>, vector<512x67xf32>, vector<128x67xf32> -> vector<128x67xf32>
    %slice3A_371 = vector.extract_strided_slice %dot_general3A_370 {offsets = [0, 0], sizes = [128, 3], strides = [1, 1]} : vector<128x67xf32> to vector<128x3xf32>
    %sub3A_372 = arith.subf %slice3A_371, %get3A_3 : vector<128x3xf32>
    %slice3A_373 = vector.extract_strided_slice %dot_general3A_370 {offsets = [0, 3], sizes = [128, 64], strides = [1, 1]} : vector<128x67xf32> to vector<128x64xf32>
    %concatenate3A_374 = tpu.concatenate %sub3A_372, %slice3A_373 in 1 : vector<128x3xf32>, vector<128x64xf32> -> vector<128x67xf32>
    %ge3A_375 = arith.constant 512 : i32
    %ge3A_376 = vector.broadcast %ge3A_375 : i32 to vector<128x1xi32>
    %ge3A_377 = arith.cmpi sge, %broadcast_in_dim3A_83, %ge3A_376 : vector<128x1xi32>
    %select_n3A_378 = arith.select %ge3A_377, %broadcast_in_dim3A_28, %broadcast_in_dim3A_83 : vector<128x1xi1>, vector<128x1xi32>
    %eq3A_379 = vector.broadcast %select_n3A_378 : vector<128x1xi32> to vector<128x512xi32>
    %eq3A_380 = arith.cmpi eq, %iota3A, %eq3A_379 : vector<128x512xi32>
    %convert_element_type3A_381 = arith.extui %eq3A_380 : vector<128x512xi1> to vector<128x512xi32>
    %convert_element_type3A_382 = arith.sitofp %convert_element_type3A_381 : vector<128x512xi32> to vector<128x512xf32>
    %dot_general3A_383 = arith.constant dense<0.000000e+00> : vector<128x67xf32>
    %dot_general3A_384 = tpu.matmul %convert_element_type3A_382, %get3A_280, %dot_general3A_383 {dimension_numbers = #tpu.dot_dimension_numbers<[1], [0], [0], [1], [0, 0, 1, 1], [], []>, transpose_lhs_hint = false} : vector<128x512xf32>, vector<512x67xf32>, vector<128x67xf32> -> vector<128x67xf32>
    %slice3A_385 = vector.extract_strided_slice %dot_general3A_384 {offsets = [0, 0], sizes = [128, 3], strides = [1, 1]} : vector<128x67xf32> to vector<128x3xf32>
    %sub3A_386 = arith.subf %slice3A_385, %get3A_3 : vector<128x3xf32>
    %slice3A_387 = vector.extract_strided_slice %dot_general3A_384 {offsets = [0, 3], sizes = [128, 64], strides = [1, 1]} : vector<128x67xf32> to vector<128x64xf32>
    %concatenate3A_388 = tpu.concatenate %sub3A_386, %slice3A_387 in 1 : vector<128x3xf32>, vector<128x64xf32> -> vector<128x67xf32>
    %ge3A_389 = arith.constant 512 : i32
    %ge3A_390 = vector.broadcast %ge3A_389 : i32 to vector<128x1xi32>
    %ge3A_391 = arith.cmpi sge, %broadcast_in_dim3A_91, %ge3A_390 : vector<128x1xi32>
    %select_n3A_392 = arith.select %ge3A_391, %broadcast_in_dim3A_28, %broadcast_in_dim3A_91 : vector<128x1xi1>, vector<128x1xi32>
    %eq3A_393 = vector.broadcast %select_n3A_392 : vector<128x1xi32> to vector<128x512xi32>
    %eq3A_394 = arith.cmpi eq, %iota3A, %eq3A_393 : vector<128x512xi32>
    %convert_element_type3A_395 = arith.extui %eq3A_394 : vector<128x512xi1> to vector<128x512xi32>
    %convert_element_type3A_396 = arith.sitofp %convert_element_type3A_395 : vector<128x512xi32> to vector<128x512xf32>
    %dot_general3A_397 = arith.constant dense<0.000000e+00> : vector<128x67xf32>
    %dot_general3A_398 = tpu.matmul %convert_element_type3A_396, %get3A_280, %dot_general3A_397 {dimension_numbers = #tpu.dot_dimension_numbers<[1], [0], [0], [1], [0, 0, 1, 1], [], []>, transpose_lhs_hint = false} : vector<128x512xf32>, vector<512x67xf32>, vector<128x67xf32> -> vector<128x67xf32>
    %slice3A_399 = vector.extract_strided_slice %dot_general3A_398 {offsets = [0, 0], sizes = [128, 3], strides = [1, 1]} : vector<128x67xf32> to vector<128x3xf32>
    %sub3A_400 = arith.subf %slice3A_399, %get3A_3 : vector<128x3xf32>
    %slice3A_401 = vector.extract_strided_slice %dot_general3A_398 {offsets = [0, 3], sizes = [128, 64], strides = [1, 1]} : vector<128x67xf32> to vector<128x64xf32>
    %concatenate3A_402 = tpu.concatenate %sub3A_400, %slice3A_401 in 1 : vector<128x3xf32>, vector<128x64xf32> -> vector<128x67xf32>
    %ge3A_403 = arith.constant 512 : i32
    %ge3A_404 = vector.broadcast %ge3A_403 : i32 to vector<128x1xi32>
    %ge3A_405 = arith.cmpi sge, %broadcast_in_dim3A_99, %ge3A_404 : vector<128x1xi32>
    %select_n3A_406 = arith.select %ge3A_405, %broadcast_in_dim3A_28, %broadcast_in_dim3A_99 : vector<128x1xi1>, vector<128x1xi32>
    %eq3A_407 = vector.broadcast %select_n3A_406 : vector<128x1xi32> to vector<128x512xi32>
    %eq3A_408 = arith.cmpi eq, %iota3A, %eq3A_407 : vector<128x512xi32>
    %convert_element_type3A_409 = arith.extui %eq3A_408 : vector<128x512xi1> to vector<128x512xi32>
    %convert_element_type3A_410 = arith.sitofp %convert_element_type3A_409 : vector<128x512xi32> to vector<128x512xf32>
    %dot_general3A_411 = arith.constant dense<0.000000e+00> : vector<128x67xf32>
    %dot_general3A_412 = tpu.matmul %convert_element_type3A_410, %get3A_280, %dot_general3A_411 {dimension_numbers = #tpu.dot_dimension_numbers<[1], [0], [0], [1], [0, 0, 1, 1], [], []>, transpose_lhs_hint = false} : vector<128x512xf32>, vector<512x67xf32>, vector<128x67xf32> -> vector<128x67xf32>
    %slice3A_413 = vector.extract_strided_slice %dot_general3A_412 {offsets = [0, 0], sizes = [128, 3], strides = [1, 1]} : vector<128x67xf32> to vector<128x3xf32>
    %sub3A_414 = arith.subf %slice3A_413, %get3A_3 : vector<128x3xf32>
    %slice3A_415 = vector.extract_strided_slice %dot_general3A_412 {offsets = [0, 3], sizes = [128, 64], strides = [1, 1]} : vector<128x67xf32> to vector<128x64xf32>
    %concatenate3A_416 = tpu.concatenate %sub3A_414, %slice3A_415 in 1 : vector<128x3xf32>, vector<128x64xf32> -> vector<128x67xf32>
    %ge3A_417 = arith.constant 512 : i32
    %ge3A_418 = vector.broadcast %ge3A_417 : i32 to vector<128x1xi32>
    %ge3A_419 = arith.cmpi sge, %broadcast_in_dim3A_107, %ge3A_418 : vector<128x1xi32>
    %select_n3A_420 = arith.select %ge3A_419, %broadcast_in_dim3A_28, %broadcast_in_dim3A_107 : vector<128x1xi1>, vector<128x1xi32>
    %eq3A_421 = vector.broadcast %select_n3A_420 : vector<128x1xi32> to vector<128x512xi32>
    %eq3A_422 = arith.cmpi eq, %iota3A, %eq3A_421 : vector<128x512xi32>
    %convert_element_type3A_423 = arith.extui %eq3A_422 : vector<128x512xi1> to vector<128x512xi32>
    %convert_element_type3A_424 = arith.sitofp %convert_element_type3A_423 : vector<128x512xi32> to vector<128x512xf32>
    %dot_general3A_425 = arith.constant dense<0.000000e+00> : vector<128x67xf32>
    %dot_general3A_426 = tpu.matmul %convert_element_type3A_424, %get3A_280, %dot_general3A_425 {dimension_numbers = #tpu.dot_dimension_numbers<[1], [0], [0], [1], [0, 0, 1, 1], [], []>, transpose_lhs_hint = false} : vector<128x512xf32>, vector<512x67xf32>, vector<128x67xf32> -> vector<128x67xf32>
    %slice3A_427 = vector.extract_strided_slice %dot_general3A_426 {offsets = [0, 0], sizes = [128, 3], strides = [1, 1]} : vector<128x67xf32> to vector<128x3xf32>
    %sub3A_428 = arith.subf %slice3A_427, %get3A_3 : vector<128x3xf32>
    %slice3A_429 = vector.extract_strided_slice %dot_general3A_426 {offsets = [0, 3], sizes = [128, 64], strides = [1, 1]} : vector<128x67xf32> to vector<128x64xf32>
    %concatenate3A_430 = tpu.concatenate %sub3A_428, %slice3A_429 in 1 : vector<128x3xf32>, vector<128x64xf32> -> vector<128x67xf32>
    %ge3A_431 = arith.constant 512 : i32
    %ge3A_432 = vector.broadcast %ge3A_431 : i32 to vector<128x1xi32>
    %ge3A_433 = arith.cmpi sge, %broadcast_in_dim3A_115, %ge3A_432 : vector<128x1xi32>
    %select_n3A_434 = arith.select %ge3A_433, %broadcast_in_dim3A_28, %broadcast_in_dim3A_115 : vector<128x1xi1>, vector<128x1xi32>
    %eq3A_435 = vector.broadcast %select_n3A_434 : vector<128x1xi32> to vector<128x512xi32>
    %eq3A_436 = arith.cmpi eq, %iota3A, %eq3A_435 : vector<128x512xi32>
    %convert_element_type3A_437 = arith.extui %eq3A_436 : vector<128x512xi1> to vector<128x512xi32>
    %convert_element_type3A_438 = arith.sitofp %convert_element_type3A_437 : vector<128x512xi32> to vector<128x512xf32>
    %dot_general3A_439 = arith.constant dense<0.000000e+00> : vector<128x67xf32>
    %dot_general3A_440 = tpu.matmul %convert_element_type3A_438, %get3A_280, %dot_general3A_439 {dimension_numbers = #tpu.dot_dimension_numbers<[1], [0], [0], [1], [0, 0, 1, 1], [], []>, transpose_lhs_hint = false} : vector<128x512xf32>, vector<512x67xf32>, vector<128x67xf32> -> vector<128x67xf32>
    %slice3A_441 = vector.extract_strided_slice %dot_general3A_440 {offsets = [0, 0], sizes = [128, 3], strides = [1, 1]} : vector<128x67xf32> to vector<128x3xf32>
    %sub3A_442 = arith.subf %slice3A_441, %get3A_3 : vector<128x3xf32>
    %slice3A_443 = vector.extract_strided_slice %dot_general3A_440 {offsets = [0, 3], sizes = [128, 64], strides = [1, 1]} : vector<128x67xf32> to vector<128x64xf32>
    %concatenate3A_444 = tpu.concatenate %sub3A_442, %slice3A_443 in 1 : vector<128x3xf32>, vector<128x64xf32> -> vector<128x67xf32>
    %ge3A_445 = arith.constant 512 : i32
    %ge3A_446 = vector.broadcast %ge3A_445 : i32 to vector<128x1xi32>
    %ge3A_447 = arith.cmpi sge, %broadcast_in_dim3A_123, %ge3A_446 : vector<128x1xi32>
    %select_n3A_448 = arith.select %ge3A_447, %broadcast_in_dim3A_28, %broadcast_in_dim3A_123 : vector<128x1xi1>, vector<128x1xi32>
    %eq3A_449 = vector.broadcast %select_n3A_448 : vector<128x1xi32> to vector<128x512xi32>
    %eq3A_450 = arith.cmpi eq, %iota3A, %eq3A_449 : vector<128x512xi32>
    %convert_element_type3A_451 = arith.extui %eq3A_450 : vector<128x512xi1> to vector<128x512xi32>
    %convert_element_type3A_452 = arith.sitofp %convert_element_type3A_451 : vector<128x512xi32> to vector<128x512xf32>
    %dot_general3A_453 = arith.constant dense<0.000000e+00> : vector<128x67xf32>
    %dot_general3A_454 = tpu.matmul %convert_element_type3A_452, %get3A_280, %dot_general3A_453 {dimension_numbers = #tpu.dot_dimension_numbers<[1], [0], [0], [1], [0, 0, 1, 1], [], []>, transpose_lhs_hint = false} : vector<128x512xf32>, vector<512x67xf32>, vector<128x67xf32> -> vector<128x67xf32>
    %slice3A_455 = vector.extract_strided_slice %dot_general3A_454 {offsets = [0, 0], sizes = [128, 3], strides = [1, 1]} : vector<128x67xf32> to vector<128x3xf32>
    %sub3A_456 = arith.subf %slice3A_455, %get3A_3 : vector<128x3xf32>
    %slice3A_457 = vector.extract_strided_slice %dot_general3A_454 {offsets = [0, 3], sizes = [128, 64], strides = [1, 1]} : vector<128x67xf32> to vector<128x64xf32>
    %concatenate3A_458 = tpu.concatenate %sub3A_456, %slice3A_457 in 1 : vector<128x3xf32>, vector<128x64xf32> -> vector<128x67xf32>
    %ge3A_459 = arith.constant 512 : i32
    %ge3A_460 = vector.broadcast %ge3A_459 : i32 to vector<128x1xi32>
    %ge3A_461 = arith.cmpi sge, %broadcast_in_dim3A_131, %ge3A_460 : vector<128x1xi32>
    %select_n3A_462 = arith.select %ge3A_461, %broadcast_in_dim3A_28, %broadcast_in_dim3A_131 : vector<128x1xi1>, vector<128x1xi32>
    %eq3A_463 = vector.broadcast %select_n3A_462 : vector<128x1xi32> to vector<128x512xi32>
    %eq3A_464 = arith.cmpi eq, %iota3A, %eq3A_463 : vector<128x512xi32>
    %convert_element_type3A_465 = arith.extui %eq3A_464 : vector<128x512xi1> to vector<128x512xi32>
    %convert_element_type3A_466 = arith.sitofp %convert_element_type3A_465 : vector<128x512xi32> to vector<128x512xf32>
    %dot_general3A_467 = arith.constant dense<0.000000e+00> : vector<128x67xf32>
    %dot_general3A_468 = tpu.matmul %convert_element_type3A_466, %get3A_280, %dot_general3A_467 {dimension_numbers = #tpu.dot_dimension_numbers<[1], [0], [0], [1], [0, 0, 1, 1], [], []>, transpose_lhs_hint = false} : vector<128x512xf32>, vector<512x67xf32>, vector<128x67xf32> -> vector<128x67xf32>
    %slice3A_469 = vector.extract_strided_slice %dot_general3A_468 {offsets = [0, 0], sizes = [128, 3], strides = [1, 1]} : vector<128x67xf32> to vector<128x3xf32>
    %sub3A_470 = arith.subf %slice3A_469, %get3A_3 : vector<128x3xf32>
    %slice3A_471 = vector.extract_strided_slice %dot_general3A_468 {offsets = [0, 3], sizes = [128, 64], strides = [1, 1]} : vector<128x67xf32> to vector<128x64xf32>
    %concatenate3A_472 = tpu.concatenate %sub3A_470, %slice3A_471 in 1 : vector<128x3xf32>, vector<128x64xf32> -> vector<128x67xf32>
    %ge3A_473 = arith.constant 512 : i32
    %ge3A_474 = vector.broadcast %ge3A_473 : i32 to vector<128x1xi32>
    %ge3A_475 = arith.cmpi sge, %broadcast_in_dim3A_139, %ge3A_474 : vector<128x1xi32>
    %select_n3A_476 = arith.select %ge3A_475, %broadcast_in_dim3A_28, %broadcast_in_dim3A_139 : vector<128x1xi1>, vector<128x1xi32>
    %eq3A_477 = vector.broadcast %select_n3A_476 : vector<128x1xi32> to vector<128x512xi32>
    %eq3A_478 = arith.cmpi eq, %iota3A, %eq3A_477 : vector<128x512xi32>
    %convert_element_type3A_479 = arith.extui %eq3A_478 : vector<128x512xi1> to vector<128x512xi32>
    %convert_element_type3A_480 = arith.sitofp %convert_element_type3A_479 : vector<128x512xi32> to vector<128x512xf32>
    %dot_general3A_481 = arith.constant dense<0.000000e+00> : vector<128x67xf32>
    %dot_general3A_482 = tpu.matmul %convert_element_type3A_480, %get3A_280, %dot_general3A_481 {dimension_numbers = #tpu.dot_dimension_numbers<[1], [0], [0], [1], [0, 0, 1, 1], [], []>, transpose_lhs_hint = false} : vector<128x512xf32>, vector<512x67xf32>, vector<128x67xf32> -> vector<128x67xf32>
    %slice3A_483 = vector.extract_strided_slice %dot_general3A_482 {offsets = [0, 0], sizes = [128, 3], strides = [1, 1]} : vector<128x67xf32> to vector<128x3xf32>
    %sub3A_484 = arith.subf %slice3A_483, %get3A_3 : vector<128x3xf32>
    %slice3A_485 = vector.extract_strided_slice %dot_general3A_482 {offsets = [0, 3], sizes = [128, 64], strides = [1, 1]} : vector<128x67xf32> to vector<128x64xf32>
    %concatenate3A_486 = tpu.concatenate %sub3A_484, %slice3A_485 in 1 : vector<128x3xf32>, vector<128x64xf32> -> vector<128x67xf32>
    %ge3A_487 = arith.constant 512 : i32
    %ge3A_488 = vector.broadcast %ge3A_487 : i32 to vector<128x1xi32>
    %ge3A_489 = arith.cmpi sge, %broadcast_in_dim3A_147, %ge3A_488 : vector<128x1xi32>
    %select_n3A_490 = arith.select %ge3A_489, %broadcast_in_dim3A_28, %broadcast_in_dim3A_147 : vector<128x1xi1>, vector<128x1xi32>
    %eq3A_491 = vector.broadcast %select_n3A_490 : vector<128x1xi32> to vector<128x512xi32>
    %eq3A_492 = arith.cmpi eq, %iota3A, %eq3A_491 : vector<128x512xi32>
    %convert_element_type3A_493 = arith.extui %eq3A_492 : vector<128x512xi1> to vector<128x512xi32>
    %convert_element_type3A_494 = arith.sitofp %convert_element_type3A_493 : vector<128x512xi32> to vector<128x512xf32>
    %dot_general3A_495 = arith.constant dense<0.000000e+00> : vector<128x67xf32>
    %dot_general3A_496 = tpu.matmul %convert_element_type3A_494, %get3A_280, %dot_general3A_495 {dimension_numbers = #tpu.dot_dimension_numbers<[1], [0], [0], [1], [0, 0, 1, 1], [], []>, transpose_lhs_hint = false} : vector<128x512xf32>, vector<512x67xf32>, vector<128x67xf32> -> vector<128x67xf32>
    %slice3A_497 = vector.extract_strided_slice %dot_general3A_496 {offsets = [0, 0], sizes = [128, 3], strides = [1, 1]} : vector<128x67xf32> to vector<128x3xf32>
    %sub3A_498 = arith.subf %slice3A_497, %get3A_3 : vector<128x3xf32>
    %slice3A_499 = vector.extract_strided_slice %dot_general3A_496 {offsets = [0, 3], sizes = [128, 64], strides = [1, 1]} : vector<128x67xf32> to vector<128x64xf32>
    %concatenate3A_500 = tpu.concatenate %sub3A_498, %slice3A_499 in 1 : vector<128x3xf32>, vector<128x64xf32> -> vector<128x67xf32>
    %ge3A_501 = arith.constant 512 : i32
    %ge3A_502 = vector.broadcast %ge3A_501 : i32 to vector<128x1xi32>
    %ge3A_503 = arith.cmpi sge, %broadcast_in_dim3A_155, %ge3A_502 : vector<128x1xi32>
    %select_n3A_504 = arith.select %ge3A_503, %broadcast_in_dim3A_28, %broadcast_in_dim3A_155 : vector<128x1xi1>, vector<128x1xi32>
    %eq3A_505 = vector.broadcast %select_n3A_504 : vector<128x1xi32> to vector<128x512xi32>
    %eq3A_506 = arith.cmpi eq, %iota3A, %eq3A_505 : vector<128x512xi32>
    %convert_element_type3A_507 = arith.extui %eq3A_506 : vector<128x512xi1> to vector<128x512xi32>
    %convert_element_type3A_508 = arith.sitofp %convert_element_type3A_507 : vector<128x512xi32> to vector<128x512xf32>
    %dot_general3A_509 = arith.constant dense<0.000000e+00> : vector<128x67xf32>
    %dot_general3A_510 = tpu.matmul %convert_element_type3A_508, %get3A_280, %dot_general3A_509 {dimension_numbers = #tpu.dot_dimension_numbers<[1], [0], [0], [1], [0, 0, 1, 1], [], []>, transpose_lhs_hint = false} : vector<128x512xf32>, vector<512x67xf32>, vector<128x67xf32> -> vector<128x67xf32>
    %slice3A_511 = vector.extract_strided_slice %dot_general3A_510 {offsets = [0, 0], sizes = [128, 3], strides = [1, 1]} : vector<128x67xf32> to vector<128x3xf32>
    %sub3A_512 = arith.subf %slice3A_511, %get3A_3 : vector<128x3xf32>
    %slice3A_513 = vector.extract_strided_slice %dot_general3A_510 {offsets = [0, 3], sizes = [128, 64], strides = [1, 1]} : vector<128x67xf32> to vector<128x64xf32>
    %concatenate3A_514 = tpu.concatenate %sub3A_512, %slice3A_513 in 1 : vector<128x3xf32>, vector<128x64xf32> -> vector<128x67xf32>
    %ge3A_515 = arith.constant 512 : i32
    %ge3A_516 = vector.broadcast %ge3A_515 : i32 to vector<128x1xi32>
    %ge3A_517 = arith.cmpi sge, %broadcast_in_dim3A_163, %ge3A_516 : vector<128x1xi32>
    %select_n3A_518 = arith.select %ge3A_517, %broadcast_in_dim3A_28, %broadcast_in_dim3A_163 : vector<128x1xi1>, vector<128x1xi32>
    %eq3A_519 = vector.broadcast %select_n3A_518 : vector<128x1xi32> to vector<128x512xi32>
    %eq3A_520 = arith.cmpi eq, %iota3A, %eq3A_519 : vector<128x512xi32>
    %convert_element_type3A_521 = arith.extui %eq3A_520 : vector<128x512xi1> to vector<128x512xi32>
    %convert_element_type3A_522 = arith.sitofp %convert_element_type3A_521 : vector<128x512xi32> to vector<128x512xf32>
    %dot_general3A_523 = arith.constant dense<0.000000e+00> : vector<128x67xf32>
    %dot_general3A_524 = tpu.matmul %convert_element_type3A_522, %get3A_280, %dot_general3A_523 {dimension_numbers = #tpu.dot_dimension_numbers<[1], [0], [0], [1], [0, 0, 1, 1], [], []>, transpose_lhs_hint = false} : vector<128x512xf32>, vector<512x67xf32>, vector<128x67xf32> -> vector<128x67xf32>
    %slice3A_525 = vector.extract_strided_slice %dot_general3A_524 {offsets = [0, 0], sizes = [128, 3], strides = [1, 1]} : vector<128x67xf32> to vector<128x3xf32>
    %sub3A_526 = arith.subf %slice3A_525, %get3A_3 : vector<128x3xf32>
    %slice3A_527 = vector.extract_strided_slice %dot_general3A_524 {offsets = [0, 3], sizes = [128, 64], strides = [1, 1]} : vector<128x67xf32> to vector<128x64xf32>
    %concatenate3A_528 = tpu.concatenate %sub3A_526, %slice3A_527 in 1 : vector<128x3xf32>, vector<128x64xf32> -> vector<128x67xf32>
    %ge3A_529 = arith.constant 512 : i32
    %ge3A_530 = vector.broadcast %ge3A_529 : i32 to vector<128x1xi32>
    %ge3A_531 = arith.cmpi sge, %broadcast_in_dim3A_171, %ge3A_530 : vector<128x1xi32>
    %select_n3A_532 = arith.select %ge3A_531, %broadcast_in_dim3A_28, %broadcast_in_dim3A_171 : vector<128x1xi1>, vector<128x1xi32>
    %eq3A_533 = vector.broadcast %select_n3A_532 : vector<128x1xi32> to vector<128x512xi32>
    %eq3A_534 = arith.cmpi eq, %iota3A, %eq3A_533 : vector<128x512xi32>
    %convert_element_type3A_535 = arith.extui %eq3A_534 : vector<128x512xi1> to vector<128x512xi32>
    %convert_element_type3A_536 = arith.sitofp %convert_element_type3A_535 : vector<128x512xi32> to vector<128x512xf32>
    %dot_general3A_537 = arith.constant dense<0.000000e+00> : vector<128x67xf32>
    %dot_general3A_538 = tpu.matmul %convert_element_type3A_536, %get3A_280, %dot_general3A_537 {dimension_numbers = #tpu.dot_dimension_numbers<[1], [0], [0], [1], [0, 0, 1, 1], [], []>, transpose_lhs_hint = false} : vector<128x512xf32>, vector<512x67xf32>, vector<128x67xf32> -> vector<128x67xf32>
    %slice3A_539 = vector.extract_strided_slice %dot_general3A_538 {offsets = [0, 0], sizes = [128, 3], strides = [1, 1]} : vector<128x67xf32> to vector<128x3xf32>
    %sub3A_540 = arith.subf %slice3A_539, %get3A_3 : vector<128x3xf32>
    %slice3A_541 = vector.extract_strided_slice %dot_general3A_538 {offsets = [0, 3], sizes = [128, 64], strides = [1, 1]} : vector<128x67xf32> to vector<128x64xf32>
    %concatenate3A_542 = tpu.concatenate %sub3A_540, %slice3A_541 in 1 : vector<128x3xf32>, vector<128x64xf32> -> vector<128x67xf32>
    %ge3A_543 = arith.constant 512 : i32
    %ge3A_544 = vector.broadcast %ge3A_543 : i32 to vector<128x1xi32>
    %ge3A_545 = arith.cmpi sge, %broadcast_in_dim3A_179, %ge3A_544 : vector<128x1xi32>
    %select_n3A_546 = arith.select %ge3A_545, %broadcast_in_dim3A_28, %broadcast_in_dim3A_179 : vector<128x1xi1>, vector<128x1xi32>
    %eq3A_547 = vector.broadcast %select_n3A_546 : vector<128x1xi32> to vector<128x512xi32>
    %eq3A_548 = arith.cmpi eq, %iota3A, %eq3A_547 : vector<128x512xi32>
    %convert_element_type3A_549 = arith.extui %eq3A_548 : vector<128x512xi1> to vector<128x512xi32>
    %convert_element_type3A_550 = arith.sitofp %convert_element_type3A_549 : vector<128x512xi32> to vector<128x512xf32>
    %dot_general3A_551 = arith.constant dense<0.000000e+00> : vector<128x67xf32>
    %dot_general3A_552 = tpu.matmul %convert_element_type3A_550, %get3A_280, %dot_general3A_551 {dimension_numbers = #tpu.dot_dimension_numbers<[1], [0], [0], [1], [0, 0, 1, 1], [], []>, transpose_lhs_hint = false} : vector<128x512xf32>, vector<512x67xf32>, vector<128x67xf32> -> vector<128x67xf32>
    %slice3A_553 = vector.extract_strided_slice %dot_general3A_552 {offsets = [0, 0], sizes = [128, 3], strides = [1, 1]} : vector<128x67xf32> to vector<128x3xf32>
    %sub3A_554 = arith.subf %slice3A_553, %get3A_3 : vector<128x3xf32>
    %slice3A_555 = vector.extract_strided_slice %dot_general3A_552 {offsets = [0, 3], sizes = [128, 64], strides = [1, 1]} : vector<128x67xf32> to vector<128x64xf32>
    %concatenate3A_556 = tpu.concatenate %sub3A_554, %slice3A_555 in 1 : vector<128x3xf32>, vector<128x64xf32> -> vector<128x67xf32>
    %ge3A_557 = arith.constant 512 : i32
    %ge3A_558 = vector.broadcast %ge3A_557 : i32 to vector<128x1xi32>
    %ge3A_559 = arith.cmpi sge, %broadcast_in_dim3A_187, %ge3A_558 : vector<128x1xi32>
    %select_n3A_560 = arith.select %ge3A_559, %broadcast_in_dim3A_28, %broadcast_in_dim3A_187 : vector<128x1xi1>, vector<128x1xi32>
    %eq3A_561 = vector.broadcast %select_n3A_560 : vector<128x1xi32> to vector<128x512xi32>
    %eq3A_562 = arith.cmpi eq, %iota3A, %eq3A_561 : vector<128x512xi32>
    %convert_element_type3A_563 = arith.extui %eq3A_562 : vector<128x512xi1> to vector<128x512xi32>
    %convert_element_type3A_564 = arith.sitofp %convert_element_type3A_563 : vector<128x512xi32> to vector<128x512xf32>
    %dot_general3A_565 = arith.constant dense<0.000000e+00> : vector<128x67xf32>
    %dot_general3A_566 = tpu.matmul %convert_element_type3A_564, %get3A_280, %dot_general3A_565 {dimension_numbers = #tpu.dot_dimension_numbers<[1], [0], [0], [1], [0, 0, 1, 1], [], []>, transpose_lhs_hint = false} : vector<128x512xf32>, vector<512x67xf32>, vector<128x67xf32> -> vector<128x67xf32>
    %slice3A_567 = vector.extract_strided_slice %dot_general3A_566 {offsets = [0, 0], sizes = [128, 3], strides = [1, 1]} : vector<128x67xf32> to vector<128x3xf32>
    %sub3A_568 = arith.subf %slice3A_567, %get3A_3 : vector<128x3xf32>
    %slice3A_569 = vector.extract_strided_slice %dot_general3A_566 {offsets = [0, 3], sizes = [128, 64], strides = [1, 1]} : vector<128x67xf32> to vector<128x64xf32>
    %concatenate3A_570 = tpu.concatenate %sub3A_568, %slice3A_569 in 1 : vector<128x3xf32>, vector<128x64xf32> -> vector<128x67xf32>
    %ge3A_571 = arith.constant 512 : i32
    %ge3A_572 = vector.broadcast %ge3A_571 : i32 to vector<128x1xi32>
    %ge3A_573 = arith.cmpi sge, %broadcast_in_dim3A_195, %ge3A_572 : vector<128x1xi32>
    %select_n3A_574 = arith.select %ge3A_573, %broadcast_in_dim3A_28, %broadcast_in_dim3A_195 : vector<128x1xi1>, vector<128x1xi32>
    %eq3A_575 = vector.broadcast %select_n3A_574 : vector<128x1xi32> to vector<128x512xi32>
    %eq3A_576 = arith.cmpi eq, %iota3A, %eq3A_575 : vector<128x512xi32>
    %convert_element_type3A_577 = arith.extui %eq3A_576 : vector<128x512xi1> to vector<128x512xi32>
    %convert_element_type3A_578 = arith.sitofp %convert_element_type3A_577 : vector<128x512xi32> to vector<128x512xf32>
    %dot_general3A_579 = arith.constant dense<0.000000e+00> : vector<128x67xf32>
    %dot_general3A_580 = tpu.matmul %convert_element_type3A_578, %get3A_280, %dot_general3A_579 {dimension_numbers = #tpu.dot_dimension_numbers<[1], [0], [0], [1], [0, 0, 1, 1], [], []>, transpose_lhs_hint = false} : vector<128x512xf32>, vector<512x67xf32>, vector<128x67xf32> -> vector<128x67xf32>
    %slice3A_581 = vector.extract_strided_slice %dot_general3A_580 {offsets = [0, 0], sizes = [128, 3], strides = [1, 1]} : vector<128x67xf32> to vector<128x3xf32>
    %sub3A_582 = arith.subf %slice3A_581, %get3A_3 : vector<128x3xf32>
    %slice3A_583 = vector.extract_strided_slice %dot_general3A_580 {offsets = [0, 3], sizes = [128, 64], strides = [1, 1]} : vector<128x67xf32> to vector<128x64xf32>
    %concatenate3A_584 = tpu.concatenate %sub3A_582, %slice3A_583 in 1 : vector<128x3xf32>, vector<128x64xf32> -> vector<128x67xf32>
    %ge3A_585 = arith.constant 512 : i32
    %ge3A_586 = vector.broadcast %ge3A_585 : i32 to vector<128x1xi32>
    %ge3A_587 = arith.cmpi sge, %broadcast_in_dim3A_203, %ge3A_586 : vector<128x1xi32>
    %select_n3A_588 = arith.select %ge3A_587, %broadcast_in_dim3A_28, %broadcast_in_dim3A_203 : vector<128x1xi1>, vector<128x1xi32>
    %eq3A_589 = vector.broadcast %select_n3A_588 : vector<128x1xi32> to vector<128x512xi32>
    %eq3A_590 = arith.cmpi eq, %iota3A, %eq3A_589 : vector<128x512xi32>
    %convert_element_type3A_591 = arith.extui %eq3A_590 : vector<128x512xi1> to vector<128x512xi32>
    %convert_element_type3A_592 = arith.sitofp %convert_element_type3A_591 : vector<128x512xi32> to vector<128x512xf32>
    %dot_general3A_593 = arith.constant dense<0.000000e+00> : vector<128x67xf32>
    %dot_general3A_594 = tpu.matmul %convert_element_type3A_592, %get3A_280, %dot_general3A_593 {dimension_numbers = #tpu.dot_dimension_numbers<[1], [0], [0], [1], [0, 0, 1, 1], [], []>, transpose_lhs_hint = false} : vector<128x512xf32>, vector<512x67xf32>, vector<128x67xf32> -> vector<128x67xf32>
    %slice3A_595 = vector.extract_strided_slice %dot_general3A_594 {offsets = [0, 0], sizes = [128, 3], strides = [1, 1]} : vector<128x67xf32> to vector<128x3xf32>
    %sub3A_596 = arith.subf %slice3A_595, %get3A_3 : vector<128x3xf32>
    %slice3A_597 = vector.extract_strided_slice %dot_general3A_594 {offsets = [0, 3], sizes = [128, 64], strides = [1, 1]} : vector<128x67xf32> to vector<128x64xf32>
    %concatenate3A_598 = tpu.concatenate %sub3A_596, %slice3A_597 in 1 : vector<128x3xf32>, vector<128x64xf32> -> vector<128x67xf32>
    %ge3A_599 = arith.constant 512 : i32
    %ge3A_600 = vector.broadcast %ge3A_599 : i32 to vector<128x1xi32>
    %ge3A_601 = arith.cmpi sge, %broadcast_in_dim3A_211, %ge3A_600 : vector<128x1xi32>
    %select_n3A_602 = arith.select %ge3A_601, %broadcast_in_dim3A_28, %broadcast_in_dim3A_211 : vector<128x1xi1>, vector<128x1xi32>
    %eq3A_603 = vector.broadcast %select_n3A_602 : vector<128x1xi32> to vector<128x512xi32>
    %eq3A_604 = arith.cmpi eq, %iota3A, %eq3A_603 : vector<128x512xi32>
    %convert_element_type3A_605 = arith.extui %eq3A_604 : vector<128x512xi1> to vector<128x512xi32>
    %convert_element_type3A_606 = arith.sitofp %convert_element_type3A_605 : vector<128x512xi32> to vector<128x512xf32>
    %dot_general3A_607 = arith.constant dense<0.000000e+00> : vector<128x67xf32>
    %dot_general3A_608 = tpu.matmul %convert_element_type3A_606, %get3A_280, %dot_general3A_607 {dimension_numbers = #tpu.dot_dimension_numbers<[1], [0], [0], [1], [0, 0, 1, 1], [], []>, transpose_lhs_hint = false} : vector<128x512xf32>, vector<512x67xf32>, vector<128x67xf32> -> vector<128x67xf32>
    %slice3A_609 = vector.extract_strided_slice %dot_general3A_608 {offsets = [0, 0], sizes = [128, 3], strides = [1, 1]} : vector<128x67xf32> to vector<128x3xf32>
    %sub3A_610 = arith.subf %slice3A_609, %get3A_3 : vector<128x3xf32>
    %slice3A_611 = vector.extract_strided_slice %dot_general3A_608 {offsets = [0, 3], sizes = [128, 64], strides = [1, 1]} : vector<128x67xf32> to vector<128x64xf32>
    %concatenate3A_612 = tpu.concatenate %sub3A_610, %slice3A_611 in 1 : vector<128x3xf32>, vector<128x64xf32> -> vector<128x67xf32>
    %ge3A_613 = arith.constant 512 : i32
    %ge3A_614 = vector.broadcast %ge3A_613 : i32 to vector<128x1xi32>
    %ge3A_615 = arith.cmpi sge, %broadcast_in_dim3A_219, %ge3A_614 : vector<128x1xi32>
    %select_n3A_616 = arith.select %ge3A_615, %broadcast_in_dim3A_28, %broadcast_in_dim3A_219 : vector<128x1xi1>, vector<128x1xi32>
    %eq3A_617 = vector.broadcast %select_n3A_616 : vector<128x1xi32> to vector<128x512xi32>
    %eq3A_618 = arith.cmpi eq, %iota3A, %eq3A_617 : vector<128x512xi32>
    %convert_element_type3A_619 = arith.extui %eq3A_618 : vector<128x512xi1> to vector<128x512xi32>
    %convert_element_type3A_620 = arith.sitofp %convert_element_type3A_619 : vector<128x512xi32> to vector<128x512xf32>
    %dot_general3A_621 = arith.constant dense<0.000000e+00> : vector<128x67xf32>
    %dot_general3A_622 = tpu.matmul %convert_element_type3A_620, %get3A_280, %dot_general3A_621 {dimension_numbers = #tpu.dot_dimension_numbers<[1], [0], [0], [1], [0, 0, 1, 1], [], []>, transpose_lhs_hint = false} : vector<128x512xf32>, vector<512x67xf32>, vector<128x67xf32> -> vector<128x67xf32>
    %slice3A_623 = vector.extract_strided_slice %dot_general3A_622 {offsets = [0, 0], sizes = [128, 3], strides = [1, 1]} : vector<128x67xf32> to vector<128x3xf32>
    %sub3A_624 = arith.subf %slice3A_623, %get3A_3 : vector<128x3xf32>
    %slice3A_625 = vector.extract_strided_slice %dot_general3A_622 {offsets = [0, 3], sizes = [128, 64], strides = [1, 1]} : vector<128x67xf32> to vector<128x64xf32>
    %concatenate3A_626 = tpu.concatenate %sub3A_624, %slice3A_625 in 1 : vector<128x3xf32>, vector<128x64xf32> -> vector<128x67xf32>
    %ge3A_627 = arith.constant 512 : i32
    %ge3A_628 = vector.broadcast %ge3A_627 : i32 to vector<128x1xi32>
    %ge3A_629 = arith.cmpi sge, %broadcast_in_dim3A_227, %ge3A_628 : vector<128x1xi32>
    %select_n3A_630 = arith.select %ge3A_629, %broadcast_in_dim3A_28, %broadcast_in_dim3A_227 : vector<128x1xi1>, vector<128x1xi32>
    %eq3A_631 = vector.broadcast %select_n3A_630 : vector<128x1xi32> to vector<128x512xi32>
    %eq3A_632 = arith.cmpi eq, %iota3A, %eq3A_631 : vector<128x512xi32>
    %convert_element_type3A_633 = arith.extui %eq3A_632 : vector<128x512xi1> to vector<128x512xi32>
    %convert_element_type3A_634 = arith.sitofp %convert_element_type3A_633 : vector<128x512xi32> to vector<128x512xf32>
    %dot_general3A_635 = arith.constant dense<0.000000e+00> : vector<128x67xf32>
    %dot_general3A_636 = tpu.matmul %convert_element_type3A_634, %get3A_280, %dot_general3A_635 {dimension_numbers = #tpu.dot_dimension_numbers<[1], [0], [0], [1], [0, 0, 1, 1], [], []>, transpose_lhs_hint = false} : vector<128x512xf32>, vector<512x67xf32>, vector<128x67xf32> -> vector<128x67xf32>
    %slice3A_637 = vector.extract_strided_slice %dot_general3A_636 {offsets = [0, 0], sizes = [128, 3], strides = [1, 1]} : vector<128x67xf32> to vector<128x3xf32>
    %sub3A_638 = arith.subf %slice3A_637, %get3A_3 : vector<128x3xf32>
    %slice3A_639 = vector.extract_strided_slice %dot_general3A_636 {offsets = [0, 3], sizes = [128, 64], strides = [1, 1]} : vector<128x67xf32> to vector<128x64xf32>
    %concatenate3A_640 = tpu.concatenate %sub3A_638, %slice3A_639 in 1 : vector<128x3xf32>, vector<128x64xf32> -> vector<128x67xf32>
    %ge3A_641 = arith.constant 512 : i32
    %ge3A_642 = vector.broadcast %ge3A_641 : i32 to vector<128x1xi32>
    %ge3A_643 = arith.cmpi sge, %broadcast_in_dim3A_235, %ge3A_642 : vector<128x1xi32>
    %select_n3A_644 = arith.select %ge3A_643, %broadcast_in_dim3A_28, %broadcast_in_dim3A_235 : vector<128x1xi1>, vector<128x1xi32>
    %eq3A_645 = vector.broadcast %select_n3A_644 : vector<128x1xi32> to vector<128x512xi32>
    %eq3A_646 = arith.cmpi eq, %iota3A, %eq3A_645 : vector<128x512xi32>
    %convert_element_type3A_647 = arith.extui %eq3A_646 : vector<128x512xi1> to vector<128x512xi32>
    %convert_element_type3A_648 = arith.sitofp %convert_element_type3A_647 : vector<128x512xi32> to vector<128x512xf32>
    %dot_general3A_649 = arith.constant dense<0.000000e+00> : vector<128x67xf32>
    %dot_general3A_650 = tpu.matmul %convert_element_type3A_648, %get3A_280, %dot_general3A_649 {dimension_numbers = #tpu.dot_dimension_numbers<[1], [0], [0], [1], [0, 0, 1, 1], [], []>, transpose_lhs_hint = false} : vector<128x512xf32>, vector<512x67xf32>, vector<128x67xf32> -> vector<128x67xf32>
    %slice3A_651 = vector.extract_strided_slice %dot_general3A_650 {offsets = [0, 0], sizes = [128, 3], strides = [1, 1]} : vector<128x67xf32> to vector<128x3xf32>
    %sub3A_652 = arith.subf %slice3A_651, %get3A_3 : vector<128x3xf32>
    %slice3A_653 = vector.extract_strided_slice %dot_general3A_650 {offsets = [0, 3], sizes = [128, 64], strides = [1, 1]} : vector<128x67xf32> to vector<128x64xf32>
    %concatenate3A_654 = tpu.concatenate %sub3A_652, %slice3A_653 in 1 : vector<128x3xf32>, vector<128x64xf32> -> vector<128x67xf32>
    %ge3A_655 = arith.constant 512 : i32
    %ge3A_656 = vector.broadcast %ge3A_655 : i32 to vector<128x1xi32>
    %ge3A_657 = arith.cmpi sge, %broadcast_in_dim3A_243, %ge3A_656 : vector<128x1xi32>
    %select_n3A_658 = arith.select %ge3A_657, %broadcast_in_dim3A_28, %broadcast_in_dim3A_243 : vector<128x1xi1>, vector<128x1xi32>
    %eq3A_659 = vector.broadcast %select_n3A_658 : vector<128x1xi32> to vector<128x512xi32>
    %eq3A_660 = arith.cmpi eq, %iota3A, %eq3A_659 : vector<128x512xi32>
    %convert_element_type3A_661 = arith.extui %eq3A_660 : vector<128x512xi1> to vector<128x512xi32>
    %convert_element_type3A_662 = arith.sitofp %convert_element_type3A_661 : vector<128x512xi32> to vector<128x512xf32>
    %dot_general3A_663 = arith.constant dense<0.000000e+00> : vector<128x67xf32>
    %dot_general3A_664 = tpu.matmul %convert_element_type3A_662, %get3A_280, %dot_general3A_663 {dimension_numbers = #tpu.dot_dimension_numbers<[1], [0], [0], [1], [0, 0, 1, 1], [], []>, transpose_lhs_hint = false} : vector<128x512xf32>, vector<512x67xf32>, vector<128x67xf32> -> vector<128x67xf32>
    %slice3A_665 = vector.extract_strided_slice %dot_general3A_664 {offsets = [0, 0], sizes = [128, 3], strides = [1, 1]} : vector<128x67xf32> to vector<128x3xf32>
    %sub3A_666 = arith.subf %slice3A_665, %get3A_3 : vector<128x3xf32>
    %slice3A_667 = vector.extract_strided_slice %dot_general3A_664 {offsets = [0, 3], sizes = [128, 64], strides = [1, 1]} : vector<128x67xf32> to vector<128x64xf32>
    %concatenate3A_668 = tpu.concatenate %sub3A_666, %slice3A_667 in 1 : vector<128x3xf32>, vector<128x64xf32> -> vector<128x67xf32>
    %ge3A_669 = arith.constant 512 : i32
    %ge3A_670 = vector.broadcast %ge3A_669 : i32 to vector<128x1xi32>
    %ge3A_671 = arith.cmpi sge, %broadcast_in_dim3A_251, %ge3A_670 : vector<128x1xi32>
    %select_n3A_672 = arith.select %ge3A_671, %broadcast_in_dim3A_28, %broadcast_in_dim3A_251 : vector<128x1xi1>, vector<128x1xi32>
    %eq3A_673 = vector.broadcast %select_n3A_672 : vector<128x1xi32> to vector<128x512xi32>
    %eq3A_674 = arith.cmpi eq, %iota3A, %eq3A_673 : vector<128x512xi32>
    %convert_element_type3A_675 = arith.extui %eq3A_674 : vector<128x512xi1> to vector<128x512xi32>
    %convert_element_type3A_676 = arith.sitofp %convert_element_type3A_675 : vector<128x512xi32> to vector<128x512xf32>
    %dot_general3A_677 = arith.constant dense<0.000000e+00> : vector<128x67xf32>
    %dot_general3A_678 = tpu.matmul %convert_element_type3A_676, %get3A_280, %dot_general3A_677 {dimension_numbers = #tpu.dot_dimension_numbers<[1], [0], [0], [1], [0, 0, 1, 1], [], []>, transpose_lhs_hint = false} : vector<128x512xf32>, vector<512x67xf32>, vector<128x67xf32> -> vector<128x67xf32>
    %slice3A_679 = vector.extract_strided_slice %dot_general3A_678 {offsets = [0, 0], sizes = [128, 3], strides = [1, 1]} : vector<128x67xf32> to vector<128x3xf32>
    %sub3A_680 = arith.subf %slice3A_679, %get3A_3 : vector<128x3xf32>
    %slice3A_681 = vector.extract_strided_slice %dot_general3A_678 {offsets = [0, 3], sizes = [128, 64], strides = [1, 1]} : vector<128x67xf32> to vector<128x64xf32>
    %concatenate3A_682 = tpu.concatenate %sub3A_680, %slice3A_681 in 1 : vector<128x3xf32>, vector<128x64xf32> -> vector<128x67xf32>
    %ge3A_683 = arith.constant 512 : i32
    %ge3A_684 = vector.broadcast %ge3A_683 : i32 to vector<128x1xi32>
    %ge3A_685 = arith.cmpi sge, %broadcast_in_dim3A_259, %ge3A_684 : vector<128x1xi32>
    %select_n3A_686 = arith.select %ge3A_685, %broadcast_in_dim3A_28, %broadcast_in_dim3A_259 : vector<128x1xi1>, vector<128x1xi32>
    %eq3A_687 = vector.broadcast %select_n3A_686 : vector<128x1xi32> to vector<128x512xi32>
    %eq3A_688 = arith.cmpi eq, %iota3A, %eq3A_687 : vector<128x512xi32>
    %convert_element_type3A_689 = arith.extui %eq3A_688 : vector<128x512xi1> to vector<128x512xi32>
    %convert_element_type3A_690 = arith.sitofp %convert_element_type3A_689 : vector<128x512xi32> to vector<128x512xf32>
    %dot_general3A_691 = arith.constant dense<0.000000e+00> : vector<128x67xf32>
    %dot_general3A_692 = tpu.matmul %convert_element_type3A_690, %get3A_280, %dot_general3A_691 {dimension_numbers = #tpu.dot_dimension_numbers<[1], [0], [0], [1], [0, 0, 1, 1], [], []>, transpose_lhs_hint = false} : vector<128x512xf32>, vector<512x67xf32>, vector<128x67xf32> -> vector<128x67xf32>
    %slice3A_693 = vector.extract_strided_slice %dot_general3A_692 {offsets = [0, 0], sizes = [128, 3], strides = [1, 1]} : vector<128x67xf32> to vector<128x3xf32>
    %sub3A_694 = arith.subf %slice3A_693, %get3A_3 : vector<128x3xf32>
    %slice3A_695 = vector.extract_strided_slice %dot_general3A_692 {offsets = [0, 3], sizes = [128, 64], strides = [1, 1]} : vector<128x67xf32> to vector<128x64xf32>
    %concatenate3A_696 = tpu.concatenate %sub3A_694, %slice3A_695 in 1 : vector<128x3xf32>, vector<128x64xf32> -> vector<128x67xf32>
    %ge3A_697 = arith.constant 512 : i32
    %ge3A_698 = vector.broadcast %ge3A_697 : i32 to vector<128x1xi32>
    %ge3A_699 = arith.cmpi sge, %broadcast_in_dim3A_267, %ge3A_698 : vector<128x1xi32>
    %select_n3A_700 = arith.select %ge3A_699, %broadcast_in_dim3A_28, %broadcast_in_dim3A_267 : vector<128x1xi1>, vector<128x1xi32>
    %eq3A_701 = vector.broadcast %select_n3A_700 : vector<128x1xi32> to vector<128x512xi32>
    %eq3A_702 = arith.cmpi eq, %iota3A, %eq3A_701 : vector<128x512xi32>
    %convert_element_type3A_703 = arith.extui %eq3A_702 : vector<128x512xi1> to vector<128x512xi32>
    %convert_element_type3A_704 = arith.sitofp %convert_element_type3A_703 : vector<128x512xi32> to vector<128x512xf32>
    %dot_general3A_705 = arith.constant dense<0.000000e+00> : vector<128x67xf32>
    %dot_general3A_706 = tpu.matmul %convert_element_type3A_704, %get3A_280, %dot_general3A_705 {dimension_numbers = #tpu.dot_dimension_numbers<[1], [0], [0], [1], [0, 0, 1, 1], [], []>, transpose_lhs_hint = false} : vector<128x512xf32>, vector<512x67xf32>, vector<128x67xf32> -> vector<128x67xf32>
    %slice3A_707 = vector.extract_strided_slice %dot_general3A_706 {offsets = [0, 0], sizes = [128, 3], strides = [1, 1]} : vector<128x67xf32> to vector<128x3xf32>
    %sub3A_708 = arith.subf %slice3A_707, %get3A_3 : vector<128x3xf32>
    %slice3A_709 = vector.extract_strided_slice %dot_general3A_706 {offsets = [0, 3], sizes = [128, 64], strides = [1, 1]} : vector<128x67xf32> to vector<128x64xf32>
    %concatenate3A_710 = tpu.concatenate %sub3A_708, %slice3A_709 in 1 : vector<128x3xf32>, vector<128x64xf32> -> vector<128x67xf32>
    %ge3A_711 = arith.constant 512 : i32
    %ge3A_712 = vector.broadcast %ge3A_711 : i32 to vector<128x1xi32>
    %ge3A_713 = arith.cmpi sge, %broadcast_in_dim3A_275, %ge3A_712 : vector<128x1xi32>
    %select_n3A_714 = arith.select %ge3A_713, %broadcast_in_dim3A_28, %broadcast_in_dim3A_275 : vector<128x1xi1>, vector<128x1xi32>
    %eq3A_715 = vector.broadcast %select_n3A_714 : vector<128x1xi32> to vector<128x512xi32>
    %eq3A_716 = arith.cmpi eq, %iota3A, %eq3A_715 : vector<128x512xi32>
    %convert_element_type3A_717 = arith.extui %eq3A_716 : vector<128x512xi1> to vector<128x512xi32>
    %convert_element_type3A_718 = arith.sitofp %convert_element_type3A_717 : vector<128x512xi32> to vector<128x512xf32>
    %dot_general3A_719 = arith.constant dense<0.000000e+00> : vector<128x67xf32>
    %dot_general3A_720 = tpu.matmul %convert_element_type3A_718, %get3A_280, %dot_general3A_719 {dimension_numbers = #tpu.dot_dimension_numbers<[1], [0], [0], [1], [0, 0, 1, 1], [], []>, transpose_lhs_hint = false} : vector<128x512xf32>, vector<512x67xf32>, vector<128x67xf32> -> vector<128x67xf32>
    %slice3A_721 = vector.extract_strided_slice %dot_general3A_720 {offsets = [0, 0], sizes = [128, 3], strides = [1, 1]} : vector<128x67xf32> to vector<128x3xf32>
    %sub3A_722 = arith.subf %slice3A_721, %get3A_3 : vector<128x3xf32>
    %slice3A_723 = vector.extract_strided_slice %dot_general3A_720 {offsets = [0, 3], sizes = [128, 64], strides = [1, 1]} : vector<128x67xf32> to vector<128x64xf32>
    %concatenate3A_724 = tpu.concatenate %sub3A_722, %slice3A_723 in 1 : vector<128x3xf32>, vector<128x64xf32> -> vector<128x67xf32>
    %concatenate3A_725 = tpu.concatenate %concatenate3A, %concatenate3A_304, %concatenate3A_318, %concatenate3A_332, %concatenate3A_346, %concatenate3A_360, %concatenate3A_374, %concatenate3A_388, %concatenate3A_402, %concatenate3A_416, %concatenate3A_430, %concatenate3A_444, %concatenate3A_458, %concatenate3A_472, %concatenate3A_486, %concatenate3A_500, %concatenate3A_514, %concatenate3A_528, %concatenate3A_542, %concatenate3A_556, %concatenate3A_570, %concatenate3A_584, %concatenate3A_598, %concatenate3A_612, %concatenate3A_626, %concatenate3A_640, %concatenate3A_654, %concatenate3A_668, %concatenate3A_682, %concatenate3A_696, %concatenate3A_710, %concatenate3A_724 in 0 : vector<128x67xf32>, vector<128x67xf32>, vector<128x67xf32>, vector<128x67xf32>, vector<128x67xf32>, vector<128x67xf32>, vector<128x67xf32>, vector<128x67xf32>, vector<128x67xf32>, vector<128x67xf32>, vector<128x67xf32>, vector<128x67xf32>, vector<128x67xf32>, vector<128x67xf32>, vector<128x67xf32>, vector<128x67xf32>, vector<128x67xf32>, vector<128x67xf32>, vector<128x67xf32>, vector<128x67xf32>, vector<128x67xf32>, vector<128x67xf32>, vector<128x67xf32>, vector<128x67xf32>, vector<128x67xf32>, vector<128x67xf32>, vector<128x67xf32>, vector<128x67xf32>, vector<128x67xf32>, vector<128x67xf32>, vector<128x67xf32>, vector<128x67xf32> -> vector<4096x67xf32>
    %get3A_726 = arith.constant 0 : index
    %get3A_727 = arith.constant 0 : index
    %get3A_728 = vector.load %arg5[%get3A_726, %get3A_727] : memref<67x64xf32, #tpu.memory_space<vmem>>, vector<67x64xf32>
    %dot_general3A_729 = arith.constant dense<0.000000e+00> : vector<4096x64xf32>
    %dot_general3A_730 = tpu.matmul %concatenate3A_725, %get3A_728, %dot_general3A_729 {dimension_numbers = #tpu.dot_dimension_numbers<[1], [0], [0], [1], [0, 0, 1, 1], [], []>, transpose_lhs_hint = false} : vector<4096x67xf32>, vector<67x64xf32>, vector<4096x64xf32> -> vector<4096x64xf32>
    %max3A = arith.constant 0.000000e+00 : f32
    %max3A_731 = vector.broadcast %max3A : f32 to vector<4096x64xf32>
    %max3A_732 = arith.maximumf %dot_general3A_730, %max3A_731 : vector<4096x64xf32>
    %get3A_733 = arith.constant 0 : index
    %get3A_734 = arith.constant 0 : index
    %get3A_735 = vector.load %arg6[%get3A_733, %get3A_734] : memref<64x64xf32, #tpu.memory_space<vmem>>, vector<64x64xf32>
    %dot_general3A_736 = arith.constant dense<0.000000e+00> : vector<4096x64xf32>
    %dot_general3A_737 = tpu.matmul %max3A_732, %get3A_735, %dot_general3A_736 {dimension_numbers = #tpu.dot_dimension_numbers<[1], [0], [0], [1], [0, 0, 1, 1], [], []>, transpose_lhs_hint = false} : vector<4096x64xf32>, vector<64x64xf32>, vector<4096x64xf32> -> vector<4096x64xf32>
    %max3A_738 = arith.constant 0.000000e+00 : f32
    %max3A_739 = vector.broadcast %max3A_738 : f32 to vector<4096x64xf32>
    %max3A_740 = arith.maximumf %dot_general3A_737, %max3A_739 : vector<4096x64xf32>
    %get3A_741 = arith.constant 0 : index
    %get3A_742 = arith.constant 0 : index
    %get3A_743 = vector.load %arg7[%get3A_741, %get3A_742] : memref<64x128xf32, #tpu.memory_space<vmem>>, vector<64x128xf32>
    %dot_general3A_744 = arith.constant dense<0.000000e+00> : vector<4096x128xf32>
    %dot_general3A_745 = tpu.matmul %max3A_740, %get3A_743, %dot_general3A_744 {dimension_numbers = #tpu.dot_dimension_numbers<[1], [0], [0], [1], [0, 0, 1, 1], [], []>, transpose_lhs_hint = false} : vector<4096x64xf32>, vector<64x128xf32>, vector<4096x128xf32> -> vector<4096x128xf32>
    %max3A_746 = arith.constant 0.000000e+00 : f32
    %max3A_747 = vector.broadcast %max3A_746 : f32 to vector<4096x128xf32>
    %max3A_748 = arith.maximumf %dot_general3A_745, %max3A_747 : vector<4096x128xf32>
    %reshape3A = vector.shape_cast %max3A_748 : vector<4096x128xf32> to vector<32x128x128xf32>
    %reduce_max3A = arith.constant dense<0xFF800000> : vector<128x128xf32>
    %reduce_max3A_749 = vector.multi_reduction <maximumf>, %reshape3A, %reduce_max3A [0] : vector<32x128x128xf32> to vector<128x128xf32>
    %swap3A = arith.constant 0 : index
    %swap3A_750 = arith.constant 0 : index
    %swap3A_751 = arith.constant 0 : index
    %swap3A_752 = vector.load %arg8[%swap3A, %swap3A_750, %swap3A_751] : memref<1x128x128xf32, #tpu.memory_space<vmem>>, vector<1x128x128xf32>
    %swap3A_753 = vector.shape_cast %swap3A_752 : vector<1x128x128xf32> to vector<128x128xf32>
    %swap3A_754 = vector.shape_cast %reduce_max3A_749 : vector<128x128xf32> to vector<1x128x128xf32>
    tpu.vector_store %arg8[%swap3A, %swap3A_750, %swap3A_751], %swap3A_754 {strides = array<i32>} : memref<1x128x128xf32, #tpu.memory_space<vmem>>, vector<1x128x128xf32>,
    return
  }
  func.func @transform_0(%arg0: i32, %arg1: i32) -> (i32, i32, i32) {
    %c0_i32 = arith.constant 0 : i32
    %c0_i32_0 = arith.constant 0 : i32
    return %arg0, %arg1, %c0_i32 : i32, i32, i32
  }
  func.func @transform_1(%arg0: i32, %arg1: i32) -> (i32, i32, i32) {
    %c0_i32 = arith.constant 0 : i32
    %c0_i32_0 = arith.constant 0 : i32
    %c0_i32_1 = arith.constant 0 : i32
    return %arg0, %c0_i32, %c0_i32_0 : i32, i32, i32
  }
  func.func @transform_2(%arg0: i32, %arg1: i32) -> (i32, i32, i32) {
    %c0_i32 = arith.constant 0 : i32
    %c0_i32_0 = arith.constant 0 : i32
    %c0_i32_1 = arith.constant 0 : i32
    return %arg0, %c0_i32, %c0_i32_0 : i32, i32, i32
  }
  func.func @transform_3(%arg0: i32, %arg1: i32) -> (i32, i32) {
    %c0_i32 = arith.constant 0 : i32
    %c0_i32_0 = arith.constant 0 : i32
    %c0_i32_1 = arith.constant 0 : i32
    return %c0_i32, %c0_i32_0 : i32, i32
  }
  func.func @transform_4(%arg0: i32, %arg1: i32) -> (i32, i32) {
    %c0_i32 = arith.constant 0 : i32
    %c0_i32_0 = arith.constant 0 : i32
    %c0_i32_1 = arith.constant 0 : i32
    return %c0_i32, %c0_i32_0 : i32, i32
  }
  func.func @transform_5(%arg0: i32, %arg1: i32) -> (i32, i32) {
    %c0_i32 = arith.constant 0 : i32
    %c0_i32_0 = arith.constant 0 : i32
    %c0_i32_1 = arith.constant 0 : i32
    return %c0_i32, %c0_i32_0 : i32, i32
  }
  func.func @transform_6(%arg0: i32, %arg1: i32) -> (i32, i32, i32) {
    %c0_i32 = arith.constant 0 : i32
    %c0_i32_0 = arith.constant 0 : i32
    return %arg0, %arg1, %c0_i32 : i32, i32, i32
  }
}

module attributes {stable_mosaic.version = 14 : i64} {
  func.func @_sa_body(%arg0: i32, %arg1: i32, %arg2: memref<1x32x3xf32, #tpu.memory_space<vmem>>, %arg3: memref<1x3x128xf32, #tpu.memory_space<vmem>>, %arg4: memref<1x128x131xf32, #tpu.memory_space<vmem>>, %arg5: memref<131x128xf32, #tpu.memory_space<vmem>>, %arg6: memref<128x128xf32, #tpu.memory_space<vmem>>, %arg7: memref<128x256xf32, #tpu.memory_space<vmem>>, %arg8: memref<1x32x256xf32, #tpu.memory_space<vmem>>) attributes {dimension_semantics = [#tpu.dimension_semantics<arbitrary>, #tpu.dimension_semantics<arbitrary>], iteration_bounds = array<i64: 4, 1>, scalar_prefetch = 0 : i64, scratch_operands = 0 : i64, tpu.core_type = #tpu.core_type<tc>, window_params = [{transform_indices = @transform_0, window_bounds = array<i64: 1, 32, 3>}, {transform_indices = @transform_1, window_bounds = array<i64: 1, 3, 128>}, {transform_indices = @transform_2, window_bounds = array<i64: 1, 128, 131>}, {pipeline_mode = #tpu.pipeline_mode<synchronous>, transform_indices = @transform_3, window_bounds = array<i64: 131, 128>}, {pipeline_mode = #tpu.pipeline_mode<synchronous>, transform_indices = @transform_4, window_bounds = array<i64: 128, 128>}, {pipeline_mode = #tpu.pipeline_mode<synchronous>, transform_indices = @transform_5, window_bounds = array<i64: 128, 256>}, {transform_indices = @transform_6, window_bounds = array<i64: 1, 32, 256>}]} {
    %get3A = arith.constant 0 : index
    %get3A_0 = arith.constant 0 : index
    %get3A_1 = arith.constant 0 : index
    %get3A_2 = vector.load %arg2[%get3A, %get3A_0, %get3A_1] : memref<1x32x3xf32, #tpu.memory_space<vmem>>, vector<1x32x3xf32>
    %get3A_3 = vector.shape_cast %get3A_2 : vector<1x32x3xf32> to vector<32x3xf32>
    %get3A_4 = arith.constant 0 : index
    %get3A_5 = arith.constant 0 : index
    %get3A_6 = arith.constant 0 : index
    %get3A_7 = vector.load %arg3[%get3A_4, %get3A_5, %get3A_6] : memref<1x3x128xf32, #tpu.memory_space<vmem>>, vector<1x3x128xf32>
    %get3A_8 = vector.shape_cast %get3A_7 : vector<1x3x128xf32> to vector<3x128xf32>
    %slice3A = vector.extract_strided_slice %get3A_3 {offsets = [0, 0], sizes = [32, 1], strides = [1, 1]} : vector<32x3xf32> to vector<32x1xf32>
    %slice3A_9 = vector.extract_strided_slice %get3A_8 {offsets = [0, 0], sizes = [1, 128], strides = [1, 1]} : vector<3x128xf32> to vector<1x128xf32>
    %sub3A = vector.broadcast %slice3A : vector<32x1xf32> to vector<32x128xf32>
    %sub3A_10 = vector.broadcast %slice3A_9 : vector<1x128xf32> to vector<32x128xf32>
    %sub3A_11 = arith.subf %sub3A, %sub3A_10 : vector<32x128xf32>
    %mul3A = arith.mulf %sub3A_11, %sub3A_11 : vector<32x128xf32>
    %slice3A_12 = vector.extract_strided_slice %get3A_3 {offsets = [0, 1], sizes = [32, 1], strides = [1, 1]} : vector<32x3xf32> to vector<32x1xf32>
    %slice3A_13 = vector.extract_strided_slice %get3A_8 {offsets = [1, 0], sizes = [1, 128], strides = [1, 1]} : vector<3x128xf32> to vector<1x128xf32>
    %sub3A_14 = vector.broadcast %slice3A_12 : vector<32x1xf32> to vector<32x128xf32>
    %sub3A_15 = vector.broadcast %slice3A_13 : vector<1x128xf32> to vector<32x128xf32>
    %sub3A_16 = arith.subf %sub3A_14, %sub3A_15 : vector<32x128xf32>
    %mul3A_17 = arith.mulf %sub3A_16, %sub3A_16 : vector<32x128xf32>
    %add3A = arith.addf %mul3A, %mul3A_17 : vector<32x128xf32>
    %slice3A_18 = vector.extract_strided_slice %get3A_3 {offsets = [0, 2], sizes = [32, 1], strides = [1, 1]} : vector<32x3xf32> to vector<32x1xf32>
    %slice3A_19 = vector.extract_strided_slice %get3A_8 {offsets = [2, 0], sizes = [1, 128], strides = [1, 1]} : vector<3x128xf32> to vector<1x128xf32>
    %sub3A_20 = vector.broadcast %slice3A_18 : vector<32x1xf32> to vector<32x128xf32>
    %sub3A_21 = vector.broadcast %slice3A_19 : vector<1x128xf32> to vector<32x128xf32>
    %sub3A_22 = arith.subf %sub3A_20, %sub3A_21 : vector<32x128xf32>
    %mul3A_23 = arith.mulf %sub3A_22, %sub3A_22 : vector<32x128xf32>
    %add3A_24 = arith.addf %add3A, %mul3A_23 : vector<32x128xf32>
    %iota3A = tpu.iota {dimensions = array<i32: 1>} : vector<32x128xi32>
    %gt3A = arith.constant 1.600000e-01 : f32
    %gt3A_25 = vector.broadcast %gt3A : f32 to vector<32x128xf32>
    %gt3A_26 = arith.cmpf ogt, %add3A_24, %gt3A_25 : vector<32x128xf32>
    %jit3A = arith.constant 128 : i32
    %broadcast_in_dim3A = vector.broadcast %jit3A : i32 to vector<32x128xi32>
    %select_n3A = arith.select %gt3A_26, %broadcast_in_dim3A, %iota3A : vector<32x128xi1>, vector<32x128xi32>
    %reduce_min3A = arith.constant dense<2147483647> : vector<32xi32>
    %reduce_min3A_27 = vector.multi_reduction <minsi>, %select_n3A, %reduce_min3A [1] : vector<32x128xi32> to vector<32xi32>
    %broadcast_in_dim3A_28 = vector.shape_cast %reduce_min3A_27 : vector<32xi32> to vector<32x1xi32>
    %eq3A = vector.broadcast %broadcast_in_dim3A_28 : vector<32x1xi32> to vector<32x128xi32>
    %eq3A_29 = arith.cmpi eq, %select_n3A, %eq3A : vector<32x128xi32>
    %jit3A_30 = arith.constant 1073741824 : i32
    %broadcast_in_dim3A_31 = vector.broadcast %jit3A_30 : i32 to vector<32x128xi32>
    %select_n3A_32 = arith.select %eq3A_29, %broadcast_in_dim3A_31, %select_n3A : vector<32x128xi1>, vector<32x128xi32>
    %reduce_min3A_33 = arith.constant dense<2147483647> : vector<32xi32>
    %reduce_min3A_34 = vector.multi_reduction <minsi>, %select_n3A_32, %reduce_min3A_33 [1] : vector<32x128xi32> to vector<32xi32>
    %broadcast_in_dim3A_35 = vector.shape_cast %reduce_min3A_34 : vector<32xi32> to vector<32x1xi32>
    %eq3A_36 = vector.broadcast %broadcast_in_dim3A_35 : vector<32x1xi32> to vector<32x128xi32>
    %eq3A_37 = arith.cmpi eq, %select_n3A_32, %eq3A_36 : vector<32x128xi32>
    %jit3A_38 = arith.constant 1073741824 : i32
    %broadcast_in_dim3A_39 = vector.broadcast %jit3A_38 : i32 to vector<32x128xi32>
    %select_n3A_40 = arith.select %eq3A_37, %broadcast_in_dim3A_39, %select_n3A_32 : vector<32x128xi1>, vector<32x128xi32>
    %reduce_min3A_41 = arith.constant dense<2147483647> : vector<32xi32>
    %reduce_min3A_42 = vector.multi_reduction <minsi>, %select_n3A_40, %reduce_min3A_41 [1] : vector<32x128xi32> to vector<32xi32>
    %broadcast_in_dim3A_43 = vector.shape_cast %reduce_min3A_42 : vector<32xi32> to vector<32x1xi32>
    %eq3A_44 = vector.broadcast %broadcast_in_dim3A_43 : vector<32x1xi32> to vector<32x128xi32>
    %eq3A_45 = arith.cmpi eq, %select_n3A_40, %eq3A_44 : vector<32x128xi32>
    %jit3A_46 = arith.constant 1073741824 : i32
    %broadcast_in_dim3A_47 = vector.broadcast %jit3A_46 : i32 to vector<32x128xi32>
    %select_n3A_48 = arith.select %eq3A_45, %broadcast_in_dim3A_47, %select_n3A_40 : vector<32x128xi1>, vector<32x128xi32>
    %reduce_min3A_49 = arith.constant dense<2147483647> : vector<32xi32>
    %reduce_min3A_50 = vector.multi_reduction <minsi>, %select_n3A_48, %reduce_min3A_49 [1] : vector<32x128xi32> to vector<32xi32>
    %broadcast_in_dim3A_51 = vector.shape_cast %reduce_min3A_50 : vector<32xi32> to vector<32x1xi32>
    %eq3A_52 = vector.broadcast %broadcast_in_dim3A_51 : vector<32x1xi32> to vector<32x128xi32>
    %eq3A_53 = arith.cmpi eq, %select_n3A_48, %eq3A_52 : vector<32x128xi32>
    %jit3A_54 = arith.constant 1073741824 : i32
    %broadcast_in_dim3A_55 = vector.broadcast %jit3A_54 : i32 to vector<32x128xi32>
    %select_n3A_56 = arith.select %eq3A_53, %broadcast_in_dim3A_55, %select_n3A_48 : vector<32x128xi1>, vector<32x128xi32>
    %reduce_min3A_57 = arith.constant dense<2147483647> : vector<32xi32>
    %reduce_min3A_58 = vector.multi_reduction <minsi>, %select_n3A_56, %reduce_min3A_57 [1] : vector<32x128xi32> to vector<32xi32>
    %broadcast_in_dim3A_59 = vector.shape_cast %reduce_min3A_58 : vector<32xi32> to vector<32x1xi32>
    %eq3A_60 = vector.broadcast %broadcast_in_dim3A_59 : vector<32x1xi32> to vector<32x128xi32>
    %eq3A_61 = arith.cmpi eq, %select_n3A_56, %eq3A_60 : vector<32x128xi32>
    %jit3A_62 = arith.constant 1073741824 : i32
    %broadcast_in_dim3A_63 = vector.broadcast %jit3A_62 : i32 to vector<32x128xi32>
    %select_n3A_64 = arith.select %eq3A_61, %broadcast_in_dim3A_63, %select_n3A_56 : vector<32x128xi1>, vector<32x128xi32>
    %reduce_min3A_65 = arith.constant dense<2147483647> : vector<32xi32>
    %reduce_min3A_66 = vector.multi_reduction <minsi>, %select_n3A_64, %reduce_min3A_65 [1] : vector<32x128xi32> to vector<32xi32>
    %broadcast_in_dim3A_67 = vector.shape_cast %reduce_min3A_66 : vector<32xi32> to vector<32x1xi32>
    %eq3A_68 = vector.broadcast %broadcast_in_dim3A_67 : vector<32x1xi32> to vector<32x128xi32>
    %eq3A_69 = arith.cmpi eq, %select_n3A_64, %eq3A_68 : vector<32x128xi32>
    %jit3A_70 = arith.constant 1073741824 : i32
    %broadcast_in_dim3A_71 = vector.broadcast %jit3A_70 : i32 to vector<32x128xi32>
    %select_n3A_72 = arith.select %eq3A_69, %broadcast_in_dim3A_71, %select_n3A_64 : vector<32x128xi1>, vector<32x128xi32>
    %reduce_min3A_73 = arith.constant dense<2147483647> : vector<32xi32>
    %reduce_min3A_74 = vector.multi_reduction <minsi>, %select_n3A_72, %reduce_min3A_73 [1] : vector<32x128xi32> to vector<32xi32>
    %broadcast_in_dim3A_75 = vector.shape_cast %reduce_min3A_74 : vector<32xi32> to vector<32x1xi32>
    %eq3A_76 = vector.broadcast %broadcast_in_dim3A_75 : vector<32x1xi32> to vector<32x128xi32>
    %eq3A_77 = arith.cmpi eq, %select_n3A_72, %eq3A_76 : vector<32x128xi32>
    %jit3A_78 = arith.constant 1073741824 : i32
    %broadcast_in_dim3A_79 = vector.broadcast %jit3A_78 : i32 to vector<32x128xi32>
    %select_n3A_80 = arith.select %eq3A_77, %broadcast_in_dim3A_79, %select_n3A_72 : vector<32x128xi1>, vector<32x128xi32>
    %reduce_min3A_81 = arith.constant dense<2147483647> : vector<32xi32>
    %reduce_min3A_82 = vector.multi_reduction <minsi>, %select_n3A_80, %reduce_min3A_81 [1] : vector<32x128xi32> to vector<32xi32>
    %broadcast_in_dim3A_83 = vector.shape_cast %reduce_min3A_82 : vector<32xi32> to vector<32x1xi32>
    %eq3A_84 = vector.broadcast %broadcast_in_dim3A_83 : vector<32x1xi32> to vector<32x128xi32>
    %eq3A_85 = arith.cmpi eq, %select_n3A_80, %eq3A_84 : vector<32x128xi32>
    %jit3A_86 = arith.constant 1073741824 : i32
    %broadcast_in_dim3A_87 = vector.broadcast %jit3A_86 : i32 to vector<32x128xi32>
    %select_n3A_88 = arith.select %eq3A_85, %broadcast_in_dim3A_87, %select_n3A_80 : vector<32x128xi1>, vector<32x128xi32>
    %reduce_min3A_89 = arith.constant dense<2147483647> : vector<32xi32>
    %reduce_min3A_90 = vector.multi_reduction <minsi>, %select_n3A_88, %reduce_min3A_89 [1] : vector<32x128xi32> to vector<32xi32>
    %broadcast_in_dim3A_91 = vector.shape_cast %reduce_min3A_90 : vector<32xi32> to vector<32x1xi32>
    %eq3A_92 = vector.broadcast %broadcast_in_dim3A_91 : vector<32x1xi32> to vector<32x128xi32>
    %eq3A_93 = arith.cmpi eq, %select_n3A_88, %eq3A_92 : vector<32x128xi32>
    %jit3A_94 = arith.constant 1073741824 : i32
    %broadcast_in_dim3A_95 = vector.broadcast %jit3A_94 : i32 to vector<32x128xi32>
    %select_n3A_96 = arith.select %eq3A_93, %broadcast_in_dim3A_95, %select_n3A_88 : vector<32x128xi1>, vector<32x128xi32>
    %reduce_min3A_97 = arith.constant dense<2147483647> : vector<32xi32>
    %reduce_min3A_98 = vector.multi_reduction <minsi>, %select_n3A_96, %reduce_min3A_97 [1] : vector<32x128xi32> to vector<32xi32>
    %broadcast_in_dim3A_99 = vector.shape_cast %reduce_min3A_98 : vector<32xi32> to vector<32x1xi32>
    %eq3A_100 = vector.broadcast %broadcast_in_dim3A_99 : vector<32x1xi32> to vector<32x128xi32>
    %eq3A_101 = arith.cmpi eq, %select_n3A_96, %eq3A_100 : vector<32x128xi32>
    %jit3A_102 = arith.constant 1073741824 : i32
    %broadcast_in_dim3A_103 = vector.broadcast %jit3A_102 : i32 to vector<32x128xi32>
    %select_n3A_104 = arith.select %eq3A_101, %broadcast_in_dim3A_103, %select_n3A_96 : vector<32x128xi1>, vector<32x128xi32>
    %reduce_min3A_105 = arith.constant dense<2147483647> : vector<32xi32>
    %reduce_min3A_106 = vector.multi_reduction <minsi>, %select_n3A_104, %reduce_min3A_105 [1] : vector<32x128xi32> to vector<32xi32>
    %broadcast_in_dim3A_107 = vector.shape_cast %reduce_min3A_106 : vector<32xi32> to vector<32x1xi32>
    %eq3A_108 = vector.broadcast %broadcast_in_dim3A_107 : vector<32x1xi32> to vector<32x128xi32>
    %eq3A_109 = arith.cmpi eq, %select_n3A_104, %eq3A_108 : vector<32x128xi32>
    %jit3A_110 = arith.constant 1073741824 : i32
    %broadcast_in_dim3A_111 = vector.broadcast %jit3A_110 : i32 to vector<32x128xi32>
    %select_n3A_112 = arith.select %eq3A_109, %broadcast_in_dim3A_111, %select_n3A_104 : vector<32x128xi1>, vector<32x128xi32>
    %reduce_min3A_113 = arith.constant dense<2147483647> : vector<32xi32>
    %reduce_min3A_114 = vector.multi_reduction <minsi>, %select_n3A_112, %reduce_min3A_113 [1] : vector<32x128xi32> to vector<32xi32>
    %broadcast_in_dim3A_115 = vector.shape_cast %reduce_min3A_114 : vector<32xi32> to vector<32x1xi32>
    %eq3A_116 = vector.broadcast %broadcast_in_dim3A_115 : vector<32x1xi32> to vector<32x128xi32>
    %eq3A_117 = arith.cmpi eq, %select_n3A_112, %eq3A_116 : vector<32x128xi32>
    %jit3A_118 = arith.constant 1073741824 : i32
    %broadcast_in_dim3A_119 = vector.broadcast %jit3A_118 : i32 to vector<32x128xi32>
    %select_n3A_120 = arith.select %eq3A_117, %broadcast_in_dim3A_119, %select_n3A_112 : vector<32x128xi1>, vector<32x128xi32>
    %reduce_min3A_121 = arith.constant dense<2147483647> : vector<32xi32>
    %reduce_min3A_122 = vector.multi_reduction <minsi>, %select_n3A_120, %reduce_min3A_121 [1] : vector<32x128xi32> to vector<32xi32>
    %broadcast_in_dim3A_123 = vector.shape_cast %reduce_min3A_122 : vector<32xi32> to vector<32x1xi32>
    %eq3A_124 = vector.broadcast %broadcast_in_dim3A_123 : vector<32x1xi32> to vector<32x128xi32>
    %eq3A_125 = arith.cmpi eq, %select_n3A_120, %eq3A_124 : vector<32x128xi32>
    %jit3A_126 = arith.constant 1073741824 : i32
    %broadcast_in_dim3A_127 = vector.broadcast %jit3A_126 : i32 to vector<32x128xi32>
    %select_n3A_128 = arith.select %eq3A_125, %broadcast_in_dim3A_127, %select_n3A_120 : vector<32x128xi1>, vector<32x128xi32>
    %reduce_min3A_129 = arith.constant dense<2147483647> : vector<32xi32>
    %reduce_min3A_130 = vector.multi_reduction <minsi>, %select_n3A_128, %reduce_min3A_129 [1] : vector<32x128xi32> to vector<32xi32>
    %broadcast_in_dim3A_131 = vector.shape_cast %reduce_min3A_130 : vector<32xi32> to vector<32x1xi32>
    %eq3A_132 = vector.broadcast %broadcast_in_dim3A_131 : vector<32x1xi32> to vector<32x128xi32>
    %eq3A_133 = arith.cmpi eq, %select_n3A_128, %eq3A_132 : vector<32x128xi32>
    %jit3A_134 = arith.constant 1073741824 : i32
    %broadcast_in_dim3A_135 = vector.broadcast %jit3A_134 : i32 to vector<32x128xi32>
    %select_n3A_136 = arith.select %eq3A_133, %broadcast_in_dim3A_135, %select_n3A_128 : vector<32x128xi1>, vector<32x128xi32>
    %reduce_min3A_137 = arith.constant dense<2147483647> : vector<32xi32>
    %reduce_min3A_138 = vector.multi_reduction <minsi>, %select_n3A_136, %reduce_min3A_137 [1] : vector<32x128xi32> to vector<32xi32>
    %broadcast_in_dim3A_139 = vector.shape_cast %reduce_min3A_138 : vector<32xi32> to vector<32x1xi32>
    %eq3A_140 = vector.broadcast %broadcast_in_dim3A_139 : vector<32x1xi32> to vector<32x128xi32>
    %eq3A_141 = arith.cmpi eq, %select_n3A_136, %eq3A_140 : vector<32x128xi32>
    %jit3A_142 = arith.constant 1073741824 : i32
    %broadcast_in_dim3A_143 = vector.broadcast %jit3A_142 : i32 to vector<32x128xi32>
    %select_n3A_144 = arith.select %eq3A_141, %broadcast_in_dim3A_143, %select_n3A_136 : vector<32x128xi1>, vector<32x128xi32>
    %reduce_min3A_145 = arith.constant dense<2147483647> : vector<32xi32>
    %reduce_min3A_146 = vector.multi_reduction <minsi>, %select_n3A_144, %reduce_min3A_145 [1] : vector<32x128xi32> to vector<32xi32>
    %broadcast_in_dim3A_147 = vector.shape_cast %reduce_min3A_146 : vector<32xi32> to vector<32x1xi32>
    %eq3A_148 = vector.broadcast %broadcast_in_dim3A_147 : vector<32x1xi32> to vector<32x128xi32>
    %eq3A_149 = arith.cmpi eq, %select_n3A_144, %eq3A_148 : vector<32x128xi32>
    %jit3A_150 = arith.constant 1073741824 : i32
    %broadcast_in_dim3A_151 = vector.broadcast %jit3A_150 : i32 to vector<32x128xi32>
    %select_n3A_152 = arith.select %eq3A_149, %broadcast_in_dim3A_151, %select_n3A_144 : vector<32x128xi1>, vector<32x128xi32>
    %reduce_min3A_153 = arith.constant dense<2147483647> : vector<32xi32>
    %reduce_min3A_154 = vector.multi_reduction <minsi>, %select_n3A_152, %reduce_min3A_153 [1] : vector<32x128xi32> to vector<32xi32>
    %broadcast_in_dim3A_155 = vector.shape_cast %reduce_min3A_154 : vector<32xi32> to vector<32x1xi32>
    %eq3A_156 = vector.broadcast %broadcast_in_dim3A_155 : vector<32x1xi32> to vector<32x128xi32>
    %eq3A_157 = arith.cmpi eq, %select_n3A_152, %eq3A_156 : vector<32x128xi32>
    %jit3A_158 = arith.constant 1073741824 : i32
    %broadcast_in_dim3A_159 = vector.broadcast %jit3A_158 : i32 to vector<32x128xi32>
    %select_n3A_160 = arith.select %eq3A_157, %broadcast_in_dim3A_159, %select_n3A_152 : vector<32x128xi1>, vector<32x128xi32>
    %reduce_min3A_161 = arith.constant dense<2147483647> : vector<32xi32>
    %reduce_min3A_162 = vector.multi_reduction <minsi>, %select_n3A_160, %reduce_min3A_161 [1] : vector<32x128xi32> to vector<32xi32>
    %broadcast_in_dim3A_163 = vector.shape_cast %reduce_min3A_162 : vector<32xi32> to vector<32x1xi32>
    %eq3A_164 = vector.broadcast %broadcast_in_dim3A_163 : vector<32x1xi32> to vector<32x128xi32>
    %eq3A_165 = arith.cmpi eq, %select_n3A_160, %eq3A_164 : vector<32x128xi32>
    %jit3A_166 = arith.constant 1073741824 : i32
    %broadcast_in_dim3A_167 = vector.broadcast %jit3A_166 : i32 to vector<32x128xi32>
    %select_n3A_168 = arith.select %eq3A_165, %broadcast_in_dim3A_167, %select_n3A_160 : vector<32x128xi1>, vector<32x128xi32>
    %reduce_min3A_169 = arith.constant dense<2147483647> : vector<32xi32>
    %reduce_min3A_170 = vector.multi_reduction <minsi>, %select_n3A_168, %reduce_min3A_169 [1] : vector<32x128xi32> to vector<32xi32>
    %broadcast_in_dim3A_171 = vector.shape_cast %reduce_min3A_170 : vector<32xi32> to vector<32x1xi32>
    %eq3A_172 = vector.broadcast %broadcast_in_dim3A_171 : vector<32x1xi32> to vector<32x128xi32>
    %eq3A_173 = arith.cmpi eq, %select_n3A_168, %eq3A_172 : vector<32x128xi32>
    %jit3A_174 = arith.constant 1073741824 : i32
    %broadcast_in_dim3A_175 = vector.broadcast %jit3A_174 : i32 to vector<32x128xi32>
    %select_n3A_176 = arith.select %eq3A_173, %broadcast_in_dim3A_175, %select_n3A_168 : vector<32x128xi1>, vector<32x128xi32>
    %reduce_min3A_177 = arith.constant dense<2147483647> : vector<32xi32>
    %reduce_min3A_178 = vector.multi_reduction <minsi>, %select_n3A_176, %reduce_min3A_177 [1] : vector<32x128xi32> to vector<32xi32>
    %broadcast_in_dim3A_179 = vector.shape_cast %reduce_min3A_178 : vector<32xi32> to vector<32x1xi32>
    %eq3A_180 = vector.broadcast %broadcast_in_dim3A_179 : vector<32x1xi32> to vector<32x128xi32>
    %eq3A_181 = arith.cmpi eq, %select_n3A_176, %eq3A_180 : vector<32x128xi32>
    %jit3A_182 = arith.constant 1073741824 : i32
    %broadcast_in_dim3A_183 = vector.broadcast %jit3A_182 : i32 to vector<32x128xi32>
    %select_n3A_184 = arith.select %eq3A_181, %broadcast_in_dim3A_183, %select_n3A_176 : vector<32x128xi1>, vector<32x128xi32>
    %reduce_min3A_185 = arith.constant dense<2147483647> : vector<32xi32>
    %reduce_min3A_186 = vector.multi_reduction <minsi>, %select_n3A_184, %reduce_min3A_185 [1] : vector<32x128xi32> to vector<32xi32>
    %broadcast_in_dim3A_187 = vector.shape_cast %reduce_min3A_186 : vector<32xi32> to vector<32x1xi32>
    %eq3A_188 = vector.broadcast %broadcast_in_dim3A_187 : vector<32x1xi32> to vector<32x128xi32>
    %eq3A_189 = arith.cmpi eq, %select_n3A_184, %eq3A_188 : vector<32x128xi32>
    %jit3A_190 = arith.constant 1073741824 : i32
    %broadcast_in_dim3A_191 = vector.broadcast %jit3A_190 : i32 to vector<32x128xi32>
    %select_n3A_192 = arith.select %eq3A_189, %broadcast_in_dim3A_191, %select_n3A_184 : vector<32x128xi1>, vector<32x128xi32>
    %reduce_min3A_193 = arith.constant dense<2147483647> : vector<32xi32>
    %reduce_min3A_194 = vector.multi_reduction <minsi>, %select_n3A_192, %reduce_min3A_193 [1] : vector<32x128xi32> to vector<32xi32>
    %broadcast_in_dim3A_195 = vector.shape_cast %reduce_min3A_194 : vector<32xi32> to vector<32x1xi32>
    %eq3A_196 = vector.broadcast %broadcast_in_dim3A_195 : vector<32x1xi32> to vector<32x128xi32>
    %eq3A_197 = arith.cmpi eq, %select_n3A_192, %eq3A_196 : vector<32x128xi32>
    %jit3A_198 = arith.constant 1073741824 : i32
    %broadcast_in_dim3A_199 = vector.broadcast %jit3A_198 : i32 to vector<32x128xi32>
    %select_n3A_200 = arith.select %eq3A_197, %broadcast_in_dim3A_199, %select_n3A_192 : vector<32x128xi1>, vector<32x128xi32>
    %reduce_min3A_201 = arith.constant dense<2147483647> : vector<32xi32>
    %reduce_min3A_202 = vector.multi_reduction <minsi>, %select_n3A_200, %reduce_min3A_201 [1] : vector<32x128xi32> to vector<32xi32>
    %broadcast_in_dim3A_203 = vector.shape_cast %reduce_min3A_202 : vector<32xi32> to vector<32x1xi32>
    %eq3A_204 = vector.broadcast %broadcast_in_dim3A_203 : vector<32x1xi32> to vector<32x128xi32>
    %eq3A_205 = arith.cmpi eq, %select_n3A_200, %eq3A_204 : vector<32x128xi32>
    %jit3A_206 = arith.constant 1073741824 : i32
    %broadcast_in_dim3A_207 = vector.broadcast %jit3A_206 : i32 to vector<32x128xi32>
    %select_n3A_208 = arith.select %eq3A_205, %broadcast_in_dim3A_207, %select_n3A_200 : vector<32x128xi1>, vector<32x128xi32>
    %reduce_min3A_209 = arith.constant dense<2147483647> : vector<32xi32>
    %reduce_min3A_210 = vector.multi_reduction <minsi>, %select_n3A_208, %reduce_min3A_209 [1] : vector<32x128xi32> to vector<32xi32>
    %broadcast_in_dim3A_211 = vector.shape_cast %reduce_min3A_210 : vector<32xi32> to vector<32x1xi32>
    %eq3A_212 = vector.broadcast %broadcast_in_dim3A_211 : vector<32x1xi32> to vector<32x128xi32>
    %eq3A_213 = arith.cmpi eq, %select_n3A_208, %eq3A_212 : vector<32x128xi32>
    %jit3A_214 = arith.constant 1073741824 : i32
    %broadcast_in_dim3A_215 = vector.broadcast %jit3A_214 : i32 to vector<32x128xi32>
    %select_n3A_216 = arith.select %eq3A_213, %broadcast_in_dim3A_215, %select_n3A_208 : vector<32x128xi1>, vector<32x128xi32>
    %reduce_min3A_217 = arith.constant dense<2147483647> : vector<32xi32>
    %reduce_min3A_218 = vector.multi_reduction <minsi>, %select_n3A_216, %reduce_min3A_217 [1] : vector<32x128xi32> to vector<32xi32>
    %broadcast_in_dim3A_219 = vector.shape_cast %reduce_min3A_218 : vector<32xi32> to vector<32x1xi32>
    %eq3A_220 = vector.broadcast %broadcast_in_dim3A_219 : vector<32x1xi32> to vector<32x128xi32>
    %eq3A_221 = arith.cmpi eq, %select_n3A_216, %eq3A_220 : vector<32x128xi32>
    %jit3A_222 = arith.constant 1073741824 : i32
    %broadcast_in_dim3A_223 = vector.broadcast %jit3A_222 : i32 to vector<32x128xi32>
    %select_n3A_224 = arith.select %eq3A_221, %broadcast_in_dim3A_223, %select_n3A_216 : vector<32x128xi1>, vector<32x128xi32>
    %reduce_min3A_225 = arith.constant dense<2147483647> : vector<32xi32>
    %reduce_min3A_226 = vector.multi_reduction <minsi>, %select_n3A_224, %reduce_min3A_225 [1] : vector<32x128xi32> to vector<32xi32>
    %broadcast_in_dim3A_227 = vector.shape_cast %reduce_min3A_226 : vector<32xi32> to vector<32x1xi32>
    %eq3A_228 = vector.broadcast %broadcast_in_dim3A_227 : vector<32x1xi32> to vector<32x128xi32>
    %eq3A_229 = arith.cmpi eq, %select_n3A_224, %eq3A_228 : vector<32x128xi32>
    %jit3A_230 = arith.constant 1073741824 : i32
    %broadcast_in_dim3A_231 = vector.broadcast %jit3A_230 : i32 to vector<32x128xi32>
    %select_n3A_232 = arith.select %eq3A_229, %broadcast_in_dim3A_231, %select_n3A_224 : vector<32x128xi1>, vector<32x128xi32>
    %reduce_min3A_233 = arith.constant dense<2147483647> : vector<32xi32>
    %reduce_min3A_234 = vector.multi_reduction <minsi>, %select_n3A_232, %reduce_min3A_233 [1] : vector<32x128xi32> to vector<32xi32>
    %broadcast_in_dim3A_235 = vector.shape_cast %reduce_min3A_234 : vector<32xi32> to vector<32x1xi32>
    %eq3A_236 = vector.broadcast %broadcast_in_dim3A_235 : vector<32x1xi32> to vector<32x128xi32>
    %eq3A_237 = arith.cmpi eq, %select_n3A_232, %eq3A_236 : vector<32x128xi32>
    %jit3A_238 = arith.constant 1073741824 : i32
    %broadcast_in_dim3A_239 = vector.broadcast %jit3A_238 : i32 to vector<32x128xi32>
    %select_n3A_240 = arith.select %eq3A_237, %broadcast_in_dim3A_239, %select_n3A_232 : vector<32x128xi1>, vector<32x128xi32>
    %reduce_min3A_241 = arith.constant dense<2147483647> : vector<32xi32>
    %reduce_min3A_242 = vector.multi_reduction <minsi>, %select_n3A_240, %reduce_min3A_241 [1] : vector<32x128xi32> to vector<32xi32>
    %broadcast_in_dim3A_243 = vector.shape_cast %reduce_min3A_242 : vector<32xi32> to vector<32x1xi32>
    %eq3A_244 = vector.broadcast %broadcast_in_dim3A_243 : vector<32x1xi32> to vector<32x128xi32>
    %eq3A_245 = arith.cmpi eq, %select_n3A_240, %eq3A_244 : vector<32x128xi32>
    %jit3A_246 = arith.constant 1073741824 : i32
    %broadcast_in_dim3A_247 = vector.broadcast %jit3A_246 : i32 to vector<32x128xi32>
    %select_n3A_248 = arith.select %eq3A_245, %broadcast_in_dim3A_247, %select_n3A_240 : vector<32x128xi1>, vector<32x128xi32>
    %reduce_min3A_249 = arith.constant dense<2147483647> : vector<32xi32>
    %reduce_min3A_250 = vector.multi_reduction <minsi>, %select_n3A_248, %reduce_min3A_249 [1] : vector<32x128xi32> to vector<32xi32>
    %broadcast_in_dim3A_251 = vector.shape_cast %reduce_min3A_250 : vector<32xi32> to vector<32x1xi32>
    %eq3A_252 = vector.broadcast %broadcast_in_dim3A_251 : vector<32x1xi32> to vector<32x128xi32>
    %eq3A_253 = arith.cmpi eq, %select_n3A_248, %eq3A_252 : vector<32x128xi32>
    %jit3A_254 = arith.constant 1073741824 : i32
    %broadcast_in_dim3A_255 = vector.broadcast %jit3A_254 : i32 to vector<32x128xi32>
    %select_n3A_256 = arith.select %eq3A_253, %broadcast_in_dim3A_255, %select_n3A_248 : vector<32x128xi1>, vector<32x128xi32>
    %reduce_min3A_257 = arith.constant dense<2147483647> : vector<32xi32>
    %reduce_min3A_258 = vector.multi_reduction <minsi>, %select_n3A_256, %reduce_min3A_257 [1] : vector<32x128xi32> to vector<32xi32>
    %broadcast_in_dim3A_259 = vector.shape_cast %reduce_min3A_258 : vector<32xi32> to vector<32x1xi32>
    %eq3A_260 = vector.broadcast %broadcast_in_dim3A_259 : vector<32x1xi32> to vector<32x128xi32>
    %eq3A_261 = arith.cmpi eq, %select_n3A_256, %eq3A_260 : vector<32x128xi32>
    %jit3A_262 = arith.constant 1073741824 : i32
    %broadcast_in_dim3A_263 = vector.broadcast %jit3A_262 : i32 to vector<32x128xi32>
    %select_n3A_264 = arith.select %eq3A_261, %broadcast_in_dim3A_263, %select_n3A_256 : vector<32x128xi1>, vector<32x128xi32>
    %reduce_min3A_265 = arith.constant dense<2147483647> : vector<32xi32>
    %reduce_min3A_266 = vector.multi_reduction <minsi>, %select_n3A_264, %reduce_min3A_265 [1] : vector<32x128xi32> to vector<32xi32>
    %broadcast_in_dim3A_267 = vector.shape_cast %reduce_min3A_266 : vector<32xi32> to vector<32x1xi32>
    %eq3A_268 = vector.broadcast %broadcast_in_dim3A_267 : vector<32x1xi32> to vector<32x128xi32>
    %eq3A_269 = arith.cmpi eq, %select_n3A_264, %eq3A_268 : vector<32x128xi32>
    %jit3A_270 = arith.constant 1073741824 : i32
    %broadcast_in_dim3A_271 = vector.broadcast %jit3A_270 : i32 to vector<32x128xi32>
    %select_n3A_272 = arith.select %eq3A_269, %broadcast_in_dim3A_271, %select_n3A_264 : vector<32x128xi1>, vector<32x128xi32>
    %reduce_min3A_273 = arith.constant dense<2147483647> : vector<32xi32>
    %reduce_min3A_274 = vector.multi_reduction <minsi>, %select_n3A_272, %reduce_min3A_273 [1] : vector<32x128xi32> to vector<32xi32>
    %broadcast_in_dim3A_275 = vector.shape_cast %reduce_min3A_274 : vector<32xi32> to vector<32x1xi32>
    %get3A_276 = arith.constant 0 : index
    %get3A_277 = arith.constant 0 : index
    %get3A_278 = arith.constant 0 : index
    %get3A_279 = vector.load %arg4[%get3A_276, %get3A_277, %get3A_278] : memref<1x128x131xf32, #tpu.memory_space<vmem>>, vector<1x128x131xf32>
    %get3A_280 = vector.shape_cast %get3A_279 : vector<1x128x131xf32> to vector<128x131xf32>
    %ge3A = arith.constant 128 : i32
    %ge3A_281 = vector.broadcast %ge3A : i32 to vector<32x1xi32>
    %ge3A_282 = arith.cmpi sge, %broadcast_in_dim3A_28, %ge3A_281 : vector<32x1xi32>
    %select_n3A_283 = arith.select %ge3A_282, %broadcast_in_dim3A_28, %broadcast_in_dim3A_28 : vector<32x1xi1>, vector<32x1xi32>
    %eq3A_284 = vector.broadcast %select_n3A_283 : vector<32x1xi32> to vector<32x128xi32>
    %eq3A_285 = arith.cmpi eq, %iota3A, %eq3A_284 : vector<32x128xi32>
    %convert_element_type3A = arith.extui %eq3A_285 : vector<32x128xi1> to vector<32x128xi32>
    %convert_element_type3A_286 = arith.sitofp %convert_element_type3A : vector<32x128xi32> to vector<32x128xf32>
    %dot_general3A = arith.constant dense<0.000000e+00> : vector<32x131xf32>
    %dot_general3A_287 = tpu.matmul %convert_element_type3A_286, %get3A_280, %dot_general3A {dimension_numbers = #tpu.dot_dimension_numbers<[1], [0], [0], [1], [0, 0, 1, 1], [], []>, transpose_lhs_hint = false} : vector<32x128xf32>, vector<128x131xf32>, vector<32x131xf32> -> vector<32x131xf32>
    %slice3A_288 = vector.extract_strided_slice %dot_general3A_287 {offsets = [0, 0], sizes = [32, 3], strides = [1, 1]} : vector<32x131xf32> to vector<32x3xf32>
    %sub3A_289 = arith.subf %slice3A_288, %get3A_3 : vector<32x3xf32>
    %slice3A_290 = vector.extract_strided_slice %dot_general3A_287 {offsets = [0, 3], sizes = [32, 128], strides = [1, 1]} : vector<32x131xf32> to vector<32x128xf32>
    %concatenate3A = tpu.concatenate %sub3A_289, %slice3A_290 in 1 : vector<32x3xf32>, vector<32x128xf32> -> vector<32x131xf32>
    %ge3A_291 = arith.constant 128 : i32
    %ge3A_292 = vector.broadcast %ge3A_291 : i32 to vector<32x1xi32>
    %ge3A_293 = arith.cmpi sge, %broadcast_in_dim3A_35, %ge3A_292 : vector<32x1xi32>
    %select_n3A_294 = arith.select %ge3A_293, %broadcast_in_dim3A_28, %broadcast_in_dim3A_35 : vector<32x1xi1>, vector<32x1xi32>
    %eq3A_295 = vector.broadcast %select_n3A_294 : vector<32x1xi32> to vector<32x128xi32>
    %eq3A_296 = arith.cmpi eq, %iota3A, %eq3A_295 : vector<32x128xi32>
    %convert_element_type3A_297 = arith.extui %eq3A_296 : vector<32x128xi1> to vector<32x128xi32>
    %convert_element_type3A_298 = arith.sitofp %convert_element_type3A_297 : vector<32x128xi32> to vector<32x128xf32>
    %dot_general3A_299 = arith.constant dense<0.000000e+00> : vector<32x131xf32>
    %dot_general3A_300 = tpu.matmul %convert_element_type3A_298, %get3A_280, %dot_general3A_299 {dimension_numbers = #tpu.dot_dimension_numbers<[1], [0], [0], [1], [0, 0, 1, 1], [], []>, transpose_lhs_hint = false} : vector<32x128xf32>, vector<128x131xf32>, vector<32x131xf32> -> vector<32x131xf32>
    %slice3A_301 = vector.extract_strided_slice %dot_general3A_300 {offsets = [0, 0], sizes = [32, 3], strides = [1, 1]} : vector<32x131xf32> to vector<32x3xf32>
    %sub3A_302 = arith.subf %slice3A_301, %get3A_3 : vector<32x3xf32>
    %slice3A_303 = vector.extract_strided_slice %dot_general3A_300 {offsets = [0, 3], sizes = [32, 128], strides = [1, 1]} : vector<32x131xf32> to vector<32x128xf32>
    %concatenate3A_304 = tpu.concatenate %sub3A_302, %slice3A_303 in 1 : vector<32x3xf32>, vector<32x128xf32> -> vector<32x131xf32>
    %ge3A_305 = arith.constant 128 : i32
    %ge3A_306 = vector.broadcast %ge3A_305 : i32 to vector<32x1xi32>
    %ge3A_307 = arith.cmpi sge, %broadcast_in_dim3A_43, %ge3A_306 : vector<32x1xi32>
    %select_n3A_308 = arith.select %ge3A_307, %broadcast_in_dim3A_28, %broadcast_in_dim3A_43 : vector<32x1xi1>, vector<32x1xi32>
    %eq3A_309 = vector.broadcast %select_n3A_308 : vector<32x1xi32> to vector<32x128xi32>
    %eq3A_310 = arith.cmpi eq, %iota3A, %eq3A_309 : vector<32x128xi32>
    %convert_element_type3A_311 = arith.extui %eq3A_310 : vector<32x128xi1> to vector<32x128xi32>
    %convert_element_type3A_312 = arith.sitofp %convert_element_type3A_311 : vector<32x128xi32> to vector<32x128xf32>
    %dot_general3A_313 = arith.constant dense<0.000000e+00> : vector<32x131xf32>
    %dot_general3A_314 = tpu.matmul %convert_element_type3A_312, %get3A_280, %dot_general3A_313 {dimension_numbers = #tpu.dot_dimension_numbers<[1], [0], [0], [1], [0, 0, 1, 1], [], []>, transpose_lhs_hint = false} : vector<32x128xf32>, vector<128x131xf32>, vector<32x131xf32> -> vector<32x131xf32>
    %slice3A_315 = vector.extract_strided_slice %dot_general3A_314 {offsets = [0, 0], sizes = [32, 3], strides = [1, 1]} : vector<32x131xf32> to vector<32x3xf32>
    %sub3A_316 = arith.subf %slice3A_315, %get3A_3 : vector<32x3xf32>
    %slice3A_317 = vector.extract_strided_slice %dot_general3A_314 {offsets = [0, 3], sizes = [32, 128], strides = [1, 1]} : vector<32x131xf32> to vector<32x128xf32>
    %concatenate3A_318 = tpu.concatenate %sub3A_316, %slice3A_317 in 1 : vector<32x3xf32>, vector<32x128xf32> -> vector<32x131xf32>
    %ge3A_319 = arith.constant 128 : i32
    %ge3A_320 = vector.broadcast %ge3A_319 : i32 to vector<32x1xi32>
    %ge3A_321 = arith.cmpi sge, %broadcast_in_dim3A_51, %ge3A_320 : vector<32x1xi32>
    %select_n3A_322 = arith.select %ge3A_321, %broadcast_in_dim3A_28, %broadcast_in_dim3A_51 : vector<32x1xi1>, vector<32x1xi32>
    %eq3A_323 = vector.broadcast %select_n3A_322 : vector<32x1xi32> to vector<32x128xi32>
    %eq3A_324 = arith.cmpi eq, %iota3A, %eq3A_323 : vector<32x128xi32>
    %convert_element_type3A_325 = arith.extui %eq3A_324 : vector<32x128xi1> to vector<32x128xi32>
    %convert_element_type3A_326 = arith.sitofp %convert_element_type3A_325 : vector<32x128xi32> to vector<32x128xf32>
    %dot_general3A_327 = arith.constant dense<0.000000e+00> : vector<32x131xf32>
    %dot_general3A_328 = tpu.matmul %convert_element_type3A_326, %get3A_280, %dot_general3A_327 {dimension_numbers = #tpu.dot_dimension_numbers<[1], [0], [0], [1], [0, 0, 1, 1], [], []>, transpose_lhs_hint = false} : vector<32x128xf32>, vector<128x131xf32>, vector<32x131xf32> -> vector<32x131xf32>
    %slice3A_329 = vector.extract_strided_slice %dot_general3A_328 {offsets = [0, 0], sizes = [32, 3], strides = [1, 1]} : vector<32x131xf32> to vector<32x3xf32>
    %sub3A_330 = arith.subf %slice3A_329, %get3A_3 : vector<32x3xf32>
    %slice3A_331 = vector.extract_strided_slice %dot_general3A_328 {offsets = [0, 3], sizes = [32, 128], strides = [1, 1]} : vector<32x131xf32> to vector<32x128xf32>
    %concatenate3A_332 = tpu.concatenate %sub3A_330, %slice3A_331 in 1 : vector<32x3xf32>, vector<32x128xf32> -> vector<32x131xf32>
    %ge3A_333 = arith.constant 128 : i32
    %ge3A_334 = vector.broadcast %ge3A_333 : i32 to vector<32x1xi32>
    %ge3A_335 = arith.cmpi sge, %broadcast_in_dim3A_59, %ge3A_334 : vector<32x1xi32>
    %select_n3A_336 = arith.select %ge3A_335, %broadcast_in_dim3A_28, %broadcast_in_dim3A_59 : vector<32x1xi1>, vector<32x1xi32>
    %eq3A_337 = vector.broadcast %select_n3A_336 : vector<32x1xi32> to vector<32x128xi32>
    %eq3A_338 = arith.cmpi eq, %iota3A, %eq3A_337 : vector<32x128xi32>
    %convert_element_type3A_339 = arith.extui %eq3A_338 : vector<32x128xi1> to vector<32x128xi32>
    %convert_element_type3A_340 = arith.sitofp %convert_element_type3A_339 : vector<32x128xi32> to vector<32x128xf32>
    %dot_general3A_341 = arith.constant dense<0.000000e+00> : vector<32x131xf32>
    %dot_general3A_342 = tpu.matmul %convert_element_type3A_340, %get3A_280, %dot_general3A_341 {dimension_numbers = #tpu.dot_dimension_numbers<[1], [0], [0], [1], [0, 0, 1, 1], [], []>, transpose_lhs_hint = false} : vector<32x128xf32>, vector<128x131xf32>, vector<32x131xf32> -> vector<32x131xf32>
    %slice3A_343 = vector.extract_strided_slice %dot_general3A_342 {offsets = [0, 0], sizes = [32, 3], strides = [1, 1]} : vector<32x131xf32> to vector<32x3xf32>
    %sub3A_344 = arith.subf %slice3A_343, %get3A_3 : vector<32x3xf32>
    %slice3A_345 = vector.extract_strided_slice %dot_general3A_342 {offsets = [0, 3], sizes = [32, 128], strides = [1, 1]} : vector<32x131xf32> to vector<32x128xf32>
    %concatenate3A_346 = tpu.concatenate %sub3A_344, %slice3A_345 in 1 : vector<32x3xf32>, vector<32x128xf32> -> vector<32x131xf32>
    %ge3A_347 = arith.constant 128 : i32
    %ge3A_348 = vector.broadcast %ge3A_347 : i32 to vector<32x1xi32>
    %ge3A_349 = arith.cmpi sge, %broadcast_in_dim3A_67, %ge3A_348 : vector<32x1xi32>
    %select_n3A_350 = arith.select %ge3A_349, %broadcast_in_dim3A_28, %broadcast_in_dim3A_67 : vector<32x1xi1>, vector<32x1xi32>
    %eq3A_351 = vector.broadcast %select_n3A_350 : vector<32x1xi32> to vector<32x128xi32>
    %eq3A_352 = arith.cmpi eq, %iota3A, %eq3A_351 : vector<32x128xi32>
    %convert_element_type3A_353 = arith.extui %eq3A_352 : vector<32x128xi1> to vector<32x128xi32>
    %convert_element_type3A_354 = arith.sitofp %convert_element_type3A_353 : vector<32x128xi32> to vector<32x128xf32>
    %dot_general3A_355 = arith.constant dense<0.000000e+00> : vector<32x131xf32>
    %dot_general3A_356 = tpu.matmul %convert_element_type3A_354, %get3A_280, %dot_general3A_355 {dimension_numbers = #tpu.dot_dimension_numbers<[1], [0], [0], [1], [0, 0, 1, 1], [], []>, transpose_lhs_hint = false} : vector<32x128xf32>, vector<128x131xf32>, vector<32x131xf32> -> vector<32x131xf32>
    %slice3A_357 = vector.extract_strided_slice %dot_general3A_356 {offsets = [0, 0], sizes = [32, 3], strides = [1, 1]} : vector<32x131xf32> to vector<32x3xf32>
    %sub3A_358 = arith.subf %slice3A_357, %get3A_3 : vector<32x3xf32>
    %slice3A_359 = vector.extract_strided_slice %dot_general3A_356 {offsets = [0, 3], sizes = [32, 128], strides = [1, 1]} : vector<32x131xf32> to vector<32x128xf32>
    %concatenate3A_360 = tpu.concatenate %sub3A_358, %slice3A_359 in 1 : vector<32x3xf32>, vector<32x128xf32> -> vector<32x131xf32>
    %ge3A_361 = arith.constant 128 : i32
    %ge3A_362 = vector.broadcast %ge3A_361 : i32 to vector<32x1xi32>
    %ge3A_363 = arith.cmpi sge, %broadcast_in_dim3A_75, %ge3A_362 : vector<32x1xi32>
    %select_n3A_364 = arith.select %ge3A_363, %broadcast_in_dim3A_28, %broadcast_in_dim3A_75 : vector<32x1xi1>, vector<32x1xi32>
    %eq3A_365 = vector.broadcast %select_n3A_364 : vector<32x1xi32> to vector<32x128xi32>
    %eq3A_366 = arith.cmpi eq, %iota3A, %eq3A_365 : vector<32x128xi32>
    %convert_element_type3A_367 = arith.extui %eq3A_366 : vector<32x128xi1> to vector<32x128xi32>
    %convert_element_type3A_368 = arith.sitofp %convert_element_type3A_367 : vector<32x128xi32> to vector<32x128xf32>
    %dot_general3A_369 = arith.constant dense<0.000000e+00> : vector<32x131xf32>
    %dot_general3A_370 = tpu.matmul %convert_element_type3A_368, %get3A_280, %dot_general3A_369 {dimension_numbers = #tpu.dot_dimension_numbers<[1], [0], [0], [1], [0, 0, 1, 1], [], []>, transpose_lhs_hint = false} : vector<32x128xf32>, vector<128x131xf32>, vector<32x131xf32> -> vector<32x131xf32>
    %slice3A_371 = vector.extract_strided_slice %dot_general3A_370 {offsets = [0, 0], sizes = [32, 3], strides = [1, 1]} : vector<32x131xf32> to vector<32x3xf32>
    %sub3A_372 = arith.subf %slice3A_371, %get3A_3 : vector<32x3xf32>
    %slice3A_373 = vector.extract_strided_slice %dot_general3A_370 {offsets = [0, 3], sizes = [32, 128], strides = [1, 1]} : vector<32x131xf32> to vector<32x128xf32>
    %concatenate3A_374 = tpu.concatenate %sub3A_372, %slice3A_373 in 1 : vector<32x3xf32>, vector<32x128xf32> -> vector<32x131xf32>
    %ge3A_375 = arith.constant 128 : i32
    %ge3A_376 = vector.broadcast %ge3A_375 : i32 to vector<32x1xi32>
    %ge3A_377 = arith.cmpi sge, %broadcast_in_dim3A_83, %ge3A_376 : vector<32x1xi32>
    %select_n3A_378 = arith.select %ge3A_377, %broadcast_in_dim3A_28, %broadcast_in_dim3A_83 : vector<32x1xi1>, vector<32x1xi32>
    %eq3A_379 = vector.broadcast %select_n3A_378 : vector<32x1xi32> to vector<32x128xi32>
    %eq3A_380 = arith.cmpi eq, %iota3A, %eq3A_379 : vector<32x128xi32>
    %convert_element_type3A_381 = arith.extui %eq3A_380 : vector<32x128xi1> to vector<32x128xi32>
    %convert_element_type3A_382 = arith.sitofp %convert_element_type3A_381 : vector<32x128xi32> to vector<32x128xf32>
    %dot_general3A_383 = arith.constant dense<0.000000e+00> : vector<32x131xf32>
    %dot_general3A_384 = tpu.matmul %convert_element_type3A_382, %get3A_280, %dot_general3A_383 {dimension_numbers = #tpu.dot_dimension_numbers<[1], [0], [0], [1], [0, 0, 1, 1], [], []>, transpose_lhs_hint = false} : vector<32x128xf32>, vector<128x131xf32>, vector<32x131xf32> -> vector<32x131xf32>
    %slice3A_385 = vector.extract_strided_slice %dot_general3A_384 {offsets = [0, 0], sizes = [32, 3], strides = [1, 1]} : vector<32x131xf32> to vector<32x3xf32>
    %sub3A_386 = arith.subf %slice3A_385, %get3A_3 : vector<32x3xf32>
    %slice3A_387 = vector.extract_strided_slice %dot_general3A_384 {offsets = [0, 3], sizes = [32, 128], strides = [1, 1]} : vector<32x131xf32> to vector<32x128xf32>
    %concatenate3A_388 = tpu.concatenate %sub3A_386, %slice3A_387 in 1 : vector<32x3xf32>, vector<32x128xf32> -> vector<32x131xf32>
    %ge3A_389 = arith.constant 128 : i32
    %ge3A_390 = vector.broadcast %ge3A_389 : i32 to vector<32x1xi32>
    %ge3A_391 = arith.cmpi sge, %broadcast_in_dim3A_91, %ge3A_390 : vector<32x1xi32>
    %select_n3A_392 = arith.select %ge3A_391, %broadcast_in_dim3A_28, %broadcast_in_dim3A_91 : vector<32x1xi1>, vector<32x1xi32>
    %eq3A_393 = vector.broadcast %select_n3A_392 : vector<32x1xi32> to vector<32x128xi32>
    %eq3A_394 = arith.cmpi eq, %iota3A, %eq3A_393 : vector<32x128xi32>
    %convert_element_type3A_395 = arith.extui %eq3A_394 : vector<32x128xi1> to vector<32x128xi32>
    %convert_element_type3A_396 = arith.sitofp %convert_element_type3A_395 : vector<32x128xi32> to vector<32x128xf32>
    %dot_general3A_397 = arith.constant dense<0.000000e+00> : vector<32x131xf32>
    %dot_general3A_398 = tpu.matmul %convert_element_type3A_396, %get3A_280, %dot_general3A_397 {dimension_numbers = #tpu.dot_dimension_numbers<[1], [0], [0], [1], [0, 0, 1, 1], [], []>, transpose_lhs_hint = false} : vector<32x128xf32>, vector<128x131xf32>, vector<32x131xf32> -> vector<32x131xf32>
    %slice3A_399 = vector.extract_strided_slice %dot_general3A_398 {offsets = [0, 0], sizes = [32, 3], strides = [1, 1]} : vector<32x131xf32> to vector<32x3xf32>
    %sub3A_400 = arith.subf %slice3A_399, %get3A_3 : vector<32x3xf32>
    %slice3A_401 = vector.extract_strided_slice %dot_general3A_398 {offsets = [0, 3], sizes = [32, 128], strides = [1, 1]} : vector<32x131xf32> to vector<32x128xf32>
    %concatenate3A_402 = tpu.concatenate %sub3A_400, %slice3A_401 in 1 : vector<32x3xf32>, vector<32x128xf32> -> vector<32x131xf32>
    %ge3A_403 = arith.constant 128 : i32
    %ge3A_404 = vector.broadcast %ge3A_403 : i32 to vector<32x1xi32>
    %ge3A_405 = arith.cmpi sge, %broadcast_in_dim3A_99, %ge3A_404 : vector<32x1xi32>
    %select_n3A_406 = arith.select %ge3A_405, %broadcast_in_dim3A_28, %broadcast_in_dim3A_99 : vector<32x1xi1>, vector<32x1xi32>
    %eq3A_407 = vector.broadcast %select_n3A_406 : vector<32x1xi32> to vector<32x128xi32>
    %eq3A_408 = arith.cmpi eq, %iota3A, %eq3A_407 : vector<32x128xi32>
    %convert_element_type3A_409 = arith.extui %eq3A_408 : vector<32x128xi1> to vector<32x128xi32>
    %convert_element_type3A_410 = arith.sitofp %convert_element_type3A_409 : vector<32x128xi32> to vector<32x128xf32>
    %dot_general3A_411 = arith.constant dense<0.000000e+00> : vector<32x131xf32>
    %dot_general3A_412 = tpu.matmul %convert_element_type3A_410, %get3A_280, %dot_general3A_411 {dimension_numbers = #tpu.dot_dimension_numbers<[1], [0], [0], [1], [0, 0, 1, 1], [], []>, transpose_lhs_hint = false} : vector<32x128xf32>, vector<128x131xf32>, vector<32x131xf32> -> vector<32x131xf32>
    %slice3A_413 = vector.extract_strided_slice %dot_general3A_412 {offsets = [0, 0], sizes = [32, 3], strides = [1, 1]} : vector<32x131xf32> to vector<32x3xf32>
    %sub3A_414 = arith.subf %slice3A_413, %get3A_3 : vector<32x3xf32>
    %slice3A_415 = vector.extract_strided_slice %dot_general3A_412 {offsets = [0, 3], sizes = [32, 128], strides = [1, 1]} : vector<32x131xf32> to vector<32x128xf32>
    %concatenate3A_416 = tpu.concatenate %sub3A_414, %slice3A_415 in 1 : vector<32x3xf32>, vector<32x128xf32> -> vector<32x131xf32>
    %ge3A_417 = arith.constant 128 : i32
    %ge3A_418 = vector.broadcast %ge3A_417 : i32 to vector<32x1xi32>
    %ge3A_419 = arith.cmpi sge, %broadcast_in_dim3A_107, %ge3A_418 : vector<32x1xi32>
    %select_n3A_420 = arith.select %ge3A_419, %broadcast_in_dim3A_28, %broadcast_in_dim3A_107 : vector<32x1xi1>, vector<32x1xi32>
    %eq3A_421 = vector.broadcast %select_n3A_420 : vector<32x1xi32> to vector<32x128xi32>
    %eq3A_422 = arith.cmpi eq, %iota3A, %eq3A_421 : vector<32x128xi32>
    %convert_element_type3A_423 = arith.extui %eq3A_422 : vector<32x128xi1> to vector<32x128xi32>
    %convert_element_type3A_424 = arith.sitofp %convert_element_type3A_423 : vector<32x128xi32> to vector<32x128xf32>
    %dot_general3A_425 = arith.constant dense<0.000000e+00> : vector<32x131xf32>
    %dot_general3A_426 = tpu.matmul %convert_element_type3A_424, %get3A_280, %dot_general3A_425 {dimension_numbers = #tpu.dot_dimension_numbers<[1], [0], [0], [1], [0, 0, 1, 1], [], []>, transpose_lhs_hint = false} : vector<32x128xf32>, vector<128x131xf32>, vector<32x131xf32> -> vector<32x131xf32>
    %slice3A_427 = vector.extract_strided_slice %dot_general3A_426 {offsets = [0, 0], sizes = [32, 3], strides = [1, 1]} : vector<32x131xf32> to vector<32x3xf32>
    %sub3A_428 = arith.subf %slice3A_427, %get3A_3 : vector<32x3xf32>
    %slice3A_429 = vector.extract_strided_slice %dot_general3A_426 {offsets = [0, 3], sizes = [32, 128], strides = [1, 1]} : vector<32x131xf32> to vector<32x128xf32>
    %concatenate3A_430 = tpu.concatenate %sub3A_428, %slice3A_429 in 1 : vector<32x3xf32>, vector<32x128xf32> -> vector<32x131xf32>
    %ge3A_431 = arith.constant 128 : i32
    %ge3A_432 = vector.broadcast %ge3A_431 : i32 to vector<32x1xi32>
    %ge3A_433 = arith.cmpi sge, %broadcast_in_dim3A_115, %ge3A_432 : vector<32x1xi32>
    %select_n3A_434 = arith.select %ge3A_433, %broadcast_in_dim3A_28, %broadcast_in_dim3A_115 : vector<32x1xi1>, vector<32x1xi32>
    %eq3A_435 = vector.broadcast %select_n3A_434 : vector<32x1xi32> to vector<32x128xi32>
    %eq3A_436 = arith.cmpi eq, %iota3A, %eq3A_435 : vector<32x128xi32>
    %convert_element_type3A_437 = arith.extui %eq3A_436 : vector<32x128xi1> to vector<32x128xi32>
    %convert_element_type3A_438 = arith.sitofp %convert_element_type3A_437 : vector<32x128xi32> to vector<32x128xf32>
    %dot_general3A_439 = arith.constant dense<0.000000e+00> : vector<32x131xf32>
    %dot_general3A_440 = tpu.matmul %convert_element_type3A_438, %get3A_280, %dot_general3A_439 {dimension_numbers = #tpu.dot_dimension_numbers<[1], [0], [0], [1], [0, 0, 1, 1], [], []>, transpose_lhs_hint = false} : vector<32x128xf32>, vector<128x131xf32>, vector<32x131xf32> -> vector<32x131xf32>
    %slice3A_441 = vector.extract_strided_slice %dot_general3A_440 {offsets = [0, 0], sizes = [32, 3], strides = [1, 1]} : vector<32x131xf32> to vector<32x3xf32>
    %sub3A_442 = arith.subf %slice3A_441, %get3A_3 : vector<32x3xf32>
    %slice3A_443 = vector.extract_strided_slice %dot_general3A_440 {offsets = [0, 3], sizes = [32, 128], strides = [1, 1]} : vector<32x131xf32> to vector<32x128xf32>
    %concatenate3A_444 = tpu.concatenate %sub3A_442, %slice3A_443 in 1 : vector<32x3xf32>, vector<32x128xf32> -> vector<32x131xf32>
    %ge3A_445 = arith.constant 128 : i32
    %ge3A_446 = vector.broadcast %ge3A_445 : i32 to vector<32x1xi32>
    %ge3A_447 = arith.cmpi sge, %broadcast_in_dim3A_123, %ge3A_446 : vector<32x1xi32>
    %select_n3A_448 = arith.select %ge3A_447, %broadcast_in_dim3A_28, %broadcast_in_dim3A_123 : vector<32x1xi1>, vector<32x1xi32>
    %eq3A_449 = vector.broadcast %select_n3A_448 : vector<32x1xi32> to vector<32x128xi32>
    %eq3A_450 = arith.cmpi eq, %iota3A, %eq3A_449 : vector<32x128xi32>
    %convert_element_type3A_451 = arith.extui %eq3A_450 : vector<32x128xi1> to vector<32x128xi32>
    %convert_element_type3A_452 = arith.sitofp %convert_element_type3A_451 : vector<32x128xi32> to vector<32x128xf32>
    %dot_general3A_453 = arith.constant dense<0.000000e+00> : vector<32x131xf32>
    %dot_general3A_454 = tpu.matmul %convert_element_type3A_452, %get3A_280, %dot_general3A_453 {dimension_numbers = #tpu.dot_dimension_numbers<[1], [0], [0], [1], [0, 0, 1, 1], [], []>, transpose_lhs_hint = false} : vector<32x128xf32>, vector<128x131xf32>, vector<32x131xf32> -> vector<32x131xf32>
    %slice3A_455 = vector.extract_strided_slice %dot_general3A_454 {offsets = [0, 0], sizes = [32, 3], strides = [1, 1]} : vector<32x131xf32> to vector<32x3xf32>
    %sub3A_456 = arith.subf %slice3A_455, %get3A_3 : vector<32x3xf32>
    %slice3A_457 = vector.extract_strided_slice %dot_general3A_454 {offsets = [0, 3], sizes = [32, 128], strides = [1, 1]} : vector<32x131xf32> to vector<32x128xf32>
    %concatenate3A_458 = tpu.concatenate %sub3A_456, %slice3A_457 in 1 : vector<32x3xf32>, vector<32x128xf32> -> vector<32x131xf32>
    %ge3A_459 = arith.constant 128 : i32
    %ge3A_460 = vector.broadcast %ge3A_459 : i32 to vector<32x1xi32>
    %ge3A_461 = arith.cmpi sge, %broadcast_in_dim3A_131, %ge3A_460 : vector<32x1xi32>
    %select_n3A_462 = arith.select %ge3A_461, %broadcast_in_dim3A_28, %broadcast_in_dim3A_131 : vector<32x1xi1>, vector<32x1xi32>
    %eq3A_463 = vector.broadcast %select_n3A_462 : vector<32x1xi32> to vector<32x128xi32>
    %eq3A_464 = arith.cmpi eq, %iota3A, %eq3A_463 : vector<32x128xi32>
    %convert_element_type3A_465 = arith.extui %eq3A_464 : vector<32x128xi1> to vector<32x128xi32>
    %convert_element_type3A_466 = arith.sitofp %convert_element_type3A_465 : vector<32x128xi32> to vector<32x128xf32>
    %dot_general3A_467 = arith.constant dense<0.000000e+00> : vector<32x131xf32>
    %dot_general3A_468 = tpu.matmul %convert_element_type3A_466, %get3A_280, %dot_general3A_467 {dimension_numbers = #tpu.dot_dimension_numbers<[1], [0], [0], [1], [0, 0, 1, 1], [], []>, transpose_lhs_hint = false} : vector<32x128xf32>, vector<128x131xf32>, vector<32x131xf32> -> vector<32x131xf32>
    %slice3A_469 = vector.extract_strided_slice %dot_general3A_468 {offsets = [0, 0], sizes = [32, 3], strides = [1, 1]} : vector<32x131xf32> to vector<32x3xf32>
    %sub3A_470 = arith.subf %slice3A_469, %get3A_3 : vector<32x3xf32>
    %slice3A_471 = vector.extract_strided_slice %dot_general3A_468 {offsets = [0, 3], sizes = [32, 128], strides = [1, 1]} : vector<32x131xf32> to vector<32x128xf32>
    %concatenate3A_472 = tpu.concatenate %sub3A_470, %slice3A_471 in 1 : vector<32x3xf32>, vector<32x128xf32> -> vector<32x131xf32>
    %ge3A_473 = arith.constant 128 : i32
    %ge3A_474 = vector.broadcast %ge3A_473 : i32 to vector<32x1xi32>
    %ge3A_475 = arith.cmpi sge, %broadcast_in_dim3A_139, %ge3A_474 : vector<32x1xi32>
    %select_n3A_476 = arith.select %ge3A_475, %broadcast_in_dim3A_28, %broadcast_in_dim3A_139 : vector<32x1xi1>, vector<32x1xi32>
    %eq3A_477 = vector.broadcast %select_n3A_476 : vector<32x1xi32> to vector<32x128xi32>
    %eq3A_478 = arith.cmpi eq, %iota3A, %eq3A_477 : vector<32x128xi32>
    %convert_element_type3A_479 = arith.extui %eq3A_478 : vector<32x128xi1> to vector<32x128xi32>
    %convert_element_type3A_480 = arith.sitofp %convert_element_type3A_479 : vector<32x128xi32> to vector<32x128xf32>
    %dot_general3A_481 = arith.constant dense<0.000000e+00> : vector<32x131xf32>
    %dot_general3A_482 = tpu.matmul %convert_element_type3A_480, %get3A_280, %dot_general3A_481 {dimension_numbers = #tpu.dot_dimension_numbers<[1], [0], [0], [1], [0, 0, 1, 1], [], []>, transpose_lhs_hint = false} : vector<32x128xf32>, vector<128x131xf32>, vector<32x131xf32> -> vector<32x131xf32>
    %slice3A_483 = vector.extract_strided_slice %dot_general3A_482 {offsets = [0, 0], sizes = [32, 3], strides = [1, 1]} : vector<32x131xf32> to vector<32x3xf32>
    %sub3A_484 = arith.subf %slice3A_483, %get3A_3 : vector<32x3xf32>
    %slice3A_485 = vector.extract_strided_slice %dot_general3A_482 {offsets = [0, 3], sizes = [32, 128], strides = [1, 1]} : vector<32x131xf32> to vector<32x128xf32>
    %concatenate3A_486 = tpu.concatenate %sub3A_484, %slice3A_485 in 1 : vector<32x3xf32>, vector<32x128xf32> -> vector<32x131xf32>
    %ge3A_487 = arith.constant 128 : i32
    %ge3A_488 = vector.broadcast %ge3A_487 : i32 to vector<32x1xi32>
    %ge3A_489 = arith.cmpi sge, %broadcast_in_dim3A_147, %ge3A_488 : vector<32x1xi32>
    %select_n3A_490 = arith.select %ge3A_489, %broadcast_in_dim3A_28, %broadcast_in_dim3A_147 : vector<32x1xi1>, vector<32x1xi32>
    %eq3A_491 = vector.broadcast %select_n3A_490 : vector<32x1xi32> to vector<32x128xi32>
    %eq3A_492 = arith.cmpi eq, %iota3A, %eq3A_491 : vector<32x128xi32>
    %convert_element_type3A_493 = arith.extui %eq3A_492 : vector<32x128xi1> to vector<32x128xi32>
    %convert_element_type3A_494 = arith.sitofp %convert_element_type3A_493 : vector<32x128xi32> to vector<32x128xf32>
    %dot_general3A_495 = arith.constant dense<0.000000e+00> : vector<32x131xf32>
    %dot_general3A_496 = tpu.matmul %convert_element_type3A_494, %get3A_280, %dot_general3A_495 {dimension_numbers = #tpu.dot_dimension_numbers<[1], [0], [0], [1], [0, 0, 1, 1], [], []>, transpose_lhs_hint = false} : vector<32x128xf32>, vector<128x131xf32>, vector<32x131xf32> -> vector<32x131xf32>
    %slice3A_497 = vector.extract_strided_slice %dot_general3A_496 {offsets = [0, 0], sizes = [32, 3], strides = [1, 1]} : vector<32x131xf32> to vector<32x3xf32>
    %sub3A_498 = arith.subf %slice3A_497, %get3A_3 : vector<32x3xf32>
    %slice3A_499 = vector.extract_strided_slice %dot_general3A_496 {offsets = [0, 3], sizes = [32, 128], strides = [1, 1]} : vector<32x131xf32> to vector<32x128xf32>
    %concatenate3A_500 = tpu.concatenate %sub3A_498, %slice3A_499 in 1 : vector<32x3xf32>, vector<32x128xf32> -> vector<32x131xf32>
    %ge3A_501 = arith.constant 128 : i32
    %ge3A_502 = vector.broadcast %ge3A_501 : i32 to vector<32x1xi32>
    %ge3A_503 = arith.cmpi sge, %broadcast_in_dim3A_155, %ge3A_502 : vector<32x1xi32>
    %select_n3A_504 = arith.select %ge3A_503, %broadcast_in_dim3A_28, %broadcast_in_dim3A_155 : vector<32x1xi1>, vector<32x1xi32>
    %eq3A_505 = vector.broadcast %select_n3A_504 : vector<32x1xi32> to vector<32x128xi32>
    %eq3A_506 = arith.cmpi eq, %iota3A, %eq3A_505 : vector<32x128xi32>
    %convert_element_type3A_507 = arith.extui %eq3A_506 : vector<32x128xi1> to vector<32x128xi32>
    %convert_element_type3A_508 = arith.sitofp %convert_element_type3A_507 : vector<32x128xi32> to vector<32x128xf32>
    %dot_general3A_509 = arith.constant dense<0.000000e+00> : vector<32x131xf32>
    %dot_general3A_510 = tpu.matmul %convert_element_type3A_508, %get3A_280, %dot_general3A_509 {dimension_numbers = #tpu.dot_dimension_numbers<[1], [0], [0], [1], [0, 0, 1, 1], [], []>, transpose_lhs_hint = false} : vector<32x128xf32>, vector<128x131xf32>, vector<32x131xf32> -> vector<32x131xf32>
    %slice3A_511 = vector.extract_strided_slice %dot_general3A_510 {offsets = [0, 0], sizes = [32, 3], strides = [1, 1]} : vector<32x131xf32> to vector<32x3xf32>
    %sub3A_512 = arith.subf %slice3A_511, %get3A_3 : vector<32x3xf32>
    %slice3A_513 = vector.extract_strided_slice %dot_general3A_510 {offsets = [0, 3], sizes = [32, 128], strides = [1, 1]} : vector<32x131xf32> to vector<32x128xf32>
    %concatenate3A_514 = tpu.concatenate %sub3A_512, %slice3A_513 in 1 : vector<32x3xf32>, vector<32x128xf32> -> vector<32x131xf32>
    %ge3A_515 = arith.constant 128 : i32
    %ge3A_516 = vector.broadcast %ge3A_515 : i32 to vector<32x1xi32>
    %ge3A_517 = arith.cmpi sge, %broadcast_in_dim3A_163, %ge3A_516 : vector<32x1xi32>
    %select_n3A_518 = arith.select %ge3A_517, %broadcast_in_dim3A_28, %broadcast_in_dim3A_163 : vector<32x1xi1>, vector<32x1xi32>
    %eq3A_519 = vector.broadcast %select_n3A_518 : vector<32x1xi32> to vector<32x128xi32>
    %eq3A_520 = arith.cmpi eq, %iota3A, %eq3A_519 : vector<32x128xi32>
    %convert_element_type3A_521 = arith.extui %eq3A_520 : vector<32x128xi1> to vector<32x128xi32>
    %convert_element_type3A_522 = arith.sitofp %convert_element_type3A_521 : vector<32x128xi32> to vector<32x128xf32>
    %dot_general3A_523 = arith.constant dense<0.000000e+00> : vector<32x131xf32>
    %dot_general3A_524 = tpu.matmul %convert_element_type3A_522, %get3A_280, %dot_general3A_523 {dimension_numbers = #tpu.dot_dimension_numbers<[1], [0], [0], [1], [0, 0, 1, 1], [], []>, transpose_lhs_hint = false} : vector<32x128xf32>, vector<128x131xf32>, vector<32x131xf32> -> vector<32x131xf32>
    %slice3A_525 = vector.extract_strided_slice %dot_general3A_524 {offsets = [0, 0], sizes = [32, 3], strides = [1, 1]} : vector<32x131xf32> to vector<32x3xf32>
    %sub3A_526 = arith.subf %slice3A_525, %get3A_3 : vector<32x3xf32>
    %slice3A_527 = vector.extract_strided_slice %dot_general3A_524 {offsets = [0, 3], sizes = [32, 128], strides = [1, 1]} : vector<32x131xf32> to vector<32x128xf32>
    %concatenate3A_528 = tpu.concatenate %sub3A_526, %slice3A_527 in 1 : vector<32x3xf32>, vector<32x128xf32> -> vector<32x131xf32>
    %ge3A_529 = arith.constant 128 : i32
    %ge3A_530 = vector.broadcast %ge3A_529 : i32 to vector<32x1xi32>
    %ge3A_531 = arith.cmpi sge, %broadcast_in_dim3A_171, %ge3A_530 : vector<32x1xi32>
    %select_n3A_532 = arith.select %ge3A_531, %broadcast_in_dim3A_28, %broadcast_in_dim3A_171 : vector<32x1xi1>, vector<32x1xi32>
    %eq3A_533 = vector.broadcast %select_n3A_532 : vector<32x1xi32> to vector<32x128xi32>
    %eq3A_534 = arith.cmpi eq, %iota3A, %eq3A_533 : vector<32x128xi32>
    %convert_element_type3A_535 = arith.extui %eq3A_534 : vector<32x128xi1> to vector<32x128xi32>
    %convert_element_type3A_536 = arith.sitofp %convert_element_type3A_535 : vector<32x128xi32> to vector<32x128xf32>
    %dot_general3A_537 = arith.constant dense<0.000000e+00> : vector<32x131xf32>
    %dot_general3A_538 = tpu.matmul %convert_element_type3A_536, %get3A_280, %dot_general3A_537 {dimension_numbers = #tpu.dot_dimension_numbers<[1], [0], [0], [1], [0, 0, 1, 1], [], []>, transpose_lhs_hint = false} : vector<32x128xf32>, vector<128x131xf32>, vector<32x131xf32> -> vector<32x131xf32>
    %slice3A_539 = vector.extract_strided_slice %dot_general3A_538 {offsets = [0, 0], sizes = [32, 3], strides = [1, 1]} : vector<32x131xf32> to vector<32x3xf32>
    %sub3A_540 = arith.subf %slice3A_539, %get3A_3 : vector<32x3xf32>
    %slice3A_541 = vector.extract_strided_slice %dot_general3A_538 {offsets = [0, 3], sizes = [32, 128], strides = [1, 1]} : vector<32x131xf32> to vector<32x128xf32>
    %concatenate3A_542 = tpu.concatenate %sub3A_540, %slice3A_541 in 1 : vector<32x3xf32>, vector<32x128xf32> -> vector<32x131xf32>
    %ge3A_543 = arith.constant 128 : i32
    %ge3A_544 = vector.broadcast %ge3A_543 : i32 to vector<32x1xi32>
    %ge3A_545 = arith.cmpi sge, %broadcast_in_dim3A_179, %ge3A_544 : vector<32x1xi32>
    %select_n3A_546 = arith.select %ge3A_545, %broadcast_in_dim3A_28, %broadcast_in_dim3A_179 : vector<32x1xi1>, vector<32x1xi32>
    %eq3A_547 = vector.broadcast %select_n3A_546 : vector<32x1xi32> to vector<32x128xi32>
    %eq3A_548 = arith.cmpi eq, %iota3A, %eq3A_547 : vector<32x128xi32>
    %convert_element_type3A_549 = arith.extui %eq3A_548 : vector<32x128xi1> to vector<32x128xi32>
    %convert_element_type3A_550 = arith.sitofp %convert_element_type3A_549 : vector<32x128xi32> to vector<32x128xf32>
    %dot_general3A_551 = arith.constant dense<0.000000e+00> : vector<32x131xf32>
    %dot_general3A_552 = tpu.matmul %convert_element_type3A_550, %get3A_280, %dot_general3A_551 {dimension_numbers = #tpu.dot_dimension_numbers<[1], [0], [0], [1], [0, 0, 1, 1], [], []>, transpose_lhs_hint = false} : vector<32x128xf32>, vector<128x131xf32>, vector<32x131xf32> -> vector<32x131xf32>
    %slice3A_553 = vector.extract_strided_slice %dot_general3A_552 {offsets = [0, 0], sizes = [32, 3], strides = [1, 1]} : vector<32x131xf32> to vector<32x3xf32>
    %sub3A_554 = arith.subf %slice3A_553, %get3A_3 : vector<32x3xf32>
    %slice3A_555 = vector.extract_strided_slice %dot_general3A_552 {offsets = [0, 3], sizes = [32, 128], strides = [1, 1]} : vector<32x131xf32> to vector<32x128xf32>
    %concatenate3A_556 = tpu.concatenate %sub3A_554, %slice3A_555 in 1 : vector<32x3xf32>, vector<32x128xf32> -> vector<32x131xf32>
    %ge3A_557 = arith.constant 128 : i32
    %ge3A_558 = vector.broadcast %ge3A_557 : i32 to vector<32x1xi32>
    %ge3A_559 = arith.cmpi sge, %broadcast_in_dim3A_187, %ge3A_558 : vector<32x1xi32>
    %select_n3A_560 = arith.select %ge3A_559, %broadcast_in_dim3A_28, %broadcast_in_dim3A_187 : vector<32x1xi1>, vector<32x1xi32>
    %eq3A_561 = vector.broadcast %select_n3A_560 : vector<32x1xi32> to vector<32x128xi32>
    %eq3A_562 = arith.cmpi eq, %iota3A, %eq3A_561 : vector<32x128xi32>
    %convert_element_type3A_563 = arith.extui %eq3A_562 : vector<32x128xi1> to vector<32x128xi32>
    %convert_element_type3A_564 = arith.sitofp %convert_element_type3A_563 : vector<32x128xi32> to vector<32x128xf32>
    %dot_general3A_565 = arith.constant dense<0.000000e+00> : vector<32x131xf32>
    %dot_general3A_566 = tpu.matmul %convert_element_type3A_564, %get3A_280, %dot_general3A_565 {dimension_numbers = #tpu.dot_dimension_numbers<[1], [0], [0], [1], [0, 0, 1, 1], [], []>, transpose_lhs_hint = false} : vector<32x128xf32>, vector<128x131xf32>, vector<32x131xf32> -> vector<32x131xf32>
    %slice3A_567 = vector.extract_strided_slice %dot_general3A_566 {offsets = [0, 0], sizes = [32, 3], strides = [1, 1]} : vector<32x131xf32> to vector<32x3xf32>
    %sub3A_568 = arith.subf %slice3A_567, %get3A_3 : vector<32x3xf32>
    %slice3A_569 = vector.extract_strided_slice %dot_general3A_566 {offsets = [0, 3], sizes = [32, 128], strides = [1, 1]} : vector<32x131xf32> to vector<32x128xf32>
    %concatenate3A_570 = tpu.concatenate %sub3A_568, %slice3A_569 in 1 : vector<32x3xf32>, vector<32x128xf32> -> vector<32x131xf32>
    %ge3A_571 = arith.constant 128 : i32
    %ge3A_572 = vector.broadcast %ge3A_571 : i32 to vector<32x1xi32>
    %ge3A_573 = arith.cmpi sge, %broadcast_in_dim3A_195, %ge3A_572 : vector<32x1xi32>
    %select_n3A_574 = arith.select %ge3A_573, %broadcast_in_dim3A_28, %broadcast_in_dim3A_195 : vector<32x1xi1>, vector<32x1xi32>
    %eq3A_575 = vector.broadcast %select_n3A_574 : vector<32x1xi32> to vector<32x128xi32>
    %eq3A_576 = arith.cmpi eq, %iota3A, %eq3A_575 : vector<32x128xi32>
    %convert_element_type3A_577 = arith.extui %eq3A_576 : vector<32x128xi1> to vector<32x128xi32>
    %convert_element_type3A_578 = arith.sitofp %convert_element_type3A_577 : vector<32x128xi32> to vector<32x128xf32>
    %dot_general3A_579 = arith.constant dense<0.000000e+00> : vector<32x131xf32>
    %dot_general3A_580 = tpu.matmul %convert_element_type3A_578, %get3A_280, %dot_general3A_579 {dimension_numbers = #tpu.dot_dimension_numbers<[1], [0], [0], [1], [0, 0, 1, 1], [], []>, transpose_lhs_hint = false} : vector<32x128xf32>, vector<128x131xf32>, vector<32x131xf32> -> vector<32x131xf32>
    %slice3A_581 = vector.extract_strided_slice %dot_general3A_580 {offsets = [0, 0], sizes = [32, 3], strides = [1, 1]} : vector<32x131xf32> to vector<32x3xf32>
    %sub3A_582 = arith.subf %slice3A_581, %get3A_3 : vector<32x3xf32>
    %slice3A_583 = vector.extract_strided_slice %dot_general3A_580 {offsets = [0, 3], sizes = [32, 128], strides = [1, 1]} : vector<32x131xf32> to vector<32x128xf32>
    %concatenate3A_584 = tpu.concatenate %sub3A_582, %slice3A_583 in 1 : vector<32x3xf32>, vector<32x128xf32> -> vector<32x131xf32>
    %ge3A_585 = arith.constant 128 : i32
    %ge3A_586 = vector.broadcast %ge3A_585 : i32 to vector<32x1xi32>
    %ge3A_587 = arith.cmpi sge, %broadcast_in_dim3A_203, %ge3A_586 : vector<32x1xi32>
    %select_n3A_588 = arith.select %ge3A_587, %broadcast_in_dim3A_28, %broadcast_in_dim3A_203 : vector<32x1xi1>, vector<32x1xi32>
    %eq3A_589 = vector.broadcast %select_n3A_588 : vector<32x1xi32> to vector<32x128xi32>
    %eq3A_590 = arith.cmpi eq, %iota3A, %eq3A_589 : vector<32x128xi32>
    %convert_element_type3A_591 = arith.extui %eq3A_590 : vector<32x128xi1> to vector<32x128xi32>
    %convert_element_type3A_592 = arith.sitofp %convert_element_type3A_591 : vector<32x128xi32> to vector<32x128xf32>
    %dot_general3A_593 = arith.constant dense<0.000000e+00> : vector<32x131xf32>
    %dot_general3A_594 = tpu.matmul %convert_element_type3A_592, %get3A_280, %dot_general3A_593 {dimension_numbers = #tpu.dot_dimension_numbers<[1], [0], [0], [1], [0, 0, 1, 1], [], []>, transpose_lhs_hint = false} : vector<32x128xf32>, vector<128x131xf32>, vector<32x131xf32> -> vector<32x131xf32>
    %slice3A_595 = vector.extract_strided_slice %dot_general3A_594 {offsets = [0, 0], sizes = [32, 3], strides = [1, 1]} : vector<32x131xf32> to vector<32x3xf32>
    %sub3A_596 = arith.subf %slice3A_595, %get3A_3 : vector<32x3xf32>
    %slice3A_597 = vector.extract_strided_slice %dot_general3A_594 {offsets = [0, 3], sizes = [32, 128], strides = [1, 1]} : vector<32x131xf32> to vector<32x128xf32>
    %concatenate3A_598 = tpu.concatenate %sub3A_596, %slice3A_597 in 1 : vector<32x3xf32>, vector<32x128xf32> -> vector<32x131xf32>
    %ge3A_599 = arith.constant 128 : i32
    %ge3A_600 = vector.broadcast %ge3A_599 : i32 to vector<32x1xi32>
    %ge3A_601 = arith.cmpi sge, %broadcast_in_dim3A_211, %ge3A_600 : vector<32x1xi32>
    %select_n3A_602 = arith.select %ge3A_601, %broadcast_in_dim3A_28, %broadcast_in_dim3A_211 : vector<32x1xi1>, vector<32x1xi32>
    %eq3A_603 = vector.broadcast %select_n3A_602 : vector<32x1xi32> to vector<32x128xi32>
    %eq3A_604 = arith.cmpi eq, %iota3A, %eq3A_603 : vector<32x128xi32>
    %convert_element_type3A_605 = arith.extui %eq3A_604 : vector<32x128xi1> to vector<32x128xi32>
    %convert_element_type3A_606 = arith.sitofp %convert_element_type3A_605 : vector<32x128xi32> to vector<32x128xf32>
    %dot_general3A_607 = arith.constant dense<0.000000e+00> : vector<32x131xf32>
    %dot_general3A_608 = tpu.matmul %convert_element_type3A_606, %get3A_280, %dot_general3A_607 {dimension_numbers = #tpu.dot_dimension_numbers<[1], [0], [0], [1], [0, 0, 1, 1], [], []>, transpose_lhs_hint = false} : vector<32x128xf32>, vector<128x131xf32>, vector<32x131xf32> -> vector<32x131xf32>
    %slice3A_609 = vector.extract_strided_slice %dot_general3A_608 {offsets = [0, 0], sizes = [32, 3], strides = [1, 1]} : vector<32x131xf32> to vector<32x3xf32>
    %sub3A_610 = arith.subf %slice3A_609, %get3A_3 : vector<32x3xf32>
    %slice3A_611 = vector.extract_strided_slice %dot_general3A_608 {offsets = [0, 3], sizes = [32, 128], strides = [1, 1]} : vector<32x131xf32> to vector<32x128xf32>
    %concatenate3A_612 = tpu.concatenate %sub3A_610, %slice3A_611 in 1 : vector<32x3xf32>, vector<32x128xf32> -> vector<32x131xf32>
    %ge3A_613 = arith.constant 128 : i32
    %ge3A_614 = vector.broadcast %ge3A_613 : i32 to vector<32x1xi32>
    %ge3A_615 = arith.cmpi sge, %broadcast_in_dim3A_219, %ge3A_614 : vector<32x1xi32>
    %select_n3A_616 = arith.select %ge3A_615, %broadcast_in_dim3A_28, %broadcast_in_dim3A_219 : vector<32x1xi1>, vector<32x1xi32>
    %eq3A_617 = vector.broadcast %select_n3A_616 : vector<32x1xi32> to vector<32x128xi32>
    %eq3A_618 = arith.cmpi eq, %iota3A, %eq3A_617 : vector<32x128xi32>
    %convert_element_type3A_619 = arith.extui %eq3A_618 : vector<32x128xi1> to vector<32x128xi32>
    %convert_element_type3A_620 = arith.sitofp %convert_element_type3A_619 : vector<32x128xi32> to vector<32x128xf32>
    %dot_general3A_621 = arith.constant dense<0.000000e+00> : vector<32x131xf32>
    %dot_general3A_622 = tpu.matmul %convert_element_type3A_620, %get3A_280, %dot_general3A_621 {dimension_numbers = #tpu.dot_dimension_numbers<[1], [0], [0], [1], [0, 0, 1, 1], [], []>, transpose_lhs_hint = false} : vector<32x128xf32>, vector<128x131xf32>, vector<32x131xf32> -> vector<32x131xf32>
    %slice3A_623 = vector.extract_strided_slice %dot_general3A_622 {offsets = [0, 0], sizes = [32, 3], strides = [1, 1]} : vector<32x131xf32> to vector<32x3xf32>
    %sub3A_624 = arith.subf %slice3A_623, %get3A_3 : vector<32x3xf32>
    %slice3A_625 = vector.extract_strided_slice %dot_general3A_622 {offsets = [0, 3], sizes = [32, 128], strides = [1, 1]} : vector<32x131xf32> to vector<32x128xf32>
    %concatenate3A_626 = tpu.concatenate %sub3A_624, %slice3A_625 in 1 : vector<32x3xf32>, vector<32x128xf32> -> vector<32x131xf32>
    %ge3A_627 = arith.constant 128 : i32
    %ge3A_628 = vector.broadcast %ge3A_627 : i32 to vector<32x1xi32>
    %ge3A_629 = arith.cmpi sge, %broadcast_in_dim3A_227, %ge3A_628 : vector<32x1xi32>
    %select_n3A_630 = arith.select %ge3A_629, %broadcast_in_dim3A_28, %broadcast_in_dim3A_227 : vector<32x1xi1>, vector<32x1xi32>
    %eq3A_631 = vector.broadcast %select_n3A_630 : vector<32x1xi32> to vector<32x128xi32>
    %eq3A_632 = arith.cmpi eq, %iota3A, %eq3A_631 : vector<32x128xi32>
    %convert_element_type3A_633 = arith.extui %eq3A_632 : vector<32x128xi1> to vector<32x128xi32>
    %convert_element_type3A_634 = arith.sitofp %convert_element_type3A_633 : vector<32x128xi32> to vector<32x128xf32>
    %dot_general3A_635 = arith.constant dense<0.000000e+00> : vector<32x131xf32>
    %dot_general3A_636 = tpu.matmul %convert_element_type3A_634, %get3A_280, %dot_general3A_635 {dimension_numbers = #tpu.dot_dimension_numbers<[1], [0], [0], [1], [0, 0, 1, 1], [], []>, transpose_lhs_hint = false} : vector<32x128xf32>, vector<128x131xf32>, vector<32x131xf32> -> vector<32x131xf32>
    %slice3A_637 = vector.extract_strided_slice %dot_general3A_636 {offsets = [0, 0], sizes = [32, 3], strides = [1, 1]} : vector<32x131xf32> to vector<32x3xf32>
    %sub3A_638 = arith.subf %slice3A_637, %get3A_3 : vector<32x3xf32>
    %slice3A_639 = vector.extract_strided_slice %dot_general3A_636 {offsets = [0, 3], sizes = [32, 128], strides = [1, 1]} : vector<32x131xf32> to vector<32x128xf32>
    %concatenate3A_640 = tpu.concatenate %sub3A_638, %slice3A_639 in 1 : vector<32x3xf32>, vector<32x128xf32> -> vector<32x131xf32>
    %ge3A_641 = arith.constant 128 : i32
    %ge3A_642 = vector.broadcast %ge3A_641 : i32 to vector<32x1xi32>
    %ge3A_643 = arith.cmpi sge, %broadcast_in_dim3A_235, %ge3A_642 : vector<32x1xi32>
    %select_n3A_644 = arith.select %ge3A_643, %broadcast_in_dim3A_28, %broadcast_in_dim3A_235 : vector<32x1xi1>, vector<32x1xi32>
    %eq3A_645 = vector.broadcast %select_n3A_644 : vector<32x1xi32> to vector<32x128xi32>
    %eq3A_646 = arith.cmpi eq, %iota3A, %eq3A_645 : vector<32x128xi32>
    %convert_element_type3A_647 = arith.extui %eq3A_646 : vector<32x128xi1> to vector<32x128xi32>
    %convert_element_type3A_648 = arith.sitofp %convert_element_type3A_647 : vector<32x128xi32> to vector<32x128xf32>
    %dot_general3A_649 = arith.constant dense<0.000000e+00> : vector<32x131xf32>
    %dot_general3A_650 = tpu.matmul %convert_element_type3A_648, %get3A_280, %dot_general3A_649 {dimension_numbers = #tpu.dot_dimension_numbers<[1], [0], [0], [1], [0, 0, 1, 1], [], []>, transpose_lhs_hint = false} : vector<32x128xf32>, vector<128x131xf32>, vector<32x131xf32> -> vector<32x131xf32>
    %slice3A_651 = vector.extract_strided_slice %dot_general3A_650 {offsets = [0, 0], sizes = [32, 3], strides = [1, 1]} : vector<32x131xf32> to vector<32x3xf32>
    %sub3A_652 = arith.subf %slice3A_651, %get3A_3 : vector<32x3xf32>
    %slice3A_653 = vector.extract_strided_slice %dot_general3A_650 {offsets = [0, 3], sizes = [32, 128], strides = [1, 1]} : vector<32x131xf32> to vector<32x128xf32>
    %concatenate3A_654 = tpu.concatenate %sub3A_652, %slice3A_653 in 1 : vector<32x3xf32>, vector<32x128xf32> -> vector<32x131xf32>
    %ge3A_655 = arith.constant 128 : i32
    %ge3A_656 = vector.broadcast %ge3A_655 : i32 to vector<32x1xi32>
    %ge3A_657 = arith.cmpi sge, %broadcast_in_dim3A_243, %ge3A_656 : vector<32x1xi32>
    %select_n3A_658 = arith.select %ge3A_657, %broadcast_in_dim3A_28, %broadcast_in_dim3A_243 : vector<32x1xi1>, vector<32x1xi32>
    %eq3A_659 = vector.broadcast %select_n3A_658 : vector<32x1xi32> to vector<32x128xi32>
    %eq3A_660 = arith.cmpi eq, %iota3A, %eq3A_659 : vector<32x128xi32>
    %convert_element_type3A_661 = arith.extui %eq3A_660 : vector<32x128xi1> to vector<32x128xi32>
    %convert_element_type3A_662 = arith.sitofp %convert_element_type3A_661 : vector<32x128xi32> to vector<32x128xf32>
    %dot_general3A_663 = arith.constant dense<0.000000e+00> : vector<32x131xf32>
    %dot_general3A_664 = tpu.matmul %convert_element_type3A_662, %get3A_280, %dot_general3A_663 {dimension_numbers = #tpu.dot_dimension_numbers<[1], [0], [0], [1], [0, 0, 1, 1], [], []>, transpose_lhs_hint = false} : vector<32x128xf32>, vector<128x131xf32>, vector<32x131xf32> -> vector<32x131xf32>
    %slice3A_665 = vector.extract_strided_slice %dot_general3A_664 {offsets = [0, 0], sizes = [32, 3], strides = [1, 1]} : vector<32x131xf32> to vector<32x3xf32>
    %sub3A_666 = arith.subf %slice3A_665, %get3A_3 : vector<32x3xf32>
    %slice3A_667 = vector.extract_strided_slice %dot_general3A_664 {offsets = [0, 3], sizes = [32, 128], strides = [1, 1]} : vector<32x131xf32> to vector<32x128xf32>
    %concatenate3A_668 = tpu.concatenate %sub3A_666, %slice3A_667 in 1 : vector<32x3xf32>, vector<32x128xf32> -> vector<32x131xf32>
    %ge3A_669 = arith.constant 128 : i32
    %ge3A_670 = vector.broadcast %ge3A_669 : i32 to vector<32x1xi32>
    %ge3A_671 = arith.cmpi sge, %broadcast_in_dim3A_251, %ge3A_670 : vector<32x1xi32>
    %select_n3A_672 = arith.select %ge3A_671, %broadcast_in_dim3A_28, %broadcast_in_dim3A_251 : vector<32x1xi1>, vector<32x1xi32>
    %eq3A_673 = vector.broadcast %select_n3A_672 : vector<32x1xi32> to vector<32x128xi32>
    %eq3A_674 = arith.cmpi eq, %iota3A, %eq3A_673 : vector<32x128xi32>
    %convert_element_type3A_675 = arith.extui %eq3A_674 : vector<32x128xi1> to vector<32x128xi32>
    %convert_element_type3A_676 = arith.sitofp %convert_element_type3A_675 : vector<32x128xi32> to vector<32x128xf32>
    %dot_general3A_677 = arith.constant dense<0.000000e+00> : vector<32x131xf32>
    %dot_general3A_678 = tpu.matmul %convert_element_type3A_676, %get3A_280, %dot_general3A_677 {dimension_numbers = #tpu.dot_dimension_numbers<[1], [0], [0], [1], [0, 0, 1, 1], [], []>, transpose_lhs_hint = false} : vector<32x128xf32>, vector<128x131xf32>, vector<32x131xf32> -> vector<32x131xf32>
    %slice3A_679 = vector.extract_strided_slice %dot_general3A_678 {offsets = [0, 0], sizes = [32, 3], strides = [1, 1]} : vector<32x131xf32> to vector<32x3xf32>
    %sub3A_680 = arith.subf %slice3A_679, %get3A_3 : vector<32x3xf32>
    %slice3A_681 = vector.extract_strided_slice %dot_general3A_678 {offsets = [0, 3], sizes = [32, 128], strides = [1, 1]} : vector<32x131xf32> to vector<32x128xf32>
    %concatenate3A_682 = tpu.concatenate %sub3A_680, %slice3A_681 in 1 : vector<32x3xf32>, vector<32x128xf32> -> vector<32x131xf32>
    %ge3A_683 = arith.constant 128 : i32
    %ge3A_684 = vector.broadcast %ge3A_683 : i32 to vector<32x1xi32>
    %ge3A_685 = arith.cmpi sge, %broadcast_in_dim3A_259, %ge3A_684 : vector<32x1xi32>
    %select_n3A_686 = arith.select %ge3A_685, %broadcast_in_dim3A_28, %broadcast_in_dim3A_259 : vector<32x1xi1>, vector<32x1xi32>
    %eq3A_687 = vector.broadcast %select_n3A_686 : vector<32x1xi32> to vector<32x128xi32>
    %eq3A_688 = arith.cmpi eq, %iota3A, %eq3A_687 : vector<32x128xi32>
    %convert_element_type3A_689 = arith.extui %eq3A_688 : vector<32x128xi1> to vector<32x128xi32>
    %convert_element_type3A_690 = arith.sitofp %convert_element_type3A_689 : vector<32x128xi32> to vector<32x128xf32>
    %dot_general3A_691 = arith.constant dense<0.000000e+00> : vector<32x131xf32>
    %dot_general3A_692 = tpu.matmul %convert_element_type3A_690, %get3A_280, %dot_general3A_691 {dimension_numbers = #tpu.dot_dimension_numbers<[1], [0], [0], [1], [0, 0, 1, 1], [], []>, transpose_lhs_hint = false} : vector<32x128xf32>, vector<128x131xf32>, vector<32x131xf32> -> vector<32x131xf32>
    %slice3A_693 = vector.extract_strided_slice %dot_general3A_692 {offsets = [0, 0], sizes = [32, 3], strides = [1, 1]} : vector<32x131xf32> to vector<32x3xf32>
    %sub3A_694 = arith.subf %slice3A_693, %get3A_3 : vector<32x3xf32>
    %slice3A_695 = vector.extract_strided_slice %dot_general3A_692 {offsets = [0, 3], sizes = [32, 128], strides = [1, 1]} : vector<32x131xf32> to vector<32x128xf32>
    %concatenate3A_696 = tpu.concatenate %sub3A_694, %slice3A_695 in 1 : vector<32x3xf32>, vector<32x128xf32> -> vector<32x131xf32>
    %ge3A_697 = arith.constant 128 : i32
    %ge3A_698 = vector.broadcast %ge3A_697 : i32 to vector<32x1xi32>
    %ge3A_699 = arith.cmpi sge, %broadcast_in_dim3A_267, %ge3A_698 : vector<32x1xi32>
    %select_n3A_700 = arith.select %ge3A_699, %broadcast_in_dim3A_28, %broadcast_in_dim3A_267 : vector<32x1xi1>, vector<32x1xi32>
    %eq3A_701 = vector.broadcast %select_n3A_700 : vector<32x1xi32> to vector<32x128xi32>
    %eq3A_702 = arith.cmpi eq, %iota3A, %eq3A_701 : vector<32x128xi32>
    %convert_element_type3A_703 = arith.extui %eq3A_702 : vector<32x128xi1> to vector<32x128xi32>
    %convert_element_type3A_704 = arith.sitofp %convert_element_type3A_703 : vector<32x128xi32> to vector<32x128xf32>
    %dot_general3A_705 = arith.constant dense<0.000000e+00> : vector<32x131xf32>
    %dot_general3A_706 = tpu.matmul %convert_element_type3A_704, %get3A_280, %dot_general3A_705 {dimension_numbers = #tpu.dot_dimension_numbers<[1], [0], [0], [1], [0, 0, 1, 1], [], []>, transpose_lhs_hint = false} : vector<32x128xf32>, vector<128x131xf32>, vector<32x131xf32> -> vector<32x131xf32>
    %slice3A_707 = vector.extract_strided_slice %dot_general3A_706 {offsets = [0, 0], sizes = [32, 3], strides = [1, 1]} : vector<32x131xf32> to vector<32x3xf32>
    %sub3A_708 = arith.subf %slice3A_707, %get3A_3 : vector<32x3xf32>
    %slice3A_709 = vector.extract_strided_slice %dot_general3A_706 {offsets = [0, 3], sizes = [32, 128], strides = [1, 1]} : vector<32x131xf32> to vector<32x128xf32>
    %concatenate3A_710 = tpu.concatenate %sub3A_708, %slice3A_709 in 1 : vector<32x3xf32>, vector<32x128xf32> -> vector<32x131xf32>
    %ge3A_711 = arith.constant 128 : i32
    %ge3A_712 = vector.broadcast %ge3A_711 : i32 to vector<32x1xi32>
    %ge3A_713 = arith.cmpi sge, %broadcast_in_dim3A_275, %ge3A_712 : vector<32x1xi32>
    %select_n3A_714 = arith.select %ge3A_713, %broadcast_in_dim3A_28, %broadcast_in_dim3A_275 : vector<32x1xi1>, vector<32x1xi32>
    %eq3A_715 = vector.broadcast %select_n3A_714 : vector<32x1xi32> to vector<32x128xi32>
    %eq3A_716 = arith.cmpi eq, %iota3A, %eq3A_715 : vector<32x128xi32>
    %convert_element_type3A_717 = arith.extui %eq3A_716 : vector<32x128xi1> to vector<32x128xi32>
    %convert_element_type3A_718 = arith.sitofp %convert_element_type3A_717 : vector<32x128xi32> to vector<32x128xf32>
    %dot_general3A_719 = arith.constant dense<0.000000e+00> : vector<32x131xf32>
    %dot_general3A_720 = tpu.matmul %convert_element_type3A_718, %get3A_280, %dot_general3A_719 {dimension_numbers = #tpu.dot_dimension_numbers<[1], [0], [0], [1], [0, 0, 1, 1], [], []>, transpose_lhs_hint = false} : vector<32x128xf32>, vector<128x131xf32>, vector<32x131xf32> -> vector<32x131xf32>
    %slice3A_721 = vector.extract_strided_slice %dot_general3A_720 {offsets = [0, 0], sizes = [32, 3], strides = [1, 1]} : vector<32x131xf32> to vector<32x3xf32>
    %sub3A_722 = arith.subf %slice3A_721, %get3A_3 : vector<32x3xf32>
    %slice3A_723 = vector.extract_strided_slice %dot_general3A_720 {offsets = [0, 3], sizes = [32, 128], strides = [1, 1]} : vector<32x131xf32> to vector<32x128xf32>
    %concatenate3A_724 = tpu.concatenate %sub3A_722, %slice3A_723 in 1 : vector<32x3xf32>, vector<32x128xf32> -> vector<32x131xf32>
    %concatenate3A_725 = tpu.concatenate %concatenate3A, %concatenate3A_304, %concatenate3A_318, %concatenate3A_332, %concatenate3A_346, %concatenate3A_360, %concatenate3A_374, %concatenate3A_388, %concatenate3A_402, %concatenate3A_416, %concatenate3A_430, %concatenate3A_444, %concatenate3A_458, %concatenate3A_472, %concatenate3A_486, %concatenate3A_500, %concatenate3A_514, %concatenate3A_528, %concatenate3A_542, %concatenate3A_556, %concatenate3A_570, %concatenate3A_584, %concatenate3A_598, %concatenate3A_612, %concatenate3A_626, %concatenate3A_640, %concatenate3A_654, %concatenate3A_668, %concatenate3A_682, %concatenate3A_696, %concatenate3A_710, %concatenate3A_724 in 0 : vector<32x131xf32>, vector<32x131xf32>, vector<32x131xf32>, vector<32x131xf32>, vector<32x131xf32>, vector<32x131xf32>, vector<32x131xf32>, vector<32x131xf32>, vector<32x131xf32>, vector<32x131xf32>, vector<32x131xf32>, vector<32x131xf32>, vector<32x131xf32>, vector<32x131xf32>, vector<32x131xf32>, vector<32x131xf32>, vector<32x131xf32>, vector<32x131xf32>, vector<32x131xf32>, vector<32x131xf32>, vector<32x131xf32>, vector<32x131xf32>, vector<32x131xf32>, vector<32x131xf32>, vector<32x131xf32>, vector<32x131xf32>, vector<32x131xf32>, vector<32x131xf32>, vector<32x131xf32>, vector<32x131xf32>, vector<32x131xf32>, vector<32x131xf32> -> vector<1024x131xf32>
    %get3A_726 = arith.constant 0 : index
    %get3A_727 = arith.constant 0 : index
    %get3A_728 = vector.load %arg5[%get3A_726, %get3A_727] : memref<131x128xf32, #tpu.memory_space<vmem>>, vector<131x128xf32>
    %dot_general3A_729 = arith.constant dense<0.000000e+00> : vector<1024x128xf32>
    %dot_general3A_730 = tpu.matmul %concatenate3A_725, %get3A_728, %dot_general3A_729 {dimension_numbers = #tpu.dot_dimension_numbers<[1], [0], [0], [1], [0, 0, 1, 1], [], []>, transpose_lhs_hint = false} : vector<1024x131xf32>, vector<131x128xf32>, vector<1024x128xf32> -> vector<1024x128xf32>
    %max3A = arith.constant 0.000000e+00 : f32
    %max3A_731 = vector.broadcast %max3A : f32 to vector<1024x128xf32>
    %max3A_732 = arith.maximumf %dot_general3A_730, %max3A_731 : vector<1024x128xf32>
    %get3A_733 = arith.constant 0 : index
    %get3A_734 = arith.constant 0 : index
    %get3A_735 = vector.load %arg6[%get3A_733, %get3A_734] : memref<128x128xf32, #tpu.memory_space<vmem>>, vector<128x128xf32>
    %dot_general3A_736 = arith.constant dense<0.000000e+00> : vector<1024x128xf32>
    %dot_general3A_737 = tpu.matmul %max3A_732, %get3A_735, %dot_general3A_736 {dimension_numbers = #tpu.dot_dimension_numbers<[1], [0], [0], [1], [0, 0, 1, 1], [], []>, transpose_lhs_hint = false} : vector<1024x128xf32>, vector<128x128xf32>, vector<1024x128xf32> -> vector<1024x128xf32>
    %max3A_738 = arith.constant 0.000000e+00 : f32
    %max3A_739 = vector.broadcast %max3A_738 : f32 to vector<1024x128xf32>
    %max3A_740 = arith.maximumf %dot_general3A_737, %max3A_739 : vector<1024x128xf32>
    %get3A_741 = arith.constant 0 : index
    %get3A_742 = arith.constant 0 : index
    %get3A_743 = vector.load %arg7[%get3A_741, %get3A_742] : memref<128x256xf32, #tpu.memory_space<vmem>>, vector<128x256xf32>
    %dot_general3A_744 = arith.constant dense<0.000000e+00> : vector<1024x256xf32>
    %dot_general3A_745 = tpu.matmul %max3A_740, %get3A_743, %dot_general3A_744 {dimension_numbers = #tpu.dot_dimension_numbers<[1], [0], [0], [1], [0, 0, 1, 1], [], []>, transpose_lhs_hint = false} : vector<1024x128xf32>, vector<128x256xf32>, vector<1024x256xf32> -> vector<1024x256xf32>
    %max3A_746 = arith.constant 0.000000e+00 : f32
    %max3A_747 = vector.broadcast %max3A_746 : f32 to vector<1024x256xf32>
    %max3A_748 = arith.maximumf %dot_general3A_745, %max3A_747 : vector<1024x256xf32>
    %reshape3A = vector.shape_cast %max3A_748 : vector<1024x256xf32> to vector<32x32x256xf32>
    %reduce_max3A = arith.constant dense<0xFF800000> : vector<32x256xf32>
    %reduce_max3A_749 = vector.multi_reduction <maximumf>, %reshape3A, %reduce_max3A [0] : vector<32x32x256xf32> to vector<32x256xf32>
    %swap3A = arith.constant 0 : index
    %swap3A_750 = arith.constant 0 : index
    %swap3A_751 = arith.constant 0 : index
    %swap3A_752 = vector.load %arg8[%swap3A, %swap3A_750, %swap3A_751] : memref<1x32x256xf32, #tpu.memory_space<vmem>>, vector<1x32x256xf32>
    %swap3A_753 = vector.shape_cast %swap3A_752 : vector<1x32x256xf32> to vector<32x256xf32>
    %swap3A_754 = vector.shape_cast %reduce_max3A_749 : vector<32x256xf32> to vector<1x32x256xf32>
    tpu.vector_store %arg8[%swap3A, %swap3A_750, %swap3A_751], %swap3A_754 {strides = array<i32>} : memref<1x32x256xf32, #tpu.memory_space<vmem>>, vector<1x32x256xf32>,
    return
  }
  func.func @transform_0(%arg0: i32, %arg1: i32) -> (i32, i32, i32) {
    %c0_i32 = arith.constant 0 : i32
    %c0_i32_0 = arith.constant 0 : i32
    return %arg0, %arg1, %c0_i32 : i32, i32, i32
  }
  func.func @transform_1(%arg0: i32, %arg1: i32) -> (i32, i32, i32) {
    %c0_i32 = arith.constant 0 : i32
    %c0_i32_0 = arith.constant 0 : i32
    %c0_i32_1 = arith.constant 0 : i32
    return %arg0, %c0_i32, %c0_i32_0 : i32, i32, i32
  }
  func.func @transform_2(%arg0: i32, %arg1: i32) -> (i32, i32, i32) {
    %c0_i32 = arith.constant 0 : i32
    %c0_i32_0 = arith.constant 0 : i32
    %c0_i32_1 = arith.constant 0 : i32
    return %arg0, %c0_i32, %c0_i32_0 : i32, i32, i32
  }
  func.func @transform_3(%arg0: i32, %arg1: i32) -> (i32, i32) {
    %c0_i32 = arith.constant 0 : i32
    %c0_i32_0 = arith.constant 0 : i32
    %c0_i32_1 = arith.constant 0 : i32
    return %c0_i32, %c0_i32_0 : i32, i32
  }
  func.func @transform_4(%arg0: i32, %arg1: i32) -> (i32, i32) {
    %c0_i32 = arith.constant 0 : i32
    %c0_i32_0 = arith.constant 0 : i32
    %c0_i32_1 = arith.constant 0 : i32
    return %c0_i32, %c0_i32_0 : i32, i32
  }
  func.func @transform_5(%arg0: i32, %arg1: i32) -> (i32, i32) {
    %c0_i32 = arith.constant 0 : i32
    %c0_i32_0 = arith.constant 0 : i32
    %c0_i32_1 = arith.constant 0 : i32
    return %c0_i32, %c0_i32_0 : i32, i32
  }
  func.func @transform_6(%arg0: i32, %arg1: i32) -> (i32, i32, i32) {
    %c0_i32 = arith.constant 0 : i32
    %c0_i32_0 = arith.constant 0 : i32
    return %arg0, %arg1, %c0_i32 : i32, i32, i32
  }
}

module attributes {stable_mosaic.version = 14 : i64} {
  func.func @_sa_body(%arg0: i32, %arg1: i32, %arg2: memref<1x8x3xf32, #tpu.memory_space<vmem>>, %arg3: memref<1x3x32xf32, #tpu.memory_space<vmem>>, %arg4: memref<1x32x259xf32, #tpu.memory_space<vmem>>, %arg5: memref<259x256xf32, #tpu.memory_space<vmem>>, %arg6: memref<256x256xf32, #tpu.memory_space<vmem>>, %arg7: memref<256x512xf32, #tpu.memory_space<vmem>>, %arg8: memref<1x8x512xf32, #tpu.memory_space<vmem>>) attributes {dimension_semantics = [#tpu.dimension_semantics<arbitrary>, #tpu.dimension_semantics<arbitrary>], iteration_bounds = array<i64: 4, 1>, scalar_prefetch = 0 : i64, scratch_operands = 0 : i64, tpu.core_type = #tpu.core_type<tc>, window_params = [{transform_indices = @transform_0, window_bounds = array<i64: 1, 8, 3>}, {transform_indices = @transform_1, window_bounds = array<i64: 1, 3, 32>}, {transform_indices = @transform_2, window_bounds = array<i64: 1, 32, 259>}, {pipeline_mode = #tpu.pipeline_mode<synchronous>, transform_indices = @transform_3, window_bounds = array<i64: 259, 256>}, {pipeline_mode = #tpu.pipeline_mode<synchronous>, transform_indices = @transform_4, window_bounds = array<i64: 256, 256>}, {pipeline_mode = #tpu.pipeline_mode<synchronous>, transform_indices = @transform_5, window_bounds = array<i64: 256, 512>}, {transform_indices = @transform_6, window_bounds = array<i64: 1, 8, 512>}]} {
    %get3A = arith.constant 0 : index
    %get3A_0 = arith.constant 0 : index
    %get3A_1 = arith.constant 0 : index
    %get3A_2 = vector.load %arg2[%get3A, %get3A_0, %get3A_1] : memref<1x8x3xf32, #tpu.memory_space<vmem>>, vector<1x8x3xf32>
    %get3A_3 = vector.shape_cast %get3A_2 : vector<1x8x3xf32> to vector<8x3xf32>
    %get3A_4 = arith.constant 0 : index
    %get3A_5 = arith.constant 0 : index
    %get3A_6 = arith.constant 0 : index
    %get3A_7 = vector.load %arg3[%get3A_4, %get3A_5, %get3A_6] : memref<1x3x32xf32, #tpu.memory_space<vmem>>, vector<1x3x32xf32>
    %get3A_8 = vector.shape_cast %get3A_7 : vector<1x3x32xf32> to vector<3x32xf32>
    %slice3A = vector.extract_strided_slice %get3A_3 {offsets = [0, 0], sizes = [8, 1], strides = [1, 1]} : vector<8x3xf32> to vector<8x1xf32>
    %slice3A_9 = vector.extract_strided_slice %get3A_8 {offsets = [0, 0], sizes = [1, 32], strides = [1, 1]} : vector<3x32xf32> to vector<1x32xf32>
    %sub3A = vector.broadcast %slice3A : vector<8x1xf32> to vector<8x32xf32>
    %sub3A_10 = vector.broadcast %slice3A_9 : vector<1x32xf32> to vector<8x32xf32>
    %sub3A_11 = arith.subf %sub3A, %sub3A_10 : vector<8x32xf32>
    %mul3A = arith.mulf %sub3A_11, %sub3A_11 : vector<8x32xf32>
    %slice3A_12 = vector.extract_strided_slice %get3A_3 {offsets = [0, 1], sizes = [8, 1], strides = [1, 1]} : vector<8x3xf32> to vector<8x1xf32>
    %slice3A_13 = vector.extract_strided_slice %get3A_8 {offsets = [1, 0], sizes = [1, 32], strides = [1, 1]} : vector<3x32xf32> to vector<1x32xf32>
    %sub3A_14 = vector.broadcast %slice3A_12 : vector<8x1xf32> to vector<8x32xf32>
    %sub3A_15 = vector.broadcast %slice3A_13 : vector<1x32xf32> to vector<8x32xf32>
    %sub3A_16 = arith.subf %sub3A_14, %sub3A_15 : vector<8x32xf32>
    %mul3A_17 = arith.mulf %sub3A_16, %sub3A_16 : vector<8x32xf32>
    %add3A = arith.addf %mul3A, %mul3A_17 : vector<8x32xf32>
    %slice3A_18 = vector.extract_strided_slice %get3A_3 {offsets = [0, 2], sizes = [8, 1], strides = [1, 1]} : vector<8x3xf32> to vector<8x1xf32>
    %slice3A_19 = vector.extract_strided_slice %get3A_8 {offsets = [2, 0], sizes = [1, 32], strides = [1, 1]} : vector<3x32xf32> to vector<1x32xf32>
    %sub3A_20 = vector.broadcast %slice3A_18 : vector<8x1xf32> to vector<8x32xf32>
    %sub3A_21 = vector.broadcast %slice3A_19 : vector<1x32xf32> to vector<8x32xf32>
    %sub3A_22 = arith.subf %sub3A_20, %sub3A_21 : vector<8x32xf32>
    %mul3A_23 = arith.mulf %sub3A_22, %sub3A_22 : vector<8x32xf32>
    %add3A_24 = arith.addf %add3A, %mul3A_23 : vector<8x32xf32>
    %iota3A = tpu.iota {dimensions = array<i32: 1>} : vector<8x32xi32>
    %gt3A = arith.constant 6.400000e-01 : f32
    %gt3A_25 = vector.broadcast %gt3A : f32 to vector<8x32xf32>
    %gt3A_26 = arith.cmpf ogt, %add3A_24, %gt3A_25 : vector<8x32xf32>
    %jit3A = arith.constant 32 : i32
    %broadcast_in_dim3A = vector.broadcast %jit3A : i32 to vector<8x32xi32>
    %select_n3A = arith.select %gt3A_26, %broadcast_in_dim3A, %iota3A : vector<8x32xi1>, vector<8x32xi32>
    %reduce_min3A = arith.constant dense<2147483647> : vector<8xi32>
    %reduce_min3A_27 = vector.multi_reduction <minsi>, %select_n3A, %reduce_min3A [1] : vector<8x32xi32> to vector<8xi32>
    %broadcast_in_dim3A_28 = vector.shape_cast %reduce_min3A_27 : vector<8xi32> to vector<8x1xi32>
    %eq3A = vector.broadcast %broadcast_in_dim3A_28 : vector<8x1xi32> to vector<8x32xi32>
    %eq3A_29 = arith.cmpi eq, %select_n3A, %eq3A : vector<8x32xi32>
    %jit3A_30 = arith.constant 1073741824 : i32
    %broadcast_in_dim3A_31 = vector.broadcast %jit3A_30 : i32 to vector<8x32xi32>
    %select_n3A_32 = arith.select %eq3A_29, %broadcast_in_dim3A_31, %select_n3A : vector<8x32xi1>, vector<8x32xi32>
    %reduce_min3A_33 = arith.constant dense<2147483647> : vector<8xi32>
    %reduce_min3A_34 = vector.multi_reduction <minsi>, %select_n3A_32, %reduce_min3A_33 [1] : vector<8x32xi32> to vector<8xi32>
    %broadcast_in_dim3A_35 = vector.shape_cast %reduce_min3A_34 : vector<8xi32> to vector<8x1xi32>
    %eq3A_36 = vector.broadcast %broadcast_in_dim3A_35 : vector<8x1xi32> to vector<8x32xi32>
    %eq3A_37 = arith.cmpi eq, %select_n3A_32, %eq3A_36 : vector<8x32xi32>
    %jit3A_38 = arith.constant 1073741824 : i32
    %broadcast_in_dim3A_39 = vector.broadcast %jit3A_38 : i32 to vector<8x32xi32>
    %select_n3A_40 = arith.select %eq3A_37, %broadcast_in_dim3A_39, %select_n3A_32 : vector<8x32xi1>, vector<8x32xi32>
    %reduce_min3A_41 = arith.constant dense<2147483647> : vector<8xi32>
    %reduce_min3A_42 = vector.multi_reduction <minsi>, %select_n3A_40, %reduce_min3A_41 [1] : vector<8x32xi32> to vector<8xi32>
    %broadcast_in_dim3A_43 = vector.shape_cast %reduce_min3A_42 : vector<8xi32> to vector<8x1xi32>
    %eq3A_44 = vector.broadcast %broadcast_in_dim3A_43 : vector<8x1xi32> to vector<8x32xi32>
    %eq3A_45 = arith.cmpi eq, %select_n3A_40, %eq3A_44 : vector<8x32xi32>
    %jit3A_46 = arith.constant 1073741824 : i32
    %broadcast_in_dim3A_47 = vector.broadcast %jit3A_46 : i32 to vector<8x32xi32>
    %select_n3A_48 = arith.select %eq3A_45, %broadcast_in_dim3A_47, %select_n3A_40 : vector<8x32xi1>, vector<8x32xi32>
    %reduce_min3A_49 = arith.constant dense<2147483647> : vector<8xi32>
    %reduce_min3A_50 = vector.multi_reduction <minsi>, %select_n3A_48, %reduce_min3A_49 [1] : vector<8x32xi32> to vector<8xi32>
    %broadcast_in_dim3A_51 = vector.shape_cast %reduce_min3A_50 : vector<8xi32> to vector<8x1xi32>
    %eq3A_52 = vector.broadcast %broadcast_in_dim3A_51 : vector<8x1xi32> to vector<8x32xi32>
    %eq3A_53 = arith.cmpi eq, %select_n3A_48, %eq3A_52 : vector<8x32xi32>
    %jit3A_54 = arith.constant 1073741824 : i32
    %broadcast_in_dim3A_55 = vector.broadcast %jit3A_54 : i32 to vector<8x32xi32>
    %select_n3A_56 = arith.select %eq3A_53, %broadcast_in_dim3A_55, %select_n3A_48 : vector<8x32xi1>, vector<8x32xi32>
    %reduce_min3A_57 = arith.constant dense<2147483647> : vector<8xi32>
    %reduce_min3A_58 = vector.multi_reduction <minsi>, %select_n3A_56, %reduce_min3A_57 [1] : vector<8x32xi32> to vector<8xi32>
    %broadcast_in_dim3A_59 = vector.shape_cast %reduce_min3A_58 : vector<8xi32> to vector<8x1xi32>
    %eq3A_60 = vector.broadcast %broadcast_in_dim3A_59 : vector<8x1xi32> to vector<8x32xi32>
    %eq3A_61 = arith.cmpi eq, %select_n3A_56, %eq3A_60 : vector<8x32xi32>
    %jit3A_62 = arith.constant 1073741824 : i32
    %broadcast_in_dim3A_63 = vector.broadcast %jit3A_62 : i32 to vector<8x32xi32>
    %select_n3A_64 = arith.select %eq3A_61, %broadcast_in_dim3A_63, %select_n3A_56 : vector<8x32xi1>, vector<8x32xi32>
    %reduce_min3A_65 = arith.constant dense<2147483647> : vector<8xi32>
    %reduce_min3A_66 = vector.multi_reduction <minsi>, %select_n3A_64, %reduce_min3A_65 [1] : vector<8x32xi32> to vector<8xi32>
    %broadcast_in_dim3A_67 = vector.shape_cast %reduce_min3A_66 : vector<8xi32> to vector<8x1xi32>
    %eq3A_68 = vector.broadcast %broadcast_in_dim3A_67 : vector<8x1xi32> to vector<8x32xi32>
    %eq3A_69 = arith.cmpi eq, %select_n3A_64, %eq3A_68 : vector<8x32xi32>
    %jit3A_70 = arith.constant 1073741824 : i32
    %broadcast_in_dim3A_71 = vector.broadcast %jit3A_70 : i32 to vector<8x32xi32>
    %select_n3A_72 = arith.select %eq3A_69, %broadcast_in_dim3A_71, %select_n3A_64 : vector<8x32xi1>, vector<8x32xi32>
    %reduce_min3A_73 = arith.constant dense<2147483647> : vector<8xi32>
    %reduce_min3A_74 = vector.multi_reduction <minsi>, %select_n3A_72, %reduce_min3A_73 [1] : vector<8x32xi32> to vector<8xi32>
    %broadcast_in_dim3A_75 = vector.shape_cast %reduce_min3A_74 : vector<8xi32> to vector<8x1xi32>
    %eq3A_76 = vector.broadcast %broadcast_in_dim3A_75 : vector<8x1xi32> to vector<8x32xi32>
    %eq3A_77 = arith.cmpi eq, %select_n3A_72, %eq3A_76 : vector<8x32xi32>
    %jit3A_78 = arith.constant 1073741824 : i32
    %broadcast_in_dim3A_79 = vector.broadcast %jit3A_78 : i32 to vector<8x32xi32>
    %select_n3A_80 = arith.select %eq3A_77, %broadcast_in_dim3A_79, %select_n3A_72 : vector<8x32xi1>, vector<8x32xi32>
    %reduce_min3A_81 = arith.constant dense<2147483647> : vector<8xi32>
    %reduce_min3A_82 = vector.multi_reduction <minsi>, %select_n3A_80, %reduce_min3A_81 [1] : vector<8x32xi32> to vector<8xi32>
    %broadcast_in_dim3A_83 = vector.shape_cast %reduce_min3A_82 : vector<8xi32> to vector<8x1xi32>
    %eq3A_84 = vector.broadcast %broadcast_in_dim3A_83 : vector<8x1xi32> to vector<8x32xi32>
    %eq3A_85 = arith.cmpi eq, %select_n3A_80, %eq3A_84 : vector<8x32xi32>
    %jit3A_86 = arith.constant 1073741824 : i32
    %broadcast_in_dim3A_87 = vector.broadcast %jit3A_86 : i32 to vector<8x32xi32>
    %select_n3A_88 = arith.select %eq3A_85, %broadcast_in_dim3A_87, %select_n3A_80 : vector<8x32xi1>, vector<8x32xi32>
    %reduce_min3A_89 = arith.constant dense<2147483647> : vector<8xi32>
    %reduce_min3A_90 = vector.multi_reduction <minsi>, %select_n3A_88, %reduce_min3A_89 [1] : vector<8x32xi32> to vector<8xi32>
    %broadcast_in_dim3A_91 = vector.shape_cast %reduce_min3A_90 : vector<8xi32> to vector<8x1xi32>
    %eq3A_92 = vector.broadcast %broadcast_in_dim3A_91 : vector<8x1xi32> to vector<8x32xi32>
    %eq3A_93 = arith.cmpi eq, %select_n3A_88, %eq3A_92 : vector<8x32xi32>
    %jit3A_94 = arith.constant 1073741824 : i32
    %broadcast_in_dim3A_95 = vector.broadcast %jit3A_94 : i32 to vector<8x32xi32>
    %select_n3A_96 = arith.select %eq3A_93, %broadcast_in_dim3A_95, %select_n3A_88 : vector<8x32xi1>, vector<8x32xi32>
    %reduce_min3A_97 = arith.constant dense<2147483647> : vector<8xi32>
    %reduce_min3A_98 = vector.multi_reduction <minsi>, %select_n3A_96, %reduce_min3A_97 [1] : vector<8x32xi32> to vector<8xi32>
    %broadcast_in_dim3A_99 = vector.shape_cast %reduce_min3A_98 : vector<8xi32> to vector<8x1xi32>
    %eq3A_100 = vector.broadcast %broadcast_in_dim3A_99 : vector<8x1xi32> to vector<8x32xi32>
    %eq3A_101 = arith.cmpi eq, %select_n3A_96, %eq3A_100 : vector<8x32xi32>
    %jit3A_102 = arith.constant 1073741824 : i32
    %broadcast_in_dim3A_103 = vector.broadcast %jit3A_102 : i32 to vector<8x32xi32>
    %select_n3A_104 = arith.select %eq3A_101, %broadcast_in_dim3A_103, %select_n3A_96 : vector<8x32xi1>, vector<8x32xi32>
    %reduce_min3A_105 = arith.constant dense<2147483647> : vector<8xi32>
    %reduce_min3A_106 = vector.multi_reduction <minsi>, %select_n3A_104, %reduce_min3A_105 [1] : vector<8x32xi32> to vector<8xi32>
    %broadcast_in_dim3A_107 = vector.shape_cast %reduce_min3A_106 : vector<8xi32> to vector<8x1xi32>
    %eq3A_108 = vector.broadcast %broadcast_in_dim3A_107 : vector<8x1xi32> to vector<8x32xi32>
    %eq3A_109 = arith.cmpi eq, %select_n3A_104, %eq3A_108 : vector<8x32xi32>
    %jit3A_110 = arith.constant 1073741824 : i32
    %broadcast_in_dim3A_111 = vector.broadcast %jit3A_110 : i32 to vector<8x32xi32>
    %select_n3A_112 = arith.select %eq3A_109, %broadcast_in_dim3A_111, %select_n3A_104 : vector<8x32xi1>, vector<8x32xi32>
    %reduce_min3A_113 = arith.constant dense<2147483647> : vector<8xi32>
    %reduce_min3A_114 = vector.multi_reduction <minsi>, %select_n3A_112, %reduce_min3A_113 [1] : vector<8x32xi32> to vector<8xi32>
    %broadcast_in_dim3A_115 = vector.shape_cast %reduce_min3A_114 : vector<8xi32> to vector<8x1xi32>
    %eq3A_116 = vector.broadcast %broadcast_in_dim3A_115 : vector<8x1xi32> to vector<8x32xi32>
    %eq3A_117 = arith.cmpi eq, %select_n3A_112, %eq3A_116 : vector<8x32xi32>
    %jit3A_118 = arith.constant 1073741824 : i32
    %broadcast_in_dim3A_119 = vector.broadcast %jit3A_118 : i32 to vector<8x32xi32>
    %select_n3A_120 = arith.select %eq3A_117, %broadcast_in_dim3A_119, %select_n3A_112 : vector<8x32xi1>, vector<8x32xi32>
    %reduce_min3A_121 = arith.constant dense<2147483647> : vector<8xi32>
    %reduce_min3A_122 = vector.multi_reduction <minsi>, %select_n3A_120, %reduce_min3A_121 [1] : vector<8x32xi32> to vector<8xi32>
    %broadcast_in_dim3A_123 = vector.shape_cast %reduce_min3A_122 : vector<8xi32> to vector<8x1xi32>
    %eq3A_124 = vector.broadcast %broadcast_in_dim3A_123 : vector<8x1xi32> to vector<8x32xi32>
    %eq3A_125 = arith.cmpi eq, %select_n3A_120, %eq3A_124 : vector<8x32xi32>
    %jit3A_126 = arith.constant 1073741824 : i32
    %broadcast_in_dim3A_127 = vector.broadcast %jit3A_126 : i32 to vector<8x32xi32>
    %select_n3A_128 = arith.select %eq3A_125, %broadcast_in_dim3A_127, %select_n3A_120 : vector<8x32xi1>, vector<8x32xi32>
    %reduce_min3A_129 = arith.constant dense<2147483647> : vector<8xi32>
    %reduce_min3A_130 = vector.multi_reduction <minsi>, %select_n3A_128, %reduce_min3A_129 [1] : vector<8x32xi32> to vector<8xi32>
    %broadcast_in_dim3A_131 = vector.shape_cast %reduce_min3A_130 : vector<8xi32> to vector<8x1xi32>
    %eq3A_132 = vector.broadcast %broadcast_in_dim3A_131 : vector<8x1xi32> to vector<8x32xi32>
    %eq3A_133 = arith.cmpi eq, %select_n3A_128, %eq3A_132 : vector<8x32xi32>
    %jit3A_134 = arith.constant 1073741824 : i32
    %broadcast_in_dim3A_135 = vector.broadcast %jit3A_134 : i32 to vector<8x32xi32>
    %select_n3A_136 = arith.select %eq3A_133, %broadcast_in_dim3A_135, %select_n3A_128 : vector<8x32xi1>, vector<8x32xi32>
    %reduce_min3A_137 = arith.constant dense<2147483647> : vector<8xi32>
    %reduce_min3A_138 = vector.multi_reduction <minsi>, %select_n3A_136, %reduce_min3A_137 [1] : vector<8x32xi32> to vector<8xi32>
    %broadcast_in_dim3A_139 = vector.shape_cast %reduce_min3A_138 : vector<8xi32> to vector<8x1xi32>
    %eq3A_140 = vector.broadcast %broadcast_in_dim3A_139 : vector<8x1xi32> to vector<8x32xi32>
    %eq3A_141 = arith.cmpi eq, %select_n3A_136, %eq3A_140 : vector<8x32xi32>
    %jit3A_142 = arith.constant 1073741824 : i32
    %broadcast_in_dim3A_143 = vector.broadcast %jit3A_142 : i32 to vector<8x32xi32>
    %select_n3A_144 = arith.select %eq3A_141, %broadcast_in_dim3A_143, %select_n3A_136 : vector<8x32xi1>, vector<8x32xi32>
    %reduce_min3A_145 = arith.constant dense<2147483647> : vector<8xi32>
    %reduce_min3A_146 = vector.multi_reduction <minsi>, %select_n3A_144, %reduce_min3A_145 [1] : vector<8x32xi32> to vector<8xi32>
    %broadcast_in_dim3A_147 = vector.shape_cast %reduce_min3A_146 : vector<8xi32> to vector<8x1xi32>
    %eq3A_148 = vector.broadcast %broadcast_in_dim3A_147 : vector<8x1xi32> to vector<8x32xi32>
    %eq3A_149 = arith.cmpi eq, %select_n3A_144, %eq3A_148 : vector<8x32xi32>
    %jit3A_150 = arith.constant 1073741824 : i32
    %broadcast_in_dim3A_151 = vector.broadcast %jit3A_150 : i32 to vector<8x32xi32>
    %select_n3A_152 = arith.select %eq3A_149, %broadcast_in_dim3A_151, %select_n3A_144 : vector<8x32xi1>, vector<8x32xi32>
    %reduce_min3A_153 = arith.constant dense<2147483647> : vector<8xi32>
    %reduce_min3A_154 = vector.multi_reduction <minsi>, %select_n3A_152, %reduce_min3A_153 [1] : vector<8x32xi32> to vector<8xi32>
    %broadcast_in_dim3A_155 = vector.shape_cast %reduce_min3A_154 : vector<8xi32> to vector<8x1xi32>
    %eq3A_156 = vector.broadcast %broadcast_in_dim3A_155 : vector<8x1xi32> to vector<8x32xi32>
    %eq3A_157 = arith.cmpi eq, %select_n3A_152, %eq3A_156 : vector<8x32xi32>
    %jit3A_158 = arith.constant 1073741824 : i32
    %broadcast_in_dim3A_159 = vector.broadcast %jit3A_158 : i32 to vector<8x32xi32>
    %select_n3A_160 = arith.select %eq3A_157, %broadcast_in_dim3A_159, %select_n3A_152 : vector<8x32xi1>, vector<8x32xi32>
    %reduce_min3A_161 = arith.constant dense<2147483647> : vector<8xi32>
    %reduce_min3A_162 = vector.multi_reduction <minsi>, %select_n3A_160, %reduce_min3A_161 [1] : vector<8x32xi32> to vector<8xi32>
    %broadcast_in_dim3A_163 = vector.shape_cast %reduce_min3A_162 : vector<8xi32> to vector<8x1xi32>
    %eq3A_164 = vector.broadcast %broadcast_in_dim3A_163 : vector<8x1xi32> to vector<8x32xi32>
    %eq3A_165 = arith.cmpi eq, %select_n3A_160, %eq3A_164 : vector<8x32xi32>
    %jit3A_166 = arith.constant 1073741824 : i32
    %broadcast_in_dim3A_167 = vector.broadcast %jit3A_166 : i32 to vector<8x32xi32>
    %select_n3A_168 = arith.select %eq3A_165, %broadcast_in_dim3A_167, %select_n3A_160 : vector<8x32xi1>, vector<8x32xi32>
    %reduce_min3A_169 = arith.constant dense<2147483647> : vector<8xi32>
    %reduce_min3A_170 = vector.multi_reduction <minsi>, %select_n3A_168, %reduce_min3A_169 [1] : vector<8x32xi32> to vector<8xi32>
    %broadcast_in_dim3A_171 = vector.shape_cast %reduce_min3A_170 : vector<8xi32> to vector<8x1xi32>
    %eq3A_172 = vector.broadcast %broadcast_in_dim3A_171 : vector<8x1xi32> to vector<8x32xi32>
    %eq3A_173 = arith.cmpi eq, %select_n3A_168, %eq3A_172 : vector<8x32xi32>
    %jit3A_174 = arith.constant 1073741824 : i32
    %broadcast_in_dim3A_175 = vector.broadcast %jit3A_174 : i32 to vector<8x32xi32>
    %select_n3A_176 = arith.select %eq3A_173, %broadcast_in_dim3A_175, %select_n3A_168 : vector<8x32xi1>, vector<8x32xi32>
    %reduce_min3A_177 = arith.constant dense<2147483647> : vector<8xi32>
    %reduce_min3A_178 = vector.multi_reduction <minsi>, %select_n3A_176, %reduce_min3A_177 [1] : vector<8x32xi32> to vector<8xi32>
    %broadcast_in_dim3A_179 = vector.shape_cast %reduce_min3A_178 : vector<8xi32> to vector<8x1xi32>
    %eq3A_180 = vector.broadcast %broadcast_in_dim3A_179 : vector<8x1xi32> to vector<8x32xi32>
    %eq3A_181 = arith.cmpi eq, %select_n3A_176, %eq3A_180 : vector<8x32xi32>
    %jit3A_182 = arith.constant 1073741824 : i32
    %broadcast_in_dim3A_183 = vector.broadcast %jit3A_182 : i32 to vector<8x32xi32>
    %select_n3A_184 = arith.select %eq3A_181, %broadcast_in_dim3A_183, %select_n3A_176 : vector<8x32xi1>, vector<8x32xi32>
    %reduce_min3A_185 = arith.constant dense<2147483647> : vector<8xi32>
    %reduce_min3A_186 = vector.multi_reduction <minsi>, %select_n3A_184, %reduce_min3A_185 [1] : vector<8x32xi32> to vector<8xi32>
    %broadcast_in_dim3A_187 = vector.shape_cast %reduce_min3A_186 : vector<8xi32> to vector<8x1xi32>
    %eq3A_188 = vector.broadcast %broadcast_in_dim3A_187 : vector<8x1xi32> to vector<8x32xi32>
    %eq3A_189 = arith.cmpi eq, %select_n3A_184, %eq3A_188 : vector<8x32xi32>
    %jit3A_190 = arith.constant 1073741824 : i32
    %broadcast_in_dim3A_191 = vector.broadcast %jit3A_190 : i32 to vector<8x32xi32>
    %select_n3A_192 = arith.select %eq3A_189, %broadcast_in_dim3A_191, %select_n3A_184 : vector<8x32xi1>, vector<8x32xi32>
    %reduce_min3A_193 = arith.constant dense<2147483647> : vector<8xi32>
    %reduce_min3A_194 = vector.multi_reduction <minsi>, %select_n3A_192, %reduce_min3A_193 [1] : vector<8x32xi32> to vector<8xi32>
    %broadcast_in_dim3A_195 = vector.shape_cast %reduce_min3A_194 : vector<8xi32> to vector<8x1xi32>
    %eq3A_196 = vector.broadcast %broadcast_in_dim3A_195 : vector<8x1xi32> to vector<8x32xi32>
    %eq3A_197 = arith.cmpi eq, %select_n3A_192, %eq3A_196 : vector<8x32xi32>
    %jit3A_198 = arith.constant 1073741824 : i32
    %broadcast_in_dim3A_199 = vector.broadcast %jit3A_198 : i32 to vector<8x32xi32>
    %select_n3A_200 = arith.select %eq3A_197, %broadcast_in_dim3A_199, %select_n3A_192 : vector<8x32xi1>, vector<8x32xi32>
    %reduce_min3A_201 = arith.constant dense<2147483647> : vector<8xi32>
    %reduce_min3A_202 = vector.multi_reduction <minsi>, %select_n3A_200, %reduce_min3A_201 [1] : vector<8x32xi32> to vector<8xi32>
    %broadcast_in_dim3A_203 = vector.shape_cast %reduce_min3A_202 : vector<8xi32> to vector<8x1xi32>
    %eq3A_204 = vector.broadcast %broadcast_in_dim3A_203 : vector<8x1xi32> to vector<8x32xi32>
    %eq3A_205 = arith.cmpi eq, %select_n3A_200, %eq3A_204 : vector<8x32xi32>
    %jit3A_206 = arith.constant 1073741824 : i32
    %broadcast_in_dim3A_207 = vector.broadcast %jit3A_206 : i32 to vector<8x32xi32>
    %select_n3A_208 = arith.select %eq3A_205, %broadcast_in_dim3A_207, %select_n3A_200 : vector<8x32xi1>, vector<8x32xi32>
    %reduce_min3A_209 = arith.constant dense<2147483647> : vector<8xi32>
    %reduce_min3A_210 = vector.multi_reduction <minsi>, %select_n3A_208, %reduce_min3A_209 [1] : vector<8x32xi32> to vector<8xi32>
    %broadcast_in_dim3A_211 = vector.shape_cast %reduce_min3A_210 : vector<8xi32> to vector<8x1xi32>
    %eq3A_212 = vector.broadcast %broadcast_in_dim3A_211 : vector<8x1xi32> to vector<8x32xi32>
    %eq3A_213 = arith.cmpi eq, %select_n3A_208, %eq3A_212 : vector<8x32xi32>
    %jit3A_214 = arith.constant 1073741824 : i32
    %broadcast_in_dim3A_215 = vector.broadcast %jit3A_214 : i32 to vector<8x32xi32>
    %select_n3A_216 = arith.select %eq3A_213, %broadcast_in_dim3A_215, %select_n3A_208 : vector<8x32xi1>, vector<8x32xi32>
    %reduce_min3A_217 = arith.constant dense<2147483647> : vector<8xi32>
    %reduce_min3A_218 = vector.multi_reduction <minsi>, %select_n3A_216, %reduce_min3A_217 [1] : vector<8x32xi32> to vector<8xi32>
    %broadcast_in_dim3A_219 = vector.shape_cast %reduce_min3A_218 : vector<8xi32> to vector<8x1xi32>
    %eq3A_220 = vector.broadcast %broadcast_in_dim3A_219 : vector<8x1xi32> to vector<8x32xi32>
    %eq3A_221 = arith.cmpi eq, %select_n3A_216, %eq3A_220 : vector<8x32xi32>
    %jit3A_222 = arith.constant 1073741824 : i32
    %broadcast_in_dim3A_223 = vector.broadcast %jit3A_222 : i32 to vector<8x32xi32>
    %select_n3A_224 = arith.select %eq3A_221, %broadcast_in_dim3A_223, %select_n3A_216 : vector<8x32xi1>, vector<8x32xi32>
    %reduce_min3A_225 = arith.constant dense<2147483647> : vector<8xi32>
    %reduce_min3A_226 = vector.multi_reduction <minsi>, %select_n3A_224, %reduce_min3A_225 [1] : vector<8x32xi32> to vector<8xi32>
    %broadcast_in_dim3A_227 = vector.shape_cast %reduce_min3A_226 : vector<8xi32> to vector<8x1xi32>
    %eq3A_228 = vector.broadcast %broadcast_in_dim3A_227 : vector<8x1xi32> to vector<8x32xi32>
    %eq3A_229 = arith.cmpi eq, %select_n3A_224, %eq3A_228 : vector<8x32xi32>
    %jit3A_230 = arith.constant 1073741824 : i32
    %broadcast_in_dim3A_231 = vector.broadcast %jit3A_230 : i32 to vector<8x32xi32>
    %select_n3A_232 = arith.select %eq3A_229, %broadcast_in_dim3A_231, %select_n3A_224 : vector<8x32xi1>, vector<8x32xi32>
    %reduce_min3A_233 = arith.constant dense<2147483647> : vector<8xi32>
    %reduce_min3A_234 = vector.multi_reduction <minsi>, %select_n3A_232, %reduce_min3A_233 [1] : vector<8x32xi32> to vector<8xi32>
    %broadcast_in_dim3A_235 = vector.shape_cast %reduce_min3A_234 : vector<8xi32> to vector<8x1xi32>
    %eq3A_236 = vector.broadcast %broadcast_in_dim3A_235 : vector<8x1xi32> to vector<8x32xi32>
    %eq3A_237 = arith.cmpi eq, %select_n3A_232, %eq3A_236 : vector<8x32xi32>
    %jit3A_238 = arith.constant 1073741824 : i32
    %broadcast_in_dim3A_239 = vector.broadcast %jit3A_238 : i32 to vector<8x32xi32>
    %select_n3A_240 = arith.select %eq3A_237, %broadcast_in_dim3A_239, %select_n3A_232 : vector<8x32xi1>, vector<8x32xi32>
    %reduce_min3A_241 = arith.constant dense<2147483647> : vector<8xi32>
    %reduce_min3A_242 = vector.multi_reduction <minsi>, %select_n3A_240, %reduce_min3A_241 [1] : vector<8x32xi32> to vector<8xi32>
    %broadcast_in_dim3A_243 = vector.shape_cast %reduce_min3A_242 : vector<8xi32> to vector<8x1xi32>
    %eq3A_244 = vector.broadcast %broadcast_in_dim3A_243 : vector<8x1xi32> to vector<8x32xi32>
    %eq3A_245 = arith.cmpi eq, %select_n3A_240, %eq3A_244 : vector<8x32xi32>
    %jit3A_246 = arith.constant 1073741824 : i32
    %broadcast_in_dim3A_247 = vector.broadcast %jit3A_246 : i32 to vector<8x32xi32>
    %select_n3A_248 = arith.select %eq3A_245, %broadcast_in_dim3A_247, %select_n3A_240 : vector<8x32xi1>, vector<8x32xi32>
    %reduce_min3A_249 = arith.constant dense<2147483647> : vector<8xi32>
    %reduce_min3A_250 = vector.multi_reduction <minsi>, %select_n3A_248, %reduce_min3A_249 [1] : vector<8x32xi32> to vector<8xi32>
    %broadcast_in_dim3A_251 = vector.shape_cast %reduce_min3A_250 : vector<8xi32> to vector<8x1xi32>
    %eq3A_252 = vector.broadcast %broadcast_in_dim3A_251 : vector<8x1xi32> to vector<8x32xi32>
    %eq3A_253 = arith.cmpi eq, %select_n3A_248, %eq3A_252 : vector<8x32xi32>
    %jit3A_254 = arith.constant 1073741824 : i32
    %broadcast_in_dim3A_255 = vector.broadcast %jit3A_254 : i32 to vector<8x32xi32>
    %select_n3A_256 = arith.select %eq3A_253, %broadcast_in_dim3A_255, %select_n3A_248 : vector<8x32xi1>, vector<8x32xi32>
    %reduce_min3A_257 = arith.constant dense<2147483647> : vector<8xi32>
    %reduce_min3A_258 = vector.multi_reduction <minsi>, %select_n3A_256, %reduce_min3A_257 [1] : vector<8x32xi32> to vector<8xi32>
    %broadcast_in_dim3A_259 = vector.shape_cast %reduce_min3A_258 : vector<8xi32> to vector<8x1xi32>
    %eq3A_260 = vector.broadcast %broadcast_in_dim3A_259 : vector<8x1xi32> to vector<8x32xi32>
    %eq3A_261 = arith.cmpi eq, %select_n3A_256, %eq3A_260 : vector<8x32xi32>
    %jit3A_262 = arith.constant 1073741824 : i32
    %broadcast_in_dim3A_263 = vector.broadcast %jit3A_262 : i32 to vector<8x32xi32>
    %select_n3A_264 = arith.select %eq3A_261, %broadcast_in_dim3A_263, %select_n3A_256 : vector<8x32xi1>, vector<8x32xi32>
    %reduce_min3A_265 = arith.constant dense<2147483647> : vector<8xi32>
    %reduce_min3A_266 = vector.multi_reduction <minsi>, %select_n3A_264, %reduce_min3A_265 [1] : vector<8x32xi32> to vector<8xi32>
    %broadcast_in_dim3A_267 = vector.shape_cast %reduce_min3A_266 : vector<8xi32> to vector<8x1xi32>
    %eq3A_268 = vector.broadcast %broadcast_in_dim3A_267 : vector<8x1xi32> to vector<8x32xi32>
    %eq3A_269 = arith.cmpi eq, %select_n3A_264, %eq3A_268 : vector<8x32xi32>
    %jit3A_270 = arith.constant 1073741824 : i32
    %broadcast_in_dim3A_271 = vector.broadcast %jit3A_270 : i32 to vector<8x32xi32>
    %select_n3A_272 = arith.select %eq3A_269, %broadcast_in_dim3A_271, %select_n3A_264 : vector<8x32xi1>, vector<8x32xi32>
    %reduce_min3A_273 = arith.constant dense<2147483647> : vector<8xi32>
    %reduce_min3A_274 = vector.multi_reduction <minsi>, %select_n3A_272, %reduce_min3A_273 [1] : vector<8x32xi32> to vector<8xi32>
    %broadcast_in_dim3A_275 = vector.shape_cast %reduce_min3A_274 : vector<8xi32> to vector<8x1xi32>
    %get3A_276 = arith.constant 0 : index
    %get3A_277 = arith.constant 0 : index
    %get3A_278 = arith.constant 0 : index
    %get3A_279 = vector.load %arg4[%get3A_276, %get3A_277, %get3A_278] : memref<1x32x259xf32, #tpu.memory_space<vmem>>, vector<1x32x259xf32>
    %get3A_280 = vector.shape_cast %get3A_279 : vector<1x32x259xf32> to vector<32x259xf32>
    %ge3A = arith.constant 32 : i32
    %ge3A_281 = vector.broadcast %ge3A : i32 to vector<8x1xi32>
    %ge3A_282 = arith.cmpi sge, %broadcast_in_dim3A_28, %ge3A_281 : vector<8x1xi32>
    %select_n3A_283 = arith.select %ge3A_282, %broadcast_in_dim3A_28, %broadcast_in_dim3A_28 : vector<8x1xi1>, vector<8x1xi32>
    %eq3A_284 = vector.broadcast %select_n3A_283 : vector<8x1xi32> to vector<8x32xi32>
    %eq3A_285 = arith.cmpi eq, %iota3A, %eq3A_284 : vector<8x32xi32>
    %convert_element_type3A = arith.extui %eq3A_285 : vector<8x32xi1> to vector<8x32xi32>
    %convert_element_type3A_286 = arith.sitofp %convert_element_type3A : vector<8x32xi32> to vector<8x32xf32>
    %dot_general3A = arith.constant dense<0.000000e+00> : vector<8x259xf32>
    %dot_general3A_287 = tpu.matmul %convert_element_type3A_286, %get3A_280, %dot_general3A {dimension_numbers = #tpu.dot_dimension_numbers<[1], [0], [0], [1], [0, 0, 1, 1], [], []>, transpose_lhs_hint = false} : vector<8x32xf32>, vector<32x259xf32>, vector<8x259xf32> -> vector<8x259xf32>
    %slice3A_288 = vector.extract_strided_slice %dot_general3A_287 {offsets = [0, 0], sizes = [8, 3], strides = [1, 1]} : vector<8x259xf32> to vector<8x3xf32>
    %sub3A_289 = arith.subf %slice3A_288, %get3A_3 : vector<8x3xf32>
    %slice3A_290 = vector.extract_strided_slice %dot_general3A_287 {offsets = [0, 3], sizes = [8, 256], strides = [1, 1]} : vector<8x259xf32> to vector<8x256xf32>
    %concatenate3A = tpu.concatenate %sub3A_289, %slice3A_290 in 1 : vector<8x3xf32>, vector<8x256xf32> -> vector<8x259xf32>
    %ge3A_291 = arith.constant 32 : i32
    %ge3A_292 = vector.broadcast %ge3A_291 : i32 to vector<8x1xi32>
    %ge3A_293 = arith.cmpi sge, %broadcast_in_dim3A_35, %ge3A_292 : vector<8x1xi32>
    %select_n3A_294 = arith.select %ge3A_293, %broadcast_in_dim3A_28, %broadcast_in_dim3A_35 : vector<8x1xi1>, vector<8x1xi32>
    %eq3A_295 = vector.broadcast %select_n3A_294 : vector<8x1xi32> to vector<8x32xi32>
    %eq3A_296 = arith.cmpi eq, %iota3A, %eq3A_295 : vector<8x32xi32>
    %convert_element_type3A_297 = arith.extui %eq3A_296 : vector<8x32xi1> to vector<8x32xi32>
    %convert_element_type3A_298 = arith.sitofp %convert_element_type3A_297 : vector<8x32xi32> to vector<8x32xf32>
    %dot_general3A_299 = arith.constant dense<0.000000e+00> : vector<8x259xf32>
    %dot_general3A_300 = tpu.matmul %convert_element_type3A_298, %get3A_280, %dot_general3A_299 {dimension_numbers = #tpu.dot_dimension_numbers<[1], [0], [0], [1], [0, 0, 1, 1], [], []>, transpose_lhs_hint = false} : vector<8x32xf32>, vector<32x259xf32>, vector<8x259xf32> -> vector<8x259xf32>
    %slice3A_301 = vector.extract_strided_slice %dot_general3A_300 {offsets = [0, 0], sizes = [8, 3], strides = [1, 1]} : vector<8x259xf32> to vector<8x3xf32>
    %sub3A_302 = arith.subf %slice3A_301, %get3A_3 : vector<8x3xf32>
    %slice3A_303 = vector.extract_strided_slice %dot_general3A_300 {offsets = [0, 3], sizes = [8, 256], strides = [1, 1]} : vector<8x259xf32> to vector<8x256xf32>
    %concatenate3A_304 = tpu.concatenate %sub3A_302, %slice3A_303 in 1 : vector<8x3xf32>, vector<8x256xf32> -> vector<8x259xf32>
    %ge3A_305 = arith.constant 32 : i32
    %ge3A_306 = vector.broadcast %ge3A_305 : i32 to vector<8x1xi32>
    %ge3A_307 = arith.cmpi sge, %broadcast_in_dim3A_43, %ge3A_306 : vector<8x1xi32>
    %select_n3A_308 = arith.select %ge3A_307, %broadcast_in_dim3A_28, %broadcast_in_dim3A_43 : vector<8x1xi1>, vector<8x1xi32>
    %eq3A_309 = vector.broadcast %select_n3A_308 : vector<8x1xi32> to vector<8x32xi32>
    %eq3A_310 = arith.cmpi eq, %iota3A, %eq3A_309 : vector<8x32xi32>
    %convert_element_type3A_311 = arith.extui %eq3A_310 : vector<8x32xi1> to vector<8x32xi32>
    %convert_element_type3A_312 = arith.sitofp %convert_element_type3A_311 : vector<8x32xi32> to vector<8x32xf32>
    %dot_general3A_313 = arith.constant dense<0.000000e+00> : vector<8x259xf32>
    %dot_general3A_314 = tpu.matmul %convert_element_type3A_312, %get3A_280, %dot_general3A_313 {dimension_numbers = #tpu.dot_dimension_numbers<[1], [0], [0], [1], [0, 0, 1, 1], [], []>, transpose_lhs_hint = false} : vector<8x32xf32>, vector<32x259xf32>, vector<8x259xf32> -> vector<8x259xf32>
    %slice3A_315 = vector.extract_strided_slice %dot_general3A_314 {offsets = [0, 0], sizes = [8, 3], strides = [1, 1]} : vector<8x259xf32> to vector<8x3xf32>
    %sub3A_316 = arith.subf %slice3A_315, %get3A_3 : vector<8x3xf32>
    %slice3A_317 = vector.extract_strided_slice %dot_general3A_314 {offsets = [0, 3], sizes = [8, 256], strides = [1, 1]} : vector<8x259xf32> to vector<8x256xf32>
    %concatenate3A_318 = tpu.concatenate %sub3A_316, %slice3A_317 in 1 : vector<8x3xf32>, vector<8x256xf32> -> vector<8x259xf32>
    %ge3A_319 = arith.constant 32 : i32
    %ge3A_320 = vector.broadcast %ge3A_319 : i32 to vector<8x1xi32>
    %ge3A_321 = arith.cmpi sge, %broadcast_in_dim3A_51, %ge3A_320 : vector<8x1xi32>
    %select_n3A_322 = arith.select %ge3A_321, %broadcast_in_dim3A_28, %broadcast_in_dim3A_51 : vector<8x1xi1>, vector<8x1xi32>
    %eq3A_323 = vector.broadcast %select_n3A_322 : vector<8x1xi32> to vector<8x32xi32>
    %eq3A_324 = arith.cmpi eq, %iota3A, %eq3A_323 : vector<8x32xi32>
    %convert_element_type3A_325 = arith.extui %eq3A_324 : vector<8x32xi1> to vector<8x32xi32>
    %convert_element_type3A_326 = arith.sitofp %convert_element_type3A_325 : vector<8x32xi32> to vector<8x32xf32>
    %dot_general3A_327 = arith.constant dense<0.000000e+00> : vector<8x259xf32>
    %dot_general3A_328 = tpu.matmul %convert_element_type3A_326, %get3A_280, %dot_general3A_327 {dimension_numbers = #tpu.dot_dimension_numbers<[1], [0], [0], [1], [0, 0, 1, 1], [], []>, transpose_lhs_hint = false} : vector<8x32xf32>, vector<32x259xf32>, vector<8x259xf32> -> vector<8x259xf32>
    %slice3A_329 = vector.extract_strided_slice %dot_general3A_328 {offsets = [0, 0], sizes = [8, 3], strides = [1, 1]} : vector<8x259xf32> to vector<8x3xf32>
    %sub3A_330 = arith.subf %slice3A_329, %get3A_3 : vector<8x3xf32>
    %slice3A_331 = vector.extract_strided_slice %dot_general3A_328 {offsets = [0, 3], sizes = [8, 256], strides = [1, 1]} : vector<8x259xf32> to vector<8x256xf32>
    %concatenate3A_332 = tpu.concatenate %sub3A_330, %slice3A_331 in 1 : vector<8x3xf32>, vector<8x256xf32> -> vector<8x259xf32>
    %ge3A_333 = arith.constant 32 : i32
    %ge3A_334 = vector.broadcast %ge3A_333 : i32 to vector<8x1xi32>
    %ge3A_335 = arith.cmpi sge, %broadcast_in_dim3A_59, %ge3A_334 : vector<8x1xi32>
    %select_n3A_336 = arith.select %ge3A_335, %broadcast_in_dim3A_28, %broadcast_in_dim3A_59 : vector<8x1xi1>, vector<8x1xi32>
    %eq3A_337 = vector.broadcast %select_n3A_336 : vector<8x1xi32> to vector<8x32xi32>
    %eq3A_338 = arith.cmpi eq, %iota3A, %eq3A_337 : vector<8x32xi32>
    %convert_element_type3A_339 = arith.extui %eq3A_338 : vector<8x32xi1> to vector<8x32xi32>
    %convert_element_type3A_340 = arith.sitofp %convert_element_type3A_339 : vector<8x32xi32> to vector<8x32xf32>
    %dot_general3A_341 = arith.constant dense<0.000000e+00> : vector<8x259xf32>
    %dot_general3A_342 = tpu.matmul %convert_element_type3A_340, %get3A_280, %dot_general3A_341 {dimension_numbers = #tpu.dot_dimension_numbers<[1], [0], [0], [1], [0, 0, 1, 1], [], []>, transpose_lhs_hint = false} : vector<8x32xf32>, vector<32x259xf32>, vector<8x259xf32> -> vector<8x259xf32>
    %slice3A_343 = vector.extract_strided_slice %dot_general3A_342 {offsets = [0, 0], sizes = [8, 3], strides = [1, 1]} : vector<8x259xf32> to vector<8x3xf32>
    %sub3A_344 = arith.subf %slice3A_343, %get3A_3 : vector<8x3xf32>
    %slice3A_345 = vector.extract_strided_slice %dot_general3A_342 {offsets = [0, 3], sizes = [8, 256], strides = [1, 1]} : vector<8x259xf32> to vector<8x256xf32>
    %concatenate3A_346 = tpu.concatenate %sub3A_344, %slice3A_345 in 1 : vector<8x3xf32>, vector<8x256xf32> -> vector<8x259xf32>
    %ge3A_347 = arith.constant 32 : i32
    %ge3A_348 = vector.broadcast %ge3A_347 : i32 to vector<8x1xi32>
    %ge3A_349 = arith.cmpi sge, %broadcast_in_dim3A_67, %ge3A_348 : vector<8x1xi32>
    %select_n3A_350 = arith.select %ge3A_349, %broadcast_in_dim3A_28, %broadcast_in_dim3A_67 : vector<8x1xi1>, vector<8x1xi32>
    %eq3A_351 = vector.broadcast %select_n3A_350 : vector<8x1xi32> to vector<8x32xi32>
    %eq3A_352 = arith.cmpi eq, %iota3A, %eq3A_351 : vector<8x32xi32>
    %convert_element_type3A_353 = arith.extui %eq3A_352 : vector<8x32xi1> to vector<8x32xi32>
    %convert_element_type3A_354 = arith.sitofp %convert_element_type3A_353 : vector<8x32xi32> to vector<8x32xf32>
    %dot_general3A_355 = arith.constant dense<0.000000e+00> : vector<8x259xf32>
    %dot_general3A_356 = tpu.matmul %convert_element_type3A_354, %get3A_280, %dot_general3A_355 {dimension_numbers = #tpu.dot_dimension_numbers<[1], [0], [0], [1], [0, 0, 1, 1], [], []>, transpose_lhs_hint = false} : vector<8x32xf32>, vector<32x259xf32>, vector<8x259xf32> -> vector<8x259xf32>
    %slice3A_357 = vector.extract_strided_slice %dot_general3A_356 {offsets = [0, 0], sizes = [8, 3], strides = [1, 1]} : vector<8x259xf32> to vector<8x3xf32>
    %sub3A_358 = arith.subf %slice3A_357, %get3A_3 : vector<8x3xf32>
    %slice3A_359 = vector.extract_strided_slice %dot_general3A_356 {offsets = [0, 3], sizes = [8, 256], strides = [1, 1]} : vector<8x259xf32> to vector<8x256xf32>
    %concatenate3A_360 = tpu.concatenate %sub3A_358, %slice3A_359 in 1 : vector<8x3xf32>, vector<8x256xf32> -> vector<8x259xf32>
    %ge3A_361 = arith.constant 32 : i32
    %ge3A_362 = vector.broadcast %ge3A_361 : i32 to vector<8x1xi32>
    %ge3A_363 = arith.cmpi sge, %broadcast_in_dim3A_75, %ge3A_362 : vector<8x1xi32>
    %select_n3A_364 = arith.select %ge3A_363, %broadcast_in_dim3A_28, %broadcast_in_dim3A_75 : vector<8x1xi1>, vector<8x1xi32>
    %eq3A_365 = vector.broadcast %select_n3A_364 : vector<8x1xi32> to vector<8x32xi32>
    %eq3A_366 = arith.cmpi eq, %iota3A, %eq3A_365 : vector<8x32xi32>
    %convert_element_type3A_367 = arith.extui %eq3A_366 : vector<8x32xi1> to vector<8x32xi32>
    %convert_element_type3A_368 = arith.sitofp %convert_element_type3A_367 : vector<8x32xi32> to vector<8x32xf32>
    %dot_general3A_369 = arith.constant dense<0.000000e+00> : vector<8x259xf32>
    %dot_general3A_370 = tpu.matmul %convert_element_type3A_368, %get3A_280, %dot_general3A_369 {dimension_numbers = #tpu.dot_dimension_numbers<[1], [0], [0], [1], [0, 0, 1, 1], [], []>, transpose_lhs_hint = false} : vector<8x32xf32>, vector<32x259xf32>, vector<8x259xf32> -> vector<8x259xf32>
    %slice3A_371 = vector.extract_strided_slice %dot_general3A_370 {offsets = [0, 0], sizes = [8, 3], strides = [1, 1]} : vector<8x259xf32> to vector<8x3xf32>
    %sub3A_372 = arith.subf %slice3A_371, %get3A_3 : vector<8x3xf32>
    %slice3A_373 = vector.extract_strided_slice %dot_general3A_370 {offsets = [0, 3], sizes = [8, 256], strides = [1, 1]} : vector<8x259xf32> to vector<8x256xf32>
    %concatenate3A_374 = tpu.concatenate %sub3A_372, %slice3A_373 in 1 : vector<8x3xf32>, vector<8x256xf32> -> vector<8x259xf32>
    %ge3A_375 = arith.constant 32 : i32
    %ge3A_376 = vector.broadcast %ge3A_375 : i32 to vector<8x1xi32>
    %ge3A_377 = arith.cmpi sge, %broadcast_in_dim3A_83, %ge3A_376 : vector<8x1xi32>
    %select_n3A_378 = arith.select %ge3A_377, %broadcast_in_dim3A_28, %broadcast_in_dim3A_83 : vector<8x1xi1>, vector<8x1xi32>
    %eq3A_379 = vector.broadcast %select_n3A_378 : vector<8x1xi32> to vector<8x32xi32>
    %eq3A_380 = arith.cmpi eq, %iota3A, %eq3A_379 : vector<8x32xi32>
    %convert_element_type3A_381 = arith.extui %eq3A_380 : vector<8x32xi1> to vector<8x32xi32>
    %convert_element_type3A_382 = arith.sitofp %convert_element_type3A_381 : vector<8x32xi32> to vector<8x32xf32>
    %dot_general3A_383 = arith.constant dense<0.000000e+00> : vector<8x259xf32>
    %dot_general3A_384 = tpu.matmul %convert_element_type3A_382, %get3A_280, %dot_general3A_383 {dimension_numbers = #tpu.dot_dimension_numbers<[1], [0], [0], [1], [0, 0, 1, 1], [], []>, transpose_lhs_hint = false} : vector<8x32xf32>, vector<32x259xf32>, vector<8x259xf32> -> vector<8x259xf32>
    %slice3A_385 = vector.extract_strided_slice %dot_general3A_384 {offsets = [0, 0], sizes = [8, 3], strides = [1, 1]} : vector<8x259xf32> to vector<8x3xf32>
    %sub3A_386 = arith.subf %slice3A_385, %get3A_3 : vector<8x3xf32>
    %slice3A_387 = vector.extract_strided_slice %dot_general3A_384 {offsets = [0, 3], sizes = [8, 256], strides = [1, 1]} : vector<8x259xf32> to vector<8x256xf32>
    %concatenate3A_388 = tpu.concatenate %sub3A_386, %slice3A_387 in 1 : vector<8x3xf32>, vector<8x256xf32> -> vector<8x259xf32>
    %ge3A_389 = arith.constant 32 : i32
    %ge3A_390 = vector.broadcast %ge3A_389 : i32 to vector<8x1xi32>
    %ge3A_391 = arith.cmpi sge, %broadcast_in_dim3A_91, %ge3A_390 : vector<8x1xi32>
    %select_n3A_392 = arith.select %ge3A_391, %broadcast_in_dim3A_28, %broadcast_in_dim3A_91 : vector<8x1xi1>, vector<8x1xi32>
    %eq3A_393 = vector.broadcast %select_n3A_392 : vector<8x1xi32> to vector<8x32xi32>
    %eq3A_394 = arith.cmpi eq, %iota3A, %eq3A_393 : vector<8x32xi32>
    %convert_element_type3A_395 = arith.extui %eq3A_394 : vector<8x32xi1> to vector<8x32xi32>
    %convert_element_type3A_396 = arith.sitofp %convert_element_type3A_395 : vector<8x32xi32> to vector<8x32xf32>
    %dot_general3A_397 = arith.constant dense<0.000000e+00> : vector<8x259xf32>
    %dot_general3A_398 = tpu.matmul %convert_element_type3A_396, %get3A_280, %dot_general3A_397 {dimension_numbers = #tpu.dot_dimension_numbers<[1], [0], [0], [1], [0, 0, 1, 1], [], []>, transpose_lhs_hint = false} : vector<8x32xf32>, vector<32x259xf32>, vector<8x259xf32> -> vector<8x259xf32>
    %slice3A_399 = vector.extract_strided_slice %dot_general3A_398 {offsets = [0, 0], sizes = [8, 3], strides = [1, 1]} : vector<8x259xf32> to vector<8x3xf32>
    %sub3A_400 = arith.subf %slice3A_399, %get3A_3 : vector<8x3xf32>
    %slice3A_401 = vector.extract_strided_slice %dot_general3A_398 {offsets = [0, 3], sizes = [8, 256], strides = [1, 1]} : vector<8x259xf32> to vector<8x256xf32>
    %concatenate3A_402 = tpu.concatenate %sub3A_400, %slice3A_401 in 1 : vector<8x3xf32>, vector<8x256xf32> -> vector<8x259xf32>
    %ge3A_403 = arith.constant 32 : i32
    %ge3A_404 = vector.broadcast %ge3A_403 : i32 to vector<8x1xi32>
    %ge3A_405 = arith.cmpi sge, %broadcast_in_dim3A_99, %ge3A_404 : vector<8x1xi32>
    %select_n3A_406 = arith.select %ge3A_405, %broadcast_in_dim3A_28, %broadcast_in_dim3A_99 : vector<8x1xi1>, vector<8x1xi32>
    %eq3A_407 = vector.broadcast %select_n3A_406 : vector<8x1xi32> to vector<8x32xi32>
    %eq3A_408 = arith.cmpi eq, %iota3A, %eq3A_407 : vector<8x32xi32>
    %convert_element_type3A_409 = arith.extui %eq3A_408 : vector<8x32xi1> to vector<8x32xi32>
    %convert_element_type3A_410 = arith.sitofp %convert_element_type3A_409 : vector<8x32xi32> to vector<8x32xf32>
    %dot_general3A_411 = arith.constant dense<0.000000e+00> : vector<8x259xf32>
    %dot_general3A_412 = tpu.matmul %convert_element_type3A_410, %get3A_280, %dot_general3A_411 {dimension_numbers = #tpu.dot_dimension_numbers<[1], [0], [0], [1], [0, 0, 1, 1], [], []>, transpose_lhs_hint = false} : vector<8x32xf32>, vector<32x259xf32>, vector<8x259xf32> -> vector<8x259xf32>
    %slice3A_413 = vector.extract_strided_slice %dot_general3A_412 {offsets = [0, 0], sizes = [8, 3], strides = [1, 1]} : vector<8x259xf32> to vector<8x3xf32>
    %sub3A_414 = arith.subf %slice3A_413, %get3A_3 : vector<8x3xf32>
    %slice3A_415 = vector.extract_strided_slice %dot_general3A_412 {offsets = [0, 3], sizes = [8, 256], strides = [1, 1]} : vector<8x259xf32> to vector<8x256xf32>
    %concatenate3A_416 = tpu.concatenate %sub3A_414, %slice3A_415 in 1 : vector<8x3xf32>, vector<8x256xf32> -> vector<8x259xf32>
    %ge3A_417 = arith.constant 32 : i32
    %ge3A_418 = vector.broadcast %ge3A_417 : i32 to vector<8x1xi32>
    %ge3A_419 = arith.cmpi sge, %broadcast_in_dim3A_107, %ge3A_418 : vector<8x1xi32>
    %select_n3A_420 = arith.select %ge3A_419, %broadcast_in_dim3A_28, %broadcast_in_dim3A_107 : vector<8x1xi1>, vector<8x1xi32>
    %eq3A_421 = vector.broadcast %select_n3A_420 : vector<8x1xi32> to vector<8x32xi32>
    %eq3A_422 = arith.cmpi eq, %iota3A, %eq3A_421 : vector<8x32xi32>
    %convert_element_type3A_423 = arith.extui %eq3A_422 : vector<8x32xi1> to vector<8x32xi32>
    %convert_element_type3A_424 = arith.sitofp %convert_element_type3A_423 : vector<8x32xi32> to vector<8x32xf32>
    %dot_general3A_425 = arith.constant dense<0.000000e+00> : vector<8x259xf32>
    %dot_general3A_426 = tpu.matmul %convert_element_type3A_424, %get3A_280, %dot_general3A_425 {dimension_numbers = #tpu.dot_dimension_numbers<[1], [0], [0], [1], [0, 0, 1, 1], [], []>, transpose_lhs_hint = false} : vector<8x32xf32>, vector<32x259xf32>, vector<8x259xf32> -> vector<8x259xf32>
    %slice3A_427 = vector.extract_strided_slice %dot_general3A_426 {offsets = [0, 0], sizes = [8, 3], strides = [1, 1]} : vector<8x259xf32> to vector<8x3xf32>
    %sub3A_428 = arith.subf %slice3A_427, %get3A_3 : vector<8x3xf32>
    %slice3A_429 = vector.extract_strided_slice %dot_general3A_426 {offsets = [0, 3], sizes = [8, 256], strides = [1, 1]} : vector<8x259xf32> to vector<8x256xf32>
    %concatenate3A_430 = tpu.concatenate %sub3A_428, %slice3A_429 in 1 : vector<8x3xf32>, vector<8x256xf32> -> vector<8x259xf32>
    %ge3A_431 = arith.constant 32 : i32
    %ge3A_432 = vector.broadcast %ge3A_431 : i32 to vector<8x1xi32>
    %ge3A_433 = arith.cmpi sge, %broadcast_in_dim3A_115, %ge3A_432 : vector<8x1xi32>
    %select_n3A_434 = arith.select %ge3A_433, %broadcast_in_dim3A_28, %broadcast_in_dim3A_115 : vector<8x1xi1>, vector<8x1xi32>
    %eq3A_435 = vector.broadcast %select_n3A_434 : vector<8x1xi32> to vector<8x32xi32>
    %eq3A_436 = arith.cmpi eq, %iota3A, %eq3A_435 : vector<8x32xi32>
    %convert_element_type3A_437 = arith.extui %eq3A_436 : vector<8x32xi1> to vector<8x32xi32>
    %convert_element_type3A_438 = arith.sitofp %convert_element_type3A_437 : vector<8x32xi32> to vector<8x32xf32>
    %dot_general3A_439 = arith.constant dense<0.000000e+00> : vector<8x259xf32>
    %dot_general3A_440 = tpu.matmul %convert_element_type3A_438, %get3A_280, %dot_general3A_439 {dimension_numbers = #tpu.dot_dimension_numbers<[1], [0], [0], [1], [0, 0, 1, 1], [], []>, transpose_lhs_hint = false} : vector<8x32xf32>, vector<32x259xf32>, vector<8x259xf32> -> vector<8x259xf32>
    %slice3A_441 = vector.extract_strided_slice %dot_general3A_440 {offsets = [0, 0], sizes = [8, 3], strides = [1, 1]} : vector<8x259xf32> to vector<8x3xf32>
    %sub3A_442 = arith.subf %slice3A_441, %get3A_3 : vector<8x3xf32>
    %slice3A_443 = vector.extract_strided_slice %dot_general3A_440 {offsets = [0, 3], sizes = [8, 256], strides = [1, 1]} : vector<8x259xf32> to vector<8x256xf32>
    %concatenate3A_444 = tpu.concatenate %sub3A_442, %slice3A_443 in 1 : vector<8x3xf32>, vector<8x256xf32> -> vector<8x259xf32>
    %ge3A_445 = arith.constant 32 : i32
    %ge3A_446 = vector.broadcast %ge3A_445 : i32 to vector<8x1xi32>
    %ge3A_447 = arith.cmpi sge, %broadcast_in_dim3A_123, %ge3A_446 : vector<8x1xi32>
    %select_n3A_448 = arith.select %ge3A_447, %broadcast_in_dim3A_28, %broadcast_in_dim3A_123 : vector<8x1xi1>, vector<8x1xi32>
    %eq3A_449 = vector.broadcast %select_n3A_448 : vector<8x1xi32> to vector<8x32xi32>
    %eq3A_450 = arith.cmpi eq, %iota3A, %eq3A_449 : vector<8x32xi32>
    %convert_element_type3A_451 = arith.extui %eq3A_450 : vector<8x32xi1> to vector<8x32xi32>
    %convert_element_type3A_452 = arith.sitofp %convert_element_type3A_451 : vector<8x32xi32> to vector<8x32xf32>
    %dot_general3A_453 = arith.constant dense<0.000000e+00> : vector<8x259xf32>
    %dot_general3A_454 = tpu.matmul %convert_element_type3A_452, %get3A_280, %dot_general3A_453 {dimension_numbers = #tpu.dot_dimension_numbers<[1], [0], [0], [1], [0, 0, 1, 1], [], []>, transpose_lhs_hint = false} : vector<8x32xf32>, vector<32x259xf32>, vector<8x259xf32> -> vector<8x259xf32>
    %slice3A_455 = vector.extract_strided_slice %dot_general3A_454 {offsets = [0, 0], sizes = [8, 3], strides = [1, 1]} : vector<8x259xf32> to vector<8x3xf32>
    %sub3A_456 = arith.subf %slice3A_455, %get3A_3 : vector<8x3xf32>
    %slice3A_457 = vector.extract_strided_slice %dot_general3A_454 {offsets = [0, 3], sizes = [8, 256], strides = [1, 1]} : vector<8x259xf32> to vector<8x256xf32>
    %concatenate3A_458 = tpu.concatenate %sub3A_456, %slice3A_457 in 1 : vector<8x3xf32>, vector<8x256xf32> -> vector<8x259xf32>
    %ge3A_459 = arith.constant 32 : i32
    %ge3A_460 = vector.broadcast %ge3A_459 : i32 to vector<8x1xi32>
    %ge3A_461 = arith.cmpi sge, %broadcast_in_dim3A_131, %ge3A_460 : vector<8x1xi32>
    %select_n3A_462 = arith.select %ge3A_461, %broadcast_in_dim3A_28, %broadcast_in_dim3A_131 : vector<8x1xi1>, vector<8x1xi32>
    %eq3A_463 = vector.broadcast %select_n3A_462 : vector<8x1xi32> to vector<8x32xi32>
    %eq3A_464 = arith.cmpi eq, %iota3A, %eq3A_463 : vector<8x32xi32>
    %convert_element_type3A_465 = arith.extui %eq3A_464 : vector<8x32xi1> to vector<8x32xi32>
    %convert_element_type3A_466 = arith.sitofp %convert_element_type3A_465 : vector<8x32xi32> to vector<8x32xf32>
    %dot_general3A_467 = arith.constant dense<0.000000e+00> : vector<8x259xf32>
    %dot_general3A_468 = tpu.matmul %convert_element_type3A_466, %get3A_280, %dot_general3A_467 {dimension_numbers = #tpu.dot_dimension_numbers<[1], [0], [0], [1], [0, 0, 1, 1], [], []>, transpose_lhs_hint = false} : vector<8x32xf32>, vector<32x259xf32>, vector<8x259xf32> -> vector<8x259xf32>
    %slice3A_469 = vector.extract_strided_slice %dot_general3A_468 {offsets = [0, 0], sizes = [8, 3], strides = [1, 1]} : vector<8x259xf32> to vector<8x3xf32>
    %sub3A_470 = arith.subf %slice3A_469, %get3A_3 : vector<8x3xf32>
    %slice3A_471 = vector.extract_strided_slice %dot_general3A_468 {offsets = [0, 3], sizes = [8, 256], strides = [1, 1]} : vector<8x259xf32> to vector<8x256xf32>
    %concatenate3A_472 = tpu.concatenate %sub3A_470, %slice3A_471 in 1 : vector<8x3xf32>, vector<8x256xf32> -> vector<8x259xf32>
    %ge3A_473 = arith.constant 32 : i32
    %ge3A_474 = vector.broadcast %ge3A_473 : i32 to vector<8x1xi32>
    %ge3A_475 = arith.cmpi sge, %broadcast_in_dim3A_139, %ge3A_474 : vector<8x1xi32>
    %select_n3A_476 = arith.select %ge3A_475, %broadcast_in_dim3A_28, %broadcast_in_dim3A_139 : vector<8x1xi1>, vector<8x1xi32>
    %eq3A_477 = vector.broadcast %select_n3A_476 : vector<8x1xi32> to vector<8x32xi32>
    %eq3A_478 = arith.cmpi eq, %iota3A, %eq3A_477 : vector<8x32xi32>
    %convert_element_type3A_479 = arith.extui %eq3A_478 : vector<8x32xi1> to vector<8x32xi32>
    %convert_element_type3A_480 = arith.sitofp %convert_element_type3A_479 : vector<8x32xi32> to vector<8x32xf32>
    %dot_general3A_481 = arith.constant dense<0.000000e+00> : vector<8x259xf32>
    %dot_general3A_482 = tpu.matmul %convert_element_type3A_480, %get3A_280, %dot_general3A_481 {dimension_numbers = #tpu.dot_dimension_numbers<[1], [0], [0], [1], [0, 0, 1, 1], [], []>, transpose_lhs_hint = false} : vector<8x32xf32>, vector<32x259xf32>, vector<8x259xf32> -> vector<8x259xf32>
    %slice3A_483 = vector.extract_strided_slice %dot_general3A_482 {offsets = [0, 0], sizes = [8, 3], strides = [1, 1]} : vector<8x259xf32> to vector<8x3xf32>
    %sub3A_484 = arith.subf %slice3A_483, %get3A_3 : vector<8x3xf32>
    %slice3A_485 = vector.extract_strided_slice %dot_general3A_482 {offsets = [0, 3], sizes = [8, 256], strides = [1, 1]} : vector<8x259xf32> to vector<8x256xf32>
    %concatenate3A_486 = tpu.concatenate %sub3A_484, %slice3A_485 in 1 : vector<8x3xf32>, vector<8x256xf32> -> vector<8x259xf32>
    %ge3A_487 = arith.constant 32 : i32
    %ge3A_488 = vector.broadcast %ge3A_487 : i32 to vector<8x1xi32>
    %ge3A_489 = arith.cmpi sge, %broadcast_in_dim3A_147, %ge3A_488 : vector<8x1xi32>
    %select_n3A_490 = arith.select %ge3A_489, %broadcast_in_dim3A_28, %broadcast_in_dim3A_147 : vector<8x1xi1>, vector<8x1xi32>
    %eq3A_491 = vector.broadcast %select_n3A_490 : vector<8x1xi32> to vector<8x32xi32>
    %eq3A_492 = arith.cmpi eq, %iota3A, %eq3A_491 : vector<8x32xi32>
    %convert_element_type3A_493 = arith.extui %eq3A_492 : vector<8x32xi1> to vector<8x32xi32>
    %convert_element_type3A_494 = arith.sitofp %convert_element_type3A_493 : vector<8x32xi32> to vector<8x32xf32>
    %dot_general3A_495 = arith.constant dense<0.000000e+00> : vector<8x259xf32>
    %dot_general3A_496 = tpu.matmul %convert_element_type3A_494, %get3A_280, %dot_general3A_495 {dimension_numbers = #tpu.dot_dimension_numbers<[1], [0], [0], [1], [0, 0, 1, 1], [], []>, transpose_lhs_hint = false} : vector<8x32xf32>, vector<32x259xf32>, vector<8x259xf32> -> vector<8x259xf32>
    %slice3A_497 = vector.extract_strided_slice %dot_general3A_496 {offsets = [0, 0], sizes = [8, 3], strides = [1, 1]} : vector<8x259xf32> to vector<8x3xf32>
    %sub3A_498 = arith.subf %slice3A_497, %get3A_3 : vector<8x3xf32>
    %slice3A_499 = vector.extract_strided_slice %dot_general3A_496 {offsets = [0, 3], sizes = [8, 256], strides = [1, 1]} : vector<8x259xf32> to vector<8x256xf32>
    %concatenate3A_500 = tpu.concatenate %sub3A_498, %slice3A_499 in 1 : vector<8x3xf32>, vector<8x256xf32> -> vector<8x259xf32>
    %ge3A_501 = arith.constant 32 : i32
    %ge3A_502 = vector.broadcast %ge3A_501 : i32 to vector<8x1xi32>
    %ge3A_503 = arith.cmpi sge, %broadcast_in_dim3A_155, %ge3A_502 : vector<8x1xi32>
    %select_n3A_504 = arith.select %ge3A_503, %broadcast_in_dim3A_28, %broadcast_in_dim3A_155 : vector<8x1xi1>, vector<8x1xi32>
    %eq3A_505 = vector.broadcast %select_n3A_504 : vector<8x1xi32> to vector<8x32xi32>
    %eq3A_506 = arith.cmpi eq, %iota3A, %eq3A_505 : vector<8x32xi32>
    %convert_element_type3A_507 = arith.extui %eq3A_506 : vector<8x32xi1> to vector<8x32xi32>
    %convert_element_type3A_508 = arith.sitofp %convert_element_type3A_507 : vector<8x32xi32> to vector<8x32xf32>
    %dot_general3A_509 = arith.constant dense<0.000000e+00> : vector<8x259xf32>
    %dot_general3A_510 = tpu.matmul %convert_element_type3A_508, %get3A_280, %dot_general3A_509 {dimension_numbers = #tpu.dot_dimension_numbers<[1], [0], [0], [1], [0, 0, 1, 1], [], []>, transpose_lhs_hint = false} : vector<8x32xf32>, vector<32x259xf32>, vector<8x259xf32> -> vector<8x259xf32>
    %slice3A_511 = vector.extract_strided_slice %dot_general3A_510 {offsets = [0, 0], sizes = [8, 3], strides = [1, 1]} : vector<8x259xf32> to vector<8x3xf32>
    %sub3A_512 = arith.subf %slice3A_511, %get3A_3 : vector<8x3xf32>
    %slice3A_513 = vector.extract_strided_slice %dot_general3A_510 {offsets = [0, 3], sizes = [8, 256], strides = [1, 1]} : vector<8x259xf32> to vector<8x256xf32>
    %concatenate3A_514 = tpu.concatenate %sub3A_512, %slice3A_513 in 1 : vector<8x3xf32>, vector<8x256xf32> -> vector<8x259xf32>
    %ge3A_515 = arith.constant 32 : i32
    %ge3A_516 = vector.broadcast %ge3A_515 : i32 to vector<8x1xi32>
    %ge3A_517 = arith.cmpi sge, %broadcast_in_dim3A_163, %ge3A_516 : vector<8x1xi32>
    %select_n3A_518 = arith.select %ge3A_517, %broadcast_in_dim3A_28, %broadcast_in_dim3A_163 : vector<8x1xi1>, vector<8x1xi32>
    %eq3A_519 = vector.broadcast %select_n3A_518 : vector<8x1xi32> to vector<8x32xi32>
    %eq3A_520 = arith.cmpi eq, %iota3A, %eq3A_519 : vector<8x32xi32>
    %convert_element_type3A_521 = arith.extui %eq3A_520 : vector<8x32xi1> to vector<8x32xi32>
    %convert_element_type3A_522 = arith.sitofp %convert_element_type3A_521 : vector<8x32xi32> to vector<8x32xf32>
    %dot_general3A_523 = arith.constant dense<0.000000e+00> : vector<8x259xf32>
    %dot_general3A_524 = tpu.matmul %convert_element_type3A_522, %get3A_280, %dot_general3A_523 {dimension_numbers = #tpu.dot_dimension_numbers<[1], [0], [0], [1], [0, 0, 1, 1], [], []>, transpose_lhs_hint = false} : vector<8x32xf32>, vector<32x259xf32>, vector<8x259xf32> -> vector<8x259xf32>
    %slice3A_525 = vector.extract_strided_slice %dot_general3A_524 {offsets = [0, 0], sizes = [8, 3], strides = [1, 1]} : vector<8x259xf32> to vector<8x3xf32>
    %sub3A_526 = arith.subf %slice3A_525, %get3A_3 : vector<8x3xf32>
    %slice3A_527 = vector.extract_strided_slice %dot_general3A_524 {offsets = [0, 3], sizes = [8, 256], strides = [1, 1]} : vector<8x259xf32> to vector<8x256xf32>
    %concatenate3A_528 = tpu.concatenate %sub3A_526, %slice3A_527 in 1 : vector<8x3xf32>, vector<8x256xf32> -> vector<8x259xf32>
    %ge3A_529 = arith.constant 32 : i32
    %ge3A_530 = vector.broadcast %ge3A_529 : i32 to vector<8x1xi32>
    %ge3A_531 = arith.cmpi sge, %broadcast_in_dim3A_171, %ge3A_530 : vector<8x1xi32>
    %select_n3A_532 = arith.select %ge3A_531, %broadcast_in_dim3A_28, %broadcast_in_dim3A_171 : vector<8x1xi1>, vector<8x1xi32>
    %eq3A_533 = vector.broadcast %select_n3A_532 : vector<8x1xi32> to vector<8x32xi32>
    %eq3A_534 = arith.cmpi eq, %iota3A, %eq3A_533 : vector<8x32xi32>
    %convert_element_type3A_535 = arith.extui %eq3A_534 : vector<8x32xi1> to vector<8x32xi32>
    %convert_element_type3A_536 = arith.sitofp %convert_element_type3A_535 : vector<8x32xi32> to vector<8x32xf32>
    %dot_general3A_537 = arith.constant dense<0.000000e+00> : vector<8x259xf32>
    %dot_general3A_538 = tpu.matmul %convert_element_type3A_536, %get3A_280, %dot_general3A_537 {dimension_numbers = #tpu.dot_dimension_numbers<[1], [0], [0], [1], [0, 0, 1, 1], [], []>, transpose_lhs_hint = false} : vector<8x32xf32>, vector<32x259xf32>, vector<8x259xf32> -> vector<8x259xf32>
    %slice3A_539 = vector.extract_strided_slice %dot_general3A_538 {offsets = [0, 0], sizes = [8, 3], strides = [1, 1]} : vector<8x259xf32> to vector<8x3xf32>
    %sub3A_540 = arith.subf %slice3A_539, %get3A_3 : vector<8x3xf32>
    %slice3A_541 = vector.extract_strided_slice %dot_general3A_538 {offsets = [0, 3], sizes = [8, 256], strides = [1, 1]} : vector<8x259xf32> to vector<8x256xf32>
    %concatenate3A_542 = tpu.concatenate %sub3A_540, %slice3A_541 in 1 : vector<8x3xf32>, vector<8x256xf32> -> vector<8x259xf32>
    %ge3A_543 = arith.constant 32 : i32
    %ge3A_544 = vector.broadcast %ge3A_543 : i32 to vector<8x1xi32>
    %ge3A_545 = arith.cmpi sge, %broadcast_in_dim3A_179, %ge3A_544 : vector<8x1xi32>
    %select_n3A_546 = arith.select %ge3A_545, %broadcast_in_dim3A_28, %broadcast_in_dim3A_179 : vector<8x1xi1>, vector<8x1xi32>
    %eq3A_547 = vector.broadcast %select_n3A_546 : vector<8x1xi32> to vector<8x32xi32>
    %eq3A_548 = arith.cmpi eq, %iota3A, %eq3A_547 : vector<8x32xi32>
    %convert_element_type3A_549 = arith.extui %eq3A_548 : vector<8x32xi1> to vector<8x32xi32>
    %convert_element_type3A_550 = arith.sitofp %convert_element_type3A_549 : vector<8x32xi32> to vector<8x32xf32>
    %dot_general3A_551 = arith.constant dense<0.000000e+00> : vector<8x259xf32>
    %dot_general3A_552 = tpu.matmul %convert_element_type3A_550, %get3A_280, %dot_general3A_551 {dimension_numbers = #tpu.dot_dimension_numbers<[1], [0], [0], [1], [0, 0, 1, 1], [], []>, transpose_lhs_hint = false} : vector<8x32xf32>, vector<32x259xf32>, vector<8x259xf32> -> vector<8x259xf32>
    %slice3A_553 = vector.extract_strided_slice %dot_general3A_552 {offsets = [0, 0], sizes = [8, 3], strides = [1, 1]} : vector<8x259xf32> to vector<8x3xf32>
    %sub3A_554 = arith.subf %slice3A_553, %get3A_3 : vector<8x3xf32>
    %slice3A_555 = vector.extract_strided_slice %dot_general3A_552 {offsets = [0, 3], sizes = [8, 256], strides = [1, 1]} : vector<8x259xf32> to vector<8x256xf32>
    %concatenate3A_556 = tpu.concatenate %sub3A_554, %slice3A_555 in 1 : vector<8x3xf32>, vector<8x256xf32> -> vector<8x259xf32>
    %ge3A_557 = arith.constant 32 : i32
    %ge3A_558 = vector.broadcast %ge3A_557 : i32 to vector<8x1xi32>
    %ge3A_559 = arith.cmpi sge, %broadcast_in_dim3A_187, %ge3A_558 : vector<8x1xi32>
    %select_n3A_560 = arith.select %ge3A_559, %broadcast_in_dim3A_28, %broadcast_in_dim3A_187 : vector<8x1xi1>, vector<8x1xi32>
    %eq3A_561 = vector.broadcast %select_n3A_560 : vector<8x1xi32> to vector<8x32xi32>
    %eq3A_562 = arith.cmpi eq, %iota3A, %eq3A_561 : vector<8x32xi32>
    %convert_element_type3A_563 = arith.extui %eq3A_562 : vector<8x32xi1> to vector<8x32xi32>
    %convert_element_type3A_564 = arith.sitofp %convert_element_type3A_563 : vector<8x32xi32> to vector<8x32xf32>
    %dot_general3A_565 = arith.constant dense<0.000000e+00> : vector<8x259xf32>
    %dot_general3A_566 = tpu.matmul %convert_element_type3A_564, %get3A_280, %dot_general3A_565 {dimension_numbers = #tpu.dot_dimension_numbers<[1], [0], [0], [1], [0, 0, 1, 1], [], []>, transpose_lhs_hint = false} : vector<8x32xf32>, vector<32x259xf32>, vector<8x259xf32> -> vector<8x259xf32>
    %slice3A_567 = vector.extract_strided_slice %dot_general3A_566 {offsets = [0, 0], sizes = [8, 3], strides = [1, 1]} : vector<8x259xf32> to vector<8x3xf32>
    %sub3A_568 = arith.subf %slice3A_567, %get3A_3 : vector<8x3xf32>
    %slice3A_569 = vector.extract_strided_slice %dot_general3A_566 {offsets = [0, 3], sizes = [8, 256], strides = [1, 1]} : vector<8x259xf32> to vector<8x256xf32>
    %concatenate3A_570 = tpu.concatenate %sub3A_568, %slice3A_569 in 1 : vector<8x3xf32>, vector<8x256xf32> -> vector<8x259xf32>
    %ge3A_571 = arith.constant 32 : i32
    %ge3A_572 = vector.broadcast %ge3A_571 : i32 to vector<8x1xi32>
    %ge3A_573 = arith.cmpi sge, %broadcast_in_dim3A_195, %ge3A_572 : vector<8x1xi32>
    %select_n3A_574 = arith.select %ge3A_573, %broadcast_in_dim3A_28, %broadcast_in_dim3A_195 : vector<8x1xi1>, vector<8x1xi32>
    %eq3A_575 = vector.broadcast %select_n3A_574 : vector<8x1xi32> to vector<8x32xi32>
    %eq3A_576 = arith.cmpi eq, %iota3A, %eq3A_575 : vector<8x32xi32>
    %convert_element_type3A_577 = arith.extui %eq3A_576 : vector<8x32xi1> to vector<8x32xi32>
    %convert_element_type3A_578 = arith.sitofp %convert_element_type3A_577 : vector<8x32xi32> to vector<8x32xf32>
    %dot_general3A_579 = arith.constant dense<0.000000e+00> : vector<8x259xf32>
    %dot_general3A_580 = tpu.matmul %convert_element_type3A_578, %get3A_280, %dot_general3A_579 {dimension_numbers = #tpu.dot_dimension_numbers<[1], [0], [0], [1], [0, 0, 1, 1], [], []>, transpose_lhs_hint = false} : vector<8x32xf32>, vector<32x259xf32>, vector<8x259xf32> -> vector<8x259xf32>
    %slice3A_581 = vector.extract_strided_slice %dot_general3A_580 {offsets = [0, 0], sizes = [8, 3], strides = [1, 1]} : vector<8x259xf32> to vector<8x3xf32>
    %sub3A_582 = arith.subf %slice3A_581, %get3A_3 : vector<8x3xf32>
    %slice3A_583 = vector.extract_strided_slice %dot_general3A_580 {offsets = [0, 3], sizes = [8, 256], strides = [1, 1]} : vector<8x259xf32> to vector<8x256xf32>
    %concatenate3A_584 = tpu.concatenate %sub3A_582, %slice3A_583 in 1 : vector<8x3xf32>, vector<8x256xf32> -> vector<8x259xf32>
    %ge3A_585 = arith.constant 32 : i32
    %ge3A_586 = vector.broadcast %ge3A_585 : i32 to vector<8x1xi32>
    %ge3A_587 = arith.cmpi sge, %broadcast_in_dim3A_203, %ge3A_586 : vector<8x1xi32>
    %select_n3A_588 = arith.select %ge3A_587, %broadcast_in_dim3A_28, %broadcast_in_dim3A_203 : vector<8x1xi1>, vector<8x1xi32>
    %eq3A_589 = vector.broadcast %select_n3A_588 : vector<8x1xi32> to vector<8x32xi32>
    %eq3A_590 = arith.cmpi eq, %iota3A, %eq3A_589 : vector<8x32xi32>
    %convert_element_type3A_591 = arith.extui %eq3A_590 : vector<8x32xi1> to vector<8x32xi32>
    %convert_element_type3A_592 = arith.sitofp %convert_element_type3A_591 : vector<8x32xi32> to vector<8x32xf32>
    %dot_general3A_593 = arith.constant dense<0.000000e+00> : vector<8x259xf32>
    %dot_general3A_594 = tpu.matmul %convert_element_type3A_592, %get3A_280, %dot_general3A_593 {dimension_numbers = #tpu.dot_dimension_numbers<[1], [0], [0], [1], [0, 0, 1, 1], [], []>, transpose_lhs_hint = false} : vector<8x32xf32>, vector<32x259xf32>, vector<8x259xf32> -> vector<8x259xf32>
    %slice3A_595 = vector.extract_strided_slice %dot_general3A_594 {offsets = [0, 0], sizes = [8, 3], strides = [1, 1]} : vector<8x259xf32> to vector<8x3xf32>
    %sub3A_596 = arith.subf %slice3A_595, %get3A_3 : vector<8x3xf32>
    %slice3A_597 = vector.extract_strided_slice %dot_general3A_594 {offsets = [0, 3], sizes = [8, 256], strides = [1, 1]} : vector<8x259xf32> to vector<8x256xf32>
    %concatenate3A_598 = tpu.concatenate %sub3A_596, %slice3A_597 in 1 : vector<8x3xf32>, vector<8x256xf32> -> vector<8x259xf32>
    %ge3A_599 = arith.constant 32 : i32
    %ge3A_600 = vector.broadcast %ge3A_599 : i32 to vector<8x1xi32>
    %ge3A_601 = arith.cmpi sge, %broadcast_in_dim3A_211, %ge3A_600 : vector<8x1xi32>
    %select_n3A_602 = arith.select %ge3A_601, %broadcast_in_dim3A_28, %broadcast_in_dim3A_211 : vector<8x1xi1>, vector<8x1xi32>
    %eq3A_603 = vector.broadcast %select_n3A_602 : vector<8x1xi32> to vector<8x32xi32>
    %eq3A_604 = arith.cmpi eq, %iota3A, %eq3A_603 : vector<8x32xi32>
    %convert_element_type3A_605 = arith.extui %eq3A_604 : vector<8x32xi1> to vector<8x32xi32>
    %convert_element_type3A_606 = arith.sitofp %convert_element_type3A_605 : vector<8x32xi32> to vector<8x32xf32>
    %dot_general3A_607 = arith.constant dense<0.000000e+00> : vector<8x259xf32>
    %dot_general3A_608 = tpu.matmul %convert_element_type3A_606, %get3A_280, %dot_general3A_607 {dimension_numbers = #tpu.dot_dimension_numbers<[1], [0], [0], [1], [0, 0, 1, 1], [], []>, transpose_lhs_hint = false} : vector<8x32xf32>, vector<32x259xf32>, vector<8x259xf32> -> vector<8x259xf32>
    %slice3A_609 = vector.extract_strided_slice %dot_general3A_608 {offsets = [0, 0], sizes = [8, 3], strides = [1, 1]} : vector<8x259xf32> to vector<8x3xf32>
    %sub3A_610 = arith.subf %slice3A_609, %get3A_3 : vector<8x3xf32>
    %slice3A_611 = vector.extract_strided_slice %dot_general3A_608 {offsets = [0, 3], sizes = [8, 256], strides = [1, 1]} : vector<8x259xf32> to vector<8x256xf32>
    %concatenate3A_612 = tpu.concatenate %sub3A_610, %slice3A_611 in 1 : vector<8x3xf32>, vector<8x256xf32> -> vector<8x259xf32>
    %ge3A_613 = arith.constant 32 : i32
    %ge3A_614 = vector.broadcast %ge3A_613 : i32 to vector<8x1xi32>
    %ge3A_615 = arith.cmpi sge, %broadcast_in_dim3A_219, %ge3A_614 : vector<8x1xi32>
    %select_n3A_616 = arith.select %ge3A_615, %broadcast_in_dim3A_28, %broadcast_in_dim3A_219 : vector<8x1xi1>, vector<8x1xi32>
    %eq3A_617 = vector.broadcast %select_n3A_616 : vector<8x1xi32> to vector<8x32xi32>
    %eq3A_618 = arith.cmpi eq, %iota3A, %eq3A_617 : vector<8x32xi32>
    %convert_element_type3A_619 = arith.extui %eq3A_618 : vector<8x32xi1> to vector<8x32xi32>
    %convert_element_type3A_620 = arith.sitofp %convert_element_type3A_619 : vector<8x32xi32> to vector<8x32xf32>
    %dot_general3A_621 = arith.constant dense<0.000000e+00> : vector<8x259xf32>
    %dot_general3A_622 = tpu.matmul %convert_element_type3A_620, %get3A_280, %dot_general3A_621 {dimension_numbers = #tpu.dot_dimension_numbers<[1], [0], [0], [1], [0, 0, 1, 1], [], []>, transpose_lhs_hint = false} : vector<8x32xf32>, vector<32x259xf32>, vector<8x259xf32> -> vector<8x259xf32>
    %slice3A_623 = vector.extract_strided_slice %dot_general3A_622 {offsets = [0, 0], sizes = [8, 3], strides = [1, 1]} : vector<8x259xf32> to vector<8x3xf32>
    %sub3A_624 = arith.subf %slice3A_623, %get3A_3 : vector<8x3xf32>
    %slice3A_625 = vector.extract_strided_slice %dot_general3A_622 {offsets = [0, 3], sizes = [8, 256], strides = [1, 1]} : vector<8x259xf32> to vector<8x256xf32>
    %concatenate3A_626 = tpu.concatenate %sub3A_624, %slice3A_625 in 1 : vector<8x3xf32>, vector<8x256xf32> -> vector<8x259xf32>
    %ge3A_627 = arith.constant 32 : i32
    %ge3A_628 = vector.broadcast %ge3A_627 : i32 to vector<8x1xi32>
    %ge3A_629 = arith.cmpi sge, %broadcast_in_dim3A_227, %ge3A_628 : vector<8x1xi32>
    %select_n3A_630 = arith.select %ge3A_629, %broadcast_in_dim3A_28, %broadcast_in_dim3A_227 : vector<8x1xi1>, vector<8x1xi32>
    %eq3A_631 = vector.broadcast %select_n3A_630 : vector<8x1xi32> to vector<8x32xi32>
    %eq3A_632 = arith.cmpi eq, %iota3A, %eq3A_631 : vector<8x32xi32>
    %convert_element_type3A_633 = arith.extui %eq3A_632 : vector<8x32xi1> to vector<8x32xi32>
    %convert_element_type3A_634 = arith.sitofp %convert_element_type3A_633 : vector<8x32xi32> to vector<8x32xf32>
    %dot_general3A_635 = arith.constant dense<0.000000e+00> : vector<8x259xf32>
    %dot_general3A_636 = tpu.matmul %convert_element_type3A_634, %get3A_280, %dot_general3A_635 {dimension_numbers = #tpu.dot_dimension_numbers<[1], [0], [0], [1], [0, 0, 1, 1], [], []>, transpose_lhs_hint = false} : vector<8x32xf32>, vector<32x259xf32>, vector<8x259xf32> -> vector<8x259xf32>
    %slice3A_637 = vector.extract_strided_slice %dot_general3A_636 {offsets = [0, 0], sizes = [8, 3], strides = [1, 1]} : vector<8x259xf32> to vector<8x3xf32>
    %sub3A_638 = arith.subf %slice3A_637, %get3A_3 : vector<8x3xf32>
    %slice3A_639 = vector.extract_strided_slice %dot_general3A_636 {offsets = [0, 3], sizes = [8, 256], strides = [1, 1]} : vector<8x259xf32> to vector<8x256xf32>
    %concatenate3A_640 = tpu.concatenate %sub3A_638, %slice3A_639 in 1 : vector<8x3xf32>, vector<8x256xf32> -> vector<8x259xf32>
    %ge3A_641 = arith.constant 32 : i32
    %ge3A_642 = vector.broadcast %ge3A_641 : i32 to vector<8x1xi32>
    %ge3A_643 = arith.cmpi sge, %broadcast_in_dim3A_235, %ge3A_642 : vector<8x1xi32>
    %select_n3A_644 = arith.select %ge3A_643, %broadcast_in_dim3A_28, %broadcast_in_dim3A_235 : vector<8x1xi1>, vector<8x1xi32>
    %eq3A_645 = vector.broadcast %select_n3A_644 : vector<8x1xi32> to vector<8x32xi32>
    %eq3A_646 = arith.cmpi eq, %iota3A, %eq3A_645 : vector<8x32xi32>
    %convert_element_type3A_647 = arith.extui %eq3A_646 : vector<8x32xi1> to vector<8x32xi32>
    %convert_element_type3A_648 = arith.sitofp %convert_element_type3A_647 : vector<8x32xi32> to vector<8x32xf32>
    %dot_general3A_649 = arith.constant dense<0.000000e+00> : vector<8x259xf32>
    %dot_general3A_650 = tpu.matmul %convert_element_type3A_648, %get3A_280, %dot_general3A_649 {dimension_numbers = #tpu.dot_dimension_numbers<[1], [0], [0], [1], [0, 0, 1, 1], [], []>, transpose_lhs_hint = false} : vector<8x32xf32>, vector<32x259xf32>, vector<8x259xf32> -> vector<8x259xf32>
    %slice3A_651 = vector.extract_strided_slice %dot_general3A_650 {offsets = [0, 0], sizes = [8, 3], strides = [1, 1]} : vector<8x259xf32> to vector<8x3xf32>
    %sub3A_652 = arith.subf %slice3A_651, %get3A_3 : vector<8x3xf32>
    %slice3A_653 = vector.extract_strided_slice %dot_general3A_650 {offsets = [0, 3], sizes = [8, 256], strides = [1, 1]} : vector<8x259xf32> to vector<8x256xf32>
    %concatenate3A_654 = tpu.concatenate %sub3A_652, %slice3A_653 in 1 : vector<8x3xf32>, vector<8x256xf32> -> vector<8x259xf32>
    %ge3A_655 = arith.constant 32 : i32
    %ge3A_656 = vector.broadcast %ge3A_655 : i32 to vector<8x1xi32>
    %ge3A_657 = arith.cmpi sge, %broadcast_in_dim3A_243, %ge3A_656 : vector<8x1xi32>
    %select_n3A_658 = arith.select %ge3A_657, %broadcast_in_dim3A_28, %broadcast_in_dim3A_243 : vector<8x1xi1>, vector<8x1xi32>
    %eq3A_659 = vector.broadcast %select_n3A_658 : vector<8x1xi32> to vector<8x32xi32>
    %eq3A_660 = arith.cmpi eq, %iota3A, %eq3A_659 : vector<8x32xi32>
    %convert_element_type3A_661 = arith.extui %eq3A_660 : vector<8x32xi1> to vector<8x32xi32>
    %convert_element_type3A_662 = arith.sitofp %convert_element_type3A_661 : vector<8x32xi32> to vector<8x32xf32>
    %dot_general3A_663 = arith.constant dense<0.000000e+00> : vector<8x259xf32>
    %dot_general3A_664 = tpu.matmul %convert_element_type3A_662, %get3A_280, %dot_general3A_663 {dimension_numbers = #tpu.dot_dimension_numbers<[1], [0], [0], [1], [0, 0, 1, 1], [], []>, transpose_lhs_hint = false} : vector<8x32xf32>, vector<32x259xf32>, vector<8x259xf32> -> vector<8x259xf32>
    %slice3A_665 = vector.extract_strided_slice %dot_general3A_664 {offsets = [0, 0], sizes = [8, 3], strides = [1, 1]} : vector<8x259xf32> to vector<8x3xf32>
    %sub3A_666 = arith.subf %slice3A_665, %get3A_3 : vector<8x3xf32>
    %slice3A_667 = vector.extract_strided_slice %dot_general3A_664 {offsets = [0, 3], sizes = [8, 256], strides = [1, 1]} : vector<8x259xf32> to vector<8x256xf32>
    %concatenate3A_668 = tpu.concatenate %sub3A_666, %slice3A_667 in 1 : vector<8x3xf32>, vector<8x256xf32> -> vector<8x259xf32>
    %ge3A_669 = arith.constant 32 : i32
    %ge3A_670 = vector.broadcast %ge3A_669 : i32 to vector<8x1xi32>
    %ge3A_671 = arith.cmpi sge, %broadcast_in_dim3A_251, %ge3A_670 : vector<8x1xi32>
    %select_n3A_672 = arith.select %ge3A_671, %broadcast_in_dim3A_28, %broadcast_in_dim3A_251 : vector<8x1xi1>, vector<8x1xi32>
    %eq3A_673 = vector.broadcast %select_n3A_672 : vector<8x1xi32> to vector<8x32xi32>
    %eq3A_674 = arith.cmpi eq, %iota3A, %eq3A_673 : vector<8x32xi32>
    %convert_element_type3A_675 = arith.extui %eq3A_674 : vector<8x32xi1> to vector<8x32xi32>
    %convert_element_type3A_676 = arith.sitofp %convert_element_type3A_675 : vector<8x32xi32> to vector<8x32xf32>
    %dot_general3A_677 = arith.constant dense<0.000000e+00> : vector<8x259xf32>
    %dot_general3A_678 = tpu.matmul %convert_element_type3A_676, %get3A_280, %dot_general3A_677 {dimension_numbers = #tpu.dot_dimension_numbers<[1], [0], [0], [1], [0, 0, 1, 1], [], []>, transpose_lhs_hint = false} : vector<8x32xf32>, vector<32x259xf32>, vector<8x259xf32> -> vector<8x259xf32>
    %slice3A_679 = vector.extract_strided_slice %dot_general3A_678 {offsets = [0, 0], sizes = [8, 3], strides = [1, 1]} : vector<8x259xf32> to vector<8x3xf32>
    %sub3A_680 = arith.subf %slice3A_679, %get3A_3 : vector<8x3xf32>
    %slice3A_681 = vector.extract_strided_slice %dot_general3A_678 {offsets = [0, 3], sizes = [8, 256], strides = [1, 1]} : vector<8x259xf32> to vector<8x256xf32>
    %concatenate3A_682 = tpu.concatenate %sub3A_680, %slice3A_681 in 1 : vector<8x3xf32>, vector<8x256xf32> -> vector<8x259xf32>
    %ge3A_683 = arith.constant 32 : i32
    %ge3A_684 = vector.broadcast %ge3A_683 : i32 to vector<8x1xi32>
    %ge3A_685 = arith.cmpi sge, %broadcast_in_dim3A_259, %ge3A_684 : vector<8x1xi32>
    %select_n3A_686 = arith.select %ge3A_685, %broadcast_in_dim3A_28, %broadcast_in_dim3A_259 : vector<8x1xi1>, vector<8x1xi32>
    %eq3A_687 = vector.broadcast %select_n3A_686 : vector<8x1xi32> to vector<8x32xi32>
    %eq3A_688 = arith.cmpi eq, %iota3A, %eq3A_687 : vector<8x32xi32>
    %convert_element_type3A_689 = arith.extui %eq3A_688 : vector<8x32xi1> to vector<8x32xi32>
    %convert_element_type3A_690 = arith.sitofp %convert_element_type3A_689 : vector<8x32xi32> to vector<8x32xf32>
    %dot_general3A_691 = arith.constant dense<0.000000e+00> : vector<8x259xf32>
    %dot_general3A_692 = tpu.matmul %convert_element_type3A_690, %get3A_280, %dot_general3A_691 {dimension_numbers = #tpu.dot_dimension_numbers<[1], [0], [0], [1], [0, 0, 1, 1], [], []>, transpose_lhs_hint = false} : vector<8x32xf32>, vector<32x259xf32>, vector<8x259xf32> -> vector<8x259xf32>
    %slice3A_693 = vector.extract_strided_slice %dot_general3A_692 {offsets = [0, 0], sizes = [8, 3], strides = [1, 1]} : vector<8x259xf32> to vector<8x3xf32>
    %sub3A_694 = arith.subf %slice3A_693, %get3A_3 : vector<8x3xf32>
    %slice3A_695 = vector.extract_strided_slice %dot_general3A_692 {offsets = [0, 3], sizes = [8, 256], strides = [1, 1]} : vector<8x259xf32> to vector<8x256xf32>
    %concatenate3A_696 = tpu.concatenate %sub3A_694, %slice3A_695 in 1 : vector<8x3xf32>, vector<8x256xf32> -> vector<8x259xf32>
    %ge3A_697 = arith.constant 32 : i32
    %ge3A_698 = vector.broadcast %ge3A_697 : i32 to vector<8x1xi32>
    %ge3A_699 = arith.cmpi sge, %broadcast_in_dim3A_267, %ge3A_698 : vector<8x1xi32>
    %select_n3A_700 = arith.select %ge3A_699, %broadcast_in_dim3A_28, %broadcast_in_dim3A_267 : vector<8x1xi1>, vector<8x1xi32>
    %eq3A_701 = vector.broadcast %select_n3A_700 : vector<8x1xi32> to vector<8x32xi32>
    %eq3A_702 = arith.cmpi eq, %iota3A, %eq3A_701 : vector<8x32xi32>
    %convert_element_type3A_703 = arith.extui %eq3A_702 : vector<8x32xi1> to vector<8x32xi32>
    %convert_element_type3A_704 = arith.sitofp %convert_element_type3A_703 : vector<8x32xi32> to vector<8x32xf32>
    %dot_general3A_705 = arith.constant dense<0.000000e+00> : vector<8x259xf32>
    %dot_general3A_706 = tpu.matmul %convert_element_type3A_704, %get3A_280, %dot_general3A_705 {dimension_numbers = #tpu.dot_dimension_numbers<[1], [0], [0], [1], [0, 0, 1, 1], [], []>, transpose_lhs_hint = false} : vector<8x32xf32>, vector<32x259xf32>, vector<8x259xf32> -> vector<8x259xf32>
    %slice3A_707 = vector.extract_strided_slice %dot_general3A_706 {offsets = [0, 0], sizes = [8, 3], strides = [1, 1]} : vector<8x259xf32> to vector<8x3xf32>
    %sub3A_708 = arith.subf %slice3A_707, %get3A_3 : vector<8x3xf32>
    %slice3A_709 = vector.extract_strided_slice %dot_general3A_706 {offsets = [0, 3], sizes = [8, 256], strides = [1, 1]} : vector<8x259xf32> to vector<8x256xf32>
    %concatenate3A_710 = tpu.concatenate %sub3A_708, %slice3A_709 in 1 : vector<8x3xf32>, vector<8x256xf32> -> vector<8x259xf32>
    %ge3A_711 = arith.constant 32 : i32
    %ge3A_712 = vector.broadcast %ge3A_711 : i32 to vector<8x1xi32>
    %ge3A_713 = arith.cmpi sge, %broadcast_in_dim3A_275, %ge3A_712 : vector<8x1xi32>
    %select_n3A_714 = arith.select %ge3A_713, %broadcast_in_dim3A_28, %broadcast_in_dim3A_275 : vector<8x1xi1>, vector<8x1xi32>
    %eq3A_715 = vector.broadcast %select_n3A_714 : vector<8x1xi32> to vector<8x32xi32>
    %eq3A_716 = arith.cmpi eq, %iota3A, %eq3A_715 : vector<8x32xi32>
    %convert_element_type3A_717 = arith.extui %eq3A_716 : vector<8x32xi1> to vector<8x32xi32>
    %convert_element_type3A_718 = arith.sitofp %convert_element_type3A_717 : vector<8x32xi32> to vector<8x32xf32>
    %dot_general3A_719 = arith.constant dense<0.000000e+00> : vector<8x259xf32>
    %dot_general3A_720 = tpu.matmul %convert_element_type3A_718, %get3A_280, %dot_general3A_719 {dimension_numbers = #tpu.dot_dimension_numbers<[1], [0], [0], [1], [0, 0, 1, 1], [], []>, transpose_lhs_hint = false} : vector<8x32xf32>, vector<32x259xf32>, vector<8x259xf32> -> vector<8x259xf32>
    %slice3A_721 = vector.extract_strided_slice %dot_general3A_720 {offsets = [0, 0], sizes = [8, 3], strides = [1, 1]} : vector<8x259xf32> to vector<8x3xf32>
    %sub3A_722 = arith.subf %slice3A_721, %get3A_3 : vector<8x3xf32>
    %slice3A_723 = vector.extract_strided_slice %dot_general3A_720 {offsets = [0, 3], sizes = [8, 256], strides = [1, 1]} : vector<8x259xf32> to vector<8x256xf32>
    %concatenate3A_724 = tpu.concatenate %sub3A_722, %slice3A_723 in 1 : vector<8x3xf32>, vector<8x256xf32> -> vector<8x259xf32>
    %concatenate3A_725 = tpu.concatenate %concatenate3A, %concatenate3A_304, %concatenate3A_318, %concatenate3A_332, %concatenate3A_346, %concatenate3A_360, %concatenate3A_374, %concatenate3A_388, %concatenate3A_402, %concatenate3A_416, %concatenate3A_430, %concatenate3A_444, %concatenate3A_458, %concatenate3A_472, %concatenate3A_486, %concatenate3A_500, %concatenate3A_514, %concatenate3A_528, %concatenate3A_542, %concatenate3A_556, %concatenate3A_570, %concatenate3A_584, %concatenate3A_598, %concatenate3A_612, %concatenate3A_626, %concatenate3A_640, %concatenate3A_654, %concatenate3A_668, %concatenate3A_682, %concatenate3A_696, %concatenate3A_710, %concatenate3A_724 in 0 : vector<8x259xf32>, vector<8x259xf32>, vector<8x259xf32>, vector<8x259xf32>, vector<8x259xf32>, vector<8x259xf32>, vector<8x259xf32>, vector<8x259xf32>, vector<8x259xf32>, vector<8x259xf32>, vector<8x259xf32>, vector<8x259xf32>, vector<8x259xf32>, vector<8x259xf32>, vector<8x259xf32>, vector<8x259xf32>, vector<8x259xf32>, vector<8x259xf32>, vector<8x259xf32>, vector<8x259xf32>, vector<8x259xf32>, vector<8x259xf32>, vector<8x259xf32>, vector<8x259xf32>, vector<8x259xf32>, vector<8x259xf32>, vector<8x259xf32>, vector<8x259xf32>, vector<8x259xf32>, vector<8x259xf32>, vector<8x259xf32>, vector<8x259xf32> -> vector<256x259xf32>
    %get3A_726 = arith.constant 0 : index
    %get3A_727 = arith.constant 0 : index
    %get3A_728 = vector.load %arg5[%get3A_726, %get3A_727] : memref<259x256xf32, #tpu.memory_space<vmem>>, vector<259x256xf32>
    %dot_general3A_729 = arith.constant dense<0.000000e+00> : vector<256x256xf32>
    %dot_general3A_730 = tpu.matmul %concatenate3A_725, %get3A_728, %dot_general3A_729 {dimension_numbers = #tpu.dot_dimension_numbers<[1], [0], [0], [1], [0, 0, 1, 1], [], []>, transpose_lhs_hint = false} : vector<256x259xf32>, vector<259x256xf32>, vector<256x256xf32> -> vector<256x256xf32>
    %max3A = arith.constant 0.000000e+00 : f32
    %max3A_731 = vector.broadcast %max3A : f32 to vector<256x256xf32>
    %max3A_732 = arith.maximumf %dot_general3A_730, %max3A_731 : vector<256x256xf32>
    %get3A_733 = arith.constant 0 : index
    %get3A_734 = arith.constant 0 : index
    %get3A_735 = vector.load %arg6[%get3A_733, %get3A_734] : memref<256x256xf32, #tpu.memory_space<vmem>>, vector<256x256xf32>
    %dot_general3A_736 = arith.constant dense<0.000000e+00> : vector<256x256xf32>
    %dot_general3A_737 = tpu.matmul %max3A_732, %get3A_735, %dot_general3A_736 {dimension_numbers = #tpu.dot_dimension_numbers<[1], [0], [0], [1], [0, 0, 1, 1], [], []>, transpose_lhs_hint = false} : vector<256x256xf32>, vector<256x256xf32>, vector<256x256xf32> -> vector<256x256xf32>
    %max3A_738 = arith.constant 0.000000e+00 : f32
    %max3A_739 = vector.broadcast %max3A_738 : f32 to vector<256x256xf32>
    %max3A_740 = arith.maximumf %dot_general3A_737, %max3A_739 : vector<256x256xf32>
    %get3A_741 = arith.constant 0 : index
    %get3A_742 = arith.constant 0 : index
    %get3A_743 = vector.load %arg7[%get3A_741, %get3A_742] : memref<256x512xf32, #tpu.memory_space<vmem>>, vector<256x512xf32>
    %dot_general3A_744 = arith.constant dense<0.000000e+00> : vector<256x512xf32>
    %dot_general3A_745 = tpu.matmul %max3A_740, %get3A_743, %dot_general3A_744 {dimension_numbers = #tpu.dot_dimension_numbers<[1], [0], [0], [1], [0, 0, 1, 1], [], []>, transpose_lhs_hint = false} : vector<256x256xf32>, vector<256x512xf32>, vector<256x512xf32> -> vector<256x512xf32>
    %max3A_746 = arith.constant 0.000000e+00 : f32
    %max3A_747 = vector.broadcast %max3A_746 : f32 to vector<256x512xf32>
    %max3A_748 = arith.maximumf %dot_general3A_745, %max3A_747 : vector<256x512xf32>
    %reshape3A = vector.shape_cast %max3A_748 : vector<256x512xf32> to vector<32x8x512xf32>
    %reduce_max3A = arith.constant dense<0xFF800000> : vector<8x512xf32>
    %reduce_max3A_749 = vector.multi_reduction <maximumf>, %reshape3A, %reduce_max3A [0] : vector<32x8x512xf32> to vector<8x512xf32>
    %swap3A = arith.constant 0 : index
    %swap3A_750 = arith.constant 0 : index
    %swap3A_751 = arith.constant 0 : index
    %swap3A_752 = vector.load %arg8[%swap3A, %swap3A_750, %swap3A_751] : memref<1x8x512xf32, #tpu.memory_space<vmem>>, vector<1x8x512xf32>
    %swap3A_753 = vector.shape_cast %swap3A_752 : vector<1x8x512xf32> to vector<8x512xf32>
    %swap3A_754 = vector.shape_cast %reduce_max3A_749 : vector<8x512xf32> to vector<1x8x512xf32>
    tpu.vector_store %arg8[%swap3A, %swap3A_750, %swap3A_751], %swap3A_754 {strides = array<i32>} : memref<1x8x512xf32, #tpu.memory_space<vmem>>, vector<1x8x512xf32>,
    return
  }
  func.func @transform_0(%arg0: i32, %arg1: i32) -> (i32, i32, i32) {
    %c0_i32 = arith.constant 0 : i32
    %c0_i32_0 = arith.constant 0 : i32
    return %arg0, %arg1, %c0_i32 : i32, i32, i32
  }
  func.func @transform_1(%arg0: i32, %arg1: i32) -> (i32, i32, i32) {
    %c0_i32 = arith.constant 0 : i32
    %c0_i32_0 = arith.constant 0 : i32
    %c0_i32_1 = arith.constant 0 : i32
    return %arg0, %c0_i32, %c0_i32_0 : i32, i32, i32
  }
  func.func @transform_2(%arg0: i32, %arg1: i32) -> (i32, i32, i32) {
    %c0_i32 = arith.constant 0 : i32
    %c0_i32_0 = arith.constant 0 : i32
    %c0_i32_1 = arith.constant 0 : i32
    return %arg0, %c0_i32, %c0_i32_0 : i32, i32, i32
  }
  func.func @transform_3(%arg0: i32, %arg1: i32) -> (i32, i32) {
    %c0_i32 = arith.constant 0 : i32
    %c0_i32_0 = arith.constant 0 : i32
    %c0_i32_1 = arith.constant 0 : i32
    return %c0_i32, %c0_i32_0 : i32, i32
  }
  func.func @transform_4(%arg0: i32, %arg1: i32) -> (i32, i32) {
    %c0_i32 = arith.constant 0 : i32
    %c0_i32_0 = arith.constant 0 : i32
    %c0_i32_1 = arith.constant 0 : i32
    return %c0_i32, %c0_i32_0 : i32, i32
  }
  func.func @transform_5(%arg0: i32, %arg1: i32) -> (i32, i32) {
    %c0_i32 = arith.constant 0 : i32
    %c0_i32_0 = arith.constant 0 : i32
    %c0_i32_1 = arith.constant 0 : i32
    return %c0_i32, %c0_i32_0 : i32, i32
  }
  func.func @transform_6(%arg0: i32, %arg1: i32) -> (i32, i32, i32) {
    %c0_i32 = arith.constant 0 : i32
    %c0_i32_0 = arith.constant 0 : i32
    return %arg0, %arg1, %c0_i32 : i32, i32, i32
  }
}

module attributes {stable_mosaic.version = 14 : i64} {
  func.func @_fp_body(%arg0: i32, %arg1: i32, %arg2: memref<1x32x3xf32, #tpu.memory_space<vmem>>, %arg3: memref<1x3x8xf32, #tpu.memory_space<vmem>>, %arg4: memref<1x32x256xf32, #tpu.memory_space<vmem>>, %arg5: memref<1x8x512xf32, #tpu.memory_space<vmem>>, %arg6: memref<768x256xf32, #tpu.memory_space<vmem>>, %arg7: memref<256x256xf32, #tpu.memory_space<vmem>>, %arg8: memref<1x32x256xf32, #tpu.memory_space<vmem>>) attributes {dimension_semantics = [#tpu.dimension_semantics<arbitrary>, #tpu.dimension_semantics<arbitrary>], iteration_bounds = array<i64: 4, 1>, scalar_prefetch = 0 : i64, scratch_operands = 0 : i64, tpu.core_type = #tpu.core_type<tc>, window_params = [{transform_indices = @transform_0, window_bounds = array<i64: 1, 32, 3>}, {transform_indices = @transform_1, window_bounds = array<i64: 1, 3, 8>}, {transform_indices = @transform_2, window_bounds = array<i64: 1, 32, 256>}, {transform_indices = @transform_3, window_bounds = array<i64: 1, 8, 512>}, {pipeline_mode = #tpu.pipeline_mode<synchronous>, transform_indices = @transform_4, window_bounds = array<i64: 768, 256>}, {pipeline_mode = #tpu.pipeline_mode<synchronous>, transform_indices = @transform_5, window_bounds = array<i64: 256, 256>}, {transform_indices = @transform_6, window_bounds = array<i64: 1, 32, 256>}]} {
    %get3A = arith.constant 0 : index
    %get3A_0 = arith.constant 0 : index
    %get3A_1 = arith.constant 0 : index
    %get3A_2 = vector.load %arg2[%get3A, %get3A_0, %get3A_1] : memref<1x32x3xf32, #tpu.memory_space<vmem>>, vector<1x32x3xf32>
    %get3A_3 = vector.shape_cast %get3A_2 : vector<1x32x3xf32> to vector<32x3xf32>
    %get3A_4 = arith.constant 0 : index
    %get3A_5 = arith.constant 0 : index
    %get3A_6 = arith.constant 0 : index
    %get3A_7 = vector.load %arg3[%get3A_4, %get3A_5, %get3A_6] : memref<1x3x8xf32, #tpu.memory_space<vmem>>, vector<1x3x8xf32>
    %get3A_8 = vector.shape_cast %get3A_7 : vector<1x3x8xf32> to vector<3x8xf32>
    %slice3A = vector.extract_strided_slice %get3A_3 {offsets = [0, 0], sizes = [32, 1], strides = [1, 1]} : vector<32x3xf32> to vector<32x1xf32>
    %slice3A_9 = vector.extract_strided_slice %get3A_8 {offsets = [0, 0], sizes = [1, 8], strides = [1, 1]} : vector<3x8xf32> to vector<1x8xf32>
    %sub3A = vector.broadcast %slice3A : vector<32x1xf32> to vector<32x8xf32>
    %sub3A_10 = vector.broadcast %slice3A_9 : vector<1x8xf32> to vector<32x8xf32>
    %sub3A_11 = arith.subf %sub3A, %sub3A_10 : vector<32x8xf32>
    %mul3A = arith.mulf %sub3A_11, %sub3A_11 : vector<32x8xf32>
    %slice3A_12 = vector.extract_strided_slice %get3A_3 {offsets = [0, 1], sizes = [32, 1], strides = [1, 1]} : vector<32x3xf32> to vector<32x1xf32>
    %slice3A_13 = vector.extract_strided_slice %get3A_8 {offsets = [1, 0], sizes = [1, 8], strides = [1, 1]} : vector<3x8xf32> to vector<1x8xf32>
    %sub3A_14 = vector.broadcast %slice3A_12 : vector<32x1xf32> to vector<32x8xf32>
    %sub3A_15 = vector.broadcast %slice3A_13 : vector<1x8xf32> to vector<32x8xf32>
    %sub3A_16 = arith.subf %sub3A_14, %sub3A_15 : vector<32x8xf32>
    %mul3A_17 = arith.mulf %sub3A_16, %sub3A_16 : vector<32x8xf32>
    %add3A = arith.addf %mul3A, %mul3A_17 : vector<32x8xf32>
    %slice3A_18 = vector.extract_strided_slice %get3A_3 {offsets = [0, 2], sizes = [32, 1], strides = [1, 1]} : vector<32x3xf32> to vector<32x1xf32>
    %slice3A_19 = vector.extract_strided_slice %get3A_8 {offsets = [2, 0], sizes = [1, 8], strides = [1, 1]} : vector<3x8xf32> to vector<1x8xf32>
    %sub3A_20 = vector.broadcast %slice3A_18 : vector<32x1xf32> to vector<32x8xf32>
    %sub3A_21 = vector.broadcast %slice3A_19 : vector<1x8xf32> to vector<32x8xf32>
    %sub3A_22 = arith.subf %sub3A_20, %sub3A_21 : vector<32x8xf32>
    %mul3A_23 = arith.mulf %sub3A_22, %sub3A_22 : vector<32x8xf32>
    %add3A_24 = arith.addf %add3A, %mul3A_23 : vector<32x8xf32>
    %max3A = arith.constant 9.99999996E-13 : f32
    %max3A_25 = vector.broadcast %max3A : f32 to vector<32x8xf32>
    %max3A_26 = arith.maximumf %add3A_24, %max3A_25 : vector<32x8xf32>
    %sqrt3A = math.sqrt %max3A_26 : vector<32x8xf32>
    %iota3A = tpu.iota {dimensions = array<i32: 1>} : vector<32x8xi32>
    %reduce_min3A = arith.constant dense<0x7F800000> : vector<32xf32>
    %reduce_min3A_27 = vector.multi_reduction <minimumf>, %sqrt3A, %reduce_min3A [1] : vector<32x8xf32> to vector<32xf32>
    %broadcast_in_dim3A = vector.shape_cast %reduce_min3A_27 : vector<32xf32> to vector<32x1xf32>
    %eq3A = vector.broadcast %broadcast_in_dim3A : vector<32x1xf32> to vector<32x8xf32>
    %eq3A_28 = arith.cmpf oeq, %sqrt3A, %eq3A : vector<32x8xf32>
    %jit3A = arith.constant 8 : i32
    %broadcast_in_dim3A_29 = vector.broadcast %jit3A : i32 to vector<32x8xi32>
    %select_n3A = arith.select %eq3A_28, %iota3A, %broadcast_in_dim3A_29 : vector<32x8xi1>, vector<32x8xi32>
    %reduce_min3A_30 = arith.constant dense<2147483647> : vector<32xi32>
    %reduce_min3A_31 = vector.multi_reduction <minsi>, %select_n3A, %reduce_min3A_30 [1] : vector<32x8xi32> to vector<32xi32>
    %broadcast_in_dim3A_32 = vector.shape_cast %reduce_min3A_31 : vector<32xi32> to vector<32x1xi32>
    %max3A_33 = arith.constant 1.000000e-10 : f32
    %max3A_34 = vector.broadcast %max3A_33 : f32 to vector<32x1xf32>
    %max3A_35 = arith.maximumf %broadcast_in_dim3A, %max3A_34 : vector<32x1xf32>
    %div3A = arith.constant 1.000000e+00 : f32
    %div3A_36 = vector.broadcast %div3A : f32 to vector<32x1xf32>
    %div3A_37 = arith.divf %div3A_36, %max3A_35 : vector<32x1xf32>
    %eq3A_38 = vector.broadcast %broadcast_in_dim3A_32 : vector<32x1xi32> to vector<32x8xi32>
    %eq3A_39 = arith.cmpi eq, %iota3A, %eq3A_38 : vector<32x8xi32>
    %jit3A_40 = arith.constant 1.000000e+30 : f32
    %broadcast_in_dim3A_41 = vector.broadcast %jit3A_40 : f32 to vector<32x8xf32>
    %select_n3A_42 = arith.select %eq3A_39, %broadcast_in_dim3A_41, %sqrt3A : vector<32x8xi1>, vector<32x8xf32>
    %reduce_min3A_43 = arith.constant dense<0x7F800000> : vector<32xf32>
    %reduce_min3A_44 = vector.multi_reduction <minimumf>, %select_n3A_42, %reduce_min3A_43 [1] : vector<32x8xf32> to vector<32xf32>
    %broadcast_in_dim3A_45 = vector.shape_cast %reduce_min3A_44 : vector<32xf32> to vector<32x1xf32>
    %eq3A_46 = vector.broadcast %broadcast_in_dim3A_45 : vector<32x1xf32> to vector<32x8xf32>
    %eq3A_47 = arith.cmpf oeq, %select_n3A_42, %eq3A_46 : vector<32x8xf32>
    %jit3A_48 = arith.constant 8 : i32
    %broadcast_in_dim3A_49 = vector.broadcast %jit3A_48 : i32 to vector<32x8xi32>
    %select_n3A_50 = arith.select %eq3A_47, %iota3A, %broadcast_in_dim3A_49 : vector<32x8xi1>, vector<32x8xi32>
    %reduce_min3A_51 = arith.constant dense<2147483647> : vector<32xi32>
    %reduce_min3A_52 = vector.multi_reduction <minsi>, %select_n3A_50, %reduce_min3A_51 [1] : vector<32x8xi32> to vector<32xi32>
    %broadcast_in_dim3A_53 = vector.shape_cast %reduce_min3A_52 : vector<32xi32> to vector<32x1xi32>
    %max3A_54 = arith.constant 1.000000e-10 : f32
    %max3A_55 = vector.broadcast %max3A_54 : f32 to vector<32x1xf32>
    %max3A_56 = arith.maximumf %broadcast_in_dim3A_45, %max3A_55 : vector<32x1xf32>
    %div3A_57 = arith.constant 1.000000e+00 : f32
    %div3A_58 = vector.broadcast %div3A_57 : f32 to vector<32x1xf32>
    %div3A_59 = arith.divf %div3A_58, %max3A_56 : vector<32x1xf32>
    %eq3A_60 = vector.broadcast %broadcast_in_dim3A_53 : vector<32x1xi32> to vector<32x8xi32>
    %eq3A_61 = arith.cmpi eq, %iota3A, %eq3A_60 : vector<32x8xi32>
    %jit3A_62 = arith.constant 1.000000e+30 : f32
    %broadcast_in_dim3A_63 = vector.broadcast %jit3A_62 : f32 to vector<32x8xf32>
    %select_n3A_64 = arith.select %eq3A_61, %broadcast_in_dim3A_63, %select_n3A_42 : vector<32x8xi1>, vector<32x8xf32>
    %reduce_min3A_65 = arith.constant dense<0x7F800000> : vector<32xf32>
    %reduce_min3A_66 = vector.multi_reduction <minimumf>, %select_n3A_64, %reduce_min3A_65 [1] : vector<32x8xf32> to vector<32xf32>
    %broadcast_in_dim3A_67 = vector.shape_cast %reduce_min3A_66 : vector<32xf32> to vector<32x1xf32>
    %eq3A_68 = vector.broadcast %broadcast_in_dim3A_67 : vector<32x1xf32> to vector<32x8xf32>
    %eq3A_69 = arith.cmpf oeq, %select_n3A_64, %eq3A_68 : vector<32x8xf32>
    %jit3A_70 = arith.constant 8 : i32
    %broadcast_in_dim3A_71 = vector.broadcast %jit3A_70 : i32 to vector<32x8xi32>
    %select_n3A_72 = arith.select %eq3A_69, %iota3A, %broadcast_in_dim3A_71 : vector<32x8xi1>, vector<32x8xi32>
    %reduce_min3A_73 = arith.constant dense<2147483647> : vector<32xi32>
    %reduce_min3A_74 = vector.multi_reduction <minsi>, %select_n3A_72, %reduce_min3A_73 [1] : vector<32x8xi32> to vector<32xi32>
    %broadcast_in_dim3A_75 = vector.shape_cast %reduce_min3A_74 : vector<32xi32> to vector<32x1xi32>
    %max3A_76 = arith.constant 1.000000e-10 : f32
    %max3A_77 = vector.broadcast %max3A_76 : f32 to vector<32x1xf32>
    %max3A_78 = arith.maximumf %broadcast_in_dim3A_67, %max3A_77 : vector<32x1xf32>
    %div3A_79 = arith.constant 1.000000e+00 : f32
    %div3A_80 = vector.broadcast %div3A_79 : f32 to vector<32x1xf32>
    %div3A_81 = arith.divf %div3A_80, %max3A_78 : vector<32x1xf32>
    %add3A_82 = arith.addf %div3A_37, %div3A_59 : vector<32x1xf32>
    %add3A_83 = arith.addf %add3A_82, %div3A_81 : vector<32x1xf32>
    %div3A_84 = arith.divf %div3A_37, %add3A_83 : vector<32x1xf32>
    %div3A_85 = arith.divf %div3A_59, %add3A_83 : vector<32x1xf32>
    %div3A_86 = arith.divf %div3A_81, %add3A_83 : vector<32x1xf32>
    %add3A_87 = arith.addf %div3A_84, %div3A_85 : vector<32x1xf32>
    %add3A_88 = arith.addf %add3A_87, %div3A_86 : vector<32x1xf32>
    %add3A_89 = arith.constant 9.99999997E-7 : f32
    %add3A_90 = vector.broadcast %add3A_89 : f32 to vector<32x1xf32>
    %add3A_91 = arith.addf %add3A_88, %add3A_90 : vector<32x1xf32>
    %eq3A_92 = vector.broadcast %broadcast_in_dim3A_32 : vector<32x1xi32> to vector<32x8xi32>
    %eq3A_93 = arith.cmpi eq, %iota3A, %eq3A_92 : vector<32x8xi32>
    %convert_element_type3A = arith.extui %eq3A_93 : vector<32x8xi1> to vector<32x8xi32>
    %convert_element_type3A_94 = arith.sitofp %convert_element_type3A : vector<32x8xi32> to vector<32x8xf32>
    %mul3A_95 = vector.broadcast %div3A_84 : vector<32x1xf32> to vector<32x8xf32>
    %mul3A_96 = arith.mulf %mul3A_95, %convert_element_type3A_94 : vector<32x8xf32>
    %eq3A_97 = vector.broadcast %broadcast_in_dim3A_53 : vector<32x1xi32> to vector<32x8xi32>
    %eq3A_98 = arith.cmpi eq, %iota3A, %eq3A_97 : vector<32x8xi32>
    %convert_element_type3A_99 = arith.extui %eq3A_98 : vector<32x8xi1> to vector<32x8xi32>
    %convert_element_type3A_100 = arith.sitofp %convert_element_type3A_99 : vector<32x8xi32> to vector<32x8xf32>
    %mul3A_101 = vector.broadcast %div3A_85 : vector<32x1xf32> to vector<32x8xf32>
    %mul3A_102 = arith.mulf %mul3A_101, %convert_element_type3A_100 : vector<32x8xf32>
    %add3A_103 = arith.addf %mul3A_96, %mul3A_102 : vector<32x8xf32>
    %eq3A_104 = vector.broadcast %broadcast_in_dim3A_75 : vector<32x1xi32> to vector<32x8xi32>
    %eq3A_105 = arith.cmpi eq, %iota3A, %eq3A_104 : vector<32x8xi32>
    %convert_element_type3A_106 = arith.extui %eq3A_105 : vector<32x8xi1> to vector<32x8xi32>
    %convert_element_type3A_107 = arith.sitofp %convert_element_type3A_106 : vector<32x8xi32> to vector<32x8xf32>
    %mul3A_108 = vector.broadcast %div3A_86 : vector<32x1xf32> to vector<32x8xf32>
    %mul3A_109 = arith.mulf %mul3A_108, %convert_element_type3A_107 : vector<32x8xf32>
    %add3A_110 = arith.addf %add3A_103, %mul3A_109 : vector<32x8xf32>
    %get3A_111 = arith.constant 0 : index
    %get3A_112 = arith.constant 0 : index
    %get3A_113 = arith.constant 0 : index
    %get3A_114 = vector.load %arg5[%get3A_111, %get3A_112, %get3A_113] : memref<1x8x512xf32, #tpu.memory_space<vmem>>, vector<1x8x512xf32>
    %get3A_115 = vector.shape_cast %get3A_114 : vector<1x8x512xf32> to vector<8x512xf32>
    %dot_general3A = arith.constant dense<0.000000e+00> : vector<32x512xf32>
    %dot_general3A_116 = tpu.matmul %add3A_110, %get3A_115, %dot_general3A {dimension_numbers = #tpu.dot_dimension_numbers<[1], [0], [0], [1], [0, 0, 1, 1], [], []>, transpose_lhs_hint = false} : vector<32x8xf32>, vector<8x512xf32>, vector<32x512xf32> -> vector<32x512xf32>
    %div3A_117 = vector.broadcast %add3A_91 : vector<32x1xf32> to vector<32x512xf32>
    %div3A_118 = arith.divf %dot_general3A_116, %div3A_117 : vector<32x512xf32>
    %get3A_119 = arith.constant 0 : index
    %get3A_120 = arith.constant 0 : index
    %get3A_121 = arith.constant 0 : index
    %get3A_122 = vector.load %arg4[%get3A_119, %get3A_120, %get3A_121] : memref<1x32x256xf32, #tpu.memory_space<vmem>>, vector<1x32x256xf32>
    %get3A_123 = vector.shape_cast %get3A_122 : vector<1x32x256xf32> to vector<32x256xf32>
    %concatenate3A = tpu.concatenate %div3A_118, %get3A_123 in 1 : vector<32x512xf32>, vector<32x256xf32> -> vector<32x768xf32>
    %get3A_124 = arith.constant 0 : index
    %get3A_125 = arith.constant 0 : index
    %get3A_126 = vector.load %arg6[%get3A_124, %get3A_125] : memref<768x256xf32, #tpu.memory_space<vmem>>, vector<768x256xf32>
    %dot_general3A_127 = arith.constant dense<0.000000e+00> : vector<32x256xf32>
    %dot_general3A_128 = tpu.matmul %concatenate3A, %get3A_126, %dot_general3A_127 {dimension_numbers = #tpu.dot_dimension_numbers<[1], [0], [0], [1], [0, 0, 1, 1], [], []>, transpose_lhs_hint = false} : vector<32x768xf32>, vector<768x256xf32>, vector<32x256xf32> -> vector<32x256xf32>
    %max3A_129 = arith.constant 0.000000e+00 : f32
    %max3A_130 = vector.broadcast %max3A_129 : f32 to vector<32x256xf32>
    %max3A_131 = arith.maximumf %dot_general3A_128, %max3A_130 : vector<32x256xf32>
    %get3A_132 = arith.constant 0 : index
    %get3A_133 = arith.constant 0 : index
    %get3A_134 = vector.load %arg7[%get3A_132, %get3A_133] : memref<256x256xf32, #tpu.memory_space<vmem>>, vector<256x256xf32>
    %dot_general3A_135 = arith.constant dense<0.000000e+00> : vector<32x256xf32>
    %dot_general3A_136 = tpu.matmul %max3A_131, %get3A_134, %dot_general3A_135 {dimension_numbers = #tpu.dot_dimension_numbers<[1], [0], [0], [1], [0, 0, 1, 1], [], []>, transpose_lhs_hint = false} : vector<32x256xf32>, vector<256x256xf32>, vector<32x256xf32> -> vector<32x256xf32>
    %max3A_137 = arith.constant 0.000000e+00 : f32
    %max3A_138 = vector.broadcast %max3A_137 : f32 to vector<32x256xf32>
    %max3A_139 = arith.maximumf %dot_general3A_136, %max3A_138 : vector<32x256xf32>
    %swap3A = arith.constant 0 : index
    %swap3A_140 = arith.constant 0 : index
    %swap3A_141 = arith.constant 0 : index
    %swap3A_142 = vector.load %arg8[%swap3A, %swap3A_140, %swap3A_141] : memref<1x32x256xf32, #tpu.memory_space<vmem>>, vector<1x32x256xf32>
    %swap3A_143 = vector.shape_cast %swap3A_142 : vector<1x32x256xf32> to vector<32x256xf32>
    %swap3A_144 = vector.shape_cast %max3A_139 : vector<32x256xf32> to vector<1x32x256xf32>
    tpu.vector_store %arg8[%swap3A, %swap3A_140, %swap3A_141], %swap3A_144 {strides = array<i32>} : memref<1x32x256xf32, #tpu.memory_space<vmem>>, vector<1x32x256xf32>,
    return
  }
  func.func @transform_0(%arg0: i32, %arg1: i32) -> (i32, i32, i32) {
    %c0_i32 = arith.constant 0 : i32
    %c0_i32_0 = arith.constant 0 : i32
    return %arg0, %arg1, %c0_i32 : i32, i32, i32
  }
  func.func @transform_1(%arg0: i32, %arg1: i32) -> (i32, i32, i32) {
    %c0_i32 = arith.constant 0 : i32
    %c0_i32_0 = arith.constant 0 : i32
    %c0_i32_1 = arith.constant 0 : i32
    return %arg0, %c0_i32, %c0_i32_0 : i32, i32, i32
  }
  func.func @transform_2(%arg0: i32, %arg1: i32) -> (i32, i32, i32) {
    %c0_i32 = arith.constant 0 : i32
    %c0_i32_0 = arith.constant 0 : i32
    return %arg0, %arg1, %c0_i32 : i32, i32, i32
  }
  func.func @transform_3(%arg0: i32, %arg1: i32) -> (i32, i32, i32) {
    %c0_i32 = arith.constant 0 : i32
    %c0_i32_0 = arith.constant 0 : i32
    %c0_i32_1 = arith.constant 0 : i32
    return %arg0, %c0_i32, %c0_i32_0 : i32, i32, i32
  }
  func.func @transform_4(%arg0: i32, %arg1: i32) -> (i32, i32) {
    %c0_i32 = arith.constant 0 : i32
    %c0_i32_0 = arith.constant 0 : i32
    %c0_i32_1 = arith.constant 0 : i32
    return %c0_i32, %c0_i32_0 : i32, i32
  }
  func.func @transform_5(%arg0: i32, %arg1: i32) -> (i32, i32) {
    %c0_i32 = arith.constant 0 : i32
    %c0_i32_0 = arith.constant 0 : i32
    %c0_i32_1 = arith.constant 0 : i32
    return %c0_i32, %c0_i32_0 : i32, i32
  }
  func.func @transform_6(%arg0: i32, %arg1: i32) -> (i32, i32, i32) {
    %c0_i32 = arith.constant 0 : i32
    %c0_i32_0 = arith.constant 0 : i32
    return %arg0, %arg1, %c0_i32 : i32, i32, i32
  }
}

module attributes {stable_mosaic.version = 14 : i64} {
  func.func @_fp_body(%arg0: i32, %arg1: i32, %arg2: memref<1x128x3xf32, #tpu.memory_space<vmem>>, %arg3: memref<1x3x32xf32, #tpu.memory_space<vmem>>, %arg4: memref<1x128x128xf32, #tpu.memory_space<vmem>>, %arg5: memref<1x32x256xf32, #tpu.memory_space<vmem>>, %arg6: memref<384x256xf32, #tpu.memory_space<vmem>>, %arg7: memref<256x256xf32, #tpu.memory_space<vmem>>, %arg8: memref<1x128x256xf32, #tpu.memory_space<vmem>>) attributes {dimension_semantics = [#tpu.dimension_semantics<arbitrary>, #tpu.dimension_semantics<arbitrary>], iteration_bounds = array<i64: 4, 1>, scalar_prefetch = 0 : i64, scratch_operands = 0 : i64, tpu.core_type = #tpu.core_type<tc>, window_params = [{transform_indices = @transform_0, window_bounds = array<i64: 1, 128, 3>}, {transform_indices = @transform_1, window_bounds = array<i64: 1, 3, 32>}, {transform_indices = @transform_2, window_bounds = array<i64: 1, 128, 128>}, {transform_indices = @transform_3, window_bounds = array<i64: 1, 32, 256>}, {pipeline_mode = #tpu.pipeline_mode<synchronous>, transform_indices = @transform_4, window_bounds = array<i64: 384, 256>}, {pipeline_mode = #tpu.pipeline_mode<synchronous>, transform_indices = @transform_5, window_bounds = array<i64: 256, 256>}, {transform_indices = @transform_6, window_bounds = array<i64: 1, 128, 256>}]} {
    %get3A = arith.constant 0 : index
    %get3A_0 = arith.constant 0 : index
    %get3A_1 = arith.constant 0 : index
    %get3A_2 = vector.load %arg2[%get3A, %get3A_0, %get3A_1] : memref<1x128x3xf32, #tpu.memory_space<vmem>>, vector<1x128x3xf32>
    %get3A_3 = vector.shape_cast %get3A_2 : vector<1x128x3xf32> to vector<128x3xf32>
    %get3A_4 = arith.constant 0 : index
    %get3A_5 = arith.constant 0 : index
    %get3A_6 = arith.constant 0 : index
    %get3A_7 = vector.load %arg3[%get3A_4, %get3A_5, %get3A_6] : memref<1x3x32xf32, #tpu.memory_space<vmem>>, vector<1x3x32xf32>
    %get3A_8 = vector.shape_cast %get3A_7 : vector<1x3x32xf32> to vector<3x32xf32>
    %slice3A = vector.extract_strided_slice %get3A_3 {offsets = [0, 0], sizes = [128, 1], strides = [1, 1]} : vector<128x3xf32> to vector<128x1xf32>
    %slice3A_9 = vector.extract_strided_slice %get3A_8 {offsets = [0, 0], sizes = [1, 32], strides = [1, 1]} : vector<3x32xf32> to vector<1x32xf32>
    %sub3A = vector.broadcast %slice3A : vector<128x1xf32> to vector<128x32xf32>
    %sub3A_10 = vector.broadcast %slice3A_9 : vector<1x32xf32> to vector<128x32xf32>
    %sub3A_11 = arith.subf %sub3A, %sub3A_10 : vector<128x32xf32>
    %mul3A = arith.mulf %sub3A_11, %sub3A_11 : vector<128x32xf32>
    %slice3A_12 = vector.extract_strided_slice %get3A_3 {offsets = [0, 1], sizes = [128, 1], strides = [1, 1]} : vector<128x3xf32> to vector<128x1xf32>
    %slice3A_13 = vector.extract_strided_slice %get3A_8 {offsets = [1, 0], sizes = [1, 32], strides = [1, 1]} : vector<3x32xf32> to vector<1x32xf32>
    %sub3A_14 = vector.broadcast %slice3A_12 : vector<128x1xf32> to vector<128x32xf32>
    %sub3A_15 = vector.broadcast %slice3A_13 : vector<1x32xf32> to vector<128x32xf32>
    %sub3A_16 = arith.subf %sub3A_14, %sub3A_15 : vector<128x32xf32>
    %mul3A_17 = arith.mulf %sub3A_16, %sub3A_16 : vector<128x32xf32>
    %add3A = arith.addf %mul3A, %mul3A_17 : vector<128x32xf32>
    %slice3A_18 = vector.extract_strided_slice %get3A_3 {offsets = [0, 2], sizes = [128, 1], strides = [1, 1]} : vector<128x3xf32> to vector<128x1xf32>
    %slice3A_19 = vector.extract_strided_slice %get3A_8 {offsets = [2, 0], sizes = [1, 32], strides = [1, 1]} : vector<3x32xf32> to vector<1x32xf32>
    %sub3A_20 = vector.broadcast %slice3A_18 : vector<128x1xf32> to vector<128x32xf32>
    %sub3A_21 = vector.broadcast %slice3A_19 : vector<1x32xf32> to vector<128x32xf32>
    %sub3A_22 = arith.subf %sub3A_20, %sub3A_21 : vector<128x32xf32>
    %mul3A_23 = arith.mulf %sub3A_22, %sub3A_22 : vector<128x32xf32>
    %add3A_24 = arith.addf %add3A, %mul3A_23 : vector<128x32xf32>
    %max3A = arith.constant 9.99999996E-13 : f32
    %max3A_25 = vector.broadcast %max3A : f32 to vector<128x32xf32>
    %max3A_26 = arith.maximumf %add3A_24, %max3A_25 : vector<128x32xf32>
    %sqrt3A = math.sqrt %max3A_26 : vector<128x32xf32>
    %iota3A = tpu.iota {dimensions = array<i32: 1>} : vector<128x32xi32>
    %reduce_min3A = arith.constant dense<0x7F800000> : vector<128xf32>
    %reduce_min3A_27 = vector.multi_reduction <minimumf>, %sqrt3A, %reduce_min3A [1] : vector<128x32xf32> to vector<128xf32>
    %broadcast_in_dim3A = vector.shape_cast %reduce_min3A_27 : vector<128xf32> to vector<128x1xf32>
    %eq3A = vector.broadcast %broadcast_in_dim3A : vector<128x1xf32> to vector<128x32xf32>
    %eq3A_28 = arith.cmpf oeq, %sqrt3A, %eq3A : vector<128x32xf32>
    %jit3A = arith.constant 32 : i32
    %broadcast_in_dim3A_29 = vector.broadcast %jit3A : i32 to vector<128x32xi32>
    %select_n3A = arith.select %eq3A_28, %iota3A, %broadcast_in_dim3A_29 : vector<128x32xi1>, vector<128x32xi32>
    %reduce_min3A_30 = arith.constant dense<2147483647> : vector<128xi32>
    %reduce_min3A_31 = vector.multi_reduction <minsi>, %select_n3A, %reduce_min3A_30 [1] : vector<128x32xi32> to vector<128xi32>
    %broadcast_in_dim3A_32 = vector.shape_cast %reduce_min3A_31 : vector<128xi32> to vector<128x1xi32>
    %max3A_33 = arith.constant 1.000000e-10 : f32
    %max3A_34 = vector.broadcast %max3A_33 : f32 to vector<128x1xf32>
    %max3A_35 = arith.maximumf %broadcast_in_dim3A, %max3A_34 : vector<128x1xf32>
    %div3A = arith.constant 1.000000e+00 : f32
    %div3A_36 = vector.broadcast %div3A : f32 to vector<128x1xf32>
    %div3A_37 = arith.divf %div3A_36, %max3A_35 : vector<128x1xf32>
    %eq3A_38 = vector.broadcast %broadcast_in_dim3A_32 : vector<128x1xi32> to vector<128x32xi32>
    %eq3A_39 = arith.cmpi eq, %iota3A, %eq3A_38 : vector<128x32xi32>
    %jit3A_40 = arith.constant 1.000000e+30 : f32
    %broadcast_in_dim3A_41 = vector.broadcast %jit3A_40 : f32 to vector<128x32xf32>
    %select_n3A_42 = arith.select %eq3A_39, %broadcast_in_dim3A_41, %sqrt3A : vector<128x32xi1>, vector<128x32xf32>
    %reduce_min3A_43 = arith.constant dense<0x7F800000> : vector<128xf32>
    %reduce_min3A_44 = vector.multi_reduction <minimumf>, %select_n3A_42, %reduce_min3A_43 [1] : vector<128x32xf32> to vector<128xf32>
    %broadcast_in_dim3A_45 = vector.shape_cast %reduce_min3A_44 : vector<128xf32> to vector<128x1xf32>
    %eq3A_46 = vector.broadcast %broadcast_in_dim3A_45 : vector<128x1xf32> to vector<128x32xf32>
    %eq3A_47 = arith.cmpf oeq, %select_n3A_42, %eq3A_46 : vector<128x32xf32>
    %jit3A_48 = arith.constant 32 : i32
    %broadcast_in_dim3A_49 = vector.broadcast %jit3A_48 : i32 to vector<128x32xi32>
    %select_n3A_50 = arith.select %eq3A_47, %iota3A, %broadcast_in_dim3A_49 : vector<128x32xi1>, vector<128x32xi32>
    %reduce_min3A_51 = arith.constant dense<2147483647> : vector<128xi32>
    %reduce_min3A_52 = vector.multi_reduction <minsi>, %select_n3A_50, %reduce_min3A_51 [1] : vector<128x32xi32> to vector<128xi32>
    %broadcast_in_dim3A_53 = vector.shape_cast %reduce_min3A_52 : vector<128xi32> to vector<128x1xi32>
    %max3A_54 = arith.constant 1.000000e-10 : f32
    %max3A_55 = vector.broadcast %max3A_54 : f32 to vector<128x1xf32>
    %max3A_56 = arith.maximumf %broadcast_in_dim3A_45, %max3A_55 : vector<128x1xf32>
    %div3A_57 = arith.constant 1.000000e+00 : f32
    %div3A_58 = vector.broadcast %div3A_57 : f32 to vector<128x1xf32>
    %div3A_59 = arith.divf %div3A_58, %max3A_56 : vector<128x1xf32>
    %eq3A_60 = vector.broadcast %broadcast_in_dim3A_53 : vector<128x1xi32> to vector<128x32xi32>
    %eq3A_61 = arith.cmpi eq, %iota3A, %eq3A_60 : vector<128x32xi32>
    %jit3A_62 = arith.constant 1.000000e+30 : f32
    %broadcast_in_dim3A_63 = vector.broadcast %jit3A_62 : f32 to vector<128x32xf32>
    %select_n3A_64 = arith.select %eq3A_61, %broadcast_in_dim3A_63, %select_n3A_42 : vector<128x32xi1>, vector<128x32xf32>
    %reduce_min3A_65 = arith.constant dense<0x7F800000> : vector<128xf32>
    %reduce_min3A_66 = vector.multi_reduction <minimumf>, %select_n3A_64, %reduce_min3A_65 [1] : vector<128x32xf32> to vector<128xf32>
    %broadcast_in_dim3A_67 = vector.shape_cast %reduce_min3A_66 : vector<128xf32> to vector<128x1xf32>
    %eq3A_68 = vector.broadcast %broadcast_in_dim3A_67 : vector<128x1xf32> to vector<128x32xf32>
    %eq3A_69 = arith.cmpf oeq, %select_n3A_64, %eq3A_68 : vector<128x32xf32>
    %jit3A_70 = arith.constant 32 : i32
    %broadcast_in_dim3A_71 = vector.broadcast %jit3A_70 : i32 to vector<128x32xi32>
    %select_n3A_72 = arith.select %eq3A_69, %iota3A, %broadcast_in_dim3A_71 : vector<128x32xi1>, vector<128x32xi32>
    %reduce_min3A_73 = arith.constant dense<2147483647> : vector<128xi32>
    %reduce_min3A_74 = vector.multi_reduction <minsi>, %select_n3A_72, %reduce_min3A_73 [1] : vector<128x32xi32> to vector<128xi32>
    %broadcast_in_dim3A_75 = vector.shape_cast %reduce_min3A_74 : vector<128xi32> to vector<128x1xi32>
    %max3A_76 = arith.constant 1.000000e-10 : f32
    %max3A_77 = vector.broadcast %max3A_76 : f32 to vector<128x1xf32>
    %max3A_78 = arith.maximumf %broadcast_in_dim3A_67, %max3A_77 : vector<128x1xf32>
    %div3A_79 = arith.constant 1.000000e+00 : f32
    %div3A_80 = vector.broadcast %div3A_79 : f32 to vector<128x1xf32>
    %div3A_81 = arith.divf %div3A_80, %max3A_78 : vector<128x1xf32>
    %add3A_82 = arith.addf %div3A_37, %div3A_59 : vector<128x1xf32>
    %add3A_83 = arith.addf %add3A_82, %div3A_81 : vector<128x1xf32>
    %div3A_84 = arith.divf %div3A_37, %add3A_83 : vector<128x1xf32>
    %div3A_85 = arith.divf %div3A_59, %add3A_83 : vector<128x1xf32>
    %div3A_86 = arith.divf %div3A_81, %add3A_83 : vector<128x1xf32>
    %add3A_87 = arith.addf %div3A_84, %div3A_85 : vector<128x1xf32>
    %add3A_88 = arith.addf %add3A_87, %div3A_86 : vector<128x1xf32>
    %add3A_89 = arith.constant 9.99999997E-7 : f32
    %add3A_90 = vector.broadcast %add3A_89 : f32 to vector<128x1xf32>
    %add3A_91 = arith.addf %add3A_88, %add3A_90 : vector<128x1xf32>
    %eq3A_92 = vector.broadcast %broadcast_in_dim3A_32 : vector<128x1xi32> to vector<128x32xi32>
    %eq3A_93 = arith.cmpi eq, %iota3A, %eq3A_92 : vector<128x32xi32>
    %convert_element_type3A = arith.extui %eq3A_93 : vector<128x32xi1> to vector<128x32xi32>
    %convert_element_type3A_94 = arith.sitofp %convert_element_type3A : vector<128x32xi32> to vector<128x32xf32>
    %mul3A_95 = vector.broadcast %div3A_84 : vector<128x1xf32> to vector<128x32xf32>
    %mul3A_96 = arith.mulf %mul3A_95, %convert_element_type3A_94 : vector<128x32xf32>
    %eq3A_97 = vector.broadcast %broadcast_in_dim3A_53 : vector<128x1xi32> to vector<128x32xi32>
    %eq3A_98 = arith.cmpi eq, %iota3A, %eq3A_97 : vector<128x32xi32>
    %convert_element_type3A_99 = arith.extui %eq3A_98 : vector<128x32xi1> to vector<128x32xi32>
    %convert_element_type3A_100 = arith.sitofp %convert_element_type3A_99 : vector<128x32xi32> to vector<128x32xf32>
    %mul3A_101 = vector.broadcast %div3A_85 : vector<128x1xf32> to vector<128x32xf32>
    %mul3A_102 = arith.mulf %mul3A_101, %convert_element_type3A_100 : vector<128x32xf32>
    %add3A_103 = arith.addf %mul3A_96, %mul3A_102 : vector<128x32xf32>
    %eq3A_104 = vector.broadcast %broadcast_in_dim3A_75 : vector<128x1xi32> to vector<128x32xi32>
    %eq3A_105 = arith.cmpi eq, %iota3A, %eq3A_104 : vector<128x32xi32>
    %convert_element_type3A_106 = arith.extui %eq3A_105 : vector<128x32xi1> to vector<128x32xi32>
    %convert_element_type3A_107 = arith.sitofp %convert_element_type3A_106 : vector<128x32xi32> to vector<128x32xf32>
    %mul3A_108 = vector.broadcast %div3A_86 : vector<128x1xf32> to vector<128x32xf32>
    %mul3A_109 = arith.mulf %mul3A_108, %convert_element_type3A_107 : vector<128x32xf32>
    %add3A_110 = arith.addf %add3A_103, %mul3A_109 : vector<128x32xf32>
    %get3A_111 = arith.constant 0 : index
    %get3A_112 = arith.constant 0 : index
    %get3A_113 = arith.constant 0 : index
    %get3A_114 = vector.load %arg5[%get3A_111, %get3A_112, %get3A_113] : memref<1x32x256xf32, #tpu.memory_space<vmem>>, vector<1x32x256xf32>
    %get3A_115 = vector.shape_cast %get3A_114 : vector<1x32x256xf32> to vector<32x256xf32>
    %dot_general3A = arith.constant dense<0.000000e+00> : vector<128x256xf32>
    %dot_general3A_116 = tpu.matmul %add3A_110, %get3A_115, %dot_general3A {dimension_numbers = #tpu.dot_dimension_numbers<[1], [0], [0], [1], [0, 0, 1, 1], [], []>, transpose_lhs_hint = false} : vector<128x32xf32>, vector<32x256xf32>, vector<128x256xf32> -> vector<128x256xf32>
    %div3A_117 = vector.broadcast %add3A_91 : vector<128x1xf32> to vector<128x256xf32>
    %div3A_118 = arith.divf %dot_general3A_116, %div3A_117 : vector<128x256xf32>
    %get3A_119 = arith.constant 0 : index
    %get3A_120 = arith.constant 0 : index
    %get3A_121 = arith.constant 0 : index
    %get3A_122 = vector.load %arg4[%get3A_119, %get3A_120, %get3A_121] : memref<1x128x128xf32, #tpu.memory_space<vmem>>, vector<1x128x128xf32>
    %get3A_123 = vector.shape_cast %get3A_122 : vector<1x128x128xf32> to vector<128x128xf32>
    %concatenate3A = tpu.concatenate %div3A_118, %get3A_123 in 1 : vector<128x256xf32>, vector<128x128xf32> -> vector<128x384xf32>
    %get3A_124 = arith.constant 0 : index
    %get3A_125 = arith.constant 0 : index
    %get3A_126 = vector.load %arg6[%get3A_124, %get3A_125] : memref<384x256xf32, #tpu.memory_space<vmem>>, vector<384x256xf32>
    %dot_general3A_127 = arith.constant dense<0.000000e+00> : vector<128x256xf32>
    %dot_general3A_128 = tpu.matmul %concatenate3A, %get3A_126, %dot_general3A_127 {dimension_numbers = #tpu.dot_dimension_numbers<[1], [0], [0], [1], [0, 0, 1, 1], [], []>, transpose_lhs_hint = false} : vector<128x384xf32>, vector<384x256xf32>, vector<128x256xf32> -> vector<128x256xf32>
    %max3A_129 = arith.constant 0.000000e+00 : f32
    %max3A_130 = vector.broadcast %max3A_129 : f32 to vector<128x256xf32>
    %max3A_131 = arith.maximumf %dot_general3A_128, %max3A_130 : vector<128x256xf32>
    %get3A_132 = arith.constant 0 : index
    %get3A_133 = arith.constant 0 : index
    %get3A_134 = vector.load %arg7[%get3A_132, %get3A_133] : memref<256x256xf32, #tpu.memory_space<vmem>>, vector<256x256xf32>
    %dot_general3A_135 = arith.constant dense<0.000000e+00> : vector<128x256xf32>
    %dot_general3A_136 = tpu.matmul %max3A_131, %get3A_134, %dot_general3A_135 {dimension_numbers = #tpu.dot_dimension_numbers<[1], [0], [0], [1], [0, 0, 1, 1], [], []>, transpose_lhs_hint = false} : vector<128x256xf32>, vector<256x256xf32>, vector<128x256xf32> -> vector<128x256xf32>
    %max3A_137 = arith.constant 0.000000e+00 : f32
    %max3A_138 = vector.broadcast %max3A_137 : f32 to vector<128x256xf32>
    %max3A_139 = arith.maximumf %dot_general3A_136, %max3A_138 : vector<128x256xf32>
    %swap3A = arith.constant 0 : index
    %swap3A_140 = arith.constant 0 : index
    %swap3A_141 = arith.constant 0 : index
    %swap3A_142 = vector.load %arg8[%swap3A, %swap3A_140, %swap3A_141] : memref<1x128x256xf32, #tpu.memory_space<vmem>>, vector<1x128x256xf32>
    %swap3A_143 = vector.shape_cast %swap3A_142 : vector<1x128x256xf32> to vector<128x256xf32>
    %swap3A_144 = vector.shape_cast %max3A_139 : vector<128x256xf32> to vector<1x128x256xf32>
    tpu.vector_store %arg8[%swap3A, %swap3A_140, %swap3A_141], %swap3A_144 {strides = array<i32>} : memref<1x128x256xf32, #tpu.memory_space<vmem>>, vector<1x128x256xf32>,
    return
  }
  func.func @transform_0(%arg0: i32, %arg1: i32) -> (i32, i32, i32) {
    %c0_i32 = arith.constant 0 : i32
    %c0_i32_0 = arith.constant 0 : i32
    return %arg0, %arg1, %c0_i32 : i32, i32, i32
  }
  func.func @transform_1(%arg0: i32, %arg1: i32) -> (i32, i32, i32) {
    %c0_i32 = arith.constant 0 : i32
    %c0_i32_0 = arith.constant 0 : i32
    %c0_i32_1 = arith.constant 0 : i32
    return %arg0, %c0_i32, %c0_i32_0 : i32, i32, i32
  }
  func.func @transform_2(%arg0: i32, %arg1: i32) -> (i32, i32, i32) {
    %c0_i32 = arith.constant 0 : i32
    %c0_i32_0 = arith.constant 0 : i32
    return %arg0, %arg1, %c0_i32 : i32, i32, i32
  }
  func.func @transform_3(%arg0: i32, %arg1: i32) -> (i32, i32, i32) {
    %c0_i32 = arith.constant 0 : i32
    %c0_i32_0 = arith.constant 0 : i32
    %c0_i32_1 = arith.constant 0 : i32
    return %arg0, %c0_i32, %c0_i32_0 : i32, i32, i32
  }
  func.func @transform_4(%arg0: i32, %arg1: i32) -> (i32, i32) {
    %c0_i32 = arith.constant 0 : i32
    %c0_i32_0 = arith.constant 0 : i32
    %c0_i32_1 = arith.constant 0 : i32
    return %c0_i32, %c0_i32_0 : i32, i32
  }
  func.func @transform_5(%arg0: i32, %arg1: i32) -> (i32, i32) {
    %c0_i32 = arith.constant 0 : i32
    %c0_i32_0 = arith.constant 0 : i32
    %c0_i32_1 = arith.constant 0 : i32
    return %c0_i32, %c0_i32_0 : i32, i32
  }
  func.func @transform_6(%arg0: i32, %arg1: i32) -> (i32, i32, i32) {
    %c0_i32 = arith.constant 0 : i32
    %c0_i32_0 = arith.constant 0 : i32
    return %arg0, %arg1, %c0_i32 : i32, i32, i32
  }
}

module attributes {stable_mosaic.version = 14 : i64} {
  func.func @_fp_body(%arg0: i32, %arg1: i32, %arg2: memref<1x512x3xf32, #tpu.memory_space<vmem>>, %arg3: memref<1x3x128xf32, #tpu.memory_space<vmem>>, %arg4: memref<1x512x64xf32, #tpu.memory_space<vmem>>, %arg5: memref<1x128x256xf32, #tpu.memory_space<vmem>>, %arg6: memref<320x256xf32, #tpu.memory_space<vmem>>, %arg7: memref<256x128xf32, #tpu.memory_space<vmem>>, %arg8: memref<1x512x128xf32, #tpu.memory_space<vmem>>) attributes {dimension_semantics = [#tpu.dimension_semantics<arbitrary>, #tpu.dimension_semantics<arbitrary>], iteration_bounds = array<i64: 4, 1>, scalar_prefetch = 0 : i64, scratch_operands = 0 : i64, tpu.core_type = #tpu.core_type<tc>, window_params = [{transform_indices = @transform_0, window_bounds = array<i64: 1, 512, 3>}, {transform_indices = @transform_1, window_bounds = array<i64: 1, 3, 128>}, {transform_indices = @transform_2, window_bounds = array<i64: 1, 512, 64>}, {transform_indices = @transform_3, window_bounds = array<i64: 1, 128, 256>}, {pipeline_mode = #tpu.pipeline_mode<synchronous>, transform_indices = @transform_4, window_bounds = array<i64: 320, 256>}, {pipeline_mode = #tpu.pipeline_mode<synchronous>, transform_indices = @transform_5, window_bounds = array<i64: 256, 128>}, {transform_indices = @transform_6, window_bounds = array<i64: 1, 512, 128>}]} {
    %get3A = arith.constant 0 : index
    %get3A_0 = arith.constant 0 : index
    %get3A_1 = arith.constant 0 : index
    %get3A_2 = vector.load %arg2[%get3A, %get3A_0, %get3A_1] : memref<1x512x3xf32, #tpu.memory_space<vmem>>, vector<1x512x3xf32>
    %get3A_3 = vector.shape_cast %get3A_2 : vector<1x512x3xf32> to vector<512x3xf32>
    %get3A_4 = arith.constant 0 : index
    %get3A_5 = arith.constant 0 : index
    %get3A_6 = arith.constant 0 : index
    %get3A_7 = vector.load %arg3[%get3A_4, %get3A_5, %get3A_6] : memref<1x3x128xf32, #tpu.memory_space<vmem>>, vector<1x3x128xf32>
    %get3A_8 = vector.shape_cast %get3A_7 : vector<1x3x128xf32> to vector<3x128xf32>
    %slice3A = vector.extract_strided_slice %get3A_3 {offsets = [0, 0], sizes = [512, 1], strides = [1, 1]} : vector<512x3xf32> to vector<512x1xf32>
    %slice3A_9 = vector.extract_strided_slice %get3A_8 {offsets = [0, 0], sizes = [1, 128], strides = [1, 1]} : vector<3x128xf32> to vector<1x128xf32>
    %sub3A = vector.broadcast %slice3A : vector<512x1xf32> to vector<512x128xf32>
    %sub3A_10 = vector.broadcast %slice3A_9 : vector<1x128xf32> to vector<512x128xf32>
    %sub3A_11 = arith.subf %sub3A, %sub3A_10 : vector<512x128xf32>
    %mul3A = arith.mulf %sub3A_11, %sub3A_11 : vector<512x128xf32>
    %slice3A_12 = vector.extract_strided_slice %get3A_3 {offsets = [0, 1], sizes = [512, 1], strides = [1, 1]} : vector<512x3xf32> to vector<512x1xf32>
    %slice3A_13 = vector.extract_strided_slice %get3A_8 {offsets = [1, 0], sizes = [1, 128], strides = [1, 1]} : vector<3x128xf32> to vector<1x128xf32>
    %sub3A_14 = vector.broadcast %slice3A_12 : vector<512x1xf32> to vector<512x128xf32>
    %sub3A_15 = vector.broadcast %slice3A_13 : vector<1x128xf32> to vector<512x128xf32>
    %sub3A_16 = arith.subf %sub3A_14, %sub3A_15 : vector<512x128xf32>
    %mul3A_17 = arith.mulf %sub3A_16, %sub3A_16 : vector<512x128xf32>
    %add3A = arith.addf %mul3A, %mul3A_17 : vector<512x128xf32>
    %slice3A_18 = vector.extract_strided_slice %get3A_3 {offsets = [0, 2], sizes = [512, 1], strides = [1, 1]} : vector<512x3xf32> to vector<512x1xf32>
    %slice3A_19 = vector.extract_strided_slice %get3A_8 {offsets = [2, 0], sizes = [1, 128], strides = [1, 1]} : vector<3x128xf32> to vector<1x128xf32>
    %sub3A_20 = vector.broadcast %slice3A_18 : vector<512x1xf32> to vector<512x128xf32>
    %sub3A_21 = vector.broadcast %slice3A_19 : vector<1x128xf32> to vector<512x128xf32>
    %sub3A_22 = arith.subf %sub3A_20, %sub3A_21 : vector<512x128xf32>
    %mul3A_23 = arith.mulf %sub3A_22, %sub3A_22 : vector<512x128xf32>
    %add3A_24 = arith.addf %add3A, %mul3A_23 : vector<512x128xf32>
    %max3A = arith.constant 9.99999996E-13 : f32
    %max3A_25 = vector.broadcast %max3A : f32 to vector<512x128xf32>
    %max3A_26 = arith.maximumf %add3A_24, %max3A_25 : vector<512x128xf32>
    %sqrt3A = math.sqrt %max3A_26 : vector<512x128xf32>
    %iota3A = tpu.iota {dimensions = array<i32: 1>} : vector<512x128xi32>
    %reduce_min3A = arith.constant dense<0x7F800000> : vector<512xf32>
    %reduce_min3A_27 = vector.multi_reduction <minimumf>, %sqrt3A, %reduce_min3A [1] : vector<512x128xf32> to vector<512xf32>
    %broadcast_in_dim3A = vector.shape_cast %reduce_min3A_27 : vector<512xf32> to vector<512x1xf32>
    %eq3A = vector.broadcast %broadcast_in_dim3A : vector<512x1xf32> to vector<512x128xf32>
    %eq3A_28 = arith.cmpf oeq, %sqrt3A, %eq3A : vector<512x128xf32>
    %jit3A = arith.constant 128 : i32
    %broadcast_in_dim3A_29 = vector.broadcast %jit3A : i32 to vector<512x128xi32>
    %select_n3A = arith.select %eq3A_28, %iota3A, %broadcast_in_dim3A_29 : vector<512x128xi1>, vector<512x128xi32>
    %reduce_min3A_30 = arith.constant dense<2147483647> : vector<512xi32>
    %reduce_min3A_31 = vector.multi_reduction <minsi>, %select_n3A, %reduce_min3A_30 [1] : vector<512x128xi32> to vector<512xi32>
    %broadcast_in_dim3A_32 = vector.shape_cast %reduce_min3A_31 : vector<512xi32> to vector<512x1xi32>
    %max3A_33 = arith.constant 1.000000e-10 : f32
    %max3A_34 = vector.broadcast %max3A_33 : f32 to vector<512x1xf32>
    %max3A_35 = arith.maximumf %broadcast_in_dim3A, %max3A_34 : vector<512x1xf32>
    %div3A = arith.constant 1.000000e+00 : f32
    %div3A_36 = vector.broadcast %div3A : f32 to vector<512x1xf32>
    %div3A_37 = arith.divf %div3A_36, %max3A_35 : vector<512x1xf32>
    %eq3A_38 = vector.broadcast %broadcast_in_dim3A_32 : vector<512x1xi32> to vector<512x128xi32>
    %eq3A_39 = arith.cmpi eq, %iota3A, %eq3A_38 : vector<512x128xi32>
    %jit3A_40 = arith.constant 1.000000e+30 : f32
    %broadcast_in_dim3A_41 = vector.broadcast %jit3A_40 : f32 to vector<512x128xf32>
    %select_n3A_42 = arith.select %eq3A_39, %broadcast_in_dim3A_41, %sqrt3A : vector<512x128xi1>, vector<512x128xf32>
    %reduce_min3A_43 = arith.constant dense<0x7F800000> : vector<512xf32>
    %reduce_min3A_44 = vector.multi_reduction <minimumf>, %select_n3A_42, %reduce_min3A_43 [1] : vector<512x128xf32> to vector<512xf32>
    %broadcast_in_dim3A_45 = vector.shape_cast %reduce_min3A_44 : vector<512xf32> to vector<512x1xf32>
    %eq3A_46 = vector.broadcast %broadcast_in_dim3A_45 : vector<512x1xf32> to vector<512x128xf32>
    %eq3A_47 = arith.cmpf oeq, %select_n3A_42, %eq3A_46 : vector<512x128xf32>
    %jit3A_48 = arith.constant 128 : i32
    %broadcast_in_dim3A_49 = vector.broadcast %jit3A_48 : i32 to vector<512x128xi32>
    %select_n3A_50 = arith.select %eq3A_47, %iota3A, %broadcast_in_dim3A_49 : vector<512x128xi1>, vector<512x128xi32>
    %reduce_min3A_51 = arith.constant dense<2147483647> : vector<512xi32>
    %reduce_min3A_52 = vector.multi_reduction <minsi>, %select_n3A_50, %reduce_min3A_51 [1] : vector<512x128xi32> to vector<512xi32>
    %broadcast_in_dim3A_53 = vector.shape_cast %reduce_min3A_52 : vector<512xi32> to vector<512x1xi32>
    %max3A_54 = arith.constant 1.000000e-10 : f32
    %max3A_55 = vector.broadcast %max3A_54 : f32 to vector<512x1xf32>
    %max3A_56 = arith.maximumf %broadcast_in_dim3A_45, %max3A_55 : vector<512x1xf32>
    %div3A_57 = arith.constant 1.000000e+00 : f32
    %div3A_58 = vector.broadcast %div3A_57 : f32 to vector<512x1xf32>
    %div3A_59 = arith.divf %div3A_58, %max3A_56 : vector<512x1xf32>
    %eq3A_60 = vector.broadcast %broadcast_in_dim3A_53 : vector<512x1xi32> to vector<512x128xi32>
    %eq3A_61 = arith.cmpi eq, %iota3A, %eq3A_60 : vector<512x128xi32>
    %jit3A_62 = arith.constant 1.000000e+30 : f32
    %broadcast_in_dim3A_63 = vector.broadcast %jit3A_62 : f32 to vector<512x128xf32>
    %select_n3A_64 = arith.select %eq3A_61, %broadcast_in_dim3A_63, %select_n3A_42 : vector<512x128xi1>, vector<512x128xf32>
    %reduce_min3A_65 = arith.constant dense<0x7F800000> : vector<512xf32>
    %reduce_min3A_66 = vector.multi_reduction <minimumf>, %select_n3A_64, %reduce_min3A_65 [1] : vector<512x128xf32> to vector<512xf32>
    %broadcast_in_dim3A_67 = vector.shape_cast %reduce_min3A_66 : vector<512xf32> to vector<512x1xf32>
    %eq3A_68 = vector.broadcast %broadcast_in_dim3A_67 : vector<512x1xf32> to vector<512x128xf32>
    %eq3A_69 = arith.cmpf oeq, %select_n3A_64, %eq3A_68 : vector<512x128xf32>
    %jit3A_70 = arith.constant 128 : i32
    %broadcast_in_dim3A_71 = vector.broadcast %jit3A_70 : i32 to vector<512x128xi32>
    %select_n3A_72 = arith.select %eq3A_69, %iota3A, %broadcast_in_dim3A_71 : vector<512x128xi1>, vector<512x128xi32>
    %reduce_min3A_73 = arith.constant dense<2147483647> : vector<512xi32>
    %reduce_min3A_74 = vector.multi_reduction <minsi>, %select_n3A_72, %reduce_min3A_73 [1] : vector<512x128xi32> to vector<512xi32>
    %broadcast_in_dim3A_75 = vector.shape_cast %reduce_min3A_74 : vector<512xi32> to vector<512x1xi32>
    %max3A_76 = arith.constant 1.000000e-10 : f32
    %max3A_77 = vector.broadcast %max3A_76 : f32 to vector<512x1xf32>
    %max3A_78 = arith.maximumf %broadcast_in_dim3A_67, %max3A_77 : vector<512x1xf32>
    %div3A_79 = arith.constant 1.000000e+00 : f32
    %div3A_80 = vector.broadcast %div3A_79 : f32 to vector<512x1xf32>
    %div3A_81 = arith.divf %div3A_80, %max3A_78 : vector<512x1xf32>
    %add3A_82 = arith.addf %div3A_37, %div3A_59 : vector<512x1xf32>
    %add3A_83 = arith.addf %add3A_82, %div3A_81 : vector<512x1xf32>
    %div3A_84 = arith.divf %div3A_37, %add3A_83 : vector<512x1xf32>
    %div3A_85 = arith.divf %div3A_59, %add3A_83 : vector<512x1xf32>
    %div3A_86 = arith.divf %div3A_81, %add3A_83 : vector<512x1xf32>
    %add3A_87 = arith.addf %div3A_84, %div3A_85 : vector<512x1xf32>
    %add3A_88 = arith.addf %add3A_87, %div3A_86 : vector<512x1xf32>
    %add3A_89 = arith.constant 9.99999997E-7 : f32
    %add3A_90 = vector.broadcast %add3A_89 : f32 to vector<512x1xf32>
    %add3A_91 = arith.addf %add3A_88, %add3A_90 : vector<512x1xf32>
    %eq3A_92 = vector.broadcast %broadcast_in_dim3A_32 : vector<512x1xi32> to vector<512x128xi32>
    %eq3A_93 = arith.cmpi eq, %iota3A, %eq3A_92 : vector<512x128xi32>
    %convert_element_type3A = arith.extui %eq3A_93 : vector<512x128xi1> to vector<512x128xi32>
    %convert_element_type3A_94 = arith.sitofp %convert_element_type3A : vector<512x128xi32> to vector<512x128xf32>
    %mul3A_95 = vector.broadcast %div3A_84 : vector<512x1xf32> to vector<512x128xf32>
    %mul3A_96 = arith.mulf %mul3A_95, %convert_element_type3A_94 : vector<512x128xf32>
    %eq3A_97 = vector.broadcast %broadcast_in_dim3A_53 : vector<512x1xi32> to vector<512x128xi32>
    %eq3A_98 = arith.cmpi eq, %iota3A, %eq3A_97 : vector<512x128xi32>
    %convert_element_type3A_99 = arith.extui %eq3A_98 : vector<512x128xi1> to vector<512x128xi32>
    %convert_element_type3A_100 = arith.sitofp %convert_element_type3A_99 : vector<512x128xi32> to vector<512x128xf32>
    %mul3A_101 = vector.broadcast %div3A_85 : vector<512x1xf32> to vector<512x128xf32>
    %mul3A_102 = arith.mulf %mul3A_101, %convert_element_type3A_100 : vector<512x128xf32>
    %add3A_103 = arith.addf %mul3A_96, %mul3A_102 : vector<512x128xf32>
    %eq3A_104 = vector.broadcast %broadcast_in_dim3A_75 : vector<512x1xi32> to vector<512x128xi32>
    %eq3A_105 = arith.cmpi eq, %iota3A, %eq3A_104 : vector<512x128xi32>
    %convert_element_type3A_106 = arith.extui %eq3A_105 : vector<512x128xi1> to vector<512x128xi32>
    %convert_element_type3A_107 = arith.sitofp %convert_element_type3A_106 : vector<512x128xi32> to vector<512x128xf32>
    %mul3A_108 = vector.broadcast %div3A_86 : vector<512x1xf32> to vector<512x128xf32>
    %mul3A_109 = arith.mulf %mul3A_108, %convert_element_type3A_107 : vector<512x128xf32>
    %add3A_110 = arith.addf %add3A_103, %mul3A_109 : vector<512x128xf32>
    %get3A_111 = arith.constant 0 : index
    %get3A_112 = arith.constant 0 : index
    %get3A_113 = arith.constant 0 : index
    %get3A_114 = vector.load %arg5[%get3A_111, %get3A_112, %get3A_113] : memref<1x128x256xf32, #tpu.memory_space<vmem>>, vector<1x128x256xf32>
    %get3A_115 = vector.shape_cast %get3A_114 : vector<1x128x256xf32> to vector<128x256xf32>
    %dot_general3A = arith.constant dense<0.000000e+00> : vector<512x256xf32>
    %dot_general3A_116 = tpu.matmul %add3A_110, %get3A_115, %dot_general3A {dimension_numbers = #tpu.dot_dimension_numbers<[1], [0], [0], [1], [0, 0, 1, 1], [], []>, transpose_lhs_hint = false} : vector<512x128xf32>, vector<128x256xf32>, vector<512x256xf32> -> vector<512x256xf32>
    %div3A_117 = vector.broadcast %add3A_91 : vector<512x1xf32> to vector<512x256xf32>
    %div3A_118 = arith.divf %dot_general3A_116, %div3A_117 : vector<512x256xf32>
    %get3A_119 = arith.constant 0 : index
    %get3A_120 = arith.constant 0 : index
    %get3A_121 = arith.constant 0 : index
    %get3A_122 = vector.load %arg4[%get3A_119, %get3A_120, %get3A_121] : memref<1x512x64xf32, #tpu.memory_space<vmem>>, vector<1x512x64xf32>
    %get3A_123 = vector.shape_cast %get3A_122 : vector<1x512x64xf32> to vector<512x64xf32>
    %concatenate3A = tpu.concatenate %div3A_118, %get3A_123 in 1 : vector<512x256xf32>, vector<512x64xf32> -> vector<512x320xf32>
    %get3A_124 = arith.constant 0 : index
    %get3A_125 = arith.constant 0 : index
    %get3A_126 = vector.load %arg6[%get3A_124, %get3A_125] : memref<320x256xf32, #tpu.memory_space<vmem>>, vector<320x256xf32>
    %dot_general3A_127 = arith.constant dense<0.000000e+00> : vector<512x256xf32>
    %dot_general3A_128 = tpu.matmul %concatenate3A, %get3A_126, %dot_general3A_127 {dimension_numbers = #tpu.dot_dimension_numbers<[1], [0], [0], [1], [0, 0, 1, 1], [], []>, transpose_lhs_hint = false} : vector<512x320xf32>, vector<320x256xf32>, vector<512x256xf32> -> vector<512x256xf32>
    %max3A_129 = arith.constant 0.000000e+00 : f32
    %max3A_130 = vector.broadcast %max3A_129 : f32 to vector<512x256xf32>
    %max3A_131 = arith.maximumf %dot_general3A_128, %max3A_130 : vector<512x256xf32>
    %get3A_132 = arith.constant 0 : index
    %get3A_133 = arith.constant 0 : index
    %get3A_134 = vector.load %arg7[%get3A_132, %get3A_133] : memref<256x128xf32, #tpu.memory_space<vmem>>, vector<256x128xf32>
    %dot_general3A_135 = arith.constant dense<0.000000e+00> : vector<512x128xf32>
    %dot_general3A_136 = tpu.matmul %max3A_131, %get3A_134, %dot_general3A_135 {dimension_numbers = #tpu.dot_dimension_numbers<[1], [0], [0], [1], [0, 0, 1, 1], [], []>, transpose_lhs_hint = false} : vector<512x256xf32>, vector<256x128xf32>, vector<512x128xf32> -> vector<512x128xf32>
    %max3A_137 = arith.constant 0.000000e+00 : f32
    %max3A_138 = vector.broadcast %max3A_137 : f32 to vector<512x128xf32>
    %max3A_139 = arith.maximumf %dot_general3A_136, %max3A_138 : vector<512x128xf32>
    %swap3A = arith.constant 0 : index
    %swap3A_140 = arith.constant 0 : index
    %swap3A_141 = arith.constant 0 : index
    %swap3A_142 = vector.load %arg8[%swap3A, %swap3A_140, %swap3A_141] : memref<1x512x128xf32, #tpu.memory_space<vmem>>, vector<1x512x128xf32>
    %swap3A_143 = vector.shape_cast %swap3A_142 : vector<1x512x128xf32> to vector<512x128xf32>
    %swap3A_144 = vector.shape_cast %max3A_139 : vector<512x128xf32> to vector<1x512x128xf32>
    tpu.vector_store %arg8[%swap3A, %swap3A_140, %swap3A_141], %swap3A_144 {strides = array<i32>} : memref<1x512x128xf32, #tpu.memory_space<vmem>>, vector<1x512x128xf32>,
    return
  }
  func.func @transform_0(%arg0: i32, %arg1: i32) -> (i32, i32, i32) {
    %c0_i32 = arith.constant 0 : i32
    %c0_i32_0 = arith.constant 0 : i32
    return %arg0, %arg1, %c0_i32 : i32, i32, i32
  }
  func.func @transform_1(%arg0: i32, %arg1: i32) -> (i32, i32, i32) {
    %c0_i32 = arith.constant 0 : i32
    %c0_i32_0 = arith.constant 0 : i32
    %c0_i32_1 = arith.constant 0 : i32
    return %arg0, %c0_i32, %c0_i32_0 : i32, i32, i32
  }
  func.func @transform_2(%arg0: i32, %arg1: i32) -> (i32, i32, i32) {
    %c0_i32 = arith.constant 0 : i32
    %c0_i32_0 = arith.constant 0 : i32
    return %arg0, %arg1, %c0_i32 : i32, i32, i32
  }
  func.func @transform_3(%arg0: i32, %arg1: i32) -> (i32, i32, i32) {
    %c0_i32 = arith.constant 0 : i32
    %c0_i32_0 = arith.constant 0 : i32
    %c0_i32_1 = arith.constant 0 : i32
    return %arg0, %c0_i32, %c0_i32_0 : i32, i32, i32
  }
  func.func @transform_4(%arg0: i32, %arg1: i32) -> (i32, i32) {
    %c0_i32 = arith.constant 0 : i32
    %c0_i32_0 = arith.constant 0 : i32
    %c0_i32_1 = arith.constant 0 : i32
    return %c0_i32, %c0_i32_0 : i32, i32
  }
  func.func @transform_5(%arg0: i32, %arg1: i32) -> (i32, i32) {
    %c0_i32 = arith.constant 0 : i32
    %c0_i32_0 = arith.constant 0 : i32
    %c0_i32_1 = arith.constant 0 : i32
    return %c0_i32, %c0_i32_0 : i32, i32
  }
  func.func @transform_6(%arg0: i32, %arg1: i32) -> (i32, i32, i32) {
    %c0_i32 = arith.constant 0 : i32
    %c0_i32_0 = arith.constant 0 : i32
    return %arg0, %arg1, %c0_i32 : i32, i32, i32
  }
}

module attributes {stable_mosaic.version = 14 : i64} {
  func.func @_fp_body(%arg0: i32, %arg1: i32, %arg2: memref<1x512x3xf32, #tpu.memory_space<vmem>>, %arg3: memref<1x3x512xf32, #tpu.memory_space<vmem>>, %arg4: memref<1x512x3xf32, #tpu.memory_space<vmem>>, %arg5: memref<1x512x128xf32, #tpu.memory_space<vmem>>, %arg6: memref<131x128xf32, #tpu.memory_space<vmem>>, %arg7: memref<128x128xf32, #tpu.memory_space<vmem>>, %arg8: memref<128x128xf32, #tpu.memory_space<vmem>>, %arg9: memref<1x512x128xf32, #tpu.memory_space<vmem>>) attributes {dimension_semantics = [#tpu.dimension_semantics<arbitrary>, #tpu.dimension_semantics<arbitrary>], iteration_bounds = array<i64: 4, 8>, scalar_prefetch = 0 : i64, scratch_operands = 0 : i64, tpu.core_type = #tpu.core_type<tc>, window_params = [{transform_indices = @transform_0, window_bounds = array<i64: 1, 512, 3>}, {transform_indices = @transform_1, window_bounds = array<i64: 1, 3, 512>}, {transform_indices = @transform_2, window_bounds = array<i64: 1, 512, 3>}, {transform_indices = @transform_3, window_bounds = array<i64: 1, 512, 128>}, {pipeline_mode = #tpu.pipeline_mode<synchronous>, transform_indices = @transform_4, window_bounds = array<i64: 131, 128>}, {pipeline_mode = #tpu.pipeline_mode<synchronous>, transform_indices = @transform_5, window_bounds = array<i64: 128, 128>}, {pipeline_mode = #tpu.pipeline_mode<synchronous>, transform_indices = @transform_6, window_bounds = array<i64: 128, 128>}, {transform_indices = @transform_7, window_bounds = array<i64: 1, 512, 128>}]} {
    %get3A = arith.constant 0 : index
    %get3A_0 = arith.constant 0 : index
    %get3A_1 = arith.constant 0 : index
    %get3A_2 = vector.load %arg2[%get3A, %get3A_0, %get3A_1] : memref<1x512x3xf32, #tpu.memory_space<vmem>>, vector<1x512x3xf32>
    %get3A_3 = vector.shape_cast %get3A_2 : vector<1x512x3xf32> to vector<512x3xf32>
    %get3A_4 = arith.constant 0 : index
    %get3A_5 = arith.constant 0 : index
    %get3A_6 = arith.constant 0 : index
    %get3A_7 = vector.load %arg3[%get3A_4, %get3A_5, %get3A_6] : memref<1x3x512xf32, #tpu.memory_space<vmem>>, vector<1x3x512xf32>
    %get3A_8 = vector.shape_cast %get3A_7 : vector<1x3x512xf32> to vector<3x512xf32>
    %slice3A = vector.extract_strided_slice %get3A_3 {offsets = [0, 0], sizes = [512, 1], strides = [1, 1]} : vector<512x3xf32> to vector<512x1xf32>
    %slice3A_9 = vector.extract_strided_slice %get3A_8 {offsets = [0, 0], sizes = [1, 512], strides = [1, 1]} : vector<3x512xf32> to vector<1x512xf32>
    %sub3A = vector.broadcast %slice3A : vector<512x1xf32> to vector<512x512xf32>
    %sub3A_10 = vector.broadcast %slice3A_9 : vector<1x512xf32> to vector<512x512xf32>
    %sub3A_11 = arith.subf %sub3A, %sub3A_10 : vector<512x512xf32>
    %mul3A = arith.mulf %sub3A_11, %sub3A_11 : vector<512x512xf32>
    %slice3A_12 = vector.extract_strided_slice %get3A_3 {offsets = [0, 1], sizes = [512, 1], strides = [1, 1]} : vector<512x3xf32> to vector<512x1xf32>
    %slice3A_13 = vector.extract_strided_slice %get3A_8 {offsets = [1, 0], sizes = [1, 512], strides = [1, 1]} : vector<3x512xf32> to vector<1x512xf32>
    %sub3A_14 = vector.broadcast %slice3A_12 : vector<512x1xf32> to vector<512x512xf32>
    %sub3A_15 = vector.broadcast %slice3A_13 : vector<1x512xf32> to vector<512x512xf32>
    %sub3A_16 = arith.subf %sub3A_14, %sub3A_15 : vector<512x512xf32>
    %mul3A_17 = arith.mulf %sub3A_16, %sub3A_16 : vector<512x512xf32>
    %add3A = arith.addf %mul3A, %mul3A_17 : vector<512x512xf32>
    %slice3A_18 = vector.extract_strided_slice %get3A_3 {offsets = [0, 2], sizes = [512, 1], strides = [1, 1]} : vector<512x3xf32> to vector<512x1xf32>
    %slice3A_19 = vector.extract_strided_slice %get3A_8 {offsets = [2, 0], sizes = [1, 512], strides = [1, 1]} : vector<3x512xf32> to vector<1x512xf32>
    %sub3A_20 = vector.broadcast %slice3A_18 : vector<512x1xf32> to vector<512x512xf32>
    %sub3A_21 = vector.broadcast %slice3A_19 : vector<1x512xf32> to vector<512x512xf32>
    %sub3A_22 = arith.subf %sub3A_20, %sub3A_21 : vector<512x512xf32>
    %mul3A_23 = arith.mulf %sub3A_22, %sub3A_22 : vector<512x512xf32>
    %add3A_24 = arith.addf %add3A, %mul3A_23 : vector<512x512xf32>
    %max3A = arith.constant 9.99999996E-13 : f32
    %max3A_25 = vector.broadcast %max3A : f32 to vector<512x512xf32>
    %max3A_26 = arith.maximumf %add3A_24, %max3A_25 : vector<512x512xf32>
    %sqrt3A = math.sqrt %max3A_26 : vector<512x512xf32>
    %iota3A = tpu.iota {dimensions = array<i32: 1>} : vector<512x512xi32>
    %reduce_min3A = arith.constant dense<0x7F800000> : vector<512xf32>
    %reduce_min3A_27 = vector.multi_reduction <minimumf>, %sqrt3A, %reduce_min3A [1] : vector<512x512xf32> to vector<512xf32>
    %broadcast_in_dim3A = vector.shape_cast %reduce_min3A_27 : vector<512xf32> to vector<512x1xf32>
    %eq3A = vector.broadcast %broadcast_in_dim3A : vector<512x1xf32> to vector<512x512xf32>
    %eq3A_28 = arith.cmpf oeq, %sqrt3A, %eq3A : vector<512x512xf32>
    %jit3A = arith.constant 512 : i32
    %broadcast_in_dim3A_29 = vector.broadcast %jit3A : i32 to vector<512x512xi32>
    %select_n3A = arith.select %eq3A_28, %iota3A, %broadcast_in_dim3A_29 : vector<512x512xi1>, vector<512x512xi32>
    %reduce_min3A_30 = arith.constant dense<2147483647> : vector<512xi32>
    %reduce_min3A_31 = vector.multi_reduction <minsi>, %select_n3A, %reduce_min3A_30 [1] : vector<512x512xi32> to vector<512xi32>
    %broadcast_in_dim3A_32 = vector.shape_cast %reduce_min3A_31 : vector<512xi32> to vector<512x1xi32>
    %max3A_33 = arith.constant 1.000000e-10 : f32
    %max3A_34 = vector.broadcast %max3A_33 : f32 to vector<512x1xf32>
    %max3A_35 = arith.maximumf %broadcast_in_dim3A, %max3A_34 : vector<512x1xf32>
    %div3A = arith.constant 1.000000e+00 : f32
    %div3A_36 = vector.broadcast %div3A : f32 to vector<512x1xf32>
    %div3A_37 = arith.divf %div3A_36, %max3A_35 : vector<512x1xf32>
    %eq3A_38 = vector.broadcast %broadcast_in_dim3A_32 : vector<512x1xi32> to vector<512x512xi32>
    %eq3A_39 = arith.cmpi eq, %iota3A, %eq3A_38 : vector<512x512xi32>
    %jit3A_40 = arith.constant 1.000000e+30 : f32
    %broadcast_in_dim3A_41 = vector.broadcast %jit3A_40 : f32 to vector<512x512xf32>
    %select_n3A_42 = arith.select %eq3A_39, %broadcast_in_dim3A_41, %sqrt3A : vector<512x512xi1>, vector<512x512xf32>
    %reduce_min3A_43 = arith.constant dense<0x7F800000> : vector<512xf32>
    %reduce_min3A_44 = vector.multi_reduction <minimumf>, %select_n3A_42, %reduce_min3A_43 [1] : vector<512x512xf32> to vector<512xf32>
    %broadcast_in_dim3A_45 = vector.shape_cast %reduce_min3A_44 : vector<512xf32> to vector<512x1xf32>
    %eq3A_46 = vector.broadcast %broadcast_in_dim3A_45 : vector<512x1xf32> to vector<512x512xf32>
    %eq3A_47 = arith.cmpf oeq, %select_n3A_42, %eq3A_46 : vector<512x512xf32>
    %jit3A_48 = arith.constant 512 : i32
    %broadcast_in_dim3A_49 = vector.broadcast %jit3A_48 : i32 to vector<512x512xi32>
    %select_n3A_50 = arith.select %eq3A_47, %iota3A, %broadcast_in_dim3A_49 : vector<512x512xi1>, vector<512x512xi32>
    %reduce_min3A_51 = arith.constant dense<2147483647> : vector<512xi32>
    %reduce_min3A_52 = vector.multi_reduction <minsi>, %select_n3A_50, %reduce_min3A_51 [1] : vector<512x512xi32> to vector<512xi32>
    %broadcast_in_dim3A_53 = vector.shape_cast %reduce_min3A_52 : vector<512xi32> to vector<512x1xi32>
    %max3A_54 = arith.constant 1.000000e-10 : f32
    %max3A_55 = vector.broadcast %max3A_54 : f32 to vector<512x1xf32>
    %max3A_56 = arith.maximumf %broadcast_in_dim3A_45, %max3A_55 : vector<512x1xf32>
    %div3A_57 = arith.constant 1.000000e+00 : f32
    %div3A_58 = vector.broadcast %div3A_57 : f32 to vector<512x1xf32>
    %div3A_59 = arith.divf %div3A_58, %max3A_56 : vector<512x1xf32>
    %eq3A_60 = vector.broadcast %broadcast_in_dim3A_53 : vector<512x1xi32> to vector<512x512xi32>
    %eq3A_61 = arith.cmpi eq, %iota3A, %eq3A_60 : vector<512x512xi32>
    %jit3A_62 = arith.constant 1.000000e+30 : f32
    %broadcast_in_dim3A_63 = vector.broadcast %jit3A_62 : f32 to vector<512x512xf32>
    %select_n3A_64 = arith.select %eq3A_61, %broadcast_in_dim3A_63, %select_n3A_42 : vector<512x512xi1>, vector<512x512xf32>
    %reduce_min3A_65 = arith.constant dense<0x7F800000> : vector<512xf32>
    %reduce_min3A_66 = vector.multi_reduction <minimumf>, %select_n3A_64, %reduce_min3A_65 [1] : vector<512x512xf32> to vector<512xf32>
    %broadcast_in_dim3A_67 = vector.shape_cast %reduce_min3A_66 : vector<512xf32> to vector<512x1xf32>
    %eq3A_68 = vector.broadcast %broadcast_in_dim3A_67 : vector<512x1xf32> to vector<512x512xf32>
    %eq3A_69 = arith.cmpf oeq, %select_n3A_64, %eq3A_68 : vector<512x512xf32>
    %jit3A_70 = arith.constant 512 : i32
    %broadcast_in_dim3A_71 = vector.broadcast %jit3A_70 : i32 to vector<512x512xi32>
    %select_n3A_72 = arith.select %eq3A_69, %iota3A, %broadcast_in_dim3A_71 : vector<512x512xi1>, vector<512x512xi32>
    %reduce_min3A_73 = arith.constant dense<2147483647> : vector<512xi32>
    %reduce_min3A_74 = vector.multi_reduction <minsi>, %select_n3A_72, %reduce_min3A_73 [1] : vector<512x512xi32> to vector<512xi32>
    %broadcast_in_dim3A_75 = vector.shape_cast %reduce_min3A_74 : vector<512xi32> to vector<512x1xi32>
    %max3A_76 = arith.constant 1.000000e-10 : f32
    %max3A_77 = vector.broadcast %max3A_76 : f32 to vector<512x1xf32>
    %max3A_78 = arith.maximumf %broadcast_in_dim3A_67, %max3A_77 : vector<512x1xf32>
    %div3A_79 = arith.constant 1.000000e+00 : f32
    %div3A_80 = vector.broadcast %div3A_79 : f32 to vector<512x1xf32>
    %div3A_81 = arith.divf %div3A_80, %max3A_78 : vector<512x1xf32>
    %add3A_82 = arith.addf %div3A_37, %div3A_59 : vector<512x1xf32>
    %add3A_83 = arith.addf %add3A_82, %div3A_81 : vector<512x1xf32>
    %div3A_84 = arith.divf %div3A_37, %add3A_83 : vector<512x1xf32>
    %div3A_85 = arith.divf %div3A_59, %add3A_83 : vector<512x1xf32>
    %div3A_86 = arith.divf %div3A_81, %add3A_83 : vector<512x1xf32>
    %add3A_87 = arith.addf %div3A_84, %div3A_85 : vector<512x1xf32>
    %add3A_88 = arith.addf %add3A_87, %div3A_86 : vector<512x1xf32>
    %add3A_89 = arith.constant 9.99999997E-7 : f32
    %add3A_90 = vector.broadcast %add3A_89 : f32 to vector<512x1xf32>
    %add3A_91 = arith.addf %add3A_88, %add3A_90 : vector<512x1xf32>
    %eq3A_92 = vector.broadcast %broadcast_in_dim3A_32 : vector<512x1xi32> to vector<512x512xi32>
    %eq3A_93 = arith.cmpi eq, %iota3A, %eq3A_92 : vector<512x512xi32>
    %convert_element_type3A = arith.extui %eq3A_93 : vector<512x512xi1> to vector<512x512xi32>
    %convert_element_type3A_94 = arith.sitofp %convert_element_type3A : vector<512x512xi32> to vector<512x512xf32>
    %mul3A_95 = vector.broadcast %div3A_84 : vector<512x1xf32> to vector<512x512xf32>
    %mul3A_96 = arith.mulf %mul3A_95, %convert_element_type3A_94 : vector<512x512xf32>
    %eq3A_97 = vector.broadcast %broadcast_in_dim3A_53 : vector<512x1xi32> to vector<512x512xi32>
    %eq3A_98 = arith.cmpi eq, %iota3A, %eq3A_97 : vector<512x512xi32>
    %convert_element_type3A_99 = arith.extui %eq3A_98 : vector<512x512xi1> to vector<512x512xi32>
    %convert_element_type3A_100 = arith.sitofp %convert_element_type3A_99 : vector<512x512xi32> to vector<512x512xf32>
    %mul3A_101 = vector.broadcast %div3A_85 : vector<512x1xf32> to vector<512x512xf32>
    %mul3A_102 = arith.mulf %mul3A_101, %convert_element_type3A_100 : vector<512x512xf32>
    %add3A_103 = arith.addf %mul3A_96, %mul3A_102 : vector<512x512xf32>
    %eq3A_104 = vector.broadcast %broadcast_in_dim3A_75 : vector<512x1xi32> to vector<512x512xi32>
    %eq3A_105 = arith.cmpi eq, %iota3A, %eq3A_104 : vector<512x512xi32>
    %convert_element_type3A_106 = arith.extui %eq3A_105 : vector<512x512xi1> to vector<512x512xi32>
    %convert_element_type3A_107 = arith.sitofp %convert_element_type3A_106 : vector<512x512xi32> to vector<512x512xf32>
    %mul3A_108 = vector.broadcast %div3A_86 : vector<512x1xf32> to vector<512x512xf32>
    %mul3A_109 = arith.mulf %mul3A_108, %convert_element_type3A_107 : vector<512x512xf32>
    %add3A_110 = arith.addf %add3A_103, %mul3A_109 : vector<512x512xf32>
    %get3A_111 = arith.constant 0 : index
    %get3A_112 = arith.constant 0 : index
    %get3A_113 = arith.constant 0 : index
    %get3A_114 = vector.load %arg5[%get3A_111, %get3A_112, %get3A_113] : memref<1x512x128xf32, #tpu.memory_space<vmem>>, vector<1x512x128xf32>
    %get3A_115 = vector.shape_cast %get3A_114 : vector<1x512x128xf32> to vector<512x128xf32>
    %dot_general3A = arith.constant dense<0.000000e+00> : vector<512x128xf32>
    %dot_general3A_116 = tpu.matmul %add3A_110, %get3A_115, %dot_general3A {dimension_numbers = #tpu.dot_dimension_numbers<[1], [0], [0], [1], [0, 0, 1, 1], [], []>, transpose_lhs_hint = false} : vector<512x512xf32>, vector<512x128xf32>, vector<512x128xf32> -> vector<512x128xf32>
    %div3A_117 = vector.broadcast %add3A_91 : vector<512x1xf32> to vector<512x128xf32>
    %div3A_118 = arith.divf %dot_general3A_116, %div3A_117 : vector<512x128xf32>
    %get3A_119 = arith.constant 0 : index
    %get3A_120 = arith.constant 0 : index
    %get3A_121 = arith.constant 0 : index
    %get3A_122 = vector.load %arg4[%get3A_119, %get3A_120, %get3A_121] : memref<1x512x3xf32, #tpu.memory_space<vmem>>, vector<1x512x3xf32>
    %get3A_123 = vector.shape_cast %get3A_122 : vector<1x512x3xf32> to vector<512x3xf32>
    %concatenate3A = tpu.concatenate %div3A_118, %get3A_123 in 1 : vector<512x128xf32>, vector<512x3xf32> -> vector<512x131xf32>
    %get3A_124 = arith.constant 0 : index
    %get3A_125 = arith.constant 0 : index
    %get3A_126 = vector.load %arg6[%get3A_124, %get3A_125] : memref<131x128xf32, #tpu.memory_space<vmem>>, vector<131x128xf32>
    %dot_general3A_127 = arith.constant dense<0.000000e+00> : vector<512x128xf32>
    %dot_general3A_128 = tpu.matmul %concatenate3A, %get3A_126, %dot_general3A_127 {dimension_numbers = #tpu.dot_dimension_numbers<[1], [0], [0], [1], [0, 0, 1, 1], [], []>, transpose_lhs_hint = false} : vector<512x131xf32>, vector<131x128xf32>, vector<512x128xf32> -> vector<512x128xf32>
    %max3A_129 = arith.constant 0.000000e+00 : f32
    %max3A_130 = vector.broadcast %max3A_129 : f32 to vector<512x128xf32>
    %max3A_131 = arith.maximumf %dot_general3A_128, %max3A_130 : vector<512x128xf32>
    %get3A_132 = arith.constant 0 : index
    %get3A_133 = arith.constant 0 : index
    %get3A_134 = vector.load %arg7[%get3A_132, %get3A_133] : memref<128x128xf32, #tpu.memory_space<vmem>>, vector<128x128xf32>
    %dot_general3A_135 = arith.constant dense<0.000000e+00> : vector<512x128xf32>
    %dot_general3A_136 = tpu.matmul %max3A_131, %get3A_134, %dot_general3A_135 {dimension_numbers = #tpu.dot_dimension_numbers<[1], [0], [0], [1], [0, 0, 1, 1], [], []>, transpose_lhs_hint = false} : vector<512x128xf32>, vector<128x128xf32>, vector<512x128xf32> -> vector<512x128xf32>
    %max3A_137 = arith.constant 0.000000e+00 : f32
    %max3A_138 = vector.broadcast %max3A_137 : f32 to vector<512x128xf32>
    %max3A_139 = arith.maximumf %dot_general3A_136, %max3A_138 : vector<512x128xf32>
    %get3A_140 = arith.constant 0 : index
    %get3A_141 = arith.constant 0 : index
    %get3A_142 = vector.load %arg8[%get3A_140, %get3A_141] : memref<128x128xf32, #tpu.memory_space<vmem>>, vector<128x128xf32>
    %dot_general3A_143 = arith.constant dense<0.000000e+00> : vector<512x128xf32>
    %dot_general3A_144 = tpu.matmul %max3A_139, %get3A_142, %dot_general3A_143 {dimension_numbers = #tpu.dot_dimension_numbers<[1], [0], [0], [1], [0, 0, 1, 1], [], []>, transpose_lhs_hint = false} : vector<512x128xf32>, vector<128x128xf32>, vector<512x128xf32> -> vector<512x128xf32>
    %max3A_145 = arith.constant 0.000000e+00 : f32
    %max3A_146 = vector.broadcast %max3A_145 : f32 to vector<512x128xf32>
    %max3A_147 = arith.maximumf %dot_general3A_144, %max3A_146 : vector<512x128xf32>
    %swap3A = arith.constant 0 : index
    %swap3A_148 = arith.constant 0 : index
    %swap3A_149 = arith.constant 0 : index
    %swap3A_150 = vector.load %arg9[%swap3A, %swap3A_148, %swap3A_149] : memref<1x512x128xf32, #tpu.memory_space<vmem>>, vector<1x512x128xf32>
    %swap3A_151 = vector.shape_cast %swap3A_150 : vector<1x512x128xf32> to vector<512x128xf32>
    %swap3A_152 = vector.shape_cast %max3A_147 : vector<512x128xf32> to vector<1x512x128xf32>
    tpu.vector_store %arg9[%swap3A, %swap3A_148, %swap3A_149], %swap3A_152 {strides = array<i32>} : memref<1x512x128xf32, #tpu.memory_space<vmem>>, vector<1x512x128xf32>,
    return
  }
  func.func @transform_0(%arg0: i32, %arg1: i32) -> (i32, i32, i32) {
    %c0_i32 = arith.constant 0 : i32
    %c0_i32_0 = arith.constant 0 : i32
    return %arg0, %arg1, %c0_i32 : i32, i32, i32
  }
  func.func @transform_1(%arg0: i32, %arg1: i32) -> (i32, i32, i32) {
    %c0_i32 = arith.constant 0 : i32
    %c0_i32_0 = arith.constant 0 : i32
    %c0_i32_1 = arith.constant 0 : i32
    return %arg0, %c0_i32, %c0_i32_0 : i32, i32, i32
  }
  func.func @transform_2(%arg0: i32, %arg1: i32) -> (i32, i32, i32) {
    %c0_i32 = arith.constant 0 : i32
    %c0_i32_0 = arith.constant 0 : i32
    return %arg0, %arg1, %c0_i32 : i32, i32, i32
  }
  func.func @transform_3(%arg0: i32, %arg1: i32) -> (i32, i32, i32) {
    %c0_i32 = arith.constant 0 : i32
    %c0_i32_0 = arith.constant 0 : i32
    %c0_i32_1 = arith.constant 0 : i32
    return %arg0, %c0_i32, %c0_i32_0 : i32, i32, i32
  }
  func.func @transform_4(%arg0: i32, %arg1: i32) -> (i32, i32) {
    %c0_i32 = arith.constant 0 : i32
    %c0_i32_0 = arith.constant 0 : i32
    %c0_i32_1 = arith.constant 0 : i32
    return %c0_i32, %c0_i32_0 : i32, i32
  }
  func.func @transform_5(%arg0: i32, %arg1: i32) -> (i32, i32) {
    %c0_i32 = arith.constant 0 : i32
    %c0_i32_0 = arith.constant 0 : i32
    %c0_i32_1 = arith.constant 0 : i32
    return %c0_i32, %c0_i32_0 : i32, i32
  }
  func.func @transform_6(%arg0: i32, %arg1: i32) -> (i32, i32) {
    %c0_i32 = arith.constant 0 : i32
    %c0_i32_0 = arith.constant 0 : i32
    %c0_i32_1 = arith.constant 0 : i32
    return %c0_i32, %c0_i32_0 : i32, i32
  }
  func.func @transform_7(%arg0: i32, %arg1: i32) -> (i32, i32, i32) {
    %c0_i32 = arith.constant 0 : i32
    %c0_i32_0 = arith.constant 0 : i32
    return %arg0, %arg1, %c0_i32 : i32, i32, i32
  }
}

</mosaic_0001>

<sc_bundles>
// kernel: kernel.16.cloned.1.call-start
scs
__scs_entry_jumppad:
0x0: {  	(pc) =	sbr.rel $0x88, $3  }
0x1: {  	(tag) =	ssettag $0x0;
	lr =	simm.s32 $0x1  }
0x2: {  	[smem:$0x3F8A] =	sst lr;
	_ =	strace $0xD0000000  }
0x3: {  	_ = 	snop  }
0x4: {  	_ = 	snop  }
0x5: {  	_ = 	snop  }
0x6: {  	_ = 	snop  }
0x7: {  	_ = 	snop  }
__scs_overlays_trampoline_lowered:
0x8: {  	[smem:$0x3F99] =	sst s0  }
0x9: {  	[smem:$0x3F9A] =	sst s1  }
0xa: {  	[smem:$0x3F9B] =	sst s2  }
0xb: {  	[smem:$0x3F9C] =	sst s3  }
0xc: {  	[smem:$0x3F9D] =	sst s4  }
0xd: {  	[smem:$0x3F9E] =	sst s5  }
0xe: {  	[smem:$0x3F9F] =	sst s6  }
0xf: {  	[smem:$0x3FA0] =	sst s7  }
0x10: {  	[smem:$0x3FA1] =	sst s8  }
0x11: {  	[smem:$0x3FA2] =	sst s9;
	s0 =	simm.s32 @!p0 $0x0  }
0x12: {  	s1 =	sld [smem:$0x3F88];
	s0 =	simm.s32 @p0 $0x1  }
0x13: {  	[smem:$0x3FA3] =	sst s0;
	s0 =	simm.s32 @!p1 $0x0  }
0x14: {  	s2 =	sld [smem:$0x3F87];
	s0 =	simm.s32 @p1 $0x1  }
0x15: {  	[smem:$0x3FA4] =	sst s0;
	s0 =	simm.s32 @!p2 $0x0  }
0x16: {  	s3 =	sld [smem:$0x3FDB];
	s0 =	simm.s32 @p2 $0x1  }
0x17: {  	s4 =	simm.s32 $0x1BF5;
	[smem:$0x3FA6] =	sst s0  }
0x18: {  	s0 =	sld [smem:$0x3F89];
	_ =	swait.ge [sflag:s4], $0x0  }
0x19: {  	s7 =	sld [smem:$0x3F8A]  }
0x1a: {  	s8 =	sadd.s32 $0xFFFFE003, lr  }
0x1b: {  	s9 =	sadd.s32 $0xFFFFFEF7, lr;
	s5 =	simm.s32 $0xFFFFFFFF;
	p2 =	slt.u32 s8, $0xFFFFF086  }
0x1c: {  	p1 =	slt.u32 s9, $0xF7A;
	s5 =	simm.s32 @!p2 $0x0  }
0x1d: {  	s5 =	simm.s32 @p1 $0x1;
	p0 =	seq.s32 s7, s2  }
0x1e: {  	s7 =	smul.u32 @!p0 $0xF7A, s2;
	p2 =	seq.s32 @!p0 s5, $0x0  }
0x1f: {  	s9 =	smul.u32 $0xF7A, s1;
	s8 =	simm.s32 @!p0 $0x1BF5;
	p2 =	por !p2, p0  }
0x20: {  	[sflag:s8] =	ssyncset.s32 @!p0 $0xFFFFF086;
	s6 =	sadd.s32 @!p0 s3, s7;
	s7 =	simm.s32 @!p0 $0x108  }
0x21: {  	s3 =	sadd.s32 s3, s9;
	s6 =	sadd.s32 @!p0 $0x88, s6;
	s7 =	simm.s32 @p2 $0x1082  }
0x22: {  	[simem:s7], [sflag:s8] =	dma.local @!p0 [hbm:s6], $0xF7A  }
0x23: {  	s9 =	sor.u32 $0xD0000000, s2;
	s6 =	simm.s32 $0x108;
	_ =	swait.ge @!p0 [sflag:s8], $0x0  }
0x24: {  	s3 =	sadd.s32 $0x88, s3;
	s6 =	simm.s32 @!p1 $0x1082;
	[sflag:s4] =	ssyncset.s32 $0xFFFFF086  }
0x25: {  	[simem:s6], [sflag:s4] =	dma.local [hbm:s3], $0xF7A  }
0x26: {  	[smem:$0x3F8A] =	sst s1;
	(tag) =	ssettag s2;
	_ =	strace s9  }
0x27: {  	s1 =	sld [smem:$0x3F9A]  }
0x28: {  	s2 =	sld [smem:$0x3F9B]  }
0x29: {  	s4 =	sld [smem:$0x3F9D]  }
0x2a: {  	p0 =	seq.s32 s5, $0x0;
	s5 =	sld [smem:$0x3F9E]  }
0x2b: {  	s6 =	sld [smem:$0x3F9F]  }
0x2c: {  	s7 =	sld [smem:$0x3FA0]  }
0x2d: {  	s3 =	simm.s32 $0x108;
	s8 =	sld [smem:$0x3FA1]  }
0x2e: {  	s3 =	simm.s32 @!p0 $0x1082;
	s9 =	sld [smem:$0x3FA2]  }
0x2f: {  	lr =	sadd.s32 s0, s3;
	s0 =	sld [smem:$0x3F99]  }
0x30: {  	s3 =	sld [smem:$0x3F9C]  }
0x31: {  	[smem:$0x3FA5] =	sst s10  }
0x32: {  	s10 =	sld [smem:$0x3FA3];
	_ =	sdelay $0x3  }
0x33: {  	p0 =	seq.s32 s10, $0x1;
	s10 =	sld [smem:$0x3FA5];
	_ =	sdelay $0x3  }
0x34: {  	[smem:$0x3FA5] =	sst s10  }
0x35: {  	s10 =	sld [smem:$0x3FA4];
	_ =	sdelay $0x3  }
0x36: {  	p1 =	seq.s32 s10, $0x1;
	s10 =	sld [smem:$0x3FA5];
	_ =	sdelay $0x3  }
0x37: {  	[smem:$0x3FA5] =	sst s10  }
0x38: {  	s10 =	sld [smem:$0x3FA6]  }
0x39: {  	_ = 	snop;
	(pc) =	sbr.ind lr, $3  }
0x3a: {  	_ = 	snop  }
0x3b: {  	_ = 	snop  }
0x3c: {  	p2 =	seq.s32 s10, $0x1;
	s10 =	sld [smem:$0x3FA5]  }
0x3d: {  	_ =	shalt  }
0x3e: {  	_ =	shalt  }
0x3f: {  	_ =	shalt  }
0x40: {  	_ =	shalt  }
0x41: {  	_ =	shalt  }
0x42: {  	_ =	shalt  }
0x43: {  	_ =	shalt  }
0x44: {  	_ =	shalt  }
0x45: {  	_ =	shalt  }
0x46: {  	_ =	shalt  }
0x47: {  	_ =	shalt  }
0x48: {  	_ =	shalt  }
0x49: {  	_ =	shalt  }
0x4a: {  	_ =	shalt  }
0x4b: {  	_ =	shalt  }
0x4c: {  	_ =	shalt  }
0x4d: {  	_ =	shalt  }
0x4e: {  	_ =	shalt  }
0x4f: {  	_ =	shalt  }
0x50: {  	_ =	shalt  }
0x51: {  	_ =	shalt  }
0x52: {  	_ =	shalt  }
0x53: {  	_ =	shalt  }
0x54: {  	_ =	shalt  }
0x55: {  	_ =	shalt  }
0x56: {  	_ =	shalt  }
0x57: {  	_ =	shalt  }
0x58: {  	_ =	shalt  }
0x59: {  	_ =	shalt  }
0x5a: {  	_ =	shalt  }
0x5b: {  	_ =	shalt  }
0x5c: {  	_ =	shalt  }
0x5d: {  	_ =	shalt  }
0x5e: {  	_ =	shalt  }
0x5f: {  	_ =	shalt  }
0x60: {  	_ =	shalt  }
0x61: {  	_ =	shalt  }
0x62: {  	_ =	shalt  }
0x63: {  	_ =	shalt  }
0x64: {  	_ =	shalt  }
0x65: {  	_ =	shalt  }
0x66: {  	_ =	shalt  }
0x67: {  	_ =	shalt  }
0x68: {  	_ =	shalt  }
0x69: {  	_ =	shalt  }
0x6a: {  	_ =	shalt  }
0x6b: {  	_ =	shalt  }
0x6c: {  	_ =	shalt  }
0x6d: {  	_ =	shalt  }
0x6e: {  	_ =	shalt  }
0x6f: {  	_ =	shalt  }
0x70: {  	_ =	shalt  }
0x71: {  	_ =	shalt  }
0x72: {  	_ =	shalt  }
0x73: {  	_ =	shalt  }
0x74: {  	_ =	shalt  }
0x75: {  	_ =	shalt  }
0x76: {  	_ =	shalt  }
0x77: {  	_ =	shalt  }
0x78: {  	_ =	shalt  }
0x79: {  	_ =	shalt  }
0x7a: {  	_ =	shalt  }
0x7b: {  	_ =	shalt  }
0x7c: {  	_ =	shalt  }
0x7d: {  	_ =	shalt  }
0x7e: {  	_ =	shalt  }
0x7f: {  	_ =	shalt  }
0x80: {  	_ =	shalt  }
0x81: {  	_ =	shalt  }
0x82: {  	_ =	shalt  }
0x83: {  	_ =	shalt  }
0x84: {  	_ =	shalt  }
0x85: {  	_ =	shalt  }
0x86: {  	_ =	shalt  }
0x87: {  	_ =	shalt  }
.Lfunc_end0:
.L_simem_size_0:
called_computation_lowered:
.L_overlay_start_0:
0x88: {  	s2 =	sld [smem:$0x3FD9]  }
0x89: {  	s3 =	sld [smem:$0x3FFE];
	_ =	sdelay $0x1  }
0x8a: {  	s1 =	srdreg.scid  }
0x8b: {  	s0 =	sand.u32 $0x1, s1  }
0x8c: {  	s17 =	sshll.u32 s0, $0xA;
	s2 =	sadd.s32 s3, s2  }
0x8d: {  	s2 =	sadd.s32 s2, s17  }
0x8e: {  	[smem:$0x3FB1] =	sst s2  }
0x8f: {  	_ = 	snop  }
0x90: {  	s2 =	sld [smem:$0x3FD0];
	(tm) =	ssettm $0x1  }
0x91: {  	s18 =	sld [smem:$0x3FFB];
	_ =	sdelay $0x3  }
0x92: {  	_ =	strace s18  }
0x93: {  	s3 =	sld [smem:$0x3FFC];
	_ =	sdelay $0x3  }
0x94: {  	_ =	strace s3  }
0x95: {  	s3 =	sld [smem:$0x3FFD];
	_ =	sdelay $0x3  }
0x96: {  	_ =	strace s3  }
0x97: {  	_ =	strace $0x8FFFFFFF  }
0x98: {  	s19 =	sld [smem:$0x3FDB];
	_ =	sdelay $0x1  }
0x99: {  	s4 =	simm.s32 $_scs_section_size  }
0x9a: {  	s5 =	simm.s32 $_size__tile_overlayer_lowered;
	s6 =	simm.s32 $_tile_overlayer_lowered  }
0x9b: {  	s22 =	simm.s32 $0x1BFF;
	s21 =	sshll.u32 s6, $0x1;
	s3 =	sadd.s32 s4, s19  }
0x9c: {  	s7 =	simm.s32 $0x0;
	s20 =	sshll.u32 s5, $0x1;
	s5 =	sadd.s32 s21, s3  }
0x9d: {  	[timem:s7], [sflag:s22] =	dma.local [hbm:s5], s20  }
0x9e: {  	_ =	swait.ge [sflag:s22], s20  }
0x9f: {  	s4 =	ssub.s32 $0x0, s20;
	[sflag:s22] =	ssyncset.done $0x0  }
0xa0: {  	[sflag:s22] =	ssyncadd.s32 s4;
	_ =	sdelay $0x1  }
0xa1: {  	s23 =	simm.s32 $0x1B8B  }
0xa2: {  	_ =	swait.ge [sflag:s23], $0x1  }
0xa3: {  	[sflag:s23] =	ssyncset.done $0x0  }
0xa4: {  	s25 =	simm.s32 $0x1B8E;
	s24 =	sld [smem:$0x3FFE];
	[sflag:s23] =	ssyncadd.s32 $0xFFFFFFFF  }
0xa5: {  	s26 =	simm.s32 $execute0_lowered;
	[smem:$0x3FD2] =	sst s25  }
0xa6: {  	s5 =	sshll.u32 s26, $0x1;
	_ =	strace $0x80000046;
	[dreg:$0x1] =	wrdreg $0xFFFFFFFF  }
0xa7: {  	s28 =	simm.s32 $_size_execute0_lowered;
	s3 =	sadd.s32 s3, s5;
	[dreg:$0x0] =	wrdreg $0x0  }
0xa8: {  	s5 =	sshll.u32 s28, $0x1;
	[dreg:$0x2] =	wrdreg s3  }
0xa9: {  	[dreg:$0x3] =	wrdreg s5  }
0xaa: {  	[dreg:$0x4] =	wrdreg $0xC0  }
0xab: {  	_ =	task [dreg:s7], $0x5FFFF  }
0xac: {  	[dreg:$0x1] =	wrdreg $0xFFFFFFFF  }
0xad: {  	[dreg:$0x0] =	wrdreg $0x60  }
0xae: {  	[dreg:$0x2] =	wrdreg s24  }
0xaf: {  	[dreg:$0x3] =	wrdreg s2  }
0xb0: {  	[dreg:$0x4] =	wrdreg $0x9  }
0xb1: {  	_ =	task.clear_ibuf [dreg:s7], $0x5FFFF;
	_ =	strace $0x90000046  }
0xb2: {  	s29 =	simm.s32 $0x9;
	_ =	strace $0x80000048  }
0xb3: {  	_ =	swait.ge [sflag:s29], $0x1  }
0xb4: {  	[sflag:s29] =	ssyncadd.s32 $0xFFFFFFFF  }
0xb5: {  	_ =	strace $0x90000048  }
0xb6: {  	_ =	sfence  }
0xb7: {  	s30 =	sld [smem:$0x0];
	_ =	sdelay $0x2  }
0xb8: {  	s31 =	sshll.u32 s1, $0xD;
	s1 =	sshrl.u32 s1, $0x2  }
0xb9: {  	s3 =	sand.u32 $0x4000, s31;
	s1 =	sadd.s32 s1, s30  }
0xba: {  	s0 =	sor.u32 s3, s0;
	s1 =	sshll.u32 s1, $0x11  }
0xbb: {  	s0 =	sor.u32 s1, s0  }
0xbc: {  	s0 =	sadd.s32 $0x8F2B, s0  }
0xbd: {  	[sflag:s0] =	ssyncadd.remote.s32 $0x1  }
0xbe: {  	_ =	sfence.sel $0xFFFF  }
0xbf: {  	[dreg:$0x0] =	wrdreg $0xFFFFFFFF;
	(pc) =	sbr.abs _section_cstart, $3  }
0xc0: {  	[dreg:$0x1] =	wrdreg $0xFFFFFFFF  }
0xc1: {  	_ =	task.clear_ibuf [dreg:s7], $0x2FFFF;
	_ =	strace $0x9FFFFFFF  }
0xc2: {  	(tm) =	ssettm $0x7FFFFFFF  }
0xc3: {  	_ =	shalt  }
tec
execute0_lowered:
.L_overlay_start_1:
0x0: {  	(tag) =	ssettag $0x1  }
0x1: {  	s1 =	srdreg.scid  }
0x2: {  	s0 =	stileid.u32;
	s6 =	sand.u32 $0x1, s1  }
0x3: {  	s5 =	rddreg [dreg:$0x0];
	s30 =	sshll.u32 s0, $0xC;
	s2 =	sshll.u32 s6, $0xB  }
0x4: {  	s8 =	rddreg [dreg:$0x1];
	s9 =	sor.u32 s2, s30  }
0x5: {  	s1 =	rddreg [dreg:$0x2];
	s2 =	simm.s32 $0x0;
	s3 =	sshrl.u32 s9, $0x3  }
0x6: {  	s10 =	ssub.s32 $0x2, s6;
	[smem:$0x7FF] =	sst s2;
	s3 =	sadd.s32 s3, s5  }
0x7: {  	_ =	strace $0x80000047;
	s4 =	sadd.s32 $0x4400, s3;
	s3 =	simm.s32 $0x2  }
0x8: {  	[tilespmem:s2], [sflag:$0x2] =	stream.linear.gather [hbm4b:s4+s2], $0x800, $0x38;
	[tilespmem:$0x8800] =	vst v63  }
0x9: {  	s7 =	simm.s32 $0x1;
	s11 =	sshrl.u32 s10, $0x1;
	_ =	swait.ge [sflag:s3], $0x800  }
0xa: {  	s6 =	simm.s32 $0x800;
	s10 =	ssub.s32 s10, s11;
	[sflag:s3] =	ssyncset.done $0x0  }
0xb: {  	s5 =	sadd.s32 $0x6400, s5;
	s31 =	smax.u32 s10, $0x1;
	[sflag:s3] =	ssyncadd.s32 $0xFFFFF800  }
0xc: {  	[tilespmem:s6], [sflag:$0x1] =	stream.indirect.gather [hbm4b:s5+s6], $0x10, s2, s6, $0xb8;
	[tilespmem:$0x8800] =	vst v63  }
0xd: {  	p0 =	sne.s32 s31, $0x1;
	_ =	swait.ge [sflag:s7], $0x8000  }
.Ltmp0:
0xe: {  	s9 =	sshll.u32 s9, $0x1;
	[sflag:s7] =	ssyncset.done $0x0;
	(pc) =	sbr.rel @!p0 .LBB2_2-.Ltmp0, $4  }
0xf: {  	s8 =	sadd.s32 s8, s9;
	[sflag:s7] =	ssyncadd.s32 $0xFFFF8000  }
0x10: {  	[hbm4b:s8+s2] =	stream.linear.scatter [tilespmem:s6], [sflag:$0x2], $0x8000, $0x38;
	[tilespmem:$0x8800] =	vst v63  }
0x11: {  	_ =	swait.ge [sflag:s3], $0x8000  }
0x12: {  	s9 =	sadd.s32 $0xFFFFFFFF, s31;
	[sflag:s3] =	ssyncset.done $0x0  }
.LBB2_1:
0x13: {  	p0 =	sne.s32 s9, $0x1;
	s9 =	sadd.s32 $0xFFFFFFFF, s9;
	[sflag:s3] =	ssyncadd.s32 $0xFFFF8000  }
0x14: {  	[tilespmem:s2], [sflag:$0x2] =	stream.linear.gather [hbm4b:s4+s2], $0x800, $0x38;
	[tilespmem:$0x8800] =	vst v63  }
0x15: {  	_ =	swait.ge [sflag:s3], $0x800  }
0x16: {  	[sflag:s3] =	ssyncset.done $0x0  }
0x17: {  	[sflag:s3] =	ssyncadd.s32 $0xFFFFF800  }
0x18: {  	[tilespmem:s6], [sflag:$0x1] =	stream.indirect.gather [hbm4b:s5+s6], $0x10, s2, s6, $0xb8;
	[tilespmem:$0x8800] =	vst v63  }
0x19: {  	_ =	swait.ge [sflag:s7], $0x8000  }
.Ltmp1:
0x1a: {  	[sflag:s7] =	ssyncset.done $0x0;
	(pc) =	sbr.rel @p0 .LBB2_1-.Ltmp1, $4  }
0x1b: {  	[sflag:s7] =	ssyncadd.s32 $0xFFFF8000  }
0x1c: {  	[hbm4b:s8+s2] =	stream.linear.scatter [tilespmem:s6], [sflag:$0x2], $0x8000, $0x38;
	[tilespmem:$0x8800] =	vst v63  }
0x1d: {  	_ =	swait.ge [sflag:s3], $0x8000  }
0x1e: {  	[sflag:s3] =	ssyncset.done $0x0  }
.LBB2_2:
0x1f: {  	[sflag:s3] =	ssyncadd.s32 $0xFFFF8000  }
0x20: {  	_ =	sfence.sel $0x180000  }
0x21: {  	[bflag:$0x0] =	sbarrier.arrive $0xFFFF  }
0x22: {  	p0 =	sne.s32 s0, $0x0;
	_ =	strace $0x90000047  }
0x23: {  	s0 =	sadd.s32 @!p0 $0x100000, s1;
	[bflag:$0x2] =	sbarrier.arrive $0xFFFF  }
0x24: {  	[sflag:s0] =	ssyncadd.tile.s32 @!p0 $0x1;
	_ =	shalt  }
.Lfunc_end2:
_tile_overlayer_lowered:
.L_overlay_start_2:
0x25: {  	(tag) =	ssettag $0x2  }
0x26: {  	s0 =	rddreg [dreg:$0x0];
	s2 =	stileid.u32  }
0x27: {  	s1 =	rddreg [dreg:$0x1];
	p0 =	sne.s32 s2, $0x0  }
0x28: {  	s3 =	rddreg [dreg:$0x2];
	[bflag:$0x3] =	sbarrier.arrive $0xFFFF;
	s2 =	simm.s32 @!p0 $0x1C02  }
0x29: {  	[timem:s3], [sflag:s2] =	dma.local @!p0 [hbm:s0], s1  }
0x2a: {  	s0 =	simm.s32 @!p0 $0x2  }
0x2b: {  	_ =	swait.ge @!p0 [sflag:s0], s1  }
0x2c: {  	s1 =	ssub.s32 @!p0 $0x0, s1;
	[sflag:s0] =	ssyncset.done @!p0 $0x0  }
0x2d: {  	[sflag:s0] =	ssyncadd.s32 @!p0 s1  }
0x2e: {  	[bflag:$0x3] =	sbarrier.arrive $0xFFFF  }
0x2f: {  	_ =	shalt  }

</sc_bundles>
